<compile_context>
chip_gen: v7x
topology: tpu7x:2x2x1
jax: 0.10.2.dev20260603
libtpu: 0.0.44.dev20260713+nightly
codegen_flags: <defaults>
</compile_context>

<pallas_src>
import functools

import jax
import jax.numpy as jnp
from jax import lax
from jax.experimental import pallas as pl
from jax.experimental.pallas import tpu as pltpu
from jax.experimental.pallas import tpu_sc as plsc

NC = 2
NS = 16
NW = NC * NS
CH = 128
K = 8



def _sc_mesh():
  return plsc.VectorSubcoreMesh(core_axis_name="c", subcore_axis_name="s")


def _make_deg_kernel(npad, epw):
  rpt = npad // NS
  w = 16
  cw = epw // CH
  lag = 8
  assert cw >= lag

  @functools.partial(
      pl.kernel,
      out_type=jax.ShapeDtypeStruct((NC, npad, w), jnp.float32),
      mesh=_sc_mesh(),
      scratch_types=[
          pltpu.VMEM((cw, CH), jnp.int32),
          pltpu.VMEM((CH, w), jnp.float32),
          pltpu.VMEM_SHARED((npad, w), jnp.float32),
          pltpu.SemaphoreType.DMA,
      ],
      compiler_params=pltpu.CompilerParams(use_tc_tiling_on_sc=False),
  )
  def deg_kernel(dst2_hbm, ones_hbm, zrow_hbm, out_hbm,
                 dst_all, ones_v, acc, ssem):
    cid = lax.axis_index("c")
    sid = lax.axis_index("s")
    wid = sid * NC + cid
    r0 = wid * cw

    pltpu.sync_copy(dst2_hbm.at[pl.ds(r0, cw)], dst_all)
    pltpu.sync_copy(zrow_hbm, acc.at[pl.ds(sid * rpt, rpt)])
    pltpu.sync_copy(ones_hbm, ones_v)
    plsc.subcore_barrier()

    def drain():
      pltpu.make_async_copy(ones_hbm, ones_v, ssem).wait()

    def body(c, carry):
      pltpu.async_copy(ones_v, acc.at[dst_all.at[c]], ssem, add=True)

      @pl.when(c >= lag)
      def _():
        drain()

      return carry

    lax.fori_loop(0, cw, body, 0)
    for _ in range(lag):
      drain()
    plsc.subcore_barrier()
    pltpu.sync_copy(acc.at[pl.ds(sid * rpt, rpt)],
                    out_hbm.at[cid, pl.ds(sid * rpt, rpt)])

  return deg_kernel


def _make_agg_kernel(npad, epw, w, kc, nbuf):
  rpt = npad // NS
  cw = epw // CH
  nslabs = epw // (kc * CH)
  assert nslabs % nbuf == 0 and nslabs >= 2 * nbuf

  @functools.partial(
      pl.kernel,
      out_type=jax.ShapeDtypeStruct((NC, npad, w), jnp.float32),
      mesh=_sc_mesh(),
      scratch_types=(
          [pltpu.VMEM((cw, CH), jnp.int32)] +
          [pltpu.VMEM((cw, CH), jnp.int32)] +
          [pltpu.VMEM((kc * CH, w), jnp.float32) for _ in range(nbuf)] +
          [pltpu.VMEM_SHARED((npad, w), jnp.float32)] +
          [pltpu.VMEM_SHARED((npad, w), jnp.float32)] +
          [pltpu.SemaphoreType.DMA for _ in range(2 * nbuf)]
      ),
      compiler_params=pltpu.CompilerParams(use_tc_tiling_on_sc=False),
  )
  def agg_kernel(src2_hbm, dst2_hbm, g_hbm, zrow_hbm, out_hbm, *bufs):
    src_all = bufs[0]
    dst_all = bufs[1]
    rows = bufs[2:2 + nbuf]
    acc = bufs[2 + nbuf]
    gbuf = bufs[3 + nbuf]
    gsem = bufs[4 + nbuf:4 + 2 * nbuf]
    ssem = bufs[4 + 2 * nbuf:4 + 3 * nbuf]

    cid = lax.axis_index("c")
    sid = lax.axis_index("s")
    wid = sid * NC + cid
    r0 = wid * cw

    pltpu.sync_copy(src2_hbm.at[pl.ds(r0, cw)], src_all)
    pltpu.sync_copy(dst2_hbm.at[pl.ds(r0, cw)], dst_all)
    pltpu.sync_copy(zrow_hbm, acc.at[pl.ds(sid * rpt, rpt)])
    pltpu.sync_copy(g_hbm.at[pl.ds(sid * rpt, rpt)],
                    gbuf.at[pl.ds(sid * rpt, rpt)])
    plsc.subcore_barrier()

    def fire_gathers(b, s):
      for k in range(kc):
        pltpu.async_copy(gbuf.at[src_all.at[s * kc + k]],
                         rows[b].at[pl.ds(k * CH, CH)], gsem[b])

    def drain_gathers(b):
      pltpu.make_async_copy(g_hbm.at[pl.ds(0, kc * CH)], rows[b],
                            gsem[b]).wait()

    def fire_scatters(b, s):
      for k in range(kc):
        pltpu.async_copy(rows[b].at[pl.ds(k * CH, CH)],
                         acc.at[dst_all.at[s * kc + k]], ssem[b], add=True)

    def drain_scatters(b):
      pltpu.make_async_copy(g_hbm.at[pl.ds(0, kc * CH)], rows[b],
                            ssem[b]).wait()

    for b in range(nbuf - 1):
      fire_gathers(b, b)

    def body(j, carry):
      for r in range(nbuf):
        s = nbuf * j + r
        b2 = (r + nbuf - 1) % nbuf

        @pl.when(s + nbuf - 1 < nslabs)
        def _():
          if r == 0:
            @pl.when(j > 0)
            def _():
              drain_scatters(b2)
          else:
            drain_scatters(b2)
          fire_gathers(b2, s + nbuf - 1)

        drain_gathers(r)
        fire_scatters(r, s)
      return carry

    lax.fori_loop(0, nslabs // nbuf, body, 0)
    for b in range(nbuf):
      drain_scatters(b)
    plsc.subcore_barrier()
    pltpu.sync_copy(acc.at[pl.ds(sid * rpt, rpt)],
                    out_hbm.at[cid, pl.ds(sid * rpt, rpt)])

  return agg_kernel



def _matmul_xw0(x, w0, bm):
  n, d = x.shape
  h = w0.shape[1]

  def body(x_ref, w_ref, o_ref):
    o_ref[...] = jnp.dot(x_ref[...], w_ref[...],
                         preferred_element_type=jnp.float32)

  return pl.pallas_call(
      body,
      grid=(n // bm,),
      in_specs=[
          pl.BlockSpec((bm, d), lambda i: (i, 0)),
          pl.BlockSpec((d, h), lambda i: (0, 0)),
      ],
      out_specs=pl.BlockSpec((bm, h), lambda i: (i, 0)),
      out_shape=jax.ShapeDtypeStruct((n, h), jnp.float32),
  )(x, w0)


def _prep_g0(degp, xw0, npad, bm):
  n, h = xw0.shape

  def body(d_ref, x_ref, dinv_ref, g_ref):
    deg = d_ref[0, :, 0:1] + d_ref[1, :, 0:1] + 1.0
    dinv = lax.rsqrt(deg)
    dinv_b = jnp.broadcast_to(dinv, (bm, h))
    dinv_ref[...] = dinv_b
    g_ref[...] = dinv_b * x_ref[...]

  return pl.pallas_call(
      body,
      grid=(n // bm,),
      in_specs=[
          pl.BlockSpec((2, bm, 16), lambda i: (0, i, 0)),
          pl.BlockSpec((bm, h), lambda i: (i, 0)),
      ],
      out_specs=[
          pl.BlockSpec((bm, h), lambda i: (i, 0)),
          pl.BlockSpec((bm, h), lambda i: (i, 0)),
      ],
      out_shape=[
          jax.ShapeDtypeStruct((n, h), jnp.float32),
          jax.ShapeDtypeStruct((npad, h), jnp.float32),
      ],
  )(degp, xw0)


def _h1_heads(s1p, xw0, dinv, w1, w2, npad, bm):
  n, h = xw0.shape

  def body(s_ref, x_ref, dv_ref, w1_ref, w2_ref, c_ref, g_ref):
    dinv = dv_ref[...]
    agg = dinv * (s_ref[0] + s_ref[1]) + dinv * dinv * x_ref[...]
    h1 = jnp.maximum(agg, 0.0)
    w = jnp.concatenate([w1_ref[...], w2_ref[...]], axis=1)
    c = jnp.dot(h1, w, preferred_element_type=jnp.float32)
    c_ref[...] = c
    g_ref[...] = dinv * c

  h2 = w1.shape[1]
  return pl.pallas_call(
      body,
      grid=(n // bm,),
      in_specs=[
          pl.BlockSpec((2, bm, h), lambda i: (0, i, 0)),
          pl.BlockSpec((bm, h), lambda i: (i, 0)),
          pl.BlockSpec((bm, h), lambda i: (i, 0)),
          pl.BlockSpec((h, h2), lambda i: (0, 0)),
          pl.BlockSpec((h, h2), lambda i: (0, 0)),
      ],
      out_specs=[
          pl.BlockSpec((bm, h), lambda i: (i, 0)),
          pl.BlockSpec((bm, h), lambda i: (i, 0)),
      ],
      out_shape=[
          jax.ShapeDtypeStruct((n, h), jnp.float32),
          jax.ShapeDtypeStruct((npad, h), jnp.float32),
      ],
  )(s1p, xw0, dinv, w1, w2)


def _reparam(s2p, c, dinv, eps, bm):
  n, h = c.shape
  h2 = h // 2

  def body(s_ref, c_ref, dv_ref, e_ref, z_ref):
    dinv = dv_ref[...]
    zc = dinv * (s_ref[0] + s_ref[1]) + dinv * dinv * c_ref[...]
    zm = zc[:, :h2]
    zl = zc[:, h2:]
    z_ref[...] = zm + e_ref[...] * jnp.exp(zl)

  return pl.pallas_call(
      body,
      grid=(n // bm,),
      in_specs=[
          pl.BlockSpec((2, bm, h), lambda i: (0, i, 0)),
          pl.BlockSpec((bm, h), lambda i: (i, 0)),
          pl.BlockSpec((bm, h), lambda i: (i, 0)),
          pl.BlockSpec((bm, h2), lambda i: (i, 0)),
      ],
      out_specs=pl.BlockSpec((bm, h2), lambda i: (i, 0)),
      out_shape=jax.ShapeDtypeStruct((n, h2), jnp.float32),
  )(s2p, c, dinv, eps)


def _decoder(z, zt, bm):
  n, k = z.shape

  def body(a_ref, b_ref, o_ref):
    m = jnp.dot(a_ref[...], b_ref[...], preferred_element_type=jnp.float32)
    for r in range(bm):
      o_ref[pl.ds(r * n, n)] = m[r, :]

  return pl.pallas_call(
      body,
      grid=(pl.cdiv(n, bm),),
      in_specs=[
          pl.BlockSpec((bm, k), lambda i: (i, 0)),
          pl.BlockSpec((k, n), lambda i: (0, 0)),
      ],
      out_specs=pl.BlockSpec((bm * n,), lambda i: (i,)),
      out_shape=jax.ShapeDtypeStruct((n * n,), jnp.float32),
  )(z, zt)



def kernel(x, edge_index, W0, W1, W2, eps):
  n = x.shape[0]
  e = edge_index.shape[1]

  npad = ((n + NS * 8 - 1) // (NS * 8)) * (NS * 8)
  unit = 4 * 4 * CH
  epw = ((e + NW * 2 * unit - 1) // (NW * 2 * unit)) * 2 * unit
  epad = NW * epw

  pad = epad - e
  src = jnp.concatenate([edge_index[0], jnp.full((pad,), n, jnp.int32)])
  dst = jnp.concatenate([edge_index[1], jnp.full((pad,), n, jnp.int32)])
  src = src.reshape(-1, CH)
  dst = dst.reshape(-1, CH)

  ones_blk = jnp.ones((CH, 16), jnp.float32)
  zrow16 = jnp.zeros((npad // NS, 16), jnp.float32)
  zrow32 = jnp.zeros((npad // NS, 32), jnp.float32)

  deg_k = _make_deg_kernel(npad, epw)
  agg_k = _make_agg_kernel(npad, epw, 32, kc=4, nbuf=4)

  degp = deg_k(dst, ones_blk, zrow16)

  xw0 = _matmul_xw0(x, W0, bm=1000)
  dinv, g0p = _prep_g0(degp, xw0, npad, bm=2000)

  s1p = agg_k(src, dst, g0p, zrow32)

  c, g1p = _h1_heads(s1p, xw0, dinv, W1, W2, npad, bm=2000)

  s2p = agg_k(src, dst, g1p, zrow32)

  z = _reparam(s2p, c, dinv, eps, bm=2000)

  return _decoder(z, z.T, bm=128)

# --- scband reference (transcript-rebuilt; emitter-appended) ---
"""Pipeline reference for scband-gcnmodel-vae-55645596287565 (READ-ONLY COPY).

The authoritative reference and input builder live on the scoring server;
editing this copy changes nothing except your own understanding.
"""

import jax, jax.numpy as jnp
import numpy as np

N = 10000
E = 320000
D_IN = 128
H1 = 32
H2 = 16


def setup_inputs(seed: int = 0) -> dict:
    key = jax.random.key(seed)
    ks = jax.random.split(key, 6)
    x = jax.random.normal(ks[0], (N, D_IN), dtype=jnp.float32)
    edge_index = jax.random.randint(ks[1], (2, E), 0, N, dtype=jnp.int32)
    W0 = jax.random.normal(ks[2], (D_IN, H1), dtype=jnp.float32) * (1.0 / np.sqrt(D_IN))
    W1 = jax.random.normal(ks[3], (H1, H2), dtype=jnp.float32) * (1.0 / np.sqrt(H1))
    W2 = jax.random.normal(ks[4], (H1, H2), dtype=jnp.float32) * (1.0 / np.sqrt(H1))
    eps = jax.random.normal(ks[5], (N, H2), dtype=jnp.float32)
    return {"x": x, "edge_index": edge_index, "W0": W0, "W1": W1, "W2": W2, "eps": eps}


def _normalize(edge_index, n):
    # add self-loops and compute symmetric degree normalization (GCN preprocessing)
    loop = jnp.arange(n, dtype=edge_index.dtype)
    src = jnp.concatenate([edge_index[0], loop])
    dst = jnp.concatenate([edge_index[1], loop])
    deg = jax.ops.segment_sum(jnp.ones_like(dst, dtype=jnp.float32), dst, num_segments=n)
    dinv = jnp.where(deg > 0, 1.0 / jnp.sqrt(deg), 0.0)
    norm = dinv[src] * dinv[dst]
    return src, dst, norm


def _agg(h, src, dst, norm, n):
    # A_hat @ h via gather + scatter-add (SparseCore-friendly)
    msgs = h[src] * norm[:, None]
    return jax.ops.segment_sum(msgs, dst, num_segments=n)


def reference(x, edge_index, W0, W1, W2, eps):
    n = x.shape[0]
    src, dst, norm = _normalize(edge_index, n)
    # GraphConvolutionSparse: relu(A_hat @ (X W0)), dropout=0 at inference
    h1 = jax.nn.relu(_agg(x @ W0, src, dst, norm, n))
    # GraphConvolution heads with identity activation
    z_mean = _agg(h1 @ W1, src, dst, norm, n)
    z_log_std = _agg(h1 @ W2, src, dst, norm, n)
    # reparameterization: z = mu + eps * exp(log_std)
    z = z_mean + eps * jnp.exp(z_log_std)
    # InnerProductDecoder: flatten(z @ z^T), identity activation
    reconstructions = (z @ z.T).reshape(-1)
    return reconstructions

if __name__ == "__main__":
    import jax
    _d = setup_inputs()
    print(jax.jit(kernel)(*tuple(_d.values())))

</pallas_src>

<mosaic_0001>
#map = affine_map<(d0, d1) -> (0, 0)>
#map1 = affine_map<(d0, d1) -> (0, 0, 0)>
module attributes {stable_mosaic.version = 14 : i64} {
  func.func @deg_kernel(%arg0: i32, %arg1: i32, %arg2: memref<3072x128xi32, #tpu.memory_space<hbm>>, %arg3: memref<128x16xf32, #tpu.memory_space<hbm>>, %arg4: memref<632x16xf32, #tpu.memory_space<hbm>>, %arg5: memref<2x10112x16xf32, #tpu.memory_space<hbm>>, %arg6: memref<96x128xi32, #tpu.memory_space<vmem>>, %arg7: memref<128x16xf32, #tpu.memory_space<vmem>>, %arg8: memref<10112x16xf32, #tpu.memory_space<vmem_shared>>, %arg9: memref<!tpu.dma_semaphore, #tpu.memory_space<semaphore_mem>>) attributes {dimension_semantics = [#tpu.dimension_semantics<core_parallel>, #tpu.dimension_semantics<subcore_parallel>], iteration_bounds = array<i64: 2, 16>, scalar_prefetch = 0 : i64, scratch_operands = 4 : i64, tpu.core_type = #tpu.core_type<sc_vector_subcore>, window_params = [{transform_indices = #map}, {transform_indices = #map}, {transform_indices = #map}, {transform_indices = #map1}]} {
    %mul3A = arith.constant 2 : i32
    %mul3A_0 = arith.muli %arg1, %mul3A : i32
    %add3A = arith.addi %mul3A_0, %arg0 : i32
    %mul3A_1 = arith.constant 96 : i32
    %mul3A_2 = arith.muli %add3A, %mul3A_1 : i32
    "tpu.region"() ({
      %run_scoped3A = tpu.sem_alloc : memref<!tpu.dma_semaphore, #tpu.memory_space<semaphore_mem>>
      %dma_start3A = arith.constant 0 : i32
      %dma_start3A_15 = tpu.memref_slice %arg2[%mul3A_2, %dma_start3A] : memref<3072x128xi32, #tpu.memory_space<hbm>> -> memref<96x128xi32, #tpu.memory_space<hbm>>
      %dma_start3A_16 = arith.constant 0 : i32
      %dma_start3A_17 = tpu.memref_slice %arg2[%mul3A_2, %dma_start3A_16] : memref<3072x128xi32, #tpu.memory_space<hbm>> -> memref<96x128xi32, #tpu.memory_space<hbm>>
      tpu.enqueue_dma source(%dma_start3A_17 : memref<96x128xi32, #tpu.memory_space<hbm>>) target(%arg6 : memref<96x128xi32, #tpu.memory_space<vmem>>) target_semaphore(%run_scoped3A : memref<!tpu.dma_semaphore, #tpu.memory_space<semaphore_mem>>)
      %dma_wait3A = arith.constant 0 : i32
      %dma_wait3A_18 = tpu.memref_slice %arg2[%mul3A_2, %dma_wait3A] : memref<3072x128xi32, #tpu.memory_space<hbm>> -> memref<96x128xi32, #tpu.memory_space<hbm>>
      %dma_wait3A_19 = arith.constant 0 : i32
      %dma_wait3A_20 = tpu.memref_slice %arg2[%mul3A_2, %dma_wait3A_19] : memref<3072x128xi32, #tpu.memory_space<hbm>> -> memref<96x128xi32, #tpu.memory_space<hbm>>
      tpu.wait_dma2 semaphore(%run_scoped3A : memref<!tpu.dma_semaphore, #tpu.memory_space<semaphore_mem>>) src(%dma_wait3A_20 : memref<96x128xi32, #tpu.memory_space<hbm>>) dst(%arg6 : memref<96x128xi32, #tpu.memory_space<vmem>>)
      tpu.yield
    }) : () -> ()
    %mul3A_3 = arith.constant 632 : i32
    %mul3A_4 = arith.muli %arg1, %mul3A_3 : i32
    "tpu.region"() ({
      %run_scoped3A = tpu.sem_alloc : memref<!tpu.dma_semaphore, #tpu.memory_space<semaphore_mem>>
      %dma_start3A = arith.constant 0 : i32
      %dma_start3A_15 = tpu.memref_slice %arg8[%mul3A_4, %dma_start3A] : memref<10112x16xf32, #tpu.memory_space<vmem_shared>> -> memref<632x16xf32, #tpu.memory_space<vmem_shared>>
      tpu.enqueue_dma source(%arg4 : memref<632x16xf32, #tpu.memory_space<hbm>>) target(%dma_start3A_15 : memref<632x16xf32, #tpu.memory_space<vmem_shared>>) target_semaphore(%run_scoped3A : memref<!tpu.dma_semaphore, #tpu.memory_space<semaphore_mem>>)
      %dma_wait3A = arith.constant 0 : i32
      %dma_wait3A_16 = tpu.memref_slice %arg8[%mul3A_4, %dma_wait3A] : memref<10112x16xf32, #tpu.memory_space<vmem_shared>> -> memref<632x16xf32, #tpu.memory_space<vmem_shared>>
      tpu.wait_dma2 semaphore(%run_scoped3A : memref<!tpu.dma_semaphore, #tpu.memory_space<semaphore_mem>>) src(%arg4 : memref<632x16xf32, #tpu.memory_space<hbm>>) dst(%dma_wait3A_16 : memref<632x16xf32, #tpu.memory_space<vmem_shared>>)
      tpu.yield
    }) : () -> ()
    "tpu.region"() ({
      %run_scoped3A = tpu.sem_alloc : memref<!tpu.dma_semaphore, #tpu.memory_space<semaphore_mem>>
      tpu.enqueue_dma source(%arg3 : memref<128x16xf32, #tpu.memory_space<hbm>>) target(%arg7 : memref<128x16xf32, #tpu.memory_space<vmem>>) target_semaphore(%run_scoped3A : memref<!tpu.dma_semaphore, #tpu.memory_space<semaphore_mem>>)
      tpu.wait_dma2 semaphore(%run_scoped3A : memref<!tpu.dma_semaphore, #tpu.memory_space<semaphore_mem>>) src(%arg3 : memref<128x16xf32, #tpu.memory_space<hbm>>) dst(%arg7 : memref<128x16xf32, #tpu.memory_space<vmem>>)
      tpu.yield
    }) : () -> ()
    %barrier3A = arith.constant 0 : index
    tpu.barrier barrier_id(%barrier3A)
    %scan3A = arith.constant 0 : i32
    %scan3A_5 = arith.constant 0 : i32
    %scan3A_6 = arith.constant 96 : i32
    %scan3A_7 = arith.addi %scan3A_5, %scan3A_6 : i32
    %scan3A_8 = arith.constant 1 : i32
    scf.for %scan3A_15 = %scan3A_5 to %scan3A_7 step %scan3A_8  : i32 {
      %dma_start3A = arith.constant 0 : i32
      %dma_start3A_16 = tpu.memref_slice %arg6[%scan3A_15, %dma_start3A] : memref<96x128xi32, #tpu.memory_space<vmem>> -> memref<1x128xi32, #tpu.memory_space<vmem>>
      %dma_start3A_17 = tpu.memref_squeeze %dma_start3A_16 : memref<1x128xi32, #tpu.memory_space<vmem>> -> memref<128xi32, #tpu.memory_space<vmem>>
      %dma_start3A_18 = arith.constant 0 : i32
      %dma_start3A_19 = arith.constant 0 : i32
      %dma_start3A_20 = tpu.memref_slice %arg8[%dma_start3A_18, %dma_start3A_19] : memref<10112x16xf32, #tpu.memory_space<vmem_shared>> -> memref<10112x16xf32, #tpu.memory_space<vmem_shared>>
      tpu.enqueue_indirect_dma source(%arg7 : memref<128x16xf32, #tpu.memory_space<vmem>>) target(%dma_start3A_20 : memref<10112x16xf32, #tpu.memory_space<vmem_shared>>) offsets(%dma_start3A_17 : memref<128xi32, #tpu.memory_space<vmem>>) semaphore(%arg9 : memref<!tpu.dma_semaphore, #tpu.memory_space<semaphore_mem>>) {add = true}
      %ge3A = arith.constant 8 : i32
      %ge3A_21 = arith.cmpi sge, %scan3A_15, %ge3A : i32
      %convert_element_type3A = arith.extui %ge3A_21 : i1 to i32
      %cond3A = arith.constant 0 : i32
      %cond3A_22 = arith.cmpi ne, %convert_element_type3A, %cond3A : i32
      scf.if %cond3A_22 {
        tpu.wait_dma2 semaphore(%arg9 : memref<!tpu.dma_semaphore, #tpu.memory_space<semaphore_mem>>) src(%arg3 : memref<128x16xf32, #tpu.memory_space<hbm>>) dst(%arg7 : memref<128x16xf32, #tpu.memory_space<vmem>>)
      } else {
      }
    }
    %scan3A_9 = arith.constant 96 : i32
    tpu.wait_dma2 semaphore(%arg9 : memref<!tpu.dma_semaphore, #tpu.memory_space<semaphore_mem>>) src(%arg3 : memref<128x16xf32, #tpu.memory_space<hbm>>) dst(%arg7 : memref<128x16xf32, #tpu.memory_space<vmem>>)
    tpu.wait_dma2 semaphore(%arg9 : memref<!tpu.dma_semaphore, #tpu.memory_space<semaphore_mem>>) src(%arg3 : memref<128x16xf32, #tpu.memory_space<hbm>>) dst(%arg7 : memref<128x16xf32, #tpu.memory_space<vmem>>)
    tpu.wait_dma2 semaphore(%arg9 : memref<!tpu.dma_semaphore, #tpu.memory_space<semaphore_mem>>) src(%arg3 : memref<128x16xf32, #tpu.memory_space<hbm>>) dst(%arg7 : memref<128x16xf32, #tpu.memory_space<vmem>>)
    tpu.wait_dma2 semaphore(%arg9 : memref<!tpu.dma_semaphore, #tpu.memory_space<semaphore_mem>>) src(%arg3 : memref<128x16xf32, #tpu.memory_space<hbm>>) dst(%arg7 : memref<128x16xf32, #tpu.memory_space<vmem>>)
    tpu.wait_dma2 semaphore(%arg9 : memref<!tpu.dma_semaphore, #tpu.memory_space<semaphore_mem>>) src(%arg3 : memref<128x16xf32, #tpu.memory_space<hbm>>) dst(%arg7 : memref<128x16xf32, #tpu.memory_space<vmem>>)
    tpu.wait_dma2 semaphore(%arg9 : memref<!tpu.dma_semaphore, #tpu.memory_space<semaphore_mem>>) src(%arg3 : memref<128x16xf32, #tpu.memory_space<hbm>>) dst(%arg7 : memref<128x16xf32, #tpu.memory_space<vmem>>)
    tpu.wait_dma2 semaphore(%arg9 : memref<!tpu.dma_semaphore, #tpu.memory_space<semaphore_mem>>) src(%arg3 : memref<128x16xf32, #tpu.memory_space<hbm>>) dst(%arg7 : memref<128x16xf32, #tpu.memory_space<vmem>>)
    tpu.wait_dma2 semaphore(%arg9 : memref<!tpu.dma_semaphore, #tpu.memory_space<semaphore_mem>>) src(%arg3 : memref<128x16xf32, #tpu.memory_space<hbm>>) dst(%arg7 : memref<128x16xf32, #tpu.memory_space<vmem>>)
    %barrier3A_10 = arith.constant 0 : index
    tpu.barrier barrier_id(%barrier3A_10)
    %mul3A_11 = arith.constant 632 : i32
    %mul3A_12 = arith.muli %arg1, %mul3A_11 : i32
    %mul3A_13 = arith.constant 632 : i32
    %mul3A_14 = arith.muli %arg1, %mul3A_13 : i32
    "tpu.region"() ({
      %run_scoped3A = tpu.sem_alloc : memref<!tpu.dma_semaphore, #tpu.memory_space<semaphore_mem>>
      %dma_start3A = arith.constant 0 : i32
      %dma_start3A_15 = tpu.memref_slice %arg5[%arg0, %mul3A_14, %dma_start3A] : memref<2x10112x16xf32, #tpu.memory_space<hbm>> -> memref<1x632x16xf32, #tpu.memory_space<hbm>>
      %dma_start3A_16 = tpu.memref_squeeze %dma_start3A_15 : memref<1x632x16xf32, #tpu.memory_space<hbm>> -> memref<632x16xf32, #tpu.memory_space<hbm>>
      %dma_start3A_17 = arith.constant 0 : i32
      %dma_start3A_18 = tpu.memref_slice %arg8[%mul3A_12, %dma_start3A_17] : memref<10112x16xf32, #tpu.memory_space<vmem_shared>> -> memref<632x16xf32, #tpu.memory_space<vmem_shared>>
      tpu.enqueue_dma source(%dma_start3A_18 : memref<632x16xf32, #tpu.memory_space<vmem_shared>>) target(%dma_start3A_16 : memref<632x16xf32, #tpu.memory_space<hbm>>) target_semaphore(%run_scoped3A : memref<!tpu.dma_semaphore, #tpu.memory_space<semaphore_mem>>)
      %dma_wait3A = arith.constant 0 : i32
      %dma_wait3A_19 = tpu.memref_slice %arg5[%arg0, %mul3A_14, %dma_wait3A] : memref<2x10112x16xf32, #tpu.memory_space<hbm>> -> memref<1x632x16xf32, #tpu.memory_space<hbm>>
      %dma_wait3A_20 = tpu.memref_squeeze %dma_wait3A_19 : memref<1x632x16xf32, #tpu.memory_space<hbm>> -> memref<632x16xf32, #tpu.memory_space<hbm>>
      %dma_wait3A_21 = arith.constant 0 : i32
      %dma_wait3A_22 = tpu.memref_slice %arg8[%mul3A_12, %dma_wait3A_21] : memref<10112x16xf32, #tpu.memory_space<vmem_shared>> -> memref<632x16xf32, #tpu.memory_space<vmem_shared>>
      tpu.wait_dma2 semaphore(%run_scoped3A : memref<!tpu.dma_semaphore, #tpu.memory_space<semaphore_mem>>) src(%dma_wait3A_22 : memref<632x16xf32, #tpu.memory_space<vmem_shared>>) dst(%dma_wait3A_20 : memref<632x16xf32, #tpu.memory_space<hbm>>)
      tpu.yield
    }) : () -> ()
    return
  }
}

#map = affine_map<(d0, d1) -> (0, 0)>
#map1 = affine_map<(d0, d1) -> (0, 0, 0)>
module attributes {stable_mosaic.version = 14 : i64} {
  func.func @agg_kernel(%arg0: i32, %arg1: i32, %arg2: memref<3072x128xi32, #tpu.memory_space<hbm>>, %arg3: memref<3072x128xi32, #tpu.memory_space<hbm>>, %arg4: memref<10112x32xf32, #tpu.memory_space<hbm>>, %arg5: memref<632x32xf32, #tpu.memory_space<hbm>>, %arg6: memref<2x10112x32xf32, #tpu.memory_space<hbm>>, %arg7: memref<96x128xi32, #tpu.memory_space<vmem>>, %arg8: memref<96x128xi32, #tpu.memory_space<vmem>>, %arg9: memref<512x32xf32, #tpu.memory_space<vmem>>, %arg10: memref<512x32xf32, #tpu.memory_space<vmem>>, %arg11: memref<512x32xf32, #tpu.memory_space<vmem>>, %arg12: memref<512x32xf32, #tpu.memory_space<vmem>>, %arg13: memref<10112x32xf32, #tpu.memory_space<vmem_shared>>, %arg14: memref<10112x32xf32, #tpu.memory_space<vmem_shared>>, %arg15: memref<!tpu.dma_semaphore, #tpu.memory_space<semaphore_mem>>, %arg16: memref<!tpu.dma_semaphore, #tpu.memory_space<semaphore_mem>>, %arg17: memref<!tpu.dma_semaphore, #tpu.memory_space<semaphore_mem>>, %arg18: memref<!tpu.dma_semaphore, #tpu.memory_space<semaphore_mem>>, %arg19: memref<!tpu.dma_semaphore, #tpu.memory_space<semaphore_mem>>, %arg20: memref<!tpu.dma_semaphore, #tpu.memory_space<semaphore_mem>>, %arg21: memref<!tpu.dma_semaphore, #tpu.memory_space<semaphore_mem>>, %arg22: memref<!tpu.dma_semaphore, #tpu.memory_space<semaphore_mem>>) attributes {dimension_semantics = [#tpu.dimension_semantics<core_parallel>, #tpu.dimension_semantics<subcore_parallel>], iteration_bounds = array<i64: 2, 16>, scalar_prefetch = 0 : i64, scratch_operands = 16 : i64, tpu.core_type = #tpu.core_type<sc_vector_subcore>, window_params = [{transform_indices = #map}, {transform_indices = #map}, {transform_indices = #map}, {transform_indices = #map}, {transform_indices = #map1}]} {
    %mul3A = arith.constant 2 : i32
    %mul3A_0 = arith.muli %arg1, %mul3A : i32
    %add3A = arith.addi %mul3A_0, %arg0 : i32
    %mul3A_1 = arith.constant 96 : i32
    %mul3A_2 = arith.muli %add3A, %mul3A_1 : i32
    "tpu.region"() ({
      %run_scoped3A = tpu.sem_alloc : memref<!tpu.dma_semaphore, #tpu.memory_space<semaphore_mem>>
      %dma_start3A_161 = arith.constant 0 : i32
      %dma_start3A_162 = tpu.memref_slice %arg2[%mul3A_2, %dma_start3A_161] : memref<3072x128xi32, #tpu.memory_space<hbm>> -> memref<96x128xi32, #tpu.memory_space<hbm>>
      %dma_start3A_163 = arith.constant 0 : i32
      %dma_start3A_164 = tpu.memref_slice %arg2[%mul3A_2, %dma_start3A_163] : memref<3072x128xi32, #tpu.memory_space<hbm>> -> memref<96x128xi32, #tpu.memory_space<hbm>>
      tpu.enqueue_dma source(%dma_start3A_164 : memref<96x128xi32, #tpu.memory_space<hbm>>) target(%arg7 : memref<96x128xi32, #tpu.memory_space<vmem>>) target_semaphore(%run_scoped3A : memref<!tpu.dma_semaphore, #tpu.memory_space<semaphore_mem>>)
      %dma_wait3A_165 = arith.constant 0 : i32
      %dma_wait3A_166 = tpu.memref_slice %arg2[%mul3A_2, %dma_wait3A_165] : memref<3072x128xi32, #tpu.memory_space<hbm>> -> memref<96x128xi32, #tpu.memory_space<hbm>>
      %dma_wait3A_167 = arith.constant 0 : i32
      %dma_wait3A_168 = tpu.memref_slice %arg2[%mul3A_2, %dma_wait3A_167] : memref<3072x128xi32, #tpu.memory_space<hbm>> -> memref<96x128xi32, #tpu.memory_space<hbm>>
      tpu.wait_dma2 semaphore(%run_scoped3A : memref<!tpu.dma_semaphore, #tpu.memory_space<semaphore_mem>>) src(%dma_wait3A_168 : memref<96x128xi32, #tpu.memory_space<hbm>>) dst(%arg7 : memref<96x128xi32, #tpu.memory_space<vmem>>)
      tpu.yield
    }) : () -> ()
    "tpu.region"() ({
      %run_scoped3A = tpu.sem_alloc : memref<!tpu.dma_semaphore, #tpu.memory_space<semaphore_mem>>
      %dma_start3A_161 = arith.constant 0 : i32
      %dma_start3A_162 = tpu.memref_slice %arg3[%mul3A_2, %dma_start3A_161] : memref<3072x128xi32, #tpu.memory_space<hbm>> -> memref<96x128xi32, #tpu.memory_space<hbm>>
      %dma_start3A_163 = arith.constant 0 : i32
      %dma_start3A_164 = tpu.memref_slice %arg3[%mul3A_2, %dma_start3A_163] : memref<3072x128xi32, #tpu.memory_space<hbm>> -> memref<96x128xi32, #tpu.memory_space<hbm>>
      tpu.enqueue_dma source(%dma_start3A_164 : memref<96x128xi32, #tpu.memory_space<hbm>>) target(%arg8 : memref<96x128xi32, #tpu.memory_space<vmem>>) target_semaphore(%run_scoped3A : memref<!tpu.dma_semaphore, #tpu.memory_space<semaphore_mem>>)
      %dma_wait3A_165 = arith.constant 0 : i32
      %dma_wait3A_166 = tpu.memref_slice %arg3[%mul3A_2, %dma_wait3A_165] : memref<3072x128xi32, #tpu.memory_space<hbm>> -> memref<96x128xi32, #tpu.memory_space<hbm>>
      %dma_wait3A_167 = arith.constant 0 : i32
      %dma_wait3A_168 = tpu.memref_slice %arg3[%mul3A_2, %dma_wait3A_167] : memref<3072x128xi32, #tpu.memory_space<hbm>> -> memref<96x128xi32, #tpu.memory_space<hbm>>
      tpu.wait_dma2 semaphore(%run_scoped3A : memref<!tpu.dma_semaphore, #tpu.memory_space<semaphore_mem>>) src(%dma_wait3A_168 : memref<96x128xi32, #tpu.memory_space<hbm>>) dst(%arg8 : memref<96x128xi32, #tpu.memory_space<vmem>>)
      tpu.yield
    }) : () -> ()
    %mul3A_3 = arith.constant 632 : i32
    %mul3A_4 = arith.muli %arg1, %mul3A_3 : i32
    "tpu.region"() ({
      %run_scoped3A = tpu.sem_alloc : memref<!tpu.dma_semaphore, #tpu.memory_space<semaphore_mem>>
      %dma_start3A_161 = arith.constant 0 : i32
      %dma_start3A_162 = tpu.memref_slice %arg13[%mul3A_4, %dma_start3A_161] : memref<10112x32xf32, #tpu.memory_space<vmem_shared>> -> memref<632x32xf32, #tpu.memory_space<vmem_shared>>
      tpu.enqueue_dma source(%arg5 : memref<632x32xf32, #tpu.memory_space<hbm>>) target(%dma_start3A_162 : memref<632x32xf32, #tpu.memory_space<vmem_shared>>) target_semaphore(%run_scoped3A : memref<!tpu.dma_semaphore, #tpu.memory_space<semaphore_mem>>)
      %dma_wait3A_163 = arith.constant 0 : i32
      %dma_wait3A_164 = tpu.memref_slice %arg13[%mul3A_4, %dma_wait3A_163] : memref<10112x32xf32, #tpu.memory_space<vmem_shared>> -> memref<632x32xf32, #tpu.memory_space<vmem_shared>>
      tpu.wait_dma2 semaphore(%run_scoped3A : memref<!tpu.dma_semaphore, #tpu.memory_space<semaphore_mem>>) src(%arg5 : memref<632x32xf32, #tpu.memory_space<hbm>>) dst(%dma_wait3A_164 : memref<632x32xf32, #tpu.memory_space<vmem_shared>>)
      tpu.yield
    }) : () -> ()
    %mul3A_5 = arith.constant 632 : i32
    %mul3A_6 = arith.muli %arg1, %mul3A_5 : i32
    %mul3A_7 = arith.constant 632 : i32
    %mul3A_8 = arith.muli %arg1, %mul3A_7 : i32
    "tpu.region"() ({
      %run_scoped3A = tpu.sem_alloc : memref<!tpu.dma_semaphore, #tpu.memory_space<semaphore_mem>>
      %dma_start3A_161 = arith.constant 0 : i32
      %dma_start3A_162 = tpu.memref_slice %arg14[%mul3A_8, %dma_start3A_161] : memref<10112x32xf32, #tpu.memory_space<vmem_shared>> -> memref<632x32xf32, #tpu.memory_space<vmem_shared>>
      %dma_start3A_163 = arith.constant 0 : i32
      %dma_start3A_164 = tpu.memref_slice %arg4[%mul3A_6, %dma_start3A_163] : memref<10112x32xf32, #tpu.memory_space<hbm>> -> memref<632x32xf32, #tpu.memory_space<hbm>>
      tpu.enqueue_dma source(%dma_start3A_164 : memref<632x32xf32, #tpu.memory_space<hbm>>) target(%dma_start3A_162 : memref<632x32xf32, #tpu.memory_space<vmem_shared>>) target_semaphore(%run_scoped3A : memref<!tpu.dma_semaphore, #tpu.memory_space<semaphore_mem>>)
      %dma_wait3A_165 = arith.constant 0 : i32
      %dma_wait3A_166 = tpu.memref_slice %arg14[%mul3A_8, %dma_wait3A_165] : memref<10112x32xf32, #tpu.memory_space<vmem_shared>> -> memref<632x32xf32, #tpu.memory_space<vmem_shared>>
      %dma_wait3A_167 = arith.constant 0 : i32
      %dma_wait3A_168 = tpu.memref_slice %arg4[%mul3A_6, %dma_wait3A_167] : memref<10112x32xf32, #tpu.memory_space<hbm>> -> memref<632x32xf32, #tpu.memory_space<hbm>>
      tpu.wait_dma2 semaphore(%run_scoped3A : memref<!tpu.dma_semaphore, #tpu.memory_space<semaphore_mem>>) src(%dma_wait3A_168 : memref<632x32xf32, #tpu.memory_space<hbm>>) dst(%dma_wait3A_166 : memref<632x32xf32, #tpu.memory_space<vmem_shared>>)
      tpu.yield
    }) : () -> ()
    %barrier3A = arith.constant 0 : index
    tpu.barrier barrier_id(%barrier3A)
    %dma_start3A = arith.constant 0 : i32
    %dma_start3A_9 = arith.constant 0 : i32
    %dma_start3A_10 = arith.constant 0 : i32
    %dma_start3A_11 = tpu.memref_slice %arg9[%dma_start3A_9, %dma_start3A_10] : memref<512x32xf32, #tpu.memory_space<vmem>> -> memref<128x32xf32, #tpu.memory_space<vmem>>
    %dma_start3A_12 = arith.constant 0 : i32
    %dma_start3A_13 = tpu.memref_slice %arg7[%dma_start3A, %dma_start3A_12] : memref<96x128xi32, #tpu.memory_space<vmem>> -> memref<1x128xi32, #tpu.memory_space<vmem>>
    %dma_start3A_14 = tpu.memref_squeeze %dma_start3A_13 : memref<1x128xi32, #tpu.memory_space<vmem>> -> memref<128xi32, #tpu.memory_space<vmem>>
    %dma_start3A_15 = arith.constant 0 : i32
    %dma_start3A_16 = arith.constant 0 : i32
    %dma_start3A_17 = tpu.memref_slice %arg14[%dma_start3A_15, %dma_start3A_16] : memref<10112x32xf32, #tpu.memory_space<vmem_shared>> -> memref<10112x32xf32, #tpu.memory_space<vmem_shared>>
    tpu.enqueue_indirect_dma source(%dma_start3A_17 : memref<10112x32xf32, #tpu.memory_space<vmem_shared>>) target(%dma_start3A_11 : memref<128x32xf32, #tpu.memory_space<vmem>>) offsets(%dma_start3A_14 : memref<128xi32, #tpu.memory_space<vmem>>) semaphore(%arg15 : memref<!tpu.dma_semaphore, #tpu.memory_space<semaphore_mem>>)
    %dma_start3A_18 = arith.constant 1 : i32
    %dma_start3A_19 = arith.constant 128 : i32
    %dma_start3A_20 = arith.constant 0 : i32
    %dma_start3A_21 = tpu.memref_slice %arg9[%dma_start3A_19, %dma_start3A_20] : memref<512x32xf32, #tpu.memory_space<vmem>> -> memref<128x32xf32, #tpu.memory_space<vmem>>
    %dma_start3A_22 = arith.constant 0 : i32
    %dma_start3A_23 = tpu.memref_slice %arg7[%dma_start3A_18, %dma_start3A_22] : memref<96x128xi32, #tpu.memory_space<vmem>> -> memref<1x128xi32, #tpu.memory_space<vmem>>
    %dma_start3A_24 = tpu.memref_squeeze %dma_start3A_23 : memref<1x128xi32, #tpu.memory_space<vmem>> -> memref<128xi32, #tpu.memory_space<vmem>>
    %dma_start3A_25 = arith.constant 0 : i32
    %dma_start3A_26 = arith.constant 0 : i32
    %dma_start3A_27 = tpu.memref_slice %arg14[%dma_start3A_25, %dma_start3A_26] : memref<10112x32xf32, #tpu.memory_space<vmem_shared>> -> memref<10112x32xf32, #tpu.memory_space<vmem_shared>>
    tpu.enqueue_indirect_dma source(%dma_start3A_27 : memref<10112x32xf32, #tpu.memory_space<vmem_shared>>) target(%dma_start3A_21 : memref<128x32xf32, #tpu.memory_space<vmem>>) offsets(%dma_start3A_24 : memref<128xi32, #tpu.memory_space<vmem>>) semaphore(%arg15 : memref<!tpu.dma_semaphore, #tpu.memory_space<semaphore_mem>>)
    %dma_start3A_28 = arith.constant 2 : i32
    %dma_start3A_29 = arith.constant 256 : i32
    %dma_start3A_30 = arith.constant 0 : i32
    %dma_start3A_31 = tpu.memref_slice %arg9[%dma_start3A_29, %dma_start3A_30] : memref<512x32xf32, #tpu.memory_space<vmem>> -> memref<128x32xf32, #tpu.memory_space<vmem>>
    %dma_start3A_32 = arith.constant 0 : i32
    %dma_start3A_33 = tpu.memref_slice %arg7[%dma_start3A_28, %dma_start3A_32] : memref<96x128xi32, #tpu.memory_space<vmem>> -> memref<1x128xi32, #tpu.memory_space<vmem>>
    %dma_start3A_34 = tpu.memref_squeeze %dma_start3A_33 : memref<1x128xi32, #tpu.memory_space<vmem>> -> memref<128xi32, #tpu.memory_space<vmem>>
    %dma_start3A_35 = arith.constant 0 : i32
    %dma_start3A_36 = arith.constant 0 : i32
    %dma_start3A_37 = tpu.memref_slice %arg14[%dma_start3A_35, %dma_start3A_36] : memref<10112x32xf32, #tpu.memory_space<vmem_shared>> -> memref<10112x32xf32, #tpu.memory_space<vmem_shared>>
    tpu.enqueue_indirect_dma source(%dma_start3A_37 : memref<10112x32xf32, #tpu.memory_space<vmem_shared>>) target(%dma_start3A_31 : memref<128x32xf32, #tpu.memory_space<vmem>>) offsets(%dma_start3A_34 : memref<128xi32, #tpu.memory_space<vmem>>) semaphore(%arg15 : memref<!tpu.dma_semaphore, #tpu.memory_space<semaphore_mem>>)
    %dma_start3A_38 = arith.constant 3 : i32
    %dma_start3A_39 = arith.constant 384 : i32
    %dma_start3A_40 = arith.constant 0 : i32
    %dma_start3A_41 = tpu.memref_slice %arg9[%dma_start3A_39, %dma_start3A_40] : memref<512x32xf32, #tpu.memory_space<vmem>> -> memref<128x32xf32, #tpu.memory_space<vmem>>
    %dma_start3A_42 = arith.constant 0 : i32
    %dma_start3A_43 = tpu.memref_slice %arg7[%dma_start3A_38, %dma_start3A_42] : memref<96x128xi32, #tpu.memory_space<vmem>> -> memref<1x128xi32, #tpu.memory_space<vmem>>
    %dma_start3A_44 = tpu.memref_squeeze %dma_start3A_43 : memref<1x128xi32, #tpu.memory_space<vmem>> -> memref<128xi32, #tpu.memory_space<vmem>>
    %dma_start3A_45 = arith.constant 0 : i32
    %dma_start3A_46 = arith.constant 0 : i32
    %dma_start3A_47 = tpu.memref_slice %arg14[%dma_start3A_45, %dma_start3A_46] : memref<10112x32xf32, #tpu.memory_space<vmem_shared>> -> memref<10112x32xf32, #tpu.memory_space<vmem_shared>>
    tpu.enqueue_indirect_dma source(%dma_start3A_47 : memref<10112x32xf32, #tpu.memory_space<vmem_shared>>) target(%dma_start3A_41 : memref<128x32xf32, #tpu.memory_space<vmem>>) offsets(%dma_start3A_44 : memref<128xi32, #tpu.memory_space<vmem>>) semaphore(%arg15 : memref<!tpu.dma_semaphore, #tpu.memory_space<semaphore_mem>>)
    %dma_start3A_48 = arith.constant 4 : i32
    %dma_start3A_49 = arith.constant 0 : i32
    %dma_start3A_50 = arith.constant 0 : i32
    %dma_start3A_51 = tpu.memref_slice %arg10[%dma_start3A_49, %dma_start3A_50] : memref<512x32xf32, #tpu.memory_space<vmem>> -> memref<128x32xf32, #tpu.memory_space<vmem>>
    %dma_start3A_52 = arith.constant 0 : i32
    %dma_start3A_53 = tpu.memref_slice %arg7[%dma_start3A_48, %dma_start3A_52] : memref<96x128xi32, #tpu.memory_space<vmem>> -> memref<1x128xi32, #tpu.memory_space<vmem>>
    %dma_start3A_54 = tpu.memref_squeeze %dma_start3A_53 : memref<1x128xi32, #tpu.memory_space<vmem>> -> memref<128xi32, #tpu.memory_space<vmem>>
    %dma_start3A_55 = arith.constant 0 : i32
    %dma_start3A_56 = arith.constant 0 : i32
    %dma_start3A_57 = tpu.memref_slice %arg14[%dma_start3A_55, %dma_start3A_56] : memref<10112x32xf32, #tpu.memory_space<vmem_shared>> -> memref<10112x32xf32, #tpu.memory_space<vmem_shared>>
    tpu.enqueue_indirect_dma source(%dma_start3A_57 : memref<10112x32xf32, #tpu.memory_space<vmem_shared>>) target(%dma_start3A_51 : memref<128x32xf32, #tpu.memory_space<vmem>>) offsets(%dma_start3A_54 : memref<128xi32, #tpu.memory_space<vmem>>) semaphore(%arg16 : memref<!tpu.dma_semaphore, #tpu.memory_space<semaphore_mem>>)
    %dma_start3A_58 = arith.constant 5 : i32
    %dma_start3A_59 = arith.constant 128 : i32
    %dma_start3A_60 = arith.constant 0 : i32
    %dma_start3A_61 = tpu.memref_slice %arg10[%dma_start3A_59, %dma_start3A_60] : memref<512x32xf32, #tpu.memory_space<vmem>> -> memref<128x32xf32, #tpu.memory_space<vmem>>
    %dma_start3A_62 = arith.constant 0 : i32
    %dma_start3A_63 = tpu.memref_slice %arg7[%dma_start3A_58, %dma_start3A_62] : memref<96x128xi32, #tpu.memory_space<vmem>> -> memref<1x128xi32, #tpu.memory_space<vmem>>
    %dma_start3A_64 = tpu.memref_squeeze %dma_start3A_63 : memref<1x128xi32, #tpu.memory_space<vmem>> -> memref<128xi32, #tpu.memory_space<vmem>>
    %dma_start3A_65 = arith.constant 0 : i32
    %dma_start3A_66 = arith.constant 0 : i32
    %dma_start3A_67 = tpu.memref_slice %arg14[%dma_start3A_65, %dma_start3A_66] : memref<10112x32xf32, #tpu.memory_space<vmem_shared>> -> memref<10112x32xf32, #tpu.memory_space<vmem_shared>>
    tpu.enqueue_indirect_dma source(%dma_start3A_67 : memref<10112x32xf32, #tpu.memory_space<vmem_shared>>) target(%dma_start3A_61 : memref<128x32xf32, #tpu.memory_space<vmem>>) offsets(%dma_start3A_64 : memref<128xi32, #tpu.memory_space<vmem>>) semaphore(%arg16 : memref<!tpu.dma_semaphore, #tpu.memory_space<semaphore_mem>>)
    %dma_start3A_68 = arith.constant 6 : i32
    %dma_start3A_69 = arith.constant 256 : i32
    %dma_start3A_70 = arith.constant 0 : i32
    %dma_start3A_71 = tpu.memref_slice %arg10[%dma_start3A_69, %dma_start3A_70] : memref<512x32xf32, #tpu.memory_space<vmem>> -> memref<128x32xf32, #tpu.memory_space<vmem>>
    %dma_start3A_72 = arith.constant 0 : i32
    %dma_start3A_73 = tpu.memref_slice %arg7[%dma_start3A_68, %dma_start3A_72] : memref<96x128xi32, #tpu.memory_space<vmem>> -> memref<1x128xi32, #tpu.memory_space<vmem>>
    %dma_start3A_74 = tpu.memref_squeeze %dma_start3A_73 : memref<1x128xi32, #tpu.memory_space<vmem>> -> memref<128xi32, #tpu.memory_space<vmem>>
    %dma_start3A_75 = arith.constant 0 : i32
    %dma_start3A_76 = arith.constant 0 : i32
    %dma_start3A_77 = tpu.memref_slice %arg14[%dma_start3A_75, %dma_start3A_76] : memref<10112x32xf32, #tpu.memory_space<vmem_shared>> -> memref<10112x32xf32, #tpu.memory_space<vmem_shared>>
    tpu.enqueue_indirect_dma source(%dma_start3A_77 : memref<10112x32xf32, #tpu.memory_space<vmem_shared>>) target(%dma_start3A_71 : memref<128x32xf32, #tpu.memory_space<vmem>>) offsets(%dma_start3A_74 : memref<128xi32, #tpu.memory_space<vmem>>) semaphore(%arg16 : memref<!tpu.dma_semaphore, #tpu.memory_space<semaphore_mem>>)
    %dma_start3A_78 = arith.constant 7 : i32
    %dma_start3A_79 = arith.constant 384 : i32
    %dma_start3A_80 = arith.constant 0 : i32
    %dma_start3A_81 = tpu.memref_slice %arg10[%dma_start3A_79, %dma_start3A_80] : memref<512x32xf32, #tpu.memory_space<vmem>> -> memref<128x32xf32, #tpu.memory_space<vmem>>
    %dma_start3A_82 = arith.constant 0 : i32
    %dma_start3A_83 = tpu.memref_slice %arg7[%dma_start3A_78, %dma_start3A_82] : memref<96x128xi32, #tpu.memory_space<vmem>> -> memref<1x128xi32, #tpu.memory_space<vmem>>
    %dma_start3A_84 = tpu.memref_squeeze %dma_start3A_83 : memref<1x128xi32, #tpu.memory_space<vmem>> -> memref<128xi32, #tpu.memory_space<vmem>>
    %dma_start3A_85 = arith.constant 0 : i32
    %dma_start3A_86 = arith.constant 0 : i32
    %dma_start3A_87 = tpu.memref_slice %arg14[%dma_start3A_85, %dma_start3A_86] : memref<10112x32xf32, #tpu.memory_space<vmem_shared>> -> memref<10112x32xf32, #tpu.memory_space<vmem_shared>>
    tpu.enqueue_indirect_dma source(%dma_start3A_87 : memref<10112x32xf32, #tpu.memory_space<vmem_shared>>) target(%dma_start3A_81 : memref<128x32xf32, #tpu.memory_space<vmem>>) offsets(%dma_start3A_84 : memref<128xi32, #tpu.memory_space<vmem>>) semaphore(%arg16 : memref<!tpu.dma_semaphore, #tpu.memory_space<semaphore_mem>>)
    %dma_start3A_88 = arith.constant 8 : i32
    %dma_start3A_89 = arith.constant 0 : i32
    %dma_start3A_90 = arith.constant 0 : i32
    %dma_start3A_91 = tpu.memref_slice %arg11[%dma_start3A_89, %dma_start3A_90] : memref<512x32xf32, #tpu.memory_space<vmem>> -> memref<128x32xf32, #tpu.memory_space<vmem>>
    %dma_start3A_92 = arith.constant 0 : i32
    %dma_start3A_93 = tpu.memref_slice %arg7[%dma_start3A_88, %dma_start3A_92] : memref<96x128xi32, #tpu.memory_space<vmem>> -> memref<1x128xi32, #tpu.memory_space<vmem>>
    %dma_start3A_94 = tpu.memref_squeeze %dma_start3A_93 : memref<1x128xi32, #tpu.memory_space<vmem>> -> memref<128xi32, #tpu.memory_space<vmem>>
    %dma_start3A_95 = arith.constant 0 : i32
    %dma_start3A_96 = arith.constant 0 : i32
    %dma_start3A_97 = tpu.memref_slice %arg14[%dma_start3A_95, %dma_start3A_96] : memref<10112x32xf32, #tpu.memory_space<vmem_shared>> -> memref<10112x32xf32, #tpu.memory_space<vmem_shared>>
    tpu.enqueue_indirect_dma source(%dma_start3A_97 : memref<10112x32xf32, #tpu.memory_space<vmem_shared>>) target(%dma_start3A_91 : memref<128x32xf32, #tpu.memory_space<vmem>>) offsets(%dma_start3A_94 : memref<128xi32, #tpu.memory_space<vmem>>) semaphore(%arg17 : memref<!tpu.dma_semaphore, #tpu.memory_space<semaphore_mem>>)
    %dma_start3A_98 = arith.constant 9 : i32
    %dma_start3A_99 = arith.constant 128 : i32
    %dma_start3A_100 = arith.constant 0 : i32
    %dma_start3A_101 = tpu.memref_slice %arg11[%dma_start3A_99, %dma_start3A_100] : memref<512x32xf32, #tpu.memory_space<vmem>> -> memref<128x32xf32, #tpu.memory_space<vmem>>
    %dma_start3A_102 = arith.constant 0 : i32
    %dma_start3A_103 = tpu.memref_slice %arg7[%dma_start3A_98, %dma_start3A_102] : memref<96x128xi32, #tpu.memory_space<vmem>> -> memref<1x128xi32, #tpu.memory_space<vmem>>
    %dma_start3A_104 = tpu.memref_squeeze %dma_start3A_103 : memref<1x128xi32, #tpu.memory_space<vmem>> -> memref<128xi32, #tpu.memory_space<vmem>>
    %dma_start3A_105 = arith.constant 0 : i32
    %dma_start3A_106 = arith.constant 0 : i32
    %dma_start3A_107 = tpu.memref_slice %arg14[%dma_start3A_105, %dma_start3A_106] : memref<10112x32xf32, #tpu.memory_space<vmem_shared>> -> memref<10112x32xf32, #tpu.memory_space<vmem_shared>>
    tpu.enqueue_indirect_dma source(%dma_start3A_107 : memref<10112x32xf32, #tpu.memory_space<vmem_shared>>) target(%dma_start3A_101 : memref<128x32xf32, #tpu.memory_space<vmem>>) offsets(%dma_start3A_104 : memref<128xi32, #tpu.memory_space<vmem>>) semaphore(%arg17 : memref<!tpu.dma_semaphore, #tpu.memory_space<semaphore_mem>>)
    %dma_start3A_108 = arith.constant 10 : i32
    %dma_start3A_109 = arith.constant 256 : i32
    %dma_start3A_110 = arith.constant 0 : i32
    %dma_start3A_111 = tpu.memref_slice %arg11[%dma_start3A_109, %dma_start3A_110] : memref<512x32xf32, #tpu.memory_space<vmem>> -> memref<128x32xf32, #tpu.memory_space<vmem>>
    %dma_start3A_112 = arith.constant 0 : i32
    %dma_start3A_113 = tpu.memref_slice %arg7[%dma_start3A_108, %dma_start3A_112] : memref<96x128xi32, #tpu.memory_space<vmem>> -> memref<1x128xi32, #tpu.memory_space<vmem>>
    %dma_start3A_114 = tpu.memref_squeeze %dma_start3A_113 : memref<1x128xi32, #tpu.memory_space<vmem>> -> memref<128xi32, #tpu.memory_space<vmem>>
    %dma_start3A_115 = arith.constant 0 : i32
    %dma_start3A_116 = arith.constant 0 : i32
    %dma_start3A_117 = tpu.memref_slice %arg14[%dma_start3A_115, %dma_start3A_116] : memref<10112x32xf32, #tpu.memory_space<vmem_shared>> -> memref<10112x32xf32, #tpu.memory_space<vmem_shared>>
    tpu.enqueue_indirect_dma source(%dma_start3A_117 : memref<10112x32xf32, #tpu.memory_space<vmem_shared>>) target(%dma_start3A_111 : memref<128x32xf32, #tpu.memory_space<vmem>>) offsets(%dma_start3A_114 : memref<128xi32, #tpu.memory_space<vmem>>) semaphore(%arg17 : memref<!tpu.dma_semaphore, #tpu.memory_space<semaphore_mem>>)
    %dma_start3A_118 = arith.constant 11 : i32
    %dma_start3A_119 = arith.constant 384 : i32
    %dma_start3A_120 = arith.constant 0 : i32
    %dma_start3A_121 = tpu.memref_slice %arg11[%dma_start3A_119, %dma_start3A_120] : memref<512x32xf32, #tpu.memory_space<vmem>> -> memref<128x32xf32, #tpu.memory_space<vmem>>
    %dma_start3A_122 = arith.constant 0 : i32
    %dma_start3A_123 = tpu.memref_slice %arg7[%dma_start3A_118, %dma_start3A_122] : memref<96x128xi32, #tpu.memory_space<vmem>> -> memref<1x128xi32, #tpu.memory_space<vmem>>
    %dma_start3A_124 = tpu.memref_squeeze %dma_start3A_123 : memref<1x128xi32, #tpu.memory_space<vmem>> -> memref<128xi32, #tpu.memory_space<vmem>>
    %dma_start3A_125 = arith.constant 0 : i32
    %dma_start3A_126 = arith.constant 0 : i32
    %dma_start3A_127 = tpu.memref_slice %arg14[%dma_start3A_125, %dma_start3A_126] : memref<10112x32xf32, #tpu.memory_space<vmem_shared>> -> memref<10112x32xf32, #tpu.memory_space<vmem_shared>>
    tpu.enqueue_indirect_dma source(%dma_start3A_127 : memref<10112x32xf32, #tpu.memory_space<vmem_shared>>) target(%dma_start3A_121 : memref<128x32xf32, #tpu.memory_space<vmem>>) offsets(%dma_start3A_124 : memref<128xi32, #tpu.memory_space<vmem>>) semaphore(%arg17 : memref<!tpu.dma_semaphore, #tpu.memory_space<semaphore_mem>>)
    %scan3A = arith.constant 0 : i32
    %scan3A_128 = arith.constant 0 : i32
    %scan3A_129 = arith.constant 6 : i32
    %scan3A_130 = arith.addi %scan3A_128, %scan3A_129 : i32
    %scan3A_131 = arith.constant 1 : i32
    scf.for %scan3A_161 = %scan3A_128 to %scan3A_130 step %scan3A_131  : i32 {
      %mul3A_162 = arith.constant 4 : i32
      %mul3A_163 = arith.muli %mul3A_162, %scan3A_161 : i32
      %add3A_164 = arith.constant 0 : i32
      %add3A_165 = arith.addi %mul3A_163, %add3A_164 : i32
      %add3A_166 = arith.constant 4 : i32
      %add3A_167 = arith.addi %add3A_165, %add3A_166 : i32
      %sub3A = arith.constant 1 : i32
      %sub3A_168 = arith.subi %add3A_167, %sub3A : i32
      %lt3A = arith.constant 24 : i32
      %lt3A_169 = arith.cmpi slt, %sub3A_168, %lt3A : i32
      %convert_element_type3A = arith.extui %lt3A_169 : i1 to i32
      %cond3A = arith.constant 0 : i32
      %cond3A_170 = arith.cmpi ne, %convert_element_type3A, %cond3A : i32
      scf.if %cond3A_170 {
        %gt3A = arith.constant 0 : i32
        %gt3A_442 = arith.cmpi sgt, %scan3A_161, %gt3A : i32
        %convert_element_type3A_443 = arith.extui %gt3A_442 : i1 to i32
        %cond3A_444 = arith.constant 0 : i32
        %cond3A_445 = arith.cmpi ne, %convert_element_type3A_443, %cond3A_444 : i32
        scf.if %cond3A_445 {
          %dma_wait3A_502 = arith.constant 0 : i32
          %dma_wait3A_503 = arith.constant 0 : i32
          %dma_wait3A_504 = tpu.memref_slice %arg4[%dma_wait3A_502, %dma_wait3A_503] : memref<10112x32xf32, #tpu.memory_space<hbm>> -> memref<512x32xf32, #tpu.memory_space<hbm>>
          %dma_wait3A_505 = arith.constant 0 : i32
          %dma_wait3A_506 = arith.constant 0 : i32
          %dma_wait3A_507 = tpu.memref_slice %arg4[%dma_wait3A_505, %dma_wait3A_506] : memref<10112x32xf32, #tpu.memory_space<hbm>> -> memref<512x32xf32, #tpu.memory_space<hbm>>
          tpu.wait_dma2 semaphore(%arg22 : memref<!tpu.dma_semaphore, #tpu.memory_space<semaphore_mem>>) src(%dma_wait3A_507 : memref<512x32xf32, #tpu.memory_space<hbm>>) dst(%arg12 : memref<512x32xf32, #tpu.memory_space<vmem>>)
        } else {
        }
        %add3A_446 = arith.constant 4 : i32
        %add3A_447 = arith.addi %add3A_165, %add3A_446 : i32
        %sub3A_448 = arith.constant 1 : i32
        %sub3A_449 = arith.subi %add3A_447, %sub3A_448 : i32
        %mul3A_450 = arith.constant 4 : i32
        %mul3A_451 = arith.muli %sub3A_449, %mul3A_450 : i32
        %add3A_452 = arith.constant 0 : i32
        %add3A_453 = arith.addi %mul3A_451, %add3A_452 : i32
        %dma_start3A_454 = arith.constant 0 : i32
        %dma_start3A_455 = arith.constant 0 : i32
        %dma_start3A_456 = tpu.memref_slice %arg12[%dma_start3A_454, %dma_start3A_455] : memref<512x32xf32, #tpu.memory_space<vmem>> -> memref<128x32xf32, #tpu.memory_space<vmem>>
        %dma_start3A_457 = arith.constant 0 : i32
        %dma_start3A_458 = tpu.memref_slice %arg7[%add3A_453, %dma_start3A_457] : memref<96x128xi32, #tpu.memory_space<vmem>> -> memref<1x128xi32, #tpu.memory_space<vmem>>
        %dma_start3A_459 = tpu.memref_squeeze %dma_start3A_458 : memref<1x128xi32, #tpu.memory_space<vmem>> -> memref<128xi32, #tpu.memory_space<vmem>>
        %dma_start3A_460 = arith.constant 0 : i32
        %dma_start3A_461 = arith.constant 0 : i32
        %dma_start3A_462 = tpu.memref_slice %arg14[%dma_start3A_460, %dma_start3A_461] : memref<10112x32xf32, #tpu.memory_space<vmem_shared>> -> memref<10112x32xf32, #tpu.memory_space<vmem_shared>>
        tpu.enqueue_indirect_dma source(%dma_start3A_462 : memref<10112x32xf32, #tpu.memory_space<vmem_shared>>) target(%dma_start3A_456 : memref<128x32xf32, #tpu.memory_space<vmem>>) offsets(%dma_start3A_459 : memref<128xi32, #tpu.memory_space<vmem>>) semaphore(%arg18 : memref<!tpu.dma_semaphore, #tpu.memory_space<semaphore_mem>>)
        %mul3A_463 = arith.constant 4 : i32
        %mul3A_464 = arith.muli %sub3A_449, %mul3A_463 : i32
        %add3A_465 = arith.constant 1 : i32
        %add3A_466 = arith.addi %mul3A_464, %add3A_465 : i32
        %dma_start3A_467 = arith.constant 128 : i32
        %dma_start3A_468 = arith.constant 0 : i32
        %dma_start3A_469 = tpu.memref_slice %arg12[%dma_start3A_467, %dma_start3A_468] : memref<512x32xf32, #tpu.memory_space<vmem>> -> memref<128x32xf32, #tpu.memory_space<vmem>>
        %dma_start3A_470 = arith.constant 0 : i32
        %dma_start3A_471 = tpu.memref_slice %arg7[%add3A_466, %dma_start3A_470] : memref<96x128xi32, #tpu.memory_space<vmem>> -> memref<1x128xi32, #tpu.memory_space<vmem>>
        %dma_start3A_472 = tpu.memref_squeeze %dma_start3A_471 : memref<1x128xi32, #tpu.memory_space<vmem>> -> memref<128xi32, #tpu.memory_space<vmem>>
        %dma_start3A_473 = arith.constant 0 : i32
        %dma_start3A_474 = arith.constant 0 : i32
        %dma_start3A_475 = tpu.memref_slice %arg14[%dma_start3A_473, %dma_start3A_474] : memref<10112x32xf32, #tpu.memory_space<vmem_shared>> -> memref<10112x32xf32, #tpu.memory_space<vmem_shared>>
        tpu.enqueue_indirect_dma source(%dma_start3A_475 : memref<10112x32xf32, #tpu.memory_space<vmem_shared>>) target(%dma_start3A_469 : memref<128x32xf32, #tpu.memory_space<vmem>>) offsets(%dma_start3A_472 : memref<128xi32, #tpu.memory_space<vmem>>) semaphore(%arg18 : memref<!tpu.dma_semaphore, #tpu.memory_space<semaphore_mem>>)
        %mul3A_476 = arith.constant 4 : i32
        %mul3A_477 = arith.muli %sub3A_449, %mul3A_476 : i32
        %add3A_478 = arith.constant 2 : i32
        %add3A_479 = arith.addi %mul3A_477, %add3A_478 : i32
        %dma_start3A_480 = arith.constant 256 : i32
        %dma_start3A_481 = arith.constant 0 : i32
        %dma_start3A_482 = tpu.memref_slice %arg12[%dma_start3A_480, %dma_start3A_481] : memref<512x32xf32, #tpu.memory_space<vmem>> -> memref<128x32xf32, #tpu.memory_space<vmem>>
        %dma_start3A_483 = arith.constant 0 : i32
        %dma_start3A_484 = tpu.memref_slice %arg7[%add3A_479, %dma_start3A_483] : memref<96x128xi32, #tpu.memory_space<vmem>> -> memref<1x128xi32, #tpu.memory_space<vmem>>
        %dma_start3A_485 = tpu.memref_squeeze %dma_start3A_484 : memref<1x128xi32, #tpu.memory_space<vmem>> -> memref<128xi32, #tpu.memory_space<vmem>>
        %dma_start3A_486 = arith.constant 0 : i32
        %dma_start3A_487 = arith.constant 0 : i32
        %dma_start3A_488 = tpu.memref_slice %arg14[%dma_start3A_486, %dma_start3A_487] : memref<10112x32xf32, #tpu.memory_space<vmem_shared>> -> memref<10112x32xf32, #tpu.memory_space<vmem_shared>>
        tpu.enqueue_indirect_dma source(%dma_start3A_488 : memref<10112x32xf32, #tpu.memory_space<vmem_shared>>) target(%dma_start3A_482 : memref<128x32xf32, #tpu.memory_space<vmem>>) offsets(%dma_start3A_485 : memref<128xi32, #tpu.memory_space<vmem>>) semaphore(%arg18 : memref<!tpu.dma_semaphore, #tpu.memory_space<semaphore_mem>>)
        %mul3A_489 = arith.constant 4 : i32
        %mul3A_490 = arith.muli %sub3A_449, %mul3A_489 : i32
        %add3A_491 = arith.constant 3 : i32
        %add3A_492 = arith.addi %mul3A_490, %add3A_491 : i32
        %dma_start3A_493 = arith.constant 384 : i32
        %dma_start3A_494 = arith.constant 0 : i32
        %dma_start3A_495 = tpu.memref_slice %arg12[%dma_start3A_493, %dma_start3A_494] : memref<512x32xf32, #tpu.memory_space<vmem>> -> memref<128x32xf32, #tpu.memory_space<vmem>>
        %dma_start3A_496 = arith.constant 0 : i32
        %dma_start3A_497 = tpu.memref_slice %arg7[%add3A_492, %dma_start3A_496] : memref<96x128xi32, #tpu.memory_space<vmem>> -> memref<1x128xi32, #tpu.memory_space<vmem>>
        %dma_start3A_498 = tpu.memref_squeeze %dma_start3A_497 : memref<1x128xi32, #tpu.memory_space<vmem>> -> memref<128xi32, #tpu.memory_space<vmem>>
        %dma_start3A_499 = arith.constant 0 : i32
        %dma_start3A_500 = arith.constant 0 : i32
        %dma_start3A_501 = tpu.memref_slice %arg14[%dma_start3A_499, %dma_start3A_500] : memref<10112x32xf32, #tpu.memory_space<vmem_shared>> -> memref<10112x32xf32, #tpu.memory_space<vmem_shared>>
        tpu.enqueue_indirect_dma source(%dma_start3A_501 : memref<10112x32xf32, #tpu.memory_space<vmem_shared>>) target(%dma_start3A_495 : memref<128x32xf32, #tpu.memory_space<vmem>>) offsets(%dma_start3A_498 : memref<128xi32, #tpu.memory_space<vmem>>) semaphore(%arg18 : memref<!tpu.dma_semaphore, #tpu.memory_space<semaphore_mem>>)
      } else {
      }
      %dma_wait3A_171 = arith.constant 0 : i32
      %dma_wait3A_172 = arith.constant 0 : i32
      %dma_wait3A_173 = tpu.memref_slice %arg4[%dma_wait3A_171, %dma_wait3A_172] : memref<10112x32xf32, #tpu.memory_space<hbm>> -> memref<512x32xf32, #tpu.memory_space<hbm>>
      %dma_wait3A_174 = arith.constant 0 : i32
      %dma_wait3A_175 = arith.constant 0 : i32
      %dma_wait3A_176 = tpu.memref_slice %arg4[%dma_wait3A_174, %dma_wait3A_175] : memref<10112x32xf32, #tpu.memory_space<hbm>> -> memref<512x32xf32, #tpu.memory_space<hbm>>
      tpu.wait_dma2 semaphore(%arg15 : memref<!tpu.dma_semaphore, #tpu.memory_space<semaphore_mem>>) src(%dma_wait3A_176 : memref<512x32xf32, #tpu.memory_space<hbm>>) dst(%arg9 : memref<512x32xf32, #tpu.memory_space<vmem>>)
      %mul3A_177 = arith.constant 4 : i32
      %mul3A_178 = arith.muli %add3A_165, %mul3A_177 : i32
      %add3A_179 = arith.constant 0 : i32
      %add3A_180 = arith.addi %mul3A_178, %add3A_179 : i32
      %dma_start3A_181 = arith.constant 0 : i32
      %dma_start3A_182 = arith.constant 0 : i32
      %dma_start3A_183 = tpu.memref_slice %arg9[%dma_start3A_181, %dma_start3A_182] : memref<512x32xf32, #tpu.memory_space<vmem>> -> memref<128x32xf32, #tpu.memory_space<vmem>>
      %dma_start3A_184 = arith.constant 0 : i32
      %dma_start3A_185 = tpu.memref_slice %arg8[%add3A_180, %dma_start3A_184] : memref<96x128xi32, #tpu.memory_space<vmem>> -> memref<1x128xi32, #tpu.memory_space<vmem>>
      %dma_start3A_186 = tpu.memref_squeeze %dma_start3A_185 : memref<1x128xi32, #tpu.memory_space<vmem>> -> memref<128xi32, #tpu.memory_space<vmem>>
      %dma_start3A_187 = arith.constant 0 : i32
      %dma_start3A_188 = arith.constant 0 : i32
      %dma_start3A_189 = tpu.memref_slice %arg13[%dma_start3A_187, %dma_start3A_188] : memref<10112x32xf32, #tpu.memory_space<vmem_shared>> -> memref<10112x32xf32, #tpu.memory_space<vmem_shared>>
      tpu.enqueue_indirect_dma source(%dma_start3A_183 : memref<128x32xf32, #tpu.memory_space<vmem>>) target(%dma_start3A_189 : memref<10112x32xf32, #tpu.memory_space<vmem_shared>>) offsets(%dma_start3A_186 : memref<128xi32, #tpu.memory_space<vmem>>) semaphore(%arg19 : memref<!tpu.dma_semaphore, #tpu.memory_space<semaphore_mem>>) {add = true}
      %mul3A_190 = arith.constant 4 : i32
      %mul3A_191 = arith.muli %add3A_165, %mul3A_190 : i32
      %add3A_192 = arith.constant 1 : i32
      %add3A_193 = arith.addi %mul3A_191, %add3A_192 : i32
      %dma_start3A_194 = arith.constant 128 : i32
      %dma_start3A_195 = arith.constant 0 : i32
      %dma_start3A_196 = tpu.memref_slice %arg9[%dma_start3A_194, %dma_start3A_195] : memref<512x32xf32, #tpu.memory_space<vmem>> -> memref<128x32xf32, #tpu.memory_space<vmem>>
      %dma_start3A_197 = arith.constant 0 : i32
      %dma_start3A_198 = tpu.memref_slice %arg8[%add3A_193, %dma_start3A_197] : memref<96x128xi32, #tpu.memory_space<vmem>> -> memref<1x128xi32, #tpu.memory_space<vmem>>
      %dma_start3A_199 = tpu.memref_squeeze %dma_start3A_198 : memref<1x128xi32, #tpu.memory_space<vmem>> -> memref<128xi32, #tpu.memory_space<vmem>>
      %dma_start3A_200 = arith.constant 0 : i32
      %dma_start3A_201 = arith.constant 0 : i32
      %dma_start3A_202 = tpu.memref_slice %arg13[%dma_start3A_200, %dma_start3A_201] : memref<10112x32xf32, #tpu.memory_space<vmem_shared>> -> memref<10112x32xf32, #tpu.memory_space<vmem_shared>>
      tpu.enqueue_indirect_dma source(%dma_start3A_196 : memref<128x32xf32, #tpu.memory_space<vmem>>) target(%dma_start3A_202 : memref<10112x32xf32, #tpu.memory_space<vmem_shared>>) offsets(%dma_start3A_199 : memref<128xi32, #tpu.memory_space<vmem>>) semaphore(%arg19 : memref<!tpu.dma_semaphore, #tpu.memory_space<semaphore_mem>>) {add = true}
      %mul3A_203 = arith.constant 4 : i32
      %mul3A_204 = arith.muli %add3A_165, %mul3A_203 : i32
      %add3A_205 = arith.constant 2 : i32
      %add3A_206 = arith.addi %mul3A_204, %add3A_205 : i32
      %dma_start3A_207 = arith.constant 256 : i32
      %dma_start3A_208 = arith.constant 0 : i32
      %dma_start3A_209 = tpu.memref_slice %arg9[%dma_start3A_207, %dma_start3A_208] : memref<512x32xf32, #tpu.memory_space<vmem>> -> memref<128x32xf32, #tpu.memory_space<vmem>>
      %dma_start3A_210 = arith.constant 0 : i32
      %dma_start3A_211 = tpu.memref_slice %arg8[%add3A_206, %dma_start3A_210] : memref<96x128xi32, #tpu.memory_space<vmem>> -> memref<1x128xi32, #tpu.memory_space<vmem>>
      %dma_start3A_212 = tpu.memref_squeeze %dma_start3A_211 : memref<1x128xi32, #tpu.memory_space<vmem>> -> memref<128xi32, #tpu.memory_space<vmem>>
      %dma_start3A_213 = arith.constant 0 : i32
      %dma_start3A_214 = arith.constant 0 : i32
      %dma_start3A_215 = tpu.memref_slice %arg13[%dma_start3A_213, %dma_start3A_214] : memref<10112x32xf32, #tpu.memory_space<vmem_shared>> -> memref<10112x32xf32, #tpu.memory_space<vmem_shared>>
      tpu.enqueue_indirect_dma source(%dma_start3A_209 : memref<128x32xf32, #tpu.memory_space<vmem>>) target(%dma_start3A_215 : memref<10112x32xf32, #tpu.memory_space<vmem_shared>>) offsets(%dma_start3A_212 : memref<128xi32, #tpu.memory_space<vmem>>) semaphore(%arg19 : memref<!tpu.dma_semaphore, #tpu.memory_space<semaphore_mem>>) {add = true}
      %mul3A_216 = arith.constant 4 : i32
      %mul3A_217 = arith.muli %add3A_165, %mul3A_216 : i32
      %add3A_218 = arith.constant 3 : i32
      %add3A_219 = arith.addi %mul3A_217, %add3A_218 : i32
      %dma_start3A_220 = arith.constant 384 : i32
      %dma_start3A_221 = arith.constant 0 : i32
      %dma_start3A_222 = tpu.memref_slice %arg9[%dma_start3A_220, %dma_start3A_221] : memref<512x32xf32, #tpu.memory_space<vmem>> -> memref<128x32xf32, #tpu.memory_space<vmem>>
      %dma_start3A_223 = arith.constant 0 : i32
      %dma_start3A_224 = tpu.memref_slice %arg8[%add3A_219, %dma_start3A_223] : memref<96x128xi32, #tpu.memory_space<vmem>> -> memref<1x128xi32, #tpu.memory_space<vmem>>
      %dma_start3A_225 = tpu.memref_squeeze %dma_start3A_224 : memref<1x128xi32, #tpu.memory_space<vmem>> -> memref<128xi32, #tpu.memory_space<vmem>>
      %dma_start3A_226 = arith.constant 0 : i32
      %dma_start3A_227 = arith.constant 0 : i32
      %dma_start3A_228 = tpu.memref_slice %arg13[%dma_start3A_226, %dma_start3A_227] : memref<10112x32xf32, #tpu.memory_space<vmem_shared>> -> memref<10112x32xf32, #tpu.memory_space<vmem_shared>>
      tpu.enqueue_indirect_dma source(%dma_start3A_222 : memref<128x32xf32, #tpu.memory_space<vmem>>) target(%dma_start3A_228 : memref<10112x32xf32, #tpu.memory_space<vmem_shared>>) offsets(%dma_start3A_225 : memref<128xi32, #tpu.memory_space<vmem>>) semaphore(%arg19 : memref<!tpu.dma_semaphore, #tpu.memory_space<semaphore_mem>>) {add = true}
      %mul3A_229 = arith.constant 4 : i32
      %mul3A_230 = arith.muli %mul3A_229, %scan3A_161 : i32
      %add3A_231 = arith.constant 1 : i32
      %add3A_232 = arith.addi %mul3A_230, %add3A_231 : i32
      %add3A_233 = arith.constant 4 : i32
      %add3A_234 = arith.addi %add3A_232, %add3A_233 : i32
      %sub3A_235 = arith.constant 1 : i32
      %sub3A_236 = arith.subi %add3A_234, %sub3A_235 : i32
      %lt3A_237 = arith.constant 24 : i32
      %lt3A_238 = arith.cmpi slt, %sub3A_236, %lt3A_237 : i32
      %convert_element_type3A_239 = arith.extui %lt3A_238 : i1 to i32
      %cond3A_240 = arith.constant 0 : i32
      %cond3A_241 = arith.cmpi ne, %convert_element_type3A_239, %cond3A_240 : i32
      scf.if %cond3A_241 {
        %dma_wait3A_442 = arith.constant 0 : i32
        %dma_wait3A_443 = arith.constant 0 : i32
        %dma_wait3A_444 = tpu.memref_slice %arg4[%dma_wait3A_442, %dma_wait3A_443] : memref<10112x32xf32, #tpu.memory_space<hbm>> -> memref<512x32xf32, #tpu.memory_space<hbm>>
        %dma_wait3A_445 = arith.constant 0 : i32
        %dma_wait3A_446 = arith.constant 0 : i32
        %dma_wait3A_447 = tpu.memref_slice %arg4[%dma_wait3A_445, %dma_wait3A_446] : memref<10112x32xf32, #tpu.memory_space<hbm>> -> memref<512x32xf32, #tpu.memory_space<hbm>>
        tpu.wait_dma2 semaphore(%arg19 : memref<!tpu.dma_semaphore, #tpu.memory_space<semaphore_mem>>) src(%dma_wait3A_447 : memref<512x32xf32, #tpu.memory_space<hbm>>) dst(%arg9 : memref<512x32xf32, #tpu.memory_space<vmem>>)
        %add3A_448 = arith.constant 4 : i32
        %add3A_449 = arith.addi %add3A_232, %add3A_448 : i32
        %sub3A_450 = arith.constant 1 : i32
        %sub3A_451 = arith.subi %add3A_449, %sub3A_450 : i32
        %mul3A_452 = arith.constant 4 : i32
        %mul3A_453 = arith.muli %sub3A_451, %mul3A_452 : i32
        %add3A_454 = arith.constant 0 : i32
        %add3A_455 = arith.addi %mul3A_453, %add3A_454 : i32
        %dma_start3A_456 = arith.constant 0 : i32
        %dma_start3A_457 = arith.constant 0 : i32
        %dma_start3A_458 = tpu.memref_slice %arg9[%dma_start3A_456, %dma_start3A_457] : memref<512x32xf32, #tpu.memory_space<vmem>> -> memref<128x32xf32, #tpu.memory_space<vmem>>
        %dma_start3A_459 = arith.constant 0 : i32
        %dma_start3A_460 = tpu.memref_slice %arg7[%add3A_455, %dma_start3A_459] : memref<96x128xi32, #tpu.memory_space<vmem>> -> memref<1x128xi32, #tpu.memory_space<vmem>>
        %dma_start3A_461 = tpu.memref_squeeze %dma_start3A_460 : memref<1x128xi32, #tpu.memory_space<vmem>> -> memref<128xi32, #tpu.memory_space<vmem>>
        %dma_start3A_462 = arith.constant 0 : i32
        %dma_start3A_463 = arith.constant 0 : i32
        %dma_start3A_464 = tpu.memref_slice %arg14[%dma_start3A_462, %dma_start3A_463] : memref<10112x32xf32, #tpu.memory_space<vmem_shared>> -> memref<10112x32xf32, #tpu.memory_space<vmem_shared>>
        tpu.enqueue_indirect_dma source(%dma_start3A_464 : memref<10112x32xf32, #tpu.memory_space<vmem_shared>>) target(%dma_start3A_458 : memref<128x32xf32, #tpu.memory_space<vmem>>) offsets(%dma_start3A_461 : memref<128xi32, #tpu.memory_space<vmem>>) semaphore(%arg15 : memref<!tpu.dma_semaphore, #tpu.memory_space<semaphore_mem>>)
        %mul3A_465 = arith.constant 4 : i32
        %mul3A_466 = arith.muli %sub3A_451, %mul3A_465 : i32
        %add3A_467 = arith.constant 1 : i32
        %add3A_468 = arith.addi %mul3A_466, %add3A_467 : i32
        %dma_start3A_469 = arith.constant 128 : i32
        %dma_start3A_470 = arith.constant 0 : i32
        %dma_start3A_471 = tpu.memref_slice %arg9[%dma_start3A_469, %dma_start3A_470] : memref<512x32xf32, #tpu.memory_space<vmem>> -> memref<128x32xf32, #tpu.memory_space<vmem>>
        %dma_start3A_472 = arith.constant 0 : i32
        %dma_start3A_473 = tpu.memref_slice %arg7[%add3A_468, %dma_start3A_472] : memref<96x128xi32, #tpu.memory_space<vmem>> -> memref<1x128xi32, #tpu.memory_space<vmem>>
        %dma_start3A_474 = tpu.memref_squeeze %dma_start3A_473 : memref<1x128xi32, #tpu.memory_space<vmem>> -> memref<128xi32, #tpu.memory_space<vmem>>
        %dma_start3A_475 = arith.constant 0 : i32
        %dma_start3A_476 = arith.constant 0 : i32
        %dma_start3A_477 = tpu.memref_slice %arg14[%dma_start3A_475, %dma_start3A_476] : memref<10112x32xf32, #tpu.memory_space<vmem_shared>> -> memref<10112x32xf32, #tpu.memory_space<vmem_shared>>
        tpu.enqueue_indirect_dma source(%dma_start3A_477 : memref<10112x32xf32, #tpu.memory_space<vmem_shared>>) target(%dma_start3A_471 : memref<128x32xf32, #tpu.memory_space<vmem>>) offsets(%dma_start3A_474 : memref<128xi32, #tpu.memory_space<vmem>>) semaphore(%arg15 : memref<!tpu.dma_semaphore, #tpu.memory_space<semaphore_mem>>)
        %mul3A_478 = arith.constant 4 : i32
        %mul3A_479 = arith.muli %sub3A_451, %mul3A_478 : i32
        %add3A_480 = arith.constant 2 : i32
        %add3A_481 = arith.addi %mul3A_479, %add3A_480 : i32
        %dma_start3A_482 = arith.constant 256 : i32
        %dma_start3A_483 = arith.constant 0 : i32
        %dma_start3A_484 = tpu.memref_slice %arg9[%dma_start3A_482, %dma_start3A_483] : memref<512x32xf32, #tpu.memory_space<vmem>> -> memref<128x32xf32, #tpu.memory_space<vmem>>
        %dma_start3A_485 = arith.constant 0 : i32
        %dma_start3A_486 = tpu.memref_slice %arg7[%add3A_481, %dma_start3A_485] : memref<96x128xi32, #tpu.memory_space<vmem>> -> memref<1x128xi32, #tpu.memory_space<vmem>>
        %dma_start3A_487 = tpu.memref_squeeze %dma_start3A_486 : memref<1x128xi32, #tpu.memory_space<vmem>> -> memref<128xi32, #tpu.memory_space<vmem>>
        %dma_start3A_488 = arith.constant 0 : i32
        %dma_start3A_489 = arith.constant 0 : i32
        %dma_start3A_490 = tpu.memref_slice %arg14[%dma_start3A_488, %dma_start3A_489] : memref<10112x32xf32, #tpu.memory_space<vmem_shared>> -> memref<10112x32xf32, #tpu.memory_space<vmem_shared>>
        tpu.enqueue_indirect_dma source(%dma_start3A_490 : memref<10112x32xf32, #tpu.memory_space<vmem_shared>>) target(%dma_start3A_484 : memref<128x32xf32, #tpu.memory_space<vmem>>) offsets(%dma_start3A_487 : memref<128xi32, #tpu.memory_space<vmem>>) semaphore(%arg15 : memref<!tpu.dma_semaphore, #tpu.memory_space<semaphore_mem>>)
        %mul3A_491 = arith.constant 4 : i32
        %mul3A_492 = arith.muli %sub3A_451, %mul3A_491 : i32
        %add3A_493 = arith.constant 3 : i32
        %add3A_494 = arith.addi %mul3A_492, %add3A_493 : i32
        %dma_start3A_495 = arith.constant 384 : i32
        %dma_start3A_496 = arith.constant 0 : i32
        %dma_start3A_497 = tpu.memref_slice %arg9[%dma_start3A_495, %dma_start3A_496] : memref<512x32xf32, #tpu.memory_space<vmem>> -> memref<128x32xf32, #tpu.memory_space<vmem>>
        %dma_start3A_498 = arith.constant 0 : i32
        %dma_start3A_499 = tpu.memref_slice %arg7[%add3A_494, %dma_start3A_498] : memref<96x128xi32, #tpu.memory_space<vmem>> -> memref<1x128xi32, #tpu.memory_space<vmem>>
        %dma_start3A_500 = tpu.memref_squeeze %dma_start3A_499 : memref<1x128xi32, #tpu.memory_space<vmem>> -> memref<128xi32, #tpu.memory_space<vmem>>
        %dma_start3A_501 = arith.constant 0 : i32
        %dma_start3A_502 = arith.constant 0 : i32
        %dma_start3A_503 = tpu.memref_slice %arg14[%dma_start3A_501, %dma_start3A_502] : memref<10112x32xf32, #tpu.memory_space<vmem_shared>> -> memref<10112x32xf32, #tpu.memory_space<vmem_shared>>
        tpu.enqueue_indirect_dma source(%dma_start3A_503 : memref<10112x32xf32, #tpu.memory_space<vmem_shared>>) target(%dma_start3A_497 : memref<128x32xf32, #tpu.memory_space<vmem>>) offsets(%dma_start3A_500 : memref<128xi32, #tpu.memory_space<vmem>>) semaphore(%arg15 : memref<!tpu.dma_semaphore, #tpu.memory_space<semaphore_mem>>)
      } else {
      }
      %dma_wait3A_242 = arith.constant 0 : i32
      %dma_wait3A_243 = arith.constant 0 : i32
      %dma_wait3A_244 = tpu.memref_slice %arg4[%dma_wait3A_242, %dma_wait3A_243] : memref<10112x32xf32, #tpu.memory_space<hbm>> -> memref<512x32xf32, #tpu.memory_space<hbm>>
      %dma_wait3A_245 = arith.constant 0 : i32
      %dma_wait3A_246 = arith.constant 0 : i32
      %dma_wait3A_247 = tpu.memref_slice %arg4[%dma_wait3A_245, %dma_wait3A_246] : memref<10112x32xf32, #tpu.memory_space<hbm>> -> memref<512x32xf32, #tpu.memory_space<hbm>>
      tpu.wait_dma2 semaphore(%arg16 : memref<!tpu.dma_semaphore, #tpu.memory_space<semaphore_mem>>) src(%dma_wait3A_247 : memref<512x32xf32, #tpu.memory_space<hbm>>) dst(%arg10 : memref<512x32xf32, #tpu.memory_space<vmem>>)
      %mul3A_248 = arith.constant 4 : i32
      %mul3A_249 = arith.muli %add3A_232, %mul3A_248 : i32
      %add3A_250 = arith.constant 0 : i32
      %add3A_251 = arith.addi %mul3A_249, %add3A_250 : i32
      %dma_start3A_252 = arith.constant 0 : i32
      %dma_start3A_253 = arith.constant 0 : i32
      %dma_start3A_254 = tpu.memref_slice %arg10[%dma_start3A_252, %dma_start3A_253] : memref<512x32xf32, #tpu.memory_space<vmem>> -> memref<128x32xf32, #tpu.memory_space<vmem>>
      %dma_start3A_255 = arith.constant 0 : i32
      %dma_start3A_256 = tpu.memref_slice %arg8[%add3A_251, %dma_start3A_255] : memref<96x128xi32, #tpu.memory_space<vmem>> -> memref<1x128xi32, #tpu.memory_space<vmem>>
      %dma_start3A_257 = tpu.memref_squeeze %dma_start3A_256 : memref<1x128xi32, #tpu.memory_space<vmem>> -> memref<128xi32, #tpu.memory_space<vmem>>
      %dma_start3A_258 = arith.constant 0 : i32
      %dma_start3A_259 = arith.constant 0 : i32
      %dma_start3A_260 = tpu.memref_slice %arg13[%dma_start3A_258, %dma_start3A_259] : memref<10112x32xf32, #tpu.memory_space<vmem_shared>> -> memref<10112x32xf32, #tpu.memory_space<vmem_shared>>
      tpu.enqueue_indirect_dma source(%dma_start3A_254 : memref<128x32xf32, #tpu.memory_space<vmem>>) target(%dma_start3A_260 : memref<10112x32xf32, #tpu.memory_space<vmem_shared>>) offsets(%dma_start3A_257 : memref<128xi32, #tpu.memory_space<vmem>>) semaphore(%arg20 : memref<!tpu.dma_semaphore, #tpu.memory_space<semaphore_mem>>) {add = true}
      %mul3A_261 = arith.constant 4 : i32
      %mul3A_262 = arith.muli %add3A_232, %mul3A_261 : i32
      %add3A_263 = arith.constant 1 : i32
      %add3A_264 = arith.addi %mul3A_262, %add3A_263 : i32
      %dma_start3A_265 = arith.constant 128 : i32
      %dma_start3A_266 = arith.constant 0 : i32
      %dma_start3A_267 = tpu.memref_slice %arg10[%dma_start3A_265, %dma_start3A_266] : memref<512x32xf32, #tpu.memory_space<vmem>> -> memref<128x32xf32, #tpu.memory_space<vmem>>
      %dma_start3A_268 = arith.constant 0 : i32
      %dma_start3A_269 = tpu.memref_slice %arg8[%add3A_264, %dma_start3A_268] : memref<96x128xi32, #tpu.memory_space<vmem>> -> memref<1x128xi32, #tpu.memory_space<vmem>>
      %dma_start3A_270 = tpu.memref_squeeze %dma_start3A_269 : memref<1x128xi32, #tpu.memory_space<vmem>> -> memref<128xi32, #tpu.memory_space<vmem>>
      %dma_start3A_271 = arith.constant 0 : i32
      %dma_start3A_272 = arith.constant 0 : i32
      %dma_start3A_273 = tpu.memref_slice %arg13[%dma_start3A_271, %dma_start3A_272] : memref<10112x32xf32, #tpu.memory_space<vmem_shared>> -> memref<10112x32xf32, #tpu.memory_space<vmem_shared>>
      tpu.enqueue_indirect_dma source(%dma_start3A_267 : memref<128x32xf32, #tpu.memory_space<vmem>>) target(%dma_start3A_273 : memref<10112x32xf32, #tpu.memory_space<vmem_shared>>) offsets(%dma_start3A_270 : memref<128xi32, #tpu.memory_space<vmem>>) semaphore(%arg20 : memref<!tpu.dma_semaphore, #tpu.memory_space<semaphore_mem>>) {add = true}
      %mul3A_274 = arith.constant 4 : i32
      %mul3A_275 = arith.muli %add3A_232, %mul3A_274 : i32
      %add3A_276 = arith.constant 2 : i32
      %add3A_277 = arith.addi %mul3A_275, %add3A_276 : i32
      %dma_start3A_278 = arith.constant 256 : i32
      %dma_start3A_279 = arith.constant 0 : i32
      %dma_start3A_280 = tpu.memref_slice %arg10[%dma_start3A_278, %dma_start3A_279] : memref<512x32xf32, #tpu.memory_space<vmem>> -> memref<128x32xf32, #tpu.memory_space<vmem>>
      %dma_start3A_281 = arith.constant 0 : i32
      %dma_start3A_282 = tpu.memref_slice %arg8[%add3A_277, %dma_start3A_281] : memref<96x128xi32, #tpu.memory_space<vmem>> -> memref<1x128xi32, #tpu.memory_space<vmem>>
      %dma_start3A_283 = tpu.memref_squeeze %dma_start3A_282 : memref<1x128xi32, #tpu.memory_space<vmem>> -> memref<128xi32, #tpu.memory_space<vmem>>
      %dma_start3A_284 = arith.constant 0 : i32
      %dma_start3A_285 = arith.constant 0 : i32
      %dma_start3A_286 = tpu.memref_slice %arg13[%dma_start3A_284, %dma_start3A_285] : memref<10112x32xf32, #tpu.memory_space<vmem_shared>> -> memref<10112x32xf32, #tpu.memory_space<vmem_shared>>
      tpu.enqueue_indirect_dma source(%dma_start3A_280 : memref<128x32xf32, #tpu.memory_space<vmem>>) target(%dma_start3A_286 : memref<10112x32xf32, #tpu.memory_space<vmem_shared>>) offsets(%dma_start3A_283 : memref<128xi32, #tpu.memory_space<vmem>>) semaphore(%arg20 : memref<!tpu.dma_semaphore, #tpu.memory_space<semaphore_mem>>) {add = true}
      %mul3A_287 = arith.constant 4 : i32
      %mul3A_288 = arith.muli %add3A_232, %mul3A_287 : i32
      %add3A_289 = arith.constant 3 : i32
      %add3A_290 = arith.addi %mul3A_288, %add3A_289 : i32
      %dma_start3A_291 = arith.constant 384 : i32
      %dma_start3A_292 = arith.constant 0 : i32
      %dma_start3A_293 = tpu.memref_slice %arg10[%dma_start3A_291, %dma_start3A_292] : memref<512x32xf32, #tpu.memory_space<vmem>> -> memref<128x32xf32, #tpu.memory_space<vmem>>
      %dma_start3A_294 = arith.constant 0 : i32
      %dma_start3A_295 = tpu.memref_slice %arg8[%add3A_290, %dma_start3A_294] : memref<96x128xi32, #tpu.memory_space<vmem>> -> memref<1x128xi32, #tpu.memory_space<vmem>>
      %dma_start3A_296 = tpu.memref_squeeze %dma_start3A_295 : memref<1x128xi32, #tpu.memory_space<vmem>> -> memref<128xi32, #tpu.memory_space<vmem>>
      %dma_start3A_297 = arith.constant 0 : i32
      %dma_start3A_298 = arith.constant 0 : i32
      %dma_start3A_299 = tpu.memref_slice %arg13[%dma_start3A_297, %dma_start3A_298] : memref<10112x32xf32, #tpu.memory_space<vmem_shared>> -> memref<10112x32xf32, #tpu.memory_space<vmem_shared>>
      tpu.enqueue_indirect_dma source(%dma_start3A_293 : memref<128x32xf32, #tpu.memory_space<vmem>>) target(%dma_start3A_299 : memref<10112x32xf32, #tpu.memory_space<vmem_shared>>) offsets(%dma_start3A_296 : memref<128xi32, #tpu.memory_space<vmem>>) semaphore(%arg20 : memref<!tpu.dma_semaphore, #tpu.memory_space<semaphore_mem>>) {add = true}
      %mul3A_300 = arith.constant 4 : i32
      %mul3A_301 = arith.muli %mul3A_300, %scan3A_161 : i32
      %add3A_302 = arith.constant 2 : i32
      %add3A_303 = arith.addi %mul3A_301, %add3A_302 : i32
      %add3A_304 = arith.constant 4 : i32
      %add3A_305 = arith.addi %add3A_303, %add3A_304 : i32
      %sub3A_306 = arith.constant 1 : i32
      %sub3A_307 = arith.subi %add3A_305, %sub3A_306 : i32
      %lt3A_308 = arith.constant 24 : i32
      %lt3A_309 = arith.cmpi slt, %sub3A_307, %lt3A_308 : i32
      %convert_element_type3A_310 = arith.extui %lt3A_309 : i1 to i32
      %cond3A_311 = arith.constant 0 : i32
      %cond3A_312 = arith.cmpi ne, %convert_element_type3A_310, %cond3A_311 : i32
      scf.if %cond3A_312 {
        %dma_wait3A_442 = arith.constant 0 : i32
        %dma_wait3A_443 = arith.constant 0 : i32
        %dma_wait3A_444 = tpu.memref_slice %arg4[%dma_wait3A_442, %dma_wait3A_443] : memref<10112x32xf32, #tpu.memory_space<hbm>> -> memref<512x32xf32, #tpu.memory_space<hbm>>
        %dma_wait3A_445 = arith.constant 0 : i32
        %dma_wait3A_446 = arith.constant 0 : i32
        %dma_wait3A_447 = tpu.memref_slice %arg4[%dma_wait3A_445, %dma_wait3A_446] : memref<10112x32xf32, #tpu.memory_space<hbm>> -> memref<512x32xf32, #tpu.memory_space<hbm>>
        tpu.wait_dma2 semaphore(%arg20 : memref<!tpu.dma_semaphore, #tpu.memory_space<semaphore_mem>>) src(%dma_wait3A_447 : memref<512x32xf32, #tpu.memory_space<hbm>>) dst(%arg10 : memref<512x32xf32, #tpu.memory_space<vmem>>)
        %add3A_448 = arith.constant 4 : i32
        %add3A_449 = arith.addi %add3A_303, %add3A_448 : i32
        %sub3A_450 = arith.constant 1 : i32
        %sub3A_451 = arith.subi %add3A_449, %sub3A_450 : i32
        %mul3A_452 = arith.constant 4 : i32
        %mul3A_453 = arith.muli %sub3A_451, %mul3A_452 : i32
        %add3A_454 = arith.constant 0 : i32
        %add3A_455 = arith.addi %mul3A_453, %add3A_454 : i32
        %dma_start3A_456 = arith.constant 0 : i32
        %dma_start3A_457 = arith.constant 0 : i32
        %dma_start3A_458 = tpu.memref_slice %arg10[%dma_start3A_456, %dma_start3A_457] : memref<512x32xf32, #tpu.memory_space<vmem>> -> memref<128x32xf32, #tpu.memory_space<vmem>>
        %dma_start3A_459 = arith.constant 0 : i32
        %dma_start3A_460 = tpu.memref_slice %arg7[%add3A_455, %dma_start3A_459] : memref<96x128xi32, #tpu.memory_space<vmem>> -> memref<1x128xi32, #tpu.memory_space<vmem>>
        %dma_start3A_461 = tpu.memref_squeeze %dma_start3A_460 : memref<1x128xi32, #tpu.memory_space<vmem>> -> memref<128xi32, #tpu.memory_space<vmem>>
        %dma_start3A_462 = arith.constant 0 : i32
        %dma_start3A_463 = arith.constant 0 : i32
        %dma_start3A_464 = tpu.memref_slice %arg14[%dma_start3A_462, %dma_start3A_463] : memref<10112x32xf32, #tpu.memory_space<vmem_shared>> -> memref<10112x32xf32, #tpu.memory_space<vmem_shared>>
        tpu.enqueue_indirect_dma source(%dma_start3A_464 : memref<10112x32xf32, #tpu.memory_space<vmem_shared>>) target(%dma_start3A_458 : memref<128x32xf32, #tpu.memory_space<vmem>>) offsets(%dma_start3A_461 : memref<128xi32, #tpu.memory_space<vmem>>) semaphore(%arg16 : memref<!tpu.dma_semaphore, #tpu.memory_space<semaphore_mem>>)
        %mul3A_465 = arith.constant 4 : i32
        %mul3A_466 = arith.muli %sub3A_451, %mul3A_465 : i32
        %add3A_467 = arith.constant 1 : i32
        %add3A_468 = arith.addi %mul3A_466, %add3A_467 : i32
        %dma_start3A_469 = arith.constant 128 : i32
        %dma_start3A_470 = arith.constant 0 : i32
        %dma_start3A_471 = tpu.memref_slice %arg10[%dma_start3A_469, %dma_start3A_470] : memref<512x32xf32, #tpu.memory_space<vmem>> -> memref<128x32xf32, #tpu.memory_space<vmem>>
        %dma_start3A_472 = arith.constant 0 : i32
        %dma_start3A_473 = tpu.memref_slice %arg7[%add3A_468, %dma_start3A_472] : memref<96x128xi32, #tpu.memory_space<vmem>> -> memref<1x128xi32, #tpu.memory_space<vmem>>
        %dma_start3A_474 = tpu.memref_squeeze %dma_start3A_473 : memref<1x128xi32, #tpu.memory_space<vmem>> -> memref<128xi32, #tpu.memory_space<vmem>>
        %dma_start3A_475 = arith.constant 0 : i32
        %dma_start3A_476 = arith.constant 0 : i32
        %dma_start3A_477 = tpu.memref_slice %arg14[%dma_start3A_475, %dma_start3A_476] : memref<10112x32xf32, #tpu.memory_space<vmem_shared>> -> memref<10112x32xf32, #tpu.memory_space<vmem_shared>>
        tpu.enqueue_indirect_dma source(%dma_start3A_477 : memref<10112x32xf32, #tpu.memory_space<vmem_shared>>) target(%dma_start3A_471 : memref<128x32xf32, #tpu.memory_space<vmem>>) offsets(%dma_start3A_474 : memref<128xi32, #tpu.memory_space<vmem>>) semaphore(%arg16 : memref<!tpu.dma_semaphore, #tpu.memory_space<semaphore_mem>>)
        %mul3A_478 = arith.constant 4 : i32
        %mul3A_479 = arith.muli %sub3A_451, %mul3A_478 : i32
        %add3A_480 = arith.constant 2 : i32
        %add3A_481 = arith.addi %mul3A_479, %add3A_480 : i32
        %dma_start3A_482 = arith.constant 256 : i32
        %dma_start3A_483 = arith.constant 0 : i32
        %dma_start3A_484 = tpu.memref_slice %arg10[%dma_start3A_482, %dma_start3A_483] : memref<512x32xf32, #tpu.memory_space<vmem>> -> memref<128x32xf32, #tpu.memory_space<vmem>>
        %dma_start3A_485 = arith.constant 0 : i32
        %dma_start3A_486 = tpu.memref_slice %arg7[%add3A_481, %dma_start3A_485] : memref<96x128xi32, #tpu.memory_space<vmem>> -> memref<1x128xi32, #tpu.memory_space<vmem>>
        %dma_start3A_487 = tpu.memref_squeeze %dma_start3A_486 : memref<1x128xi32, #tpu.memory_space<vmem>> -> memref<128xi32, #tpu.memory_space<vmem>>
        %dma_start3A_488 = arith.constant 0 : i32
        %dma_start3A_489 = arith.constant 0 : i32
        %dma_start3A_490 = tpu.memref_slice %arg14[%dma_start3A_488, %dma_start3A_489] : memref<10112x32xf32, #tpu.memory_space<vmem_shared>> -> memref<10112x32xf32, #tpu.memory_space<vmem_shared>>
        tpu.enqueue_indirect_dma source(%dma_start3A_490 : memref<10112x32xf32, #tpu.memory_space<vmem_shared>>) target(%dma_start3A_484 : memref<128x32xf32, #tpu.memory_space<vmem>>) offsets(%dma_start3A_487 : memref<128xi32, #tpu.memory_space<vmem>>) semaphore(%arg16 : memref<!tpu.dma_semaphore, #tpu.memory_space<semaphore_mem>>)
        %mul3A_491 = arith.constant 4 : i32
        %mul3A_492 = arith.muli %sub3A_451, %mul3A_491 : i32
        %add3A_493 = arith.constant 3 : i32
        %add3A_494 = arith.addi %mul3A_492, %add3A_493 : i32
        %dma_start3A_495 = arith.constant 384 : i32
        %dma_start3A_496 = arith.constant 0 : i32
        %dma_start3A_497 = tpu.memref_slice %arg10[%dma_start3A_495, %dma_start3A_496] : memref<512x32xf32, #tpu.memory_space<vmem>> -> memref<128x32xf32, #tpu.memory_space<vmem>>
        %dma_start3A_498 = arith.constant 0 : i32
        %dma_start3A_499 = tpu.memref_slice %arg7[%add3A_494, %dma_start3A_498] : memref<96x128xi32, #tpu.memory_space<vmem>> -> memref<1x128xi32, #tpu.memory_space<vmem>>
        %dma_start3A_500 = tpu.memref_squeeze %dma_start3A_499 : memref<1x128xi32, #tpu.memory_space<vmem>> -> memref<128xi32, #tpu.memory_space<vmem>>
        %dma_start3A_501 = arith.constant 0 : i32
        %dma_start3A_502 = arith.constant 0 : i32
        %dma_start3A_503 = tpu.memref_slice %arg14[%dma_start3A_501, %dma_start3A_502] : memref<10112x32xf32, #tpu.memory_space<vmem_shared>> -> memref<10112x32xf32, #tpu.memory_space<vmem_shared>>
        tpu.enqueue_indirect_dma source(%dma_start3A_503 : memref<10112x32xf32, #tpu.memory_space<vmem_shared>>) target(%dma_start3A_497 : memref<128x32xf32, #tpu.memory_space<vmem>>) offsets(%dma_start3A_500 : memref<128xi32, #tpu.memory_space<vmem>>) semaphore(%arg16 : memref<!tpu.dma_semaphore, #tpu.memory_space<semaphore_mem>>)
      } else {
      }
      %dma_wait3A_313 = arith.constant 0 : i32
      %dma_wait3A_314 = arith.constant 0 : i32
      %dma_wait3A_315 = tpu.memref_slice %arg4[%dma_wait3A_313, %dma_wait3A_314] : memref<10112x32xf32, #tpu.memory_space<hbm>> -> memref<512x32xf32, #tpu.memory_space<hbm>>
      %dma_wait3A_316 = arith.constant 0 : i32
      %dma_wait3A_317 = arith.constant 0 : i32
      %dma_wait3A_318 = tpu.memref_slice %arg4[%dma_wait3A_316, %dma_wait3A_317] : memref<10112x32xf32, #tpu.memory_space<hbm>> -> memref<512x32xf32, #tpu.memory_space<hbm>>
      tpu.wait_dma2 semaphore(%arg17 : memref<!tpu.dma_semaphore, #tpu.memory_space<semaphore_mem>>) src(%dma_wait3A_318 : memref<512x32xf32, #tpu.memory_space<hbm>>) dst(%arg11 : memref<512x32xf32, #tpu.memory_space<vmem>>)
      %mul3A_319 = arith.constant 4 : i32
      %mul3A_320 = arith.muli %add3A_303, %mul3A_319 : i32
      %add3A_321 = arith.constant 0 : i32
      %add3A_322 = arith.addi %mul3A_320, %add3A_321 : i32
      %dma_start3A_323 = arith.constant 0 : i32
      %dma_start3A_324 = arith.constant 0 : i32
      %dma_start3A_325 = tpu.memref_slice %arg11[%dma_start3A_323, %dma_start3A_324] : memref<512x32xf32, #tpu.memory_space<vmem>> -> memref<128x32xf32, #tpu.memory_space<vmem>>
      %dma_start3A_326 = arith.constant 0 : i32
      %dma_start3A_327 = tpu.memref_slice %arg8[%add3A_322, %dma_start3A_326] : memref<96x128xi32, #tpu.memory_space<vmem>> -> memref<1x128xi32, #tpu.memory_space<vmem>>
      %dma_start3A_328 = tpu.memref_squeeze %dma_start3A_327 : memref<1x128xi32, #tpu.memory_space<vmem>> -> memref<128xi32, #tpu.memory_space<vmem>>
      %dma_start3A_329 = arith.constant 0 : i32
      %dma_start3A_330 = arith.constant 0 : i32
      %dma_start3A_331 = tpu.memref_slice %arg13[%dma_start3A_329, %dma_start3A_330] : memref<10112x32xf32, #tpu.memory_space<vmem_shared>> -> memref<10112x32xf32, #tpu.memory_space<vmem_shared>>
      tpu.enqueue_indirect_dma source(%dma_start3A_325 : memref<128x32xf32, #tpu.memory_space<vmem>>) target(%dma_start3A_331 : memref<10112x32xf32, #tpu.memory_space<vmem_shared>>) offsets(%dma_start3A_328 : memref<128xi32, #tpu.memory_space<vmem>>) semaphore(%arg21 : memref<!tpu.dma_semaphore, #tpu.memory_space<semaphore_mem>>) {add = true}
      %mul3A_332 = arith.constant 4 : i32
      %mul3A_333 = arith.muli %add3A_303, %mul3A_332 : i32
      %add3A_334 = arith.constant 1 : i32
      %add3A_335 = arith.addi %mul3A_333, %add3A_334 : i32
      %dma_start3A_336 = arith.constant 128 : i32
      %dma_start3A_337 = arith.constant 0 : i32
      %dma_start3A_338 = tpu.memref_slice %arg11[%dma_start3A_336, %dma_start3A_337] : memref<512x32xf32, #tpu.memory_space<vmem>> -> memref<128x32xf32, #tpu.memory_space<vmem>>
      %dma_start3A_339 = arith.constant 0 : i32
      %dma_start3A_340 = tpu.memref_slice %arg8[%add3A_335, %dma_start3A_339] : memref<96x128xi32, #tpu.memory_space<vmem>> -> memref<1x128xi32, #tpu.memory_space<vmem>>
      %dma_start3A_341 = tpu.memref_squeeze %dma_start3A_340 : memref<1x128xi32, #tpu.memory_space<vmem>> -> memref<128xi32, #tpu.memory_space<vmem>>
      %dma_start3A_342 = arith.constant 0 : i32
      %dma_start3A_343 = arith.constant 0 : i32
      %dma_start3A_344 = tpu.memref_slice %arg13[%dma_start3A_342, %dma_start3A_343] : memref<10112x32xf32, #tpu.memory_space<vmem_shared>> -> memref<10112x32xf32, #tpu.memory_space<vmem_shared>>
      tpu.enqueue_indirect_dma source(%dma_start3A_338 : memref<128x32xf32, #tpu.memory_space<vmem>>) target(%dma_start3A_344 : memref<10112x32xf32, #tpu.memory_space<vmem_shared>>) offsets(%dma_start3A_341 : memref<128xi32, #tpu.memory_space<vmem>>) semaphore(%arg21 : memref<!tpu.dma_semaphore, #tpu.memory_space<semaphore_mem>>) {add = true}
      %mul3A_345 = arith.constant 4 : i32
      %mul3A_346 = arith.muli %add3A_303, %mul3A_345 : i32
      %add3A_347 = arith.constant 2 : i32
      %add3A_348 = arith.addi %mul3A_346, %add3A_347 : i32
      %dma_start3A_349 = arith.constant 256 : i32
      %dma_start3A_350 = arith.constant 0 : i32
      %dma_start3A_351 = tpu.memref_slice %arg11[%dma_start3A_349, %dma_start3A_350] : memref<512x32xf32, #tpu.memory_space<vmem>> -> memref<128x32xf32, #tpu.memory_space<vmem>>
      %dma_start3A_352 = arith.constant 0 : i32
      %dma_start3A_353 = tpu.memref_slice %arg8[%add3A_348, %dma_start3A_352] : memref<96x128xi32, #tpu.memory_space<vmem>> -> memref<1x128xi32, #tpu.memory_space<vmem>>
      %dma_start3A_354 = tpu.memref_squeeze %dma_start3A_353 : memref<1x128xi32, #tpu.memory_space<vmem>> -> memref<128xi32, #tpu.memory_space<vmem>>
      %dma_start3A_355 = arith.constant 0 : i32
      %dma_start3A_356 = arith.constant 0 : i32
      %dma_start3A_357 = tpu.memref_slice %arg13[%dma_start3A_355, %dma_start3A_356] : memref<10112x32xf32, #tpu.memory_space<vmem_shared>> -> memref<10112x32xf32, #tpu.memory_space<vmem_shared>>
      tpu.enqueue_indirect_dma source(%dma_start3A_351 : memref<128x32xf32, #tpu.memory_space<vmem>>) target(%dma_start3A_357 : memref<10112x32xf32, #tpu.memory_space<vmem_shared>>) offsets(%dma_start3A_354 : memref<128xi32, #tpu.memory_space<vmem>>) semaphore(%arg21 : memref<!tpu.dma_semaphore, #tpu.memory_space<semaphore_mem>>) {add = true}
      %mul3A_358 = arith.constant 4 : i32
      %mul3A_359 = arith.muli %add3A_303, %mul3A_358 : i32
      %add3A_360 = arith.constant 3 : i32
      %add3A_361 = arith.addi %mul3A_359, %add3A_360 : i32
      %dma_start3A_362 = arith.constant 384 : i32
      %dma_start3A_363 = arith.constant 0 : i32
      %dma_start3A_364 = tpu.memref_slice %arg11[%dma_start3A_362, %dma_start3A_363] : memref<512x32xf32, #tpu.memory_space<vmem>> -> memref<128x32xf32, #tpu.memory_space<vmem>>
      %dma_start3A_365 = arith.constant 0 : i32
      %dma_start3A_366 = tpu.memref_slice %arg8[%add3A_361, %dma_start3A_365] : memref<96x128xi32, #tpu.memory_space<vmem>> -> memref<1x128xi32, #tpu.memory_space<vmem>>
      %dma_start3A_367 = tpu.memref_squeeze %dma_start3A_366 : memref<1x128xi32, #tpu.memory_space<vmem>> -> memref<128xi32, #tpu.memory_space<vmem>>
      %dma_start3A_368 = arith.constant 0 : i32
      %dma_start3A_369 = arith.constant 0 : i32
      %dma_start3A_370 = tpu.memref_slice %arg13[%dma_start3A_368, %dma_start3A_369] : memref<10112x32xf32, #tpu.memory_space<vmem_shared>> -> memref<10112x32xf32, #tpu.memory_space<vmem_shared>>
      tpu.enqueue_indirect_dma source(%dma_start3A_364 : memref<128x32xf32, #tpu.memory_space<vmem>>) target(%dma_start3A_370 : memref<10112x32xf32, #tpu.memory_space<vmem_shared>>) offsets(%dma_start3A_367 : memref<128xi32, #tpu.memory_space<vmem>>) semaphore(%arg21 : memref<!tpu.dma_semaphore, #tpu.memory_space<semaphore_mem>>) {add = true}
      %mul3A_371 = arith.constant 4 : i32
      %mul3A_372 = arith.muli %mul3A_371, %scan3A_161 : i32
      %add3A_373 = arith.constant 3 : i32
      %add3A_374 = arith.addi %mul3A_372, %add3A_373 : i32
      %add3A_375 = arith.constant 4 : i32
      %add3A_376 = arith.addi %add3A_374, %add3A_375 : i32
      %sub3A_377 = arith.constant 1 : i32
      %sub3A_378 = arith.subi %add3A_376, %sub3A_377 : i32
      %lt3A_379 = arith.constant 24 : i32
      %lt3A_380 = arith.cmpi slt, %sub3A_378, %lt3A_379 : i32
      %convert_element_type3A_381 = arith.extui %lt3A_380 : i1 to i32
      %cond3A_382 = arith.constant 0 : i32
      %cond3A_383 = arith.cmpi ne, %convert_element_type3A_381, %cond3A_382 : i32
      scf.if %cond3A_383 {
        %dma_wait3A_442 = arith.constant 0 : i32
        %dma_wait3A_443 = arith.constant 0 : i32
        %dma_wait3A_444 = tpu.memref_slice %arg4[%dma_wait3A_442, %dma_wait3A_443] : memref<10112x32xf32, #tpu.memory_space<hbm>> -> memref<512x32xf32, #tpu.memory_space<hbm>>
        %dma_wait3A_445 = arith.constant 0 : i32
        %dma_wait3A_446 = arith.constant 0 : i32
        %dma_wait3A_447 = tpu.memref_slice %arg4[%dma_wait3A_445, %dma_wait3A_446] : memref<10112x32xf32, #tpu.memory_space<hbm>> -> memref<512x32xf32, #tpu.memory_space<hbm>>
        tpu.wait_dma2 semaphore(%arg21 : memref<!tpu.dma_semaphore, #tpu.memory_space<semaphore_mem>>) src(%dma_wait3A_447 : memref<512x32xf32, #tpu.memory_space<hbm>>) dst(%arg11 : memref<512x32xf32, #tpu.memory_space<vmem>>)
        %add3A_448 = arith.constant 4 : i32
        %add3A_449 = arith.addi %add3A_374, %add3A_448 : i32
        %sub3A_450 = arith.constant 1 : i32
        %sub3A_451 = arith.subi %add3A_449, %sub3A_450 : i32
        %mul3A_452 = arith.constant 4 : i32
        %mul3A_453 = arith.muli %sub3A_451, %mul3A_452 : i32
        %add3A_454 = arith.constant 0 : i32
        %add3A_455 = arith.addi %mul3A_453, %add3A_454 : i32
        %dma_start3A_456 = arith.constant 0 : i32
        %dma_start3A_457 = arith.constant 0 : i32
        %dma_start3A_458 = tpu.memref_slice %arg11[%dma_start3A_456, %dma_start3A_457] : memref<512x32xf32, #tpu.memory_space<vmem>> -> memref<128x32xf32, #tpu.memory_space<vmem>>
        %dma_start3A_459 = arith.constant 0 : i32
        %dma_start3A_460 = tpu.memref_slice %arg7[%add3A_455, %dma_start3A_459] : memref<96x128xi32, #tpu.memory_space<vmem>> -> memref<1x128xi32, #tpu.memory_space<vmem>>
        %dma_start3A_461 = tpu.memref_squeeze %dma_start3A_460 : memref<1x128xi32, #tpu.memory_space<vmem>> -> memref<128xi32, #tpu.memory_space<vmem>>
        %dma_start3A_462 = arith.constant 0 : i32
        %dma_start3A_463 = arith.constant 0 : i32
        %dma_start3A_464 = tpu.memref_slice %arg14[%dma_start3A_462, %dma_start3A_463] : memref<10112x32xf32, #tpu.memory_space<vmem_shared>> -> memref<10112x32xf32, #tpu.memory_space<vmem_shared>>
        tpu.enqueue_indirect_dma source(%dma_start3A_464 : memref<10112x32xf32, #tpu.memory_space<vmem_shared>>) target(%dma_start3A_458 : memref<128x32xf32, #tpu.memory_space<vmem>>) offsets(%dma_start3A_461 : memref<128xi32, #tpu.memory_space<vmem>>) semaphore(%arg17 : memref<!tpu.dma_semaphore, #tpu.memory_space<semaphore_mem>>)
        %mul3A_465 = arith.constant 4 : i32
        %mul3A_466 = arith.muli %sub3A_451, %mul3A_465 : i32
        %add3A_467 = arith.constant 1 : i32
        %add3A_468 = arith.addi %mul3A_466, %add3A_467 : i32
        %dma_start3A_469 = arith.constant 128 : i32
        %dma_start3A_470 = arith.constant 0 : i32
        %dma_start3A_471 = tpu.memref_slice %arg11[%dma_start3A_469, %dma_start3A_470] : memref<512x32xf32, #tpu.memory_space<vmem>> -> memref<128x32xf32, #tpu.memory_space<vmem>>
        %dma_start3A_472 = arith.constant 0 : i32
        %dma_start3A_473 = tpu.memref_slice %arg7[%add3A_468, %dma_start3A_472] : memref<96x128xi32, #tpu.memory_space<vmem>> -> memref<1x128xi32, #tpu.memory_space<vmem>>
        %dma_start3A_474 = tpu.memref_squeeze %dma_start3A_473 : memref<1x128xi32, #tpu.memory_space<vmem>> -> memref<128xi32, #tpu.memory_space<vmem>>
        %dma_start3A_475 = arith.constant 0 : i32
        %dma_start3A_476 = arith.constant 0 : i32
        %dma_start3A_477 = tpu.memref_slice %arg14[%dma_start3A_475, %dma_start3A_476] : memref<10112x32xf32, #tpu.memory_space<vmem_shared>> -> memref<10112x32xf32, #tpu.memory_space<vmem_shared>>
        tpu.enqueue_indirect_dma source(%dma_start3A_477 : memref<10112x32xf32, #tpu.memory_space<vmem_shared>>) target(%dma_start3A_471 : memref<128x32xf32, #tpu.memory_space<vmem>>) offsets(%dma_start3A_474 : memref<128xi32, #tpu.memory_space<vmem>>) semaphore(%arg17 : memref<!tpu.dma_semaphore, #tpu.memory_space<semaphore_mem>>)
        %mul3A_478 = arith.constant 4 : i32
        %mul3A_479 = arith.muli %sub3A_451, %mul3A_478 : i32
        %add3A_480 = arith.constant 2 : i32
        %add3A_481 = arith.addi %mul3A_479, %add3A_480 : i32
        %dma_start3A_482 = arith.constant 256 : i32
        %dma_start3A_483 = arith.constant 0 : i32
        %dma_start3A_484 = tpu.memref_slice %arg11[%dma_start3A_482, %dma_start3A_483] : memref<512x32xf32, #tpu.memory_space<vmem>> -> memref<128x32xf32, #tpu.memory_space<vmem>>
        %dma_start3A_485 = arith.constant 0 : i32
        %dma_start3A_486 = tpu.memref_slice %arg7[%add3A_481, %dma_start3A_485] : memref<96x128xi32, #tpu.memory_space<vmem>> -> memref<1x128xi32, #tpu.memory_space<vmem>>
        %dma_start3A_487 = tpu.memref_squeeze %dma_start3A_486 : memref<1x128xi32, #tpu.memory_space<vmem>> -> memref<128xi32, #tpu.memory_space<vmem>>
        %dma_start3A_488 = arith.constant 0 : i32
        %dma_start3A_489 = arith.constant 0 : i32
        %dma_start3A_490 = tpu.memref_slice %arg14[%dma_start3A_488, %dma_start3A_489] : memref<10112x32xf32, #tpu.memory_space<vmem_shared>> -> memref<10112x32xf32, #tpu.memory_space<vmem_shared>>
        tpu.enqueue_indirect_dma source(%dma_start3A_490 : memref<10112x32xf32, #tpu.memory_space<vmem_shared>>) target(%dma_start3A_484 : memref<128x32xf32, #tpu.memory_space<vmem>>) offsets(%dma_start3A_487 : memref<128xi32, #tpu.memory_space<vmem>>) semaphore(%arg17 : memref<!tpu.dma_semaphore, #tpu.memory_space<semaphore_mem>>)
        %mul3A_491 = arith.constant 4 : i32
        %mul3A_492 = arith.muli %sub3A_451, %mul3A_491 : i32
        %add3A_493 = arith.constant 3 : i32
        %add3A_494 = arith.addi %mul3A_492, %add3A_493 : i32
        %dma_start3A_495 = arith.constant 384 : i32
        %dma_start3A_496 = arith.constant 0 : i32
        %dma_start3A_497 = tpu.memref_slice %arg11[%dma_start3A_495, %dma_start3A_496] : memref<512x32xf32, #tpu.memory_space<vmem>> -> memref<128x32xf32, #tpu.memory_space<vmem>>
        %dma_start3A_498 = arith.constant 0 : i32
        %dma_start3A_499 = tpu.memref_slice %arg7[%add3A_494, %dma_start3A_498] : memref<96x128xi32, #tpu.memory_space<vmem>> -> memref<1x128xi32, #tpu.memory_space<vmem>>
        %dma_start3A_500 = tpu.memref_squeeze %dma_start3A_499 : memref<1x128xi32, #tpu.memory_space<vmem>> -> memref<128xi32, #tpu.memory_space<vmem>>
        %dma_start3A_501 = arith.constant 0 : i32
        %dma_start3A_502 = arith.constant 0 : i32
        %dma_start3A_503 = tpu.memref_slice %arg14[%dma_start3A_501, %dma_start3A_502] : memref<10112x32xf32, #tpu.memory_space<vmem_shared>> -> memref<10112x32xf32, #tpu.memory_space<vmem_shared>>
        tpu.enqueue_indirect_dma source(%dma_start3A_503 : memref<10112x32xf32, #tpu.memory_space<vmem_shared>>) target(%dma_start3A_497 : memref<128x32xf32, #tpu.memory_space<vmem>>) offsets(%dma_start3A_500 : memref<128xi32, #tpu.memory_space<vmem>>) semaphore(%arg17 : memref<!tpu.dma_semaphore, #tpu.memory_space<semaphore_mem>>)
      } else {
      }
      %dma_wait3A_384 = arith.constant 0 : i32
      %dma_wait3A_385 = arith.constant 0 : i32
      %dma_wait3A_386 = tpu.memref_slice %arg4[%dma_wait3A_384, %dma_wait3A_385] : memref<10112x32xf32, #tpu.memory_space<hbm>> -> memref<512x32xf32, #tpu.memory_space<hbm>>
      %dma_wait3A_387 = arith.constant 0 : i32
      %dma_wait3A_388 = arith.constant 0 : i32
      %dma_wait3A_389 = tpu.memref_slice %arg4[%dma_wait3A_387, %dma_wait3A_388] : memref<10112x32xf32, #tpu.memory_space<hbm>> -> memref<512x32xf32, #tpu.memory_space<hbm>>
      tpu.wait_dma2 semaphore(%arg18 : memref<!tpu.dma_semaphore, #tpu.memory_space<semaphore_mem>>) src(%dma_wait3A_389 : memref<512x32xf32, #tpu.memory_space<hbm>>) dst(%arg12 : memref<512x32xf32, #tpu.memory_space<vmem>>)
      %mul3A_390 = arith.constant 4 : i32
      %mul3A_391 = arith.muli %add3A_374, %mul3A_390 : i32
      %add3A_392 = arith.constant 0 : i32
      %add3A_393 = arith.addi %mul3A_391, %add3A_392 : i32
      %dma_start3A_394 = arith.constant 0 : i32
      %dma_start3A_395 = arith.constant 0 : i32
      %dma_start3A_396 = tpu.memref_slice %arg12[%dma_start3A_394, %dma_start3A_395] : memref<512x32xf32, #tpu.memory_space<vmem>> -> memref<128x32xf32, #tpu.memory_space<vmem>>
      %dma_start3A_397 = arith.constant 0 : i32
      %dma_start3A_398 = tpu.memref_slice %arg8[%add3A_393, %dma_start3A_397] : memref<96x128xi32, #tpu.memory_space<vmem>> -> memref<1x128xi32, #tpu.memory_space<vmem>>
      %dma_start3A_399 = tpu.memref_squeeze %dma_start3A_398 : memref<1x128xi32, #tpu.memory_space<vmem>> -> memref<128xi32, #tpu.memory_space<vmem>>
      %dma_start3A_400 = arith.constant 0 : i32
      %dma_start3A_401 = arith.constant 0 : i32
      %dma_start3A_402 = tpu.memref_slice %arg13[%dma_start3A_400, %dma_start3A_401] : memref<10112x32xf32, #tpu.memory_space<vmem_shared>> -> memref<10112x32xf32, #tpu.memory_space<vmem_shared>>
      tpu.enqueue_indirect_dma source(%dma_start3A_396 : memref<128x32xf32, #tpu.memory_space<vmem>>) target(%dma_start3A_402 : memref<10112x32xf32, #tpu.memory_space<vmem_shared>>) offsets(%dma_start3A_399 : memref<128xi32, #tpu.memory_space<vmem>>) semaphore(%arg22 : memref<!tpu.dma_semaphore, #tpu.memory_space<semaphore_mem>>) {add = true}
      %mul3A_403 = arith.constant 4 : i32
      %mul3A_404 = arith.muli %add3A_374, %mul3A_403 : i32
      %add3A_405 = arith.constant 1 : i32
      %add3A_406 = arith.addi %mul3A_404, %add3A_405 : i32
      %dma_start3A_407 = arith.constant 128 : i32
      %dma_start3A_408 = arith.constant 0 : i32
      %dma_start3A_409 = tpu.memref_slice %arg12[%dma_start3A_407, %dma_start3A_408] : memref<512x32xf32, #tpu.memory_space<vmem>> -> memref<128x32xf32, #tpu.memory_space<vmem>>
      %dma_start3A_410 = arith.constant 0 : i32
      %dma_start3A_411 = tpu.memref_slice %arg8[%add3A_406, %dma_start3A_410] : memref<96x128xi32, #tpu.memory_space<vmem>> -> memref<1x128xi32, #tpu.memory_space<vmem>>
      %dma_start3A_412 = tpu.memref_squeeze %dma_start3A_411 : memref<1x128xi32, #tpu.memory_space<vmem>> -> memref<128xi32, #tpu.memory_space<vmem>>
      %dma_start3A_413 = arith.constant 0 : i32
      %dma_start3A_414 = arith.constant 0 : i32
      %dma_start3A_415 = tpu.memref_slice %arg13[%dma_start3A_413, %dma_start3A_414] : memref<10112x32xf32, #tpu.memory_space<vmem_shared>> -> memref<10112x32xf32, #tpu.memory_space<vmem_shared>>
      tpu.enqueue_indirect_dma source(%dma_start3A_409 : memref<128x32xf32, #tpu.memory_space<vmem>>) target(%dma_start3A_415 : memref<10112x32xf32, #tpu.memory_space<vmem_shared>>) offsets(%dma_start3A_412 : memref<128xi32, #tpu.memory_space<vmem>>) semaphore(%arg22 : memref<!tpu.dma_semaphore, #tpu.memory_space<semaphore_mem>>) {add = true}
      %mul3A_416 = arith.constant 4 : i32
      %mul3A_417 = arith.muli %add3A_374, %mul3A_416 : i32
      %add3A_418 = arith.constant 2 : i32
      %add3A_419 = arith.addi %mul3A_417, %add3A_418 : i32
      %dma_start3A_420 = arith.constant 256 : i32
      %dma_start3A_421 = arith.constant 0 : i32
      %dma_start3A_422 = tpu.memref_slice %arg12[%dma_start3A_420, %dma_start3A_421] : memref<512x32xf32, #tpu.memory_space<vmem>> -> memref<128x32xf32, #tpu.memory_space<vmem>>
      %dma_start3A_423 = arith.constant 0 : i32
      %dma_start3A_424 = tpu.memref_slice %arg8[%add3A_419, %dma_start3A_423] : memref<96x128xi32, #tpu.memory_space<vmem>> -> memref<1x128xi32, #tpu.memory_space<vmem>>
      %dma_start3A_425 = tpu.memref_squeeze %dma_start3A_424 : memref<1x128xi32, #tpu.memory_space<vmem>> -> memref<128xi32, #tpu.memory_space<vmem>>
      %dma_start3A_426 = arith.constant 0 : i32
      %dma_start3A_427 = arith.constant 0 : i32
      %dma_start3A_428 = tpu.memref_slice %arg13[%dma_start3A_426, %dma_start3A_427] : memref<10112x32xf32, #tpu.memory_space<vmem_shared>> -> memref<10112x32xf32, #tpu.memory_space<vmem_shared>>
      tpu.enqueue_indirect_dma source(%dma_start3A_422 : memref<128x32xf32, #tpu.memory_space<vmem>>) target(%dma_start3A_428 : memref<10112x32xf32, #tpu.memory_space<vmem_shared>>) offsets(%dma_start3A_425 : memref<128xi32, #tpu.memory_space<vmem>>) semaphore(%arg22 : memref<!tpu.dma_semaphore, #tpu.memory_space<semaphore_mem>>) {add = true}
      %mul3A_429 = arith.constant 4 : i32
      %mul3A_430 = arith.muli %add3A_374, %mul3A_429 : i32
      %add3A_431 = arith.constant 3 : i32
      %add3A_432 = arith.addi %mul3A_430, %add3A_431 : i32
      %dma_start3A_433 = arith.constant 384 : i32
      %dma_start3A_434 = arith.constant 0 : i32
      %dma_start3A_435 = tpu.memref_slice %arg12[%dma_start3A_433, %dma_start3A_434] : memref<512x32xf32, #tpu.memory_space<vmem>> -> memref<128x32xf32, #tpu.memory_space<vmem>>
      %dma_start3A_436 = arith.constant 0 : i32
      %dma_start3A_437 = tpu.memref_slice %arg8[%add3A_432, %dma_start3A_436] : memref<96x128xi32, #tpu.memory_space<vmem>> -> memref<1x128xi32, #tpu.memory_space<vmem>>
      %dma_start3A_438 = tpu.memref_squeeze %dma_start3A_437 : memref<1x128xi32, #tpu.memory_space<vmem>> -> memref<128xi32, #tpu.memory_space<vmem>>
      %dma_start3A_439 = arith.constant 0 : i32
      %dma_start3A_440 = arith.constant 0 : i32
      %dma_start3A_441 = tpu.memref_slice %arg13[%dma_start3A_439, %dma_start3A_440] : memref<10112x32xf32, #tpu.memory_space<vmem_shared>> -> memref<10112x32xf32, #tpu.memory_space<vmem_shared>>
      tpu.enqueue_indirect_dma source(%dma_start3A_435 : memref<128x32xf32, #tpu.memory_space<vmem>>) target(%dma_start3A_441 : memref<10112x32xf32, #tpu.memory_space<vmem_shared>>) offsets(%dma_start3A_438 : memref<128xi32, #tpu.memory_space<vmem>>) semaphore(%arg22 : memref<!tpu.dma_semaphore, #tpu.memory_space<semaphore_mem>>) {add = true}
    }
    %scan3A_132 = arith.constant 6 : i32
    %dma_wait3A = arith.constant 0 : i32
    %dma_wait3A_133 = arith.constant 0 : i32
    %dma_wait3A_134 = tpu.memref_slice %arg4[%dma_wait3A, %dma_wait3A_133] : memref<10112x32xf32, #tpu.memory_space<hbm>> -> memref<512x32xf32, #tpu.memory_space<hbm>>
    %dma_wait3A_135 = arith.constant 0 : i32
    %dma_wait3A_136 = arith.constant 0 : i32
    %dma_wait3A_137 = tpu.memref_slice %arg4[%dma_wait3A_135, %dma_wait3A_136] : memref<10112x32xf32, #tpu.memory_space<hbm>> -> memref<512x32xf32, #tpu.memory_space<hbm>>
    tpu.wait_dma2 semaphore(%arg19 : memref<!tpu.dma_semaphore, #tpu.memory_space<semaphore_mem>>) src(%dma_wait3A_137 : memref<512x32xf32, #tpu.memory_space<hbm>>) dst(%arg9 : memref<512x32xf32, #tpu.memory_space<vmem>>)
    %dma_wait3A_138 = arith.constant 0 : i32
    %dma_wait3A_139 = arith.constant 0 : i32
    %dma_wait3A_140 = tpu.memref_slice %arg4[%dma_wait3A_138, %dma_wait3A_139] : memref<10112x32xf32, #tpu.memory_space<hbm>> -> memref<512x32xf32, #tpu.memory_space<hbm>>
    %dma_wait3A_141 = arith.constant 0 : i32
    %dma_wait3A_142 = arith.constant 0 : i32
    %dma_wait3A_143 = tpu.memref_slice %arg4[%dma_wait3A_141, %dma_wait3A_142] : memref<10112x32xf32, #tpu.memory_space<hbm>> -> memref<512x32xf32, #tpu.memory_space<hbm>>
    tpu.wait_dma2 semaphore(%arg20 : memref<!tpu.dma_semaphore, #tpu.memory_space<semaphore_mem>>) src(%dma_wait3A_143 : memref<512x32xf32, #tpu.memory_space<hbm>>) dst(%arg10 : memref<512x32xf32, #tpu.memory_space<vmem>>)
    %dma_wait3A_144 = arith.constant 0 : i32
    %dma_wait3A_145 = arith.constant 0 : i32
    %dma_wait3A_146 = tpu.memref_slice %arg4[%dma_wait3A_144, %dma_wait3A_145] : memref<10112x32xf32, #tpu.memory_space<hbm>> -> memref<512x32xf32, #tpu.memory_space<hbm>>
    %dma_wait3A_147 = arith.constant 0 : i32
    %dma_wait3A_148 = arith.constant 0 : i32
    %dma_wait3A_149 = tpu.memref_slice %arg4[%dma_wait3A_147, %dma_wait3A_148] : memref<10112x32xf32, #tpu.memory_space<hbm>> -> memref<512x32xf32, #tpu.memory_space<hbm>>
    tpu.wait_dma2 semaphore(%arg21 : memref<!tpu.dma_semaphore, #tpu.memory_space<semaphore_mem>>) src(%dma_wait3A_149 : memref<512x32xf32, #tpu.memory_space<hbm>>) dst(%arg11 : memref<512x32xf32, #tpu.memory_space<vmem>>)
    %dma_wait3A_150 = arith.constant 0 : i32
    %dma_wait3A_151 = arith.constant 0 : i32
    %dma_wait3A_152 = tpu.memref_slice %arg4[%dma_wait3A_150, %dma_wait3A_151] : memref<10112x32xf32, #tpu.memory_space<hbm>> -> memref<512x32xf32, #tpu.memory_space<hbm>>
    %dma_wait3A_153 = arith.constant 0 : i32
    %dma_wait3A_154 = arith.constant 0 : i32
    %dma_wait3A_155 = tpu.memref_slice %arg4[%dma_wait3A_153, %dma_wait3A_154] : memref<10112x32xf32, #tpu.memory_space<hbm>> -> memref<512x32xf32, #tpu.memory_space<hbm>>
    tpu.wait_dma2 semaphore(%arg22 : memref<!tpu.dma_semaphore, #tpu.memory_space<semaphore_mem>>) src(%dma_wait3A_155 : memref<512x32xf32, #tpu.memory_space<hbm>>) dst(%arg12 : memref<512x32xf32, #tpu.memory_space<vmem>>)
    %barrier3A_156 = arith.constant 0 : index
    tpu.barrier barrier_id(%barrier3A_156)
    %mul3A_157 = arith.constant 632 : i32
    %mul3A_158 = arith.muli %arg1, %mul3A_157 : i32
    %mul3A_159 = arith.constant 632 : i32
    %mul3A_160 = arith.muli %arg1, %mul3A_159 : i32
    "tpu.region"() ({
      %run_scoped3A = tpu.sem_alloc : memref<!tpu.dma_semaphore, #tpu.memory_space<semaphore_mem>>
      %dma_start3A_161 = arith.constant 0 : i32
      %dma_start3A_162 = tpu.memref_slice %arg6[%arg0, %mul3A_160, %dma_start3A_161] : memref<2x10112x32xf32, #tpu.memory_space<hbm>> -> memref<1x632x32xf32, #tpu.memory_space<hbm>>
      %dma_start3A_163 = tpu.memref_squeeze %dma_start3A_162 : memref<1x632x32xf32, #tpu.memory_space<hbm>> -> memref<632x32xf32, #tpu.memory_space<hbm>>
      %dma_start3A_164 = arith.constant 0 : i32
      %dma_start3A_165 = tpu.memref_slice %arg13[%mul3A_158, %dma_start3A_164] : memref<10112x32xf32, #tpu.memory_space<vmem_shared>> -> memref<632x32xf32, #tpu.memory_space<vmem_shared>>
      tpu.enqueue_dma source(%dma_start3A_165 : memref<632x32xf32, #tpu.memory_space<vmem_shared>>) target(%dma_start3A_163 : memref<632x32xf32, #tpu.memory_space<hbm>>) target_semaphore(%run_scoped3A : memref<!tpu.dma_semaphore, #tpu.memory_space<semaphore_mem>>)
      %dma_wait3A_166 = arith.constant 0 : i32
      %dma_wait3A_167 = tpu.memref_slice %arg6[%arg0, %mul3A_160, %dma_wait3A_166] : memref<2x10112x32xf32, #tpu.memory_space<hbm>> -> memref<1x632x32xf32, #tpu.memory_space<hbm>>
      %dma_wait3A_168 = tpu.memref_squeeze %dma_wait3A_167 : memref<1x632x32xf32, #tpu.memory_space<hbm>> -> memref<632x32xf32, #tpu.memory_space<hbm>>
      %dma_wait3A_169 = arith.constant 0 : i32
      %dma_wait3A_170 = tpu.memref_slice %arg13[%mul3A_158, %dma_wait3A_169] : memref<10112x32xf32, #tpu.memory_space<vmem_shared>> -> memref<632x32xf32, #tpu.memory_space<vmem_shared>>
      tpu.wait_dma2 semaphore(%run_scoped3A : memref<!tpu.dma_semaphore, #tpu.memory_space<semaphore_mem>>) src(%dma_wait3A_170 : memref<632x32xf32, #tpu.memory_space<vmem_shared>>) dst(%dma_wait3A_168 : memref<632x32xf32, #tpu.memory_space<hbm>>)
      tpu.yield
    }) : () -> ()
    return
  }
}

#map = affine_map<(d0, d1) -> (0, 0)>
#map1 = affine_map<(d0, d1) -> (0, 0, 0)>
module attributes {stable_mosaic.version = 14 : i64} {
  func.func @agg_kernel(%arg0: i32, %arg1: i32, %arg2: memref<3072x128xi32, #tpu.memory_space<hbm>>, %arg3: memref<3072x128xi32, #tpu.memory_space<hbm>>, %arg4: memref<10112x32xf32, #tpu.memory_space<hbm>>, %arg5: memref<632x32xf32, #tpu.memory_space<hbm>>, %arg6: memref<2x10112x32xf32, #tpu.memory_space<hbm>>, %arg7: memref<96x128xi32, #tpu.memory_space<vmem>>, %arg8: memref<96x128xi32, #tpu.memory_space<vmem>>, %arg9: memref<512x32xf32, #tpu.memory_space<vmem>>, %arg10: memref<512x32xf32, #tpu.memory_space<vmem>>, %arg11: memref<512x32xf32, #tpu.memory_space<vmem>>, %arg12: memref<512x32xf32, #tpu.memory_space<vmem>>, %arg13: memref<10112x32xf32, #tpu.memory_space<vmem_shared>>, %arg14: memref<10112x32xf32, #tpu.memory_space<vmem_shared>>, %arg15: memref<!tpu.dma_semaphore, #tpu.memory_space<semaphore_mem>>, %arg16: memref<!tpu.dma_semaphore, #tpu.memory_space<semaphore_mem>>, %arg17: memref<!tpu.dma_semaphore, #tpu.memory_space<semaphore_mem>>, %arg18: memref<!tpu.dma_semaphore, #tpu.memory_space<semaphore_mem>>, %arg19: memref<!tpu.dma_semaphore, #tpu.memory_space<semaphore_mem>>, %arg20: memref<!tpu.dma_semaphore, #tpu.memory_space<semaphore_mem>>, %arg21: memref<!tpu.dma_semaphore, #tpu.memory_space<semaphore_mem>>, %arg22: memref<!tpu.dma_semaphore, #tpu.memory_space<semaphore_mem>>) attributes {dimension_semantics = [#tpu.dimension_semantics<core_parallel>, #tpu.dimension_semantics<subcore_parallel>], iteration_bounds = array<i64: 2, 16>, scalar_prefetch = 0 : i64, scratch_operands = 16 : i64, tpu.core_type = #tpu.core_type<sc_vector_subcore>, window_params = [{transform_indices = #map}, {transform_indices = #map}, {transform_indices = #map}, {transform_indices = #map}, {transform_indices = #map1}]} {
    %mul3A = arith.constant 2 : i32
    %mul3A_0 = arith.muli %arg1, %mul3A : i32
    %add3A = arith.addi %mul3A_0, %arg0 : i32
    %mul3A_1 = arith.constant 96 : i32
    %mul3A_2 = arith.muli %add3A, %mul3A_1 : i32
    "tpu.region"() ({
      %run_scoped3A = tpu.sem_alloc : memref<!tpu.dma_semaphore, #tpu.memory_space<semaphore_mem>>
      %dma_start3A_161 = arith.constant 0 : i32
      %dma_start3A_162 = tpu.memref_slice %arg2[%mul3A_2, %dma_start3A_161] : memref<3072x128xi32, #tpu.memory_space<hbm>> -> memref<96x128xi32, #tpu.memory_space<hbm>>
      %dma_start3A_163 = arith.constant 0 : i32
      %dma_start3A_164 = tpu.memref_slice %arg2[%mul3A_2, %dma_start3A_163] : memref<3072x128xi32, #tpu.memory_space<hbm>> -> memref<96x128xi32, #tpu.memory_space<hbm>>
      tpu.enqueue_dma source(%dma_start3A_164 : memref<96x128xi32, #tpu.memory_space<hbm>>) target(%arg7 : memref<96x128xi32, #tpu.memory_space<vmem>>) target_semaphore(%run_scoped3A : memref<!tpu.dma_semaphore, #tpu.memory_space<semaphore_mem>>)
      %dma_wait3A_165 = arith.constant 0 : i32
      %dma_wait3A_166 = tpu.memref_slice %arg2[%mul3A_2, %dma_wait3A_165] : memref<3072x128xi32, #tpu.memory_space<hbm>> -> memref<96x128xi32, #tpu.memory_space<hbm>>
      %dma_wait3A_167 = arith.constant 0 : i32
      %dma_wait3A_168 = tpu.memref_slice %arg2[%mul3A_2, %dma_wait3A_167] : memref<3072x128xi32, #tpu.memory_space<hbm>> -> memref<96x128xi32, #tpu.memory_space<hbm>>
      tpu.wait_dma2 semaphore(%run_scoped3A : memref<!tpu.dma_semaphore, #tpu.memory_space<semaphore_mem>>) src(%dma_wait3A_168 : memref<96x128xi32, #tpu.memory_space<hbm>>) dst(%arg7 : memref<96x128xi32, #tpu.memory_space<vmem>>)
      tpu.yield
    }) : () -> ()
    "tpu.region"() ({
      %run_scoped3A = tpu.sem_alloc : memref<!tpu.dma_semaphore, #tpu.memory_space<semaphore_mem>>
      %dma_start3A_161 = arith.constant 0 : i32
      %dma_start3A_162 = tpu.memref_slice %arg3[%mul3A_2, %dma_start3A_161] : memref<3072x128xi32, #tpu.memory_space<hbm>> -> memref<96x128xi32, #tpu.memory_space<hbm>>
      %dma_start3A_163 = arith.constant 0 : i32
      %dma_start3A_164 = tpu.memref_slice %arg3[%mul3A_2, %dma_start3A_163] : memref<3072x128xi32, #tpu.memory_space<hbm>> -> memref<96x128xi32, #tpu.memory_space<hbm>>
      tpu.enqueue_dma source(%dma_start3A_164 : memref<96x128xi32, #tpu.memory_space<hbm>>) target(%arg8 : memref<96x128xi32, #tpu.memory_space<vmem>>) target_semaphore(%run_scoped3A : memref<!tpu.dma_semaphore, #tpu.memory_space<semaphore_mem>>)
      %dma_wait3A_165 = arith.constant 0 : i32
      %dma_wait3A_166 = tpu.memref_slice %arg3[%mul3A_2, %dma_wait3A_165] : memref<3072x128xi32, #tpu.memory_space<hbm>> -> memref<96x128xi32, #tpu.memory_space<hbm>>
      %dma_wait3A_167 = arith.constant 0 : i32
      %dma_wait3A_168 = tpu.memref_slice %arg3[%mul3A_2, %dma_wait3A_167] : memref<3072x128xi32, #tpu.memory_space<hbm>> -> memref<96x128xi32, #tpu.memory_space<hbm>>
      tpu.wait_dma2 semaphore(%run_scoped3A : memref<!tpu.dma_semaphore, #tpu.memory_space<semaphore_mem>>) src(%dma_wait3A_168 : memref<96x128xi32, #tpu.memory_space<hbm>>) dst(%arg8 : memref<96x128xi32, #tpu.memory_space<vmem>>)
      tpu.yield
    }) : () -> ()
    %mul3A_3 = arith.constant 632 : i32
    %mul3A_4 = arith.muli %arg1, %mul3A_3 : i32
    "tpu.region"() ({
      %run_scoped3A = tpu.sem_alloc : memref<!tpu.dma_semaphore, #tpu.memory_space<semaphore_mem>>
      %dma_start3A_161 = arith.constant 0 : i32
      %dma_start3A_162 = tpu.memref_slice %arg13[%mul3A_4, %dma_start3A_161] : memref<10112x32xf32, #tpu.memory_space<vmem_shared>> -> memref<632x32xf32, #tpu.memory_space<vmem_shared>>
      tpu.enqueue_dma source(%arg5 : memref<632x32xf32, #tpu.memory_space<hbm>>) target(%dma_start3A_162 : memref<632x32xf32, #tpu.memory_space<vmem_shared>>) target_semaphore(%run_scoped3A : memref<!tpu.dma_semaphore, #tpu.memory_space<semaphore_mem>>)
      %dma_wait3A_163 = arith.constant 0 : i32
      %dma_wait3A_164 = tpu.memref_slice %arg13[%mul3A_4, %dma_wait3A_163] : memref<10112x32xf32, #tpu.memory_space<vmem_shared>> -> memref<632x32xf32, #tpu.memory_space<vmem_shared>>
      tpu.wait_dma2 semaphore(%run_scoped3A : memref<!tpu.dma_semaphore, #tpu.memory_space<semaphore_mem>>) src(%arg5 : memref<632x32xf32, #tpu.memory_space<hbm>>) dst(%dma_wait3A_164 : memref<632x32xf32, #tpu.memory_space<vmem_shared>>)
      tpu.yield
    }) : () -> ()
    %mul3A_5 = arith.constant 632 : i32
    %mul3A_6 = arith.muli %arg1, %mul3A_5 : i32
    %mul3A_7 = arith.constant 632 : i32
    %mul3A_8 = arith.muli %arg1, %mul3A_7 : i32
    "tpu.region"() ({
      %run_scoped3A = tpu.sem_alloc : memref<!tpu.dma_semaphore, #tpu.memory_space<semaphore_mem>>
      %dma_start3A_161 = arith.constant 0 : i32
      %dma_start3A_162 = tpu.memref_slice %arg14[%mul3A_8, %dma_start3A_161] : memref<10112x32xf32, #tpu.memory_space<vmem_shared>> -> memref<632x32xf32, #tpu.memory_space<vmem_shared>>
      %dma_start3A_163 = arith.constant 0 : i32
      %dma_start3A_164 = tpu.memref_slice %arg4[%mul3A_6, %dma_start3A_163] : memref<10112x32xf32, #tpu.memory_space<hbm>> -> memref<632x32xf32, #tpu.memory_space<hbm>>
      tpu.enqueue_dma source(%dma_start3A_164 : memref<632x32xf32, #tpu.memory_space<hbm>>) target(%dma_start3A_162 : memref<632x32xf32, #tpu.memory_space<vmem_shared>>) target_semaphore(%run_scoped3A : memref<!tpu.dma_semaphore, #tpu.memory_space<semaphore_mem>>)
      %dma_wait3A_165 = arith.constant 0 : i32
      %dma_wait3A_166 = tpu.memref_slice %arg14[%mul3A_8, %dma_wait3A_165] : memref<10112x32xf32, #tpu.memory_space<vmem_shared>> -> memref<632x32xf32, #tpu.memory_space<vmem_shared>>
      %dma_wait3A_167 = arith.constant 0 : i32
      %dma_wait3A_168 = tpu.memref_slice %arg4[%mul3A_6, %dma_wait3A_167] : memref<10112x32xf32, #tpu.memory_space<hbm>> -> memref<632x32xf32, #tpu.memory_space<hbm>>
      tpu.wait_dma2 semaphore(%run_scoped3A : memref<!tpu.dma_semaphore, #tpu.memory_space<semaphore_mem>>) src(%dma_wait3A_168 : memref<632x32xf32, #tpu.memory_space<hbm>>) dst(%dma_wait3A_166 : memref<632x32xf32, #tpu.memory_space<vmem_shared>>)
      tpu.yield
    }) : () -> ()
    %barrier3A = arith.constant 0 : index
    tpu.barrier barrier_id(%barrier3A)
    %dma_start3A = arith.constant 0 : i32
    %dma_start3A_9 = arith.constant 0 : i32
    %dma_start3A_10 = arith.constant 0 : i32
    %dma_start3A_11 = tpu.memref_slice %arg9[%dma_start3A_9, %dma_start3A_10] : memref<512x32xf32, #tpu.memory_space<vmem>> -> memref<128x32xf32, #tpu.memory_space<vmem>>
    %dma_start3A_12 = arith.constant 0 : i32
    %dma_start3A_13 = tpu.memref_slice %arg7[%dma_start3A, %dma_start3A_12] : memref<96x128xi32, #tpu.memory_space<vmem>> -> memref<1x128xi32, #tpu.memory_space<vmem>>
    %dma_start3A_14 = tpu.memref_squeeze %dma_start3A_13 : memref<1x128xi32, #tpu.memory_space<vmem>> -> memref<128xi32, #tpu.memory_space<vmem>>
    %dma_start3A_15 = arith.constant 0 : i32
    %dma_start3A_16 = arith.constant 0 : i32
    %dma_start3A_17 = tpu.memref_slice %arg14[%dma_start3A_15, %dma_start3A_16] : memref<10112x32xf32, #tpu.memory_space<vmem_shared>> -> memref<10112x32xf32, #tpu.memory_space<vmem_shared>>
    tpu.enqueue_indirect_dma source(%dma_start3A_17 : memref<10112x32xf32, #tpu.memory_space<vmem_shared>>) target(%dma_start3A_11 : memref<128x32xf32, #tpu.memory_space<vmem>>) offsets(%dma_start3A_14 : memref<128xi32, #tpu.memory_space<vmem>>) semaphore(%arg15 : memref<!tpu.dma_semaphore, #tpu.memory_space<semaphore_mem>>)
    %dma_start3A_18 = arith.constant 1 : i32
    %dma_start3A_19 = arith.constant 128 : i32
    %dma_start3A_20 = arith.constant 0 : i32
    %dma_start3A_21 = tpu.memref_slice %arg9[%dma_start3A_19, %dma_start3A_20] : memref<512x32xf32, #tpu.memory_space<vmem>> -> memref<128x32xf32, #tpu.memory_space<vmem>>
    %dma_start3A_22 = arith.constant 0 : i32
    %dma_start3A_23 = tpu.memref_slice %arg7[%dma_start3A_18, %dma_start3A_22] : memref<96x128xi32, #tpu.memory_space<vmem>> -> memref<1x128xi32, #tpu.memory_space<vmem>>
    %dma_start3A_24 = tpu.memref_squeeze %dma_start3A_23 : memref<1x128xi32, #tpu.memory_space<vmem>> -> memref<128xi32, #tpu.memory_space<vmem>>
    %dma_start3A_25 = arith.constant 0 : i32
    %dma_start3A_26 = arith.constant 0 : i32
    %dma_start3A_27 = tpu.memref_slice %arg14[%dma_start3A_25, %dma_start3A_26] : memref<10112x32xf32, #tpu.memory_space<vmem_shared>> -> memref<10112x32xf32, #tpu.memory_space<vmem_shared>>
    tpu.enqueue_indirect_dma source(%dma_start3A_27 : memref<10112x32xf32, #tpu.memory_space<vmem_shared>>) target(%dma_start3A_21 : memref<128x32xf32, #tpu.memory_space<vmem>>) offsets(%dma_start3A_24 : memref<128xi32, #tpu.memory_space<vmem>>) semaphore(%arg15 : memref<!tpu.dma_semaphore, #tpu.memory_space<semaphore_mem>>)
    %dma_start3A_28 = arith.constant 2 : i32
    %dma_start3A_29 = arith.constant 256 : i32
    %dma_start3A_30 = arith.constant 0 : i32
    %dma_start3A_31 = tpu.memref_slice %arg9[%dma_start3A_29, %dma_start3A_30] : memref<512x32xf32, #tpu.memory_space<vmem>> -> memref<128x32xf32, #tpu.memory_space<vmem>>
    %dma_start3A_32 = arith.constant 0 : i32
    %dma_start3A_33 = tpu.memref_slice %arg7[%dma_start3A_28, %dma_start3A_32] : memref<96x128xi32, #tpu.memory_space<vmem>> -> memref<1x128xi32, #tpu.memory_space<vmem>>
    %dma_start3A_34 = tpu.memref_squeeze %dma_start3A_33 : memref<1x128xi32, #tpu.memory_space<vmem>> -> memref<128xi32, #tpu.memory_space<vmem>>
    %dma_start3A_35 = arith.constant 0 : i32
    %dma_start3A_36 = arith.constant 0 : i32
    %dma_start3A_37 = tpu.memref_slice %arg14[%dma_start3A_35, %dma_start3A_36] : memref<10112x32xf32, #tpu.memory_space<vmem_shared>> -> memref<10112x32xf32, #tpu.memory_space<vmem_shared>>
    tpu.enqueue_indirect_dma source(%dma_start3A_37 : memref<10112x32xf32, #tpu.memory_space<vmem_shared>>) target(%dma_start3A_31 : memref<128x32xf32, #tpu.memory_space<vmem>>) offsets(%dma_start3A_34 : memref<128xi32, #tpu.memory_space<vmem>>) semaphore(%arg15 : memref<!tpu.dma_semaphore, #tpu.memory_space<semaphore_mem>>)
    %dma_start3A_38 = arith.constant 3 : i32
    %dma_start3A_39 = arith.constant 384 : i32
    %dma_start3A_40 = arith.constant 0 : i32
    %dma_start3A_41 = tpu.memref_slice %arg9[%dma_start3A_39, %dma_start3A_40] : memref<512x32xf32, #tpu.memory_space<vmem>> -> memref<128x32xf32, #tpu.memory_space<vmem>>
    %dma_start3A_42 = arith.constant 0 : i32
    %dma_start3A_43 = tpu.memref_slice %arg7[%dma_start3A_38, %dma_start3A_42] : memref<96x128xi32, #tpu.memory_space<vmem>> -> memref<1x128xi32, #tpu.memory_space<vmem>>
    %dma_start3A_44 = tpu.memref_squeeze %dma_start3A_43 : memref<1x128xi32, #tpu.memory_space<vmem>> -> memref<128xi32, #tpu.memory_space<vmem>>
    %dma_start3A_45 = arith.constant 0 : i32
    %dma_start3A_46 = arith.constant 0 : i32
    %dma_start3A_47 = tpu.memref_slice %arg14[%dma_start3A_45, %dma_start3A_46] : memref<10112x32xf32, #tpu.memory_space<vmem_shared>> -> memref<10112x32xf32, #tpu.memory_space<vmem_shared>>
    tpu.enqueue_indirect_dma source(%dma_start3A_47 : memref<10112x32xf32, #tpu.memory_space<vmem_shared>>) target(%dma_start3A_41 : memref<128x32xf32, #tpu.memory_space<vmem>>) offsets(%dma_start3A_44 : memref<128xi32, #tpu.memory_space<vmem>>) semaphore(%arg15 : memref<!tpu.dma_semaphore, #tpu.memory_space<semaphore_mem>>)
    %dma_start3A_48 = arith.constant 4 : i32
    %dma_start3A_49 = arith.constant 0 : i32
    %dma_start3A_50 = arith.constant 0 : i32
    %dma_start3A_51 = tpu.memref_slice %arg10[%dma_start3A_49, %dma_start3A_50] : memref<512x32xf32, #tpu.memory_space<vmem>> -> memref<128x32xf32, #tpu.memory_space<vmem>>
    %dma_start3A_52 = arith.constant 0 : i32
    %dma_start3A_53 = tpu.memref_slice %arg7[%dma_start3A_48, %dma_start3A_52] : memref<96x128xi32, #tpu.memory_space<vmem>> -> memref<1x128xi32, #tpu.memory_space<vmem>>
    %dma_start3A_54 = tpu.memref_squeeze %dma_start3A_53 : memref<1x128xi32, #tpu.memory_space<vmem>> -> memref<128xi32, #tpu.memory_space<vmem>>
    %dma_start3A_55 = arith.constant 0 : i32
    %dma_start3A_56 = arith.constant 0 : i32
    %dma_start3A_57 = tpu.memref_slice %arg14[%dma_start3A_55, %dma_start3A_56] : memref<10112x32xf32, #tpu.memory_space<vmem_shared>> -> memref<10112x32xf32, #tpu.memory_space<vmem_shared>>
    tpu.enqueue_indirect_dma source(%dma_start3A_57 : memref<10112x32xf32, #tpu.memory_space<vmem_shared>>) target(%dma_start3A_51 : memref<128x32xf32, #tpu.memory_space<vmem>>) offsets(%dma_start3A_54 : memref<128xi32, #tpu.memory_space<vmem>>) semaphore(%arg16 : memref<!tpu.dma_semaphore, #tpu.memory_space<semaphore_mem>>)
    %dma_start3A_58 = arith.constant 5 : i32
    %dma_start3A_59 = arith.constant 128 : i32
    %dma_start3A_60 = arith.constant 0 : i32
    %dma_start3A_61 = tpu.memref_slice %arg10[%dma_start3A_59, %dma_start3A_60] : memref<512x32xf32, #tpu.memory_space<vmem>> -> memref<128x32xf32, #tpu.memory_space<vmem>>
    %dma_start3A_62 = arith.constant 0 : i32
    %dma_start3A_63 = tpu.memref_slice %arg7[%dma_start3A_58, %dma_start3A_62] : memref<96x128xi32, #tpu.memory_space<vmem>> -> memref<1x128xi32, #tpu.memory_space<vmem>>
    %dma_start3A_64 = tpu.memref_squeeze %dma_start3A_63 : memref<1x128xi32, #tpu.memory_space<vmem>> -> memref<128xi32, #tpu.memory_space<vmem>>
    %dma_start3A_65 = arith.constant 0 : i32
    %dma_start3A_66 = arith.constant 0 : i32
    %dma_start3A_67 = tpu.memref_slice %arg14[%dma_start3A_65, %dma_start3A_66] : memref<10112x32xf32, #tpu.memory_space<vmem_shared>> -> memref<10112x32xf32, #tpu.memory_space<vmem_shared>>
    tpu.enqueue_indirect_dma source(%dma_start3A_67 : memref<10112x32xf32, #tpu.memory_space<vmem_shared>>) target(%dma_start3A_61 : memref<128x32xf32, #tpu.memory_space<vmem>>) offsets(%dma_start3A_64 : memref<128xi32, #tpu.memory_space<vmem>>) semaphore(%arg16 : memref<!tpu.dma_semaphore, #tpu.memory_space<semaphore_mem>>)
    %dma_start3A_68 = arith.constant 6 : i32
    %dma_start3A_69 = arith.constant 256 : i32
    %dma_start3A_70 = arith.constant 0 : i32
    %dma_start3A_71 = tpu.memref_slice %arg10[%dma_start3A_69, %dma_start3A_70] : memref<512x32xf32, #tpu.memory_space<vmem>> -> memref<128x32xf32, #tpu.memory_space<vmem>>
    %dma_start3A_72 = arith.constant 0 : i32
    %dma_start3A_73 = tpu.memref_slice %arg7[%dma_start3A_68, %dma_start3A_72] : memref<96x128xi32, #tpu.memory_space<vmem>> -> memref<1x128xi32, #tpu.memory_space<vmem>>
    %dma_start3A_74 = tpu.memref_squeeze %dma_start3A_73 : memref<1x128xi32, #tpu.memory_space<vmem>> -> memref<128xi32, #tpu.memory_space<vmem>>
    %dma_start3A_75 = arith.constant 0 : i32
    %dma_start3A_76 = arith.constant 0 : i32
    %dma_start3A_77 = tpu.memref_slice %arg14[%dma_start3A_75, %dma_start3A_76] : memref<10112x32xf32, #tpu.memory_space<vmem_shared>> -> memref<10112x32xf32, #tpu.memory_space<vmem_shared>>
    tpu.enqueue_indirect_dma source(%dma_start3A_77 : memref<10112x32xf32, #tpu.memory_space<vmem_shared>>) target(%dma_start3A_71 : memref<128x32xf32, #tpu.memory_space<vmem>>) offsets(%dma_start3A_74 : memref<128xi32, #tpu.memory_space<vmem>>) semaphore(%arg16 : memref<!tpu.dma_semaphore, #tpu.memory_space<semaphore_mem>>)
    %dma_start3A_78 = arith.constant 7 : i32
    %dma_start3A_79 = arith.constant 384 : i32
    %dma_start3A_80 = arith.constant 0 : i32
    %dma_start3A_81 = tpu.memref_slice %arg10[%dma_start3A_79, %dma_start3A_80] : memref<512x32xf32, #tpu.memory_space<vmem>> -> memref<128x32xf32, #tpu.memory_space<vmem>>
    %dma_start3A_82 = arith.constant 0 : i32
    %dma_start3A_83 = tpu.memref_slice %arg7[%dma_start3A_78, %dma_start3A_82] : memref<96x128xi32, #tpu.memory_space<vmem>> -> memref<1x128xi32, #tpu.memory_space<vmem>>
    %dma_start3A_84 = tpu.memref_squeeze %dma_start3A_83 : memref<1x128xi32, #tpu.memory_space<vmem>> -> memref<128xi32, #tpu.memory_space<vmem>>
    %dma_start3A_85 = arith.constant 0 : i32
    %dma_start3A_86 = arith.constant 0 : i32
    %dma_start3A_87 = tpu.memref_slice %arg14[%dma_start3A_85, %dma_start3A_86] : memref<10112x32xf32, #tpu.memory_space<vmem_shared>> -> memref<10112x32xf32, #tpu.memory_space<vmem_shared>>
    tpu.enqueue_indirect_dma source(%dma_start3A_87 : memref<10112x32xf32, #tpu.memory_space<vmem_shared>>) target(%dma_start3A_81 : memref<128x32xf32, #tpu.memory_space<vmem>>) offsets(%dma_start3A_84 : memref<128xi32, #tpu.memory_space<vmem>>) semaphore(%arg16 : memref<!tpu.dma_semaphore, #tpu.memory_space<semaphore_mem>>)
    %dma_start3A_88 = arith.constant 8 : i32
    %dma_start3A_89 = arith.constant 0 : i32
    %dma_start3A_90 = arith.constant 0 : i32
    %dma_start3A_91 = tpu.memref_slice %arg11[%dma_start3A_89, %dma_start3A_90] : memref<512x32xf32, #tpu.memory_space<vmem>> -> memref<128x32xf32, #tpu.memory_space<vmem>>
    %dma_start3A_92 = arith.constant 0 : i32
    %dma_start3A_93 = tpu.memref_slice %arg7[%dma_start3A_88, %dma_start3A_92] : memref<96x128xi32, #tpu.memory_space<vmem>> -> memref<1x128xi32, #tpu.memory_space<vmem>>
    %dma_start3A_94 = tpu.memref_squeeze %dma_start3A_93 : memref<1x128xi32, #tpu.memory_space<vmem>> -> memref<128xi32, #tpu.memory_space<vmem>>
    %dma_start3A_95 = arith.constant 0 : i32
    %dma_start3A_96 = arith.constant 0 : i32
    %dma_start3A_97 = tpu.memref_slice %arg14[%dma_start3A_95, %dma_start3A_96] : memref<10112x32xf32, #tpu.memory_space<vmem_shared>> -> memref<10112x32xf32, #tpu.memory_space<vmem_shared>>
    tpu.enqueue_indirect_dma source(%dma_start3A_97 : memref<10112x32xf32, #tpu.memory_space<vmem_shared>>) target(%dma_start3A_91 : memref<128x32xf32, #tpu.memory_space<vmem>>) offsets(%dma_start3A_94 : memref<128xi32, #tpu.memory_space<vmem>>) semaphore(%arg17 : memref<!tpu.dma_semaphore, #tpu.memory_space<semaphore_mem>>)
    %dma_start3A_98 = arith.constant 9 : i32
    %dma_start3A_99 = arith.constant 128 : i32
    %dma_start3A_100 = arith.constant 0 : i32
    %dma_start3A_101 = tpu.memref_slice %arg11[%dma_start3A_99, %dma_start3A_100] : memref<512x32xf32, #tpu.memory_space<vmem>> -> memref<128x32xf32, #tpu.memory_space<vmem>>
    %dma_start3A_102 = arith.constant 0 : i32
    %dma_start3A_103 = tpu.memref_slice %arg7[%dma_start3A_98, %dma_start3A_102] : memref<96x128xi32, #tpu.memory_space<vmem>> -> memref<1x128xi32, #tpu.memory_space<vmem>>
    %dma_start3A_104 = tpu.memref_squeeze %dma_start3A_103 : memref<1x128xi32, #tpu.memory_space<vmem>> -> memref<128xi32, #tpu.memory_space<vmem>>
    %dma_start3A_105 = arith.constant 0 : i32
    %dma_start3A_106 = arith.constant 0 : i32
    %dma_start3A_107 = tpu.memref_slice %arg14[%dma_start3A_105, %dma_start3A_106] : memref<10112x32xf32, #tpu.memory_space<vmem_shared>> -> memref<10112x32xf32, #tpu.memory_space<vmem_shared>>
    tpu.enqueue_indirect_dma source(%dma_start3A_107 : memref<10112x32xf32, #tpu.memory_space<vmem_shared>>) target(%dma_start3A_101 : memref<128x32xf32, #tpu.memory_space<vmem>>) offsets(%dma_start3A_104 : memref<128xi32, #tpu.memory_space<vmem>>) semaphore(%arg17 : memref<!tpu.dma_semaphore, #tpu.memory_space<semaphore_mem>>)
    %dma_start3A_108 = arith.constant 10 : i32
    %dma_start3A_109 = arith.constant 256 : i32
    %dma_start3A_110 = arith.constant 0 : i32
    %dma_start3A_111 = tpu.memref_slice %arg11[%dma_start3A_109, %dma_start3A_110] : memref<512x32xf32, #tpu.memory_space<vmem>> -> memref<128x32xf32, #tpu.memory_space<vmem>>
    %dma_start3A_112 = arith.constant 0 : i32
    %dma_start3A_113 = tpu.memref_slice %arg7[%dma_start3A_108, %dma_start3A_112] : memref<96x128xi32, #tpu.memory_space<vmem>> -> memref<1x128xi32, #tpu.memory_space<vmem>>
    %dma_start3A_114 = tpu.memref_squeeze %dma_start3A_113 : memref<1x128xi32, #tpu.memory_space<vmem>> -> memref<128xi32, #tpu.memory_space<vmem>>
    %dma_start3A_115 = arith.constant 0 : i32
    %dma_start3A_116 = arith.constant 0 : i32
    %dma_start3A_117 = tpu.memref_slice %arg14[%dma_start3A_115, %dma_start3A_116] : memref<10112x32xf32, #tpu.memory_space<vmem_shared>> -> memref<10112x32xf32, #tpu.memory_space<vmem_shared>>
    tpu.enqueue_indirect_dma source(%dma_start3A_117 : memref<10112x32xf32, #tpu.memory_space<vmem_shared>>) target(%dma_start3A_111 : memref<128x32xf32, #tpu.memory_space<vmem>>) offsets(%dma_start3A_114 : memref<128xi32, #tpu.memory_space<vmem>>) semaphore(%arg17 : memref<!tpu.dma_semaphore, #tpu.memory_space<semaphore_mem>>)
    %dma_start3A_118 = arith.constant 11 : i32
    %dma_start3A_119 = arith.constant 384 : i32
    %dma_start3A_120 = arith.constant 0 : i32
    %dma_start3A_121 = tpu.memref_slice %arg11[%dma_start3A_119, %dma_start3A_120] : memref<512x32xf32, #tpu.memory_space<vmem>> -> memref<128x32xf32, #tpu.memory_space<vmem>>
    %dma_start3A_122 = arith.constant 0 : i32
    %dma_start3A_123 = tpu.memref_slice %arg7[%dma_start3A_118, %dma_start3A_122] : memref<96x128xi32, #tpu.memory_space<vmem>> -> memref<1x128xi32, #tpu.memory_space<vmem>>
    %dma_start3A_124 = tpu.memref_squeeze %dma_start3A_123 : memref<1x128xi32, #tpu.memory_space<vmem>> -> memref<128xi32, #tpu.memory_space<vmem>>
    %dma_start3A_125 = arith.constant 0 : i32
    %dma_start3A_126 = arith.constant 0 : i32
    %dma_start3A_127 = tpu.memref_slice %arg14[%dma_start3A_125, %dma_start3A_126] : memref<10112x32xf32, #tpu.memory_space<vmem_shared>> -> memref<10112x32xf32, #tpu.memory_space<vmem_shared>>
    tpu.enqueue_indirect_dma source(%dma_start3A_127 : memref<10112x32xf32, #tpu.memory_space<vmem_shared>>) target(%dma_start3A_121 : memref<128x32xf32, #tpu.memory_space<vmem>>) offsets(%dma_start3A_124 : memref<128xi32, #tpu.memory_space<vmem>>) semaphore(%arg17 : memref<!tpu.dma_semaphore, #tpu.memory_space<semaphore_mem>>)
    %scan3A = arith.constant 0 : i32
    %scan3A_128 = arith.constant 0 : i32
    %scan3A_129 = arith.constant 6 : i32
    %scan3A_130 = arith.addi %scan3A_128, %scan3A_129 : i32
    %scan3A_131 = arith.constant 1 : i32
    scf.for %scan3A_161 = %scan3A_128 to %scan3A_130 step %scan3A_131  : i32 {
      %mul3A_162 = arith.constant 4 : i32
      %mul3A_163 = arith.muli %mul3A_162, %scan3A_161 : i32
      %add3A_164 = arith.constant 0 : i32
      %add3A_165 = arith.addi %mul3A_163, %add3A_164 : i32
      %add3A_166 = arith.constant 4 : i32
      %add3A_167 = arith.addi %add3A_165, %add3A_166 : i32
      %sub3A = arith.constant 1 : i32
      %sub3A_168 = arith.subi %add3A_167, %sub3A : i32
      %lt3A = arith.constant 24 : i32
      %lt3A_169 = arith.cmpi slt, %sub3A_168, %lt3A : i32
      %convert_element_type3A = arith.extui %lt3A_169 : i1 to i32
      %cond3A = arith.constant 0 : i32
      %cond3A_170 = arith.cmpi ne, %convert_element_type3A, %cond3A : i32
      scf.if %cond3A_170 {
        %gt3A = arith.constant 0 : i32
        %gt3A_442 = arith.cmpi sgt, %scan3A_161, %gt3A : i32
        %convert_element_type3A_443 = arith.extui %gt3A_442 : i1 to i32
        %cond3A_444 = arith.constant 0 : i32
        %cond3A_445 = arith.cmpi ne, %convert_element_type3A_443, %cond3A_444 : i32
        scf.if %cond3A_445 {
          %dma_wait3A_502 = arith.constant 0 : i32
          %dma_wait3A_503 = arith.constant 0 : i32
          %dma_wait3A_504 = tpu.memref_slice %arg4[%dma_wait3A_502, %dma_wait3A_503] : memref<10112x32xf32, #tpu.memory_space<hbm>> -> memref<512x32xf32, #tpu.memory_space<hbm>>
          %dma_wait3A_505 = arith.constant 0 : i32
          %dma_wait3A_506 = arith.constant 0 : i32
          %dma_wait3A_507 = tpu.memref_slice %arg4[%dma_wait3A_505, %dma_wait3A_506] : memref<10112x32xf32, #tpu.memory_space<hbm>> -> memref<512x32xf32, #tpu.memory_space<hbm>>
          tpu.wait_dma2 semaphore(%arg22 : memref<!tpu.dma_semaphore, #tpu.memory_space<semaphore_mem>>) src(%dma_wait3A_507 : memref<512x32xf32, #tpu.memory_space<hbm>>) dst(%arg12 : memref<512x32xf32, #tpu.memory_space<vmem>>)
        } else {
        }
        %add3A_446 = arith.constant 4 : i32
        %add3A_447 = arith.addi %add3A_165, %add3A_446 : i32
        %sub3A_448 = arith.constant 1 : i32
        %sub3A_449 = arith.subi %add3A_447, %sub3A_448 : i32
        %mul3A_450 = arith.constant 4 : i32
        %mul3A_451 = arith.muli %sub3A_449, %mul3A_450 : i32
        %add3A_452 = arith.constant 0 : i32
        %add3A_453 = arith.addi %mul3A_451, %add3A_452 : i32
        %dma_start3A_454 = arith.constant 0 : i32
        %dma_start3A_455 = arith.constant 0 : i32
        %dma_start3A_456 = tpu.memref_slice %arg12[%dma_start3A_454, %dma_start3A_455] : memref<512x32xf32, #tpu.memory_space<vmem>> -> memref<128x32xf32, #tpu.memory_space<vmem>>
        %dma_start3A_457 = arith.constant 0 : i32
        %dma_start3A_458 = tpu.memref_slice %arg7[%add3A_453, %dma_start3A_457] : memref<96x128xi32, #tpu.memory_space<vmem>> -> memref<1x128xi32, #tpu.memory_space<vmem>>
        %dma_start3A_459 = tpu.memref_squeeze %dma_start3A_458 : memref<1x128xi32, #tpu.memory_space<vmem>> -> memref<128xi32, #tpu.memory_space<vmem>>
        %dma_start3A_460 = arith.constant 0 : i32
        %dma_start3A_461 = arith.constant 0 : i32
        %dma_start3A_462 = tpu.memref_slice %arg14[%dma_start3A_460, %dma_start3A_461] : memref<10112x32xf32, #tpu.memory_space<vmem_shared>> -> memref<10112x32xf32, #tpu.memory_space<vmem_shared>>
        tpu.enqueue_indirect_dma source(%dma_start3A_462 : memref<10112x32xf32, #tpu.memory_space<vmem_shared>>) target(%dma_start3A_456 : memref<128x32xf32, #tpu.memory_space<vmem>>) offsets(%dma_start3A_459 : memref<128xi32, #tpu.memory_space<vmem>>) semaphore(%arg18 : memref<!tpu.dma_semaphore, #tpu.memory_space<semaphore_mem>>)
        %mul3A_463 = arith.constant 4 : i32
        %mul3A_464 = arith.muli %sub3A_449, %mul3A_463 : i32
        %add3A_465 = arith.constant 1 : i32
        %add3A_466 = arith.addi %mul3A_464, %add3A_465 : i32
        %dma_start3A_467 = arith.constant 128 : i32
        %dma_start3A_468 = arith.constant 0 : i32
        %dma_start3A_469 = tpu.memref_slice %arg12[%dma_start3A_467, %dma_start3A_468] : memref<512x32xf32, #tpu.memory_space<vmem>> -> memref<128x32xf32, #tpu.memory_space<vmem>>
        %dma_start3A_470 = arith.constant 0 : i32
        %dma_start3A_471 = tpu.memref_slice %arg7[%add3A_466, %dma_start3A_470] : memref<96x128xi32, #tpu.memory_space<vmem>> -> memref<1x128xi32, #tpu.memory_space<vmem>>
        %dma_start3A_472 = tpu.memref_squeeze %dma_start3A_471 : memref<1x128xi32, #tpu.memory_space<vmem>> -> memref<128xi32, #tpu.memory_space<vmem>>
        %dma_start3A_473 = arith.constant 0 : i32
        %dma_start3A_474 = arith.constant 0 : i32
        %dma_start3A_475 = tpu.memref_slice %arg14[%dma_start3A_473, %dma_start3A_474] : memref<10112x32xf32, #tpu.memory_space<vmem_shared>> -> memref<10112x32xf32, #tpu.memory_space<vmem_shared>>
        tpu.enqueue_indirect_dma source(%dma_start3A_475 : memref<10112x32xf32, #tpu.memory_space<vmem_shared>>) target(%dma_start3A_469 : memref<128x32xf32, #tpu.memory_space<vmem>>) offsets(%dma_start3A_472 : memref<128xi32, #tpu.memory_space<vmem>>) semaphore(%arg18 : memref<!tpu.dma_semaphore, #tpu.memory_space<semaphore_mem>>)
        %mul3A_476 = arith.constant 4 : i32
        %mul3A_477 = arith.muli %sub3A_449, %mul3A_476 : i32
        %add3A_478 = arith.constant 2 : i32
        %add3A_479 = arith.addi %mul3A_477, %add3A_478 : i32
        %dma_start3A_480 = arith.constant 256 : i32
        %dma_start3A_481 = arith.constant 0 : i32
        %dma_start3A_482 = tpu.memref_slice %arg12[%dma_start3A_480, %dma_start3A_481] : memref<512x32xf32, #tpu.memory_space<vmem>> -> memref<128x32xf32, #tpu.memory_space<vmem>>
        %dma_start3A_483 = arith.constant 0 : i32
        %dma_start3A_484 = tpu.memref_slice %arg7[%add3A_479, %dma_start3A_483] : memref<96x128xi32, #tpu.memory_space<vmem>> -> memref<1x128xi32, #tpu.memory_space<vmem>>
        %dma_start3A_485 = tpu.memref_squeeze %dma_start3A_484 : memref<1x128xi32, #tpu.memory_space<vmem>> -> memref<128xi32, #tpu.memory_space<vmem>>
        %dma_start3A_486 = arith.constant 0 : i32
        %dma_start3A_487 = arith.constant 0 : i32
        %dma_start3A_488 = tpu.memref_slice %arg14[%dma_start3A_486, %dma_start3A_487] : memref<10112x32xf32, #tpu.memory_space<vmem_shared>> -> memref<10112x32xf32, #tpu.memory_space<vmem_shared>>
        tpu.enqueue_indirect_dma source(%dma_start3A_488 : memref<10112x32xf32, #tpu.memory_space<vmem_shared>>) target(%dma_start3A_482 : memref<128x32xf32, #tpu.memory_space<vmem>>) offsets(%dma_start3A_485 : memref<128xi32, #tpu.memory_space<vmem>>) semaphore(%arg18 : memref<!tpu.dma_semaphore, #tpu.memory_space<semaphore_mem>>)
        %mul3A_489 = arith.constant 4 : i32
        %mul3A_490 = arith.muli %sub3A_449, %mul3A_489 : i32
        %add3A_491 = arith.constant 3 : i32
        %add3A_492 = arith.addi %mul3A_490, %add3A_491 : i32
        %dma_start3A_493 = arith.constant 384 : i32
        %dma_start3A_494 = arith.constant 0 : i32
        %dma_start3A_495 = tpu.memref_slice %arg12[%dma_start3A_493, %dma_start3A_494] : memref<512x32xf32, #tpu.memory_space<vmem>> -> memref<128x32xf32, #tpu.memory_space<vmem>>
        %dma_start3A_496 = arith.constant 0 : i32
        %dma_start3A_497 = tpu.memref_slice %arg7[%add3A_492, %dma_start3A_496] : memref<96x128xi32, #tpu.memory_space<vmem>> -> memref<1x128xi32, #tpu.memory_space<vmem>>
        %dma_start3A_498 = tpu.memref_squeeze %dma_start3A_497 : memref<1x128xi32, #tpu.memory_space<vmem>> -> memref<128xi32, #tpu.memory_space<vmem>>
        %dma_start3A_499 = arith.constant 0 : i32
        %dma_start3A_500 = arith.constant 0 : i32
        %dma_start3A_501 = tpu.memref_slice %arg14[%dma_start3A_499, %dma_start3A_500] : memref<10112x32xf32, #tpu.memory_space<vmem_shared>> -> memref<10112x32xf32, #tpu.memory_space<vmem_shared>>
        tpu.enqueue_indirect_dma source(%dma_start3A_501 : memref<10112x32xf32, #tpu.memory_space<vmem_shared>>) target(%dma_start3A_495 : memref<128x32xf32, #tpu.memory_space<vmem>>) offsets(%dma_start3A_498 : memref<128xi32, #tpu.memory_space<vmem>>) semaphore(%arg18 : memref<!tpu.dma_semaphore, #tpu.memory_space<semaphore_mem>>)
      } else {
      }
      %dma_wait3A_171 = arith.constant 0 : i32
      %dma_wait3A_172 = arith.constant 0 : i32
      %dma_wait3A_173 = tpu.memref_slice %arg4[%dma_wait3A_171, %dma_wait3A_172] : memref<10112x32xf32, #tpu.memory_space<hbm>> -> memref<512x32xf32, #tpu.memory_space<hbm>>
      %dma_wait3A_174 = arith.constant 0 : i32
      %dma_wait3A_175 = arith.constant 0 : i32
      %dma_wait3A_176 = tpu.memref_slice %arg4[%dma_wait3A_174, %dma_wait3A_175] : memref<10112x32xf32, #tpu.memory_space<hbm>> -> memref<512x32xf32, #tpu.memory_space<hbm>>
      tpu.wait_dma2 semaphore(%arg15 : memref<!tpu.dma_semaphore, #tpu.memory_space<semaphore_mem>>) src(%dma_wait3A_176 : memref<512x32xf32, #tpu.memory_space<hbm>>) dst(%arg9 : memref<512x32xf32, #tpu.memory_space<vmem>>)
      %mul3A_177 = arith.constant 4 : i32
      %mul3A_178 = arith.muli %add3A_165, %mul3A_177 : i32
      %add3A_179 = arith.constant 0 : i32
      %add3A_180 = arith.addi %mul3A_178, %add3A_179 : i32
      %dma_start3A_181 = arith.constant 0 : i32
      %dma_start3A_182 = arith.constant 0 : i32
      %dma_start3A_183 = tpu.memref_slice %arg9[%dma_start3A_181, %dma_start3A_182] : memref<512x32xf32, #tpu.memory_space<vmem>> -> memref<128x32xf32, #tpu.memory_space<vmem>>
      %dma_start3A_184 = arith.constant 0 : i32
      %dma_start3A_185 = tpu.memref_slice %arg8[%add3A_180, %dma_start3A_184] : memref<96x128xi32, #tpu.memory_space<vmem>> -> memref<1x128xi32, #tpu.memory_space<vmem>>
      %dma_start3A_186 = tpu.memref_squeeze %dma_start3A_185 : memref<1x128xi32, #tpu.memory_space<vmem>> -> memref<128xi32, #tpu.memory_space<vmem>>
      %dma_start3A_187 = arith.constant 0 : i32
      %dma_start3A_188 = arith.constant 0 : i32
      %dma_start3A_189 = tpu.memref_slice %arg13[%dma_start3A_187, %dma_start3A_188] : memref<10112x32xf32, #tpu.memory_space<vmem_shared>> -> memref<10112x32xf32, #tpu.memory_space<vmem_shared>>
      tpu.enqueue_indirect_dma source(%dma_start3A_183 : memref<128x32xf32, #tpu.memory_space<vmem>>) target(%dma_start3A_189 : memref<10112x32xf32, #tpu.memory_space<vmem_shared>>) offsets(%dma_start3A_186 : memref<128xi32, #tpu.memory_space<vmem>>) semaphore(%arg19 : memref<!tpu.dma_semaphore, #tpu.memory_space<semaphore_mem>>) {add = true}
      %mul3A_190 = arith.constant 4 : i32
      %mul3A_191 = arith.muli %add3A_165, %mul3A_190 : i32
      %add3A_192 = arith.constant 1 : i32
      %add3A_193 = arith.addi %mul3A_191, %add3A_192 : i32
      %dma_start3A_194 = arith.constant 128 : i32
      %dma_start3A_195 = arith.constant 0 : i32
      %dma_start3A_196 = tpu.memref_slice %arg9[%dma_start3A_194, %dma_start3A_195] : memref<512x32xf32, #tpu.memory_space<vmem>> -> memref<128x32xf32, #tpu.memory_space<vmem>>
      %dma_start3A_197 = arith.constant 0 : i32
      %dma_start3A_198 = tpu.memref_slice %arg8[%add3A_193, %dma_start3A_197] : memref<96x128xi32, #tpu.memory_space<vmem>> -> memref<1x128xi32, #tpu.memory_space<vmem>>
      %dma_start3A_199 = tpu.memref_squeeze %dma_start3A_198 : memref<1x128xi32, #tpu.memory_space<vmem>> -> memref<128xi32, #tpu.memory_space<vmem>>
      %dma_start3A_200 = arith.constant 0 : i32
      %dma_start3A_201 = arith.constant 0 : i32
      %dma_start3A_202 = tpu.memref_slice %arg13[%dma_start3A_200, %dma_start3A_201] : memref<10112x32xf32, #tpu.memory_space<vmem_shared>> -> memref<10112x32xf32, #tpu.memory_space<vmem_shared>>
      tpu.enqueue_indirect_dma source(%dma_start3A_196 : memref<128x32xf32, #tpu.memory_space<vmem>>) target(%dma_start3A_202 : memref<10112x32xf32, #tpu.memory_space<vmem_shared>>) offsets(%dma_start3A_199 : memref<128xi32, #tpu.memory_space<vmem>>) semaphore(%arg19 : memref<!tpu.dma_semaphore, #tpu.memory_space<semaphore_mem>>) {add = true}
      %mul3A_203 = arith.constant 4 : i32
      %mul3A_204 = arith.muli %add3A_165, %mul3A_203 : i32
      %add3A_205 = arith.constant 2 : i32
      %add3A_206 = arith.addi %mul3A_204, %add3A_205 : i32
      %dma_start3A_207 = arith.constant 256 : i32
      %dma_start3A_208 = arith.constant 0 : i32
      %dma_start3A_209 = tpu.memref_slice %arg9[%dma_start3A_207, %dma_start3A_208] : memref<512x32xf32, #tpu.memory_space<vmem>> -> memref<128x32xf32, #tpu.memory_space<vmem>>
      %dma_start3A_210 = arith.constant 0 : i32
      %dma_start3A_211 = tpu.memref_slice %arg8[%add3A_206, %dma_start3A_210] : memref<96x128xi32, #tpu.memory_space<vmem>> -> memref<1x128xi32, #tpu.memory_space<vmem>>
      %dma_start3A_212 = tpu.memref_squeeze %dma_start3A_211 : memref<1x128xi32, #tpu.memory_space<vmem>> -> memref<128xi32, #tpu.memory_space<vmem>>
      %dma_start3A_213 = arith.constant 0 : i32
      %dma_start3A_214 = arith.constant 0 : i32
      %dma_start3A_215 = tpu.memref_slice %arg13[%dma_start3A_213, %dma_start3A_214] : memref<10112x32xf32, #tpu.memory_space<vmem_shared>> -> memref<10112x32xf32, #tpu.memory_space<vmem_shared>>
      tpu.enqueue_indirect_dma source(%dma_start3A_209 : memref<128x32xf32, #tpu.memory_space<vmem>>) target(%dma_start3A_215 : memref<10112x32xf32, #tpu.memory_space<vmem_shared>>) offsets(%dma_start3A_212 : memref<128xi32, #tpu.memory_space<vmem>>) semaphore(%arg19 : memref<!tpu.dma_semaphore, #tpu.memory_space<semaphore_mem>>) {add = true}
      %mul3A_216 = arith.constant 4 : i32
      %mul3A_217 = arith.muli %add3A_165, %mul3A_216 : i32
      %add3A_218 = arith.constant 3 : i32
      %add3A_219 = arith.addi %mul3A_217, %add3A_218 : i32
      %dma_start3A_220 = arith.constant 384 : i32
      %dma_start3A_221 = arith.constant 0 : i32
      %dma_start3A_222 = tpu.memref_slice %arg9[%dma_start3A_220, %dma_start3A_221] : memref<512x32xf32, #tpu.memory_space<vmem>> -> memref<128x32xf32, #tpu.memory_space<vmem>>
      %dma_start3A_223 = arith.constant 0 : i32
      %dma_start3A_224 = tpu.memref_slice %arg8[%add3A_219, %dma_start3A_223] : memref<96x128xi32, #tpu.memory_space<vmem>> -> memref<1x128xi32, #tpu.memory_space<vmem>>
      %dma_start3A_225 = tpu.memref_squeeze %dma_start3A_224 : memref<1x128xi32, #tpu.memory_space<vmem>> -> memref<128xi32, #tpu.memory_space<vmem>>
      %dma_start3A_226 = arith.constant 0 : i32
      %dma_start3A_227 = arith.constant 0 : i32
      %dma_start3A_228 = tpu.memref_slice %arg13[%dma_start3A_226, %dma_start3A_227] : memref<10112x32xf32, #tpu.memory_space<vmem_shared>> -> memref<10112x32xf32, #tpu.memory_space<vmem_shared>>
      tpu.enqueue_indirect_dma source(%dma_start3A_222 : memref<128x32xf32, #tpu.memory_space<vmem>>) target(%dma_start3A_228 : memref<10112x32xf32, #tpu.memory_space<vmem_shared>>) offsets(%dma_start3A_225 : memref<128xi32, #tpu.memory_space<vmem>>) semaphore(%arg19 : memref<!tpu.dma_semaphore, #tpu.memory_space<semaphore_mem>>) {add = true}
      %mul3A_229 = arith.constant 4 : i32
      %mul3A_230 = arith.muli %mul3A_229, %scan3A_161 : i32
      %add3A_231 = arith.constant 1 : i32
      %add3A_232 = arith.addi %mul3A_230, %add3A_231 : i32
      %add3A_233 = arith.constant 4 : i32
      %add3A_234 = arith.addi %add3A_232, %add3A_233 : i32
      %sub3A_235 = arith.constant 1 : i32
      %sub3A_236 = arith.subi %add3A_234, %sub3A_235 : i32
      %lt3A_237 = arith.constant 24 : i32
      %lt3A_238 = arith.cmpi slt, %sub3A_236, %lt3A_237 : i32
      %convert_element_type3A_239 = arith.extui %lt3A_238 : i1 to i32
      %cond3A_240 = arith.constant 0 : i32
      %cond3A_241 = arith.cmpi ne, %convert_element_type3A_239, %cond3A_240 : i32
      scf.if %cond3A_241 {
        %dma_wait3A_442 = arith.constant 0 : i32
        %dma_wait3A_443 = arith.constant 0 : i32
        %dma_wait3A_444 = tpu.memref_slice %arg4[%dma_wait3A_442, %dma_wait3A_443] : memref<10112x32xf32, #tpu.memory_space<hbm>> -> memref<512x32xf32, #tpu.memory_space<hbm>>
        %dma_wait3A_445 = arith.constant 0 : i32
        %dma_wait3A_446 = arith.constant 0 : i32
        %dma_wait3A_447 = tpu.memref_slice %arg4[%dma_wait3A_445, %dma_wait3A_446] : memref<10112x32xf32, #tpu.memory_space<hbm>> -> memref<512x32xf32, #tpu.memory_space<hbm>>
        tpu.wait_dma2 semaphore(%arg19 : memref<!tpu.dma_semaphore, #tpu.memory_space<semaphore_mem>>) src(%dma_wait3A_447 : memref<512x32xf32, #tpu.memory_space<hbm>>) dst(%arg9 : memref<512x32xf32, #tpu.memory_space<vmem>>)
        %add3A_448 = arith.constant 4 : i32
        %add3A_449 = arith.addi %add3A_232, %add3A_448 : i32
        %sub3A_450 = arith.constant 1 : i32
        %sub3A_451 = arith.subi %add3A_449, %sub3A_450 : i32
        %mul3A_452 = arith.constant 4 : i32
        %mul3A_453 = arith.muli %sub3A_451, %mul3A_452 : i32
        %add3A_454 = arith.constant 0 : i32
        %add3A_455 = arith.addi %mul3A_453, %add3A_454 : i32
        %dma_start3A_456 = arith.constant 0 : i32
        %dma_start3A_457 = arith.constant 0 : i32
        %dma_start3A_458 = tpu.memref_slice %arg9[%dma_start3A_456, %dma_start3A_457] : memref<512x32xf32, #tpu.memory_space<vmem>> -> memref<128x32xf32, #tpu.memory_space<vmem>>
        %dma_start3A_459 = arith.constant 0 : i32
        %dma_start3A_460 = tpu.memref_slice %arg7[%add3A_455, %dma_start3A_459] : memref<96x128xi32, #tpu.memory_space<vmem>> -> memref<1x128xi32, #tpu.memory_space<vmem>>
        %dma_start3A_461 = tpu.memref_squeeze %dma_start3A_460 : memref<1x128xi32, #tpu.memory_space<vmem>> -> memref<128xi32, #tpu.memory_space<vmem>>
        %dma_start3A_462 = arith.constant 0 : i32
        %dma_start3A_463 = arith.constant 0 : i32
        %dma_start3A_464 = tpu.memref_slice %arg14[%dma_start3A_462, %dma_start3A_463] : memref<10112x32xf32, #tpu.memory_space<vmem_shared>> -> memref<10112x32xf32, #tpu.memory_space<vmem_shared>>
        tpu.enqueue_indirect_dma source(%dma_start3A_464 : memref<10112x32xf32, #tpu.memory_space<vmem_shared>>) target(%dma_start3A_458 : memref<128x32xf32, #tpu.memory_space<vmem>>) offsets(%dma_start3A_461 : memref<128xi32, #tpu.memory_space<vmem>>) semaphore(%arg15 : memref<!tpu.dma_semaphore, #tpu.memory_space<semaphore_mem>>)
        %mul3A_465 = arith.constant 4 : i32
        %mul3A_466 = arith.muli %sub3A_451, %mul3A_465 : i32
        %add3A_467 = arith.constant 1 : i32
        %add3A_468 = arith.addi %mul3A_466, %add3A_467 : i32
        %dma_start3A_469 = arith.constant 128 : i32
        %dma_start3A_470 = arith.constant 0 : i32
        %dma_start3A_471 = tpu.memref_slice %arg9[%dma_start3A_469, %dma_start3A_470] : memref<512x32xf32, #tpu.memory_space<vmem>> -> memref<128x32xf32, #tpu.memory_space<vmem>>
        %dma_start3A_472 = arith.constant 0 : i32
        %dma_start3A_473 = tpu.memref_slice %arg7[%add3A_468, %dma_start3A_472] : memref<96x128xi32, #tpu.memory_space<vmem>> -> memref<1x128xi32, #tpu.memory_space<vmem>>
        %dma_start3A_474 = tpu.memref_squeeze %dma_start3A_473 : memref<1x128xi32, #tpu.memory_space<vmem>> -> memref<128xi32, #tpu.memory_space<vmem>>
        %dma_start3A_475 = arith.constant 0 : i32
        %dma_start3A_476 = arith.constant 0 : i32
        %dma_start3A_477 = tpu.memref_slice %arg14[%dma_start3A_475, %dma_start3A_476] : memref<10112x32xf32, #tpu.memory_space<vmem_shared>> -> memref<10112x32xf32, #tpu.memory_space<vmem_shared>>
        tpu.enqueue_indirect_dma source(%dma_start3A_477 : memref<10112x32xf32, #tpu.memory_space<vmem_shared>>) target(%dma_start3A_471 : memref<128x32xf32, #tpu.memory_space<vmem>>) offsets(%dma_start3A_474 : memref<128xi32, #tpu.memory_space<vmem>>) semaphore(%arg15 : memref<!tpu.dma_semaphore, #tpu.memory_space<semaphore_mem>>)
        %mul3A_478 = arith.constant 4 : i32
        %mul3A_479 = arith.muli %sub3A_451, %mul3A_478 : i32
        %add3A_480 = arith.constant 2 : i32
        %add3A_481 = arith.addi %mul3A_479, %add3A_480 : i32
        %dma_start3A_482 = arith.constant 256 : i32
        %dma_start3A_483 = arith.constant 0 : i32
        %dma_start3A_484 = tpu.memref_slice %arg9[%dma_start3A_482, %dma_start3A_483] : memref<512x32xf32, #tpu.memory_space<vmem>> -> memref<128x32xf32, #tpu.memory_space<vmem>>
        %dma_start3A_485 = arith.constant 0 : i32
        %dma_start3A_486 = tpu.memref_slice %arg7[%add3A_481, %dma_start3A_485] : memref<96x128xi32, #tpu.memory_space<vmem>> -> memref<1x128xi32, #tpu.memory_space<vmem>>
        %dma_start3A_487 = tpu.memref_squeeze %dma_start3A_486 : memref<1x128xi32, #tpu.memory_space<vmem>> -> memref<128xi32, #tpu.memory_space<vmem>>
        %dma_start3A_488 = arith.constant 0 : i32
        %dma_start3A_489 = arith.constant 0 : i32
        %dma_start3A_490 = tpu.memref_slice %arg14[%dma_start3A_488, %dma_start3A_489] : memref<10112x32xf32, #tpu.memory_space<vmem_shared>> -> memref<10112x32xf32, #tpu.memory_space<vmem_shared>>
        tpu.enqueue_indirect_dma source(%dma_start3A_490 : memref<10112x32xf32, #tpu.memory_space<vmem_shared>>) target(%dma_start3A_484 : memref<128x32xf32, #tpu.memory_space<vmem>>) offsets(%dma_start3A_487 : memref<128xi32, #tpu.memory_space<vmem>>) semaphore(%arg15 : memref<!tpu.dma_semaphore, #tpu.memory_space<semaphore_mem>>)
        %mul3A_491 = arith.constant 4 : i32
        %mul3A_492 = arith.muli %sub3A_451, %mul3A_491 : i32
        %add3A_493 = arith.constant 3 : i32
        %add3A_494 = arith.addi %mul3A_492, %add3A_493 : i32
        %dma_start3A_495 = arith.constant 384 : i32
        %dma_start3A_496 = arith.constant 0 : i32
        %dma_start3A_497 = tpu.memref_slice %arg9[%dma_start3A_495, %dma_start3A_496] : memref<512x32xf32, #tpu.memory_space<vmem>> -> memref<128x32xf32, #tpu.memory_space<vmem>>
        %dma_start3A_498 = arith.constant 0 : i32
        %dma_start3A_499 = tpu.memref_slice %arg7[%add3A_494, %dma_start3A_498] : memref<96x128xi32, #tpu.memory_space<vmem>> -> memref<1x128xi32, #tpu.memory_space<vmem>>
        %dma_start3A_500 = tpu.memref_squeeze %dma_start3A_499 : memref<1x128xi32, #tpu.memory_space<vmem>> -> memref<128xi32, #tpu.memory_space<vmem>>
        %dma_start3A_501 = arith.constant 0 : i32
        %dma_start3A_502 = arith.constant 0 : i32
        %dma_start3A_503 = tpu.memref_slice %arg14[%dma_start3A_501, %dma_start3A_502] : memref<10112x32xf32, #tpu.memory_space<vmem_shared>> -> memref<10112x32xf32, #tpu.memory_space<vmem_shared>>
        tpu.enqueue_indirect_dma source(%dma_start3A_503 : memref<10112x32xf32, #tpu.memory_space<vmem_shared>>) target(%dma_start3A_497 : memref<128x32xf32, #tpu.memory_space<vmem>>) offsets(%dma_start3A_500 : memref<128xi32, #tpu.memory_space<vmem>>) semaphore(%arg15 : memref<!tpu.dma_semaphore, #tpu.memory_space<semaphore_mem>>)
      } else {
      }
      %dma_wait3A_242 = arith.constant 0 : i32
      %dma_wait3A_243 = arith.constant 0 : i32
      %dma_wait3A_244 = tpu.memref_slice %arg4[%dma_wait3A_242, %dma_wait3A_243] : memref<10112x32xf32, #tpu.memory_space<hbm>> -> memref<512x32xf32, #tpu.memory_space<hbm>>
      %dma_wait3A_245 = arith.constant 0 : i32
      %dma_wait3A_246 = arith.constant 0 : i32
      %dma_wait3A_247 = tpu.memref_slice %arg4[%dma_wait3A_245, %dma_wait3A_246] : memref<10112x32xf32, #tpu.memory_space<hbm>> -> memref<512x32xf32, #tpu.memory_space<hbm>>
      tpu.wait_dma2 semaphore(%arg16 : memref<!tpu.dma_semaphore, #tpu.memory_space<semaphore_mem>>) src(%dma_wait3A_247 : memref<512x32xf32, #tpu.memory_space<hbm>>) dst(%arg10 : memref<512x32xf32, #tpu.memory_space<vmem>>)
      %mul3A_248 = arith.constant 4 : i32
      %mul3A_249 = arith.muli %add3A_232, %mul3A_248 : i32
      %add3A_250 = arith.constant 0 : i32
      %add3A_251 = arith.addi %mul3A_249, %add3A_250 : i32
      %dma_start3A_252 = arith.constant 0 : i32
      %dma_start3A_253 = arith.constant 0 : i32
      %dma_start3A_254 = tpu.memref_slice %arg10[%dma_start3A_252, %dma_start3A_253] : memref<512x32xf32, #tpu.memory_space<vmem>> -> memref<128x32xf32, #tpu.memory_space<vmem>>
      %dma_start3A_255 = arith.constant 0 : i32
      %dma_start3A_256 = tpu.memref_slice %arg8[%add3A_251, %dma_start3A_255] : memref<96x128xi32, #tpu.memory_space<vmem>> -> memref<1x128xi32, #tpu.memory_space<vmem>>
      %dma_start3A_257 = tpu.memref_squeeze %dma_start3A_256 : memref<1x128xi32, #tpu.memory_space<vmem>> -> memref<128xi32, #tpu.memory_space<vmem>>
      %dma_start3A_258 = arith.constant 0 : i32
      %dma_start3A_259 = arith.constant 0 : i32
      %dma_start3A_260 = tpu.memref_slice %arg13[%dma_start3A_258, %dma_start3A_259] : memref<10112x32xf32, #tpu.memory_space<vmem_shared>> -> memref<10112x32xf32, #tpu.memory_space<vmem_shared>>
      tpu.enqueue_indirect_dma source(%dma_start3A_254 : memref<128x32xf32, #tpu.memory_space<vmem>>) target(%dma_start3A_260 : memref<10112x32xf32, #tpu.memory_space<vmem_shared>>) offsets(%dma_start3A_257 : memref<128xi32, #tpu.memory_space<vmem>>) semaphore(%arg20 : memref<!tpu.dma_semaphore, #tpu.memory_space<semaphore_mem>>) {add = true}
      %mul3A_261 = arith.constant 4 : i32
      %mul3A_262 = arith.muli %add3A_232, %mul3A_261 : i32
      %add3A_263 = arith.constant 1 : i32
      %add3A_264 = arith.addi %mul3A_262, %add3A_263 : i32
      %dma_start3A_265 = arith.constant 128 : i32
      %dma_start3A_266 = arith.constant 0 : i32
      %dma_start3A_267 = tpu.memref_slice %arg10[%dma_start3A_265, %dma_start3A_266] : memref<512x32xf32, #tpu.memory_space<vmem>> -> memref<128x32xf32, #tpu.memory_space<vmem>>
      %dma_start3A_268 = arith.constant 0 : i32
      %dma_start3A_269 = tpu.memref_slice %arg8[%add3A_264, %dma_start3A_268] : memref<96x128xi32, #tpu.memory_space<vmem>> -> memref<1x128xi32, #tpu.memory_space<vmem>>
      %dma_start3A_270 = tpu.memref_squeeze %dma_start3A_269 : memref<1x128xi32, #tpu.memory_space<vmem>> -> memref<128xi32, #tpu.memory_space<vmem>>
      %dma_start3A_271 = arith.constant 0 : i32
      %dma_start3A_272 = arith.constant 0 : i32
      %dma_start3A_273 = tpu.memref_slice %arg13[%dma_start3A_271, %dma_start3A_272] : memref<10112x32xf32, #tpu.memory_space<vmem_shared>> -> memref<10112x32xf32, #tpu.memory_space<vmem_shared>>
      tpu.enqueue_indirect_dma source(%dma_start3A_267 : memref<128x32xf32, #tpu.memory_space<vmem>>) target(%dma_start3A_273 : memref<10112x32xf32, #tpu.memory_space<vmem_shared>>) offsets(%dma_start3A_270 : memref<128xi32, #tpu.memory_space<vmem>>) semaphore(%arg20 : memref<!tpu.dma_semaphore, #tpu.memory_space<semaphore_mem>>) {add = true}
      %mul3A_274 = arith.constant 4 : i32
      %mul3A_275 = arith.muli %add3A_232, %mul3A_274 : i32
      %add3A_276 = arith.constant 2 : i32
      %add3A_277 = arith.addi %mul3A_275, %add3A_276 : i32
      %dma_start3A_278 = arith.constant 256 : i32
      %dma_start3A_279 = arith.constant 0 : i32
      %dma_start3A_280 = tpu.memref_slice %arg10[%dma_start3A_278, %dma_start3A_279] : memref<512x32xf32, #tpu.memory_space<vmem>> -> memref<128x32xf32, #tpu.memory_space<vmem>>
      %dma_start3A_281 = arith.constant 0 : i32
      %dma_start3A_282 = tpu.memref_slice %arg8[%add3A_277, %dma_start3A_281] : memref<96x128xi32, #tpu.memory_space<vmem>> -> memref<1x128xi32, #tpu.memory_space<vmem>>
      %dma_start3A_283 = tpu.memref_squeeze %dma_start3A_282 : memref<1x128xi32, #tpu.memory_space<vmem>> -> memref<128xi32, #tpu.memory_space<vmem>>
      %dma_start3A_284 = arith.constant 0 : i32
      %dma_start3A_285 = arith.constant 0 : i32
      %dma_start3A_286 = tpu.memref_slice %arg13[%dma_start3A_284, %dma_start3A_285] : memref<10112x32xf32, #tpu.memory_space<vmem_shared>> -> memref<10112x32xf32, #tpu.memory_space<vmem_shared>>
      tpu.enqueue_indirect_dma source(%dma_start3A_280 : memref<128x32xf32, #tpu.memory_space<vmem>>) target(%dma_start3A_286 : memref<10112x32xf32, #tpu.memory_space<vmem_shared>>) offsets(%dma_start3A_283 : memref<128xi32, #tpu.memory_space<vmem>>) semaphore(%arg20 : memref<!tpu.dma_semaphore, #tpu.memory_space<semaphore_mem>>) {add = true}
      %mul3A_287 = arith.constant 4 : i32
      %mul3A_288 = arith.muli %add3A_232, %mul3A_287 : i32
      %add3A_289 = arith.constant 3 : i32
      %add3A_290 = arith.addi %mul3A_288, %add3A_289 : i32
      %dma_start3A_291 = arith.constant 384 : i32
      %dma_start3A_292 = arith.constant 0 : i32
      %dma_start3A_293 = tpu.memref_slice %arg10[%dma_start3A_291, %dma_start3A_292] : memref<512x32xf32, #tpu.memory_space<vmem>> -> memref<128x32xf32, #tpu.memory_space<vmem>>
      %dma_start3A_294 = arith.constant 0 : i32
      %dma_start3A_295 = tpu.memref_slice %arg8[%add3A_290, %dma_start3A_294] : memref<96x128xi32, #tpu.memory_space<vmem>> -> memref<1x128xi32, #tpu.memory_space<vmem>>
      %dma_start3A_296 = tpu.memref_squeeze %dma_start3A_295 : memref<1x128xi32, #tpu.memory_space<vmem>> -> memref<128xi32, #tpu.memory_space<vmem>>
      %dma_start3A_297 = arith.constant 0 : i32
      %dma_start3A_298 = arith.constant 0 : i32
      %dma_start3A_299 = tpu.memref_slice %arg13[%dma_start3A_297, %dma_start3A_298] : memref<10112x32xf32, #tpu.memory_space<vmem_shared>> -> memref<10112x32xf32, #tpu.memory_space<vmem_shared>>
      tpu.enqueue_indirect_dma source(%dma_start3A_293 : memref<128x32xf32, #tpu.memory_space<vmem>>) target(%dma_start3A_299 : memref<10112x32xf32, #tpu.memory_space<vmem_shared>>) offsets(%dma_start3A_296 : memref<128xi32, #tpu.memory_space<vmem>>) semaphore(%arg20 : memref<!tpu.dma_semaphore, #tpu.memory_space<semaphore_mem>>) {add = true}
      %mul3A_300 = arith.constant 4 : i32
      %mul3A_301 = arith.muli %mul3A_300, %scan3A_161 : i32
      %add3A_302 = arith.constant 2 : i32
      %add3A_303 = arith.addi %mul3A_301, %add3A_302 : i32
      %add3A_304 = arith.constant 4 : i32
      %add3A_305 = arith.addi %add3A_303, %add3A_304 : i32
      %sub3A_306 = arith.constant 1 : i32
      %sub3A_307 = arith.subi %add3A_305, %sub3A_306 : i32
      %lt3A_308 = arith.constant 24 : i32
      %lt3A_309 = arith.cmpi slt, %sub3A_307, %lt3A_308 : i32
      %convert_element_type3A_310 = arith.extui %lt3A_309 : i1 to i32
      %cond3A_311 = arith.constant 0 : i32
      %cond3A_312 = arith.cmpi ne, %convert_element_type3A_310, %cond3A_311 : i32
      scf.if %cond3A_312 {
        %dma_wait3A_442 = arith.constant 0 : i32
        %dma_wait3A_443 = arith.constant 0 : i32
        %dma_wait3A_444 = tpu.memref_slice %arg4[%dma_wait3A_442, %dma_wait3A_443] : memref<10112x32xf32, #tpu.memory_space<hbm>> -> memref<512x32xf32, #tpu.memory_space<hbm>>
        %dma_wait3A_445 = arith.constant 0 : i32
        %dma_wait3A_446 = arith.constant 0 : i32
        %dma_wait3A_447 = tpu.memref_slice %arg4[%dma_wait3A_445, %dma_wait3A_446] : memref<10112x32xf32, #tpu.memory_space<hbm>> -> memref<512x32xf32, #tpu.memory_space<hbm>>
        tpu.wait_dma2 semaphore(%arg20 : memref<!tpu.dma_semaphore, #tpu.memory_space<semaphore_mem>>) src(%dma_wait3A_447 : memref<512x32xf32, #tpu.memory_space<hbm>>) dst(%arg10 : memref<512x32xf32, #tpu.memory_space<vmem>>)
        %add3A_448 = arith.constant 4 : i32
        %add3A_449 = arith.addi %add3A_303, %add3A_448 : i32
        %sub3A_450 = arith.constant 1 : i32
        %sub3A_451 = arith.subi %add3A_449, %sub3A_450 : i32
        %mul3A_452 = arith.constant 4 : i32
        %mul3A_453 = arith.muli %sub3A_451, %mul3A_452 : i32
        %add3A_454 = arith.constant 0 : i32
        %add3A_455 = arith.addi %mul3A_453, %add3A_454 : i32
        %dma_start3A_456 = arith.constant 0 : i32
        %dma_start3A_457 = arith.constant 0 : i32
        %dma_start3A_458 = tpu.memref_slice %arg10[%dma_start3A_456, %dma_start3A_457] : memref<512x32xf32, #tpu.memory_space<vmem>> -> memref<128x32xf32, #tpu.memory_space<vmem>>
        %dma_start3A_459 = arith.constant 0 : i32
        %dma_start3A_460 = tpu.memref_slice %arg7[%add3A_455, %dma_start3A_459] : memref<96x128xi32, #tpu.memory_space<vmem>> -> memref<1x128xi32, #tpu.memory_space<vmem>>
        %dma_start3A_461 = tpu.memref_squeeze %dma_start3A_460 : memref<1x128xi32, #tpu.memory_space<vmem>> -> memref<128xi32, #tpu.memory_space<vmem>>
        %dma_start3A_462 = arith.constant 0 : i32
        %dma_start3A_463 = arith.constant 0 : i32
        %dma_start3A_464 = tpu.memref_slice %arg14[%dma_start3A_462, %dma_start3A_463] : memref<10112x32xf32, #tpu.memory_space<vmem_shared>> -> memref<10112x32xf32, #tpu.memory_space<vmem_shared>>
        tpu.enqueue_indirect_dma source(%dma_start3A_464 : memref<10112x32xf32, #tpu.memory_space<vmem_shared>>) target(%dma_start3A_458 : memref<128x32xf32, #tpu.memory_space<vmem>>) offsets(%dma_start3A_461 : memref<128xi32, #tpu.memory_space<vmem>>) semaphore(%arg16 : memref<!tpu.dma_semaphore, #tpu.memory_space<semaphore_mem>>)
        %mul3A_465 = arith.constant 4 : i32
        %mul3A_466 = arith.muli %sub3A_451, %mul3A_465 : i32
        %add3A_467 = arith.constant 1 : i32
        %add3A_468 = arith.addi %mul3A_466, %add3A_467 : i32
        %dma_start3A_469 = arith.constant 128 : i32
        %dma_start3A_470 = arith.constant 0 : i32
        %dma_start3A_471 = tpu.memref_slice %arg10[%dma_start3A_469, %dma_start3A_470] : memref<512x32xf32, #tpu.memory_space<vmem>> -> memref<128x32xf32, #tpu.memory_space<vmem>>
        %dma_start3A_472 = arith.constant 0 : i32
        %dma_start3A_473 = tpu.memref_slice %arg7[%add3A_468, %dma_start3A_472] : memref<96x128xi32, #tpu.memory_space<vmem>> -> memref<1x128xi32, #tpu.memory_space<vmem>>
        %dma_start3A_474 = tpu.memref_squeeze %dma_start3A_473 : memref<1x128xi32, #tpu.memory_space<vmem>> -> memref<128xi32, #tpu.memory_space<vmem>>
        %dma_start3A_475 = arith.constant 0 : i32
        %dma_start3A_476 = arith.constant 0 : i32
        %dma_start3A_477 = tpu.memref_slice %arg14[%dma_start3A_475, %dma_start3A_476] : memref<10112x32xf32, #tpu.memory_space<vmem_shared>> -> memref<10112x32xf32, #tpu.memory_space<vmem_shared>>
        tpu.enqueue_indirect_dma source(%dma_start3A_477 : memref<10112x32xf32, #tpu.memory_space<vmem_shared>>) target(%dma_start3A_471 : memref<128x32xf32, #tpu.memory_space<vmem>>) offsets(%dma_start3A_474 : memref<128xi32, #tpu.memory_space<vmem>>) semaphore(%arg16 : memref<!tpu.dma_semaphore, #tpu.memory_space<semaphore_mem>>)
        %mul3A_478 = arith.constant 4 : i32
        %mul3A_479 = arith.muli %sub3A_451, %mul3A_478 : i32
        %add3A_480 = arith.constant 2 : i32
        %add3A_481 = arith.addi %mul3A_479, %add3A_480 : i32
        %dma_start3A_482 = arith.constant 256 : i32
        %dma_start3A_483 = arith.constant 0 : i32
        %dma_start3A_484 = tpu.memref_slice %arg10[%dma_start3A_482, %dma_start3A_483] : memref<512x32xf32, #tpu.memory_space<vmem>> -> memref<128x32xf32, #tpu.memory_space<vmem>>
        %dma_start3A_485 = arith.constant 0 : i32
        %dma_start3A_486 = tpu.memref_slice %arg7[%add3A_481, %dma_start3A_485] : memref<96x128xi32, #tpu.memory_space<vmem>> -> memref<1x128xi32, #tpu.memory_space<vmem>>
        %dma_start3A_487 = tpu.memref_squeeze %dma_start3A_486 : memref<1x128xi32, #tpu.memory_space<vmem>> -> memref<128xi32, #tpu.memory_space<vmem>>
        %dma_start3A_488 = arith.constant 0 : i32
        %dma_start3A_489 = arith.constant 0 : i32
        %dma_start3A_490 = tpu.memref_slice %arg14[%dma_start3A_488, %dma_start3A_489] : memref<10112x32xf32, #tpu.memory_space<vmem_shared>> -> memref<10112x32xf32, #tpu.memory_space<vmem_shared>>
        tpu.enqueue_indirect_dma source(%dma_start3A_490 : memref<10112x32xf32, #tpu.memory_space<vmem_shared>>) target(%dma_start3A_484 : memref<128x32xf32, #tpu.memory_space<vmem>>) offsets(%dma_start3A_487 : memref<128xi32, #tpu.memory_space<vmem>>) semaphore(%arg16 : memref<!tpu.dma_semaphore, #tpu.memory_space<semaphore_mem>>)
        %mul3A_491 = arith.constant 4 : i32
        %mul3A_492 = arith.muli %sub3A_451, %mul3A_491 : i32
        %add3A_493 = arith.constant 3 : i32
        %add3A_494 = arith.addi %mul3A_492, %add3A_493 : i32
        %dma_start3A_495 = arith.constant 384 : i32
        %dma_start3A_496 = arith.constant 0 : i32
        %dma_start3A_497 = tpu.memref_slice %arg10[%dma_start3A_495, %dma_start3A_496] : memref<512x32xf32, #tpu.memory_space<vmem>> -> memref<128x32xf32, #tpu.memory_space<vmem>>
        %dma_start3A_498 = arith.constant 0 : i32
        %dma_start3A_499 = tpu.memref_slice %arg7[%add3A_494, %dma_start3A_498] : memref<96x128xi32, #tpu.memory_space<vmem>> -> memref<1x128xi32, #tpu.memory_space<vmem>>
        %dma_start3A_500 = tpu.memref_squeeze %dma_start3A_499 : memref<1x128xi32, #tpu.memory_space<vmem>> -> memref<128xi32, #tpu.memory_space<vmem>>
        %dma_start3A_501 = arith.constant 0 : i32
        %dma_start3A_502 = arith.constant 0 : i32
        %dma_start3A_503 = tpu.memref_slice %arg14[%dma_start3A_501, %dma_start3A_502] : memref<10112x32xf32, #tpu.memory_space<vmem_shared>> -> memref<10112x32xf32, #tpu.memory_space<vmem_shared>>
        tpu.enqueue_indirect_dma source(%dma_start3A_503 : memref<10112x32xf32, #tpu.memory_space<vmem_shared>>) target(%dma_start3A_497 : memref<128x32xf32, #tpu.memory_space<vmem>>) offsets(%dma_start3A_500 : memref<128xi32, #tpu.memory_space<vmem>>) semaphore(%arg16 : memref<!tpu.dma_semaphore, #tpu.memory_space<semaphore_mem>>)
      } else {
      }
      %dma_wait3A_313 = arith.constant 0 : i32
      %dma_wait3A_314 = arith.constant 0 : i32
      %dma_wait3A_315 = tpu.memref_slice %arg4[%dma_wait3A_313, %dma_wait3A_314] : memref<10112x32xf32, #tpu.memory_space<hbm>> -> memref<512x32xf32, #tpu.memory_space<hbm>>
      %dma_wait3A_316 = arith.constant 0 : i32
      %dma_wait3A_317 = arith.constant 0 : i32
      %dma_wait3A_318 = tpu.memref_slice %arg4[%dma_wait3A_316, %dma_wait3A_317] : memref<10112x32xf32, #tpu.memory_space<hbm>> -> memref<512x32xf32, #tpu.memory_space<hbm>>
      tpu.wait_dma2 semaphore(%arg17 : memref<!tpu.dma_semaphore, #tpu.memory_space<semaphore_mem>>) src(%dma_wait3A_318 : memref<512x32xf32, #tpu.memory_space<hbm>>) dst(%arg11 : memref<512x32xf32, #tpu.memory_space<vmem>>)
      %mul3A_319 = arith.constant 4 : i32
      %mul3A_320 = arith.muli %add3A_303, %mul3A_319 : i32
      %add3A_321 = arith.constant 0 : i32
      %add3A_322 = arith.addi %mul3A_320, %add3A_321 : i32
      %dma_start3A_323 = arith.constant 0 : i32
      %dma_start3A_324 = arith.constant 0 : i32
      %dma_start3A_325 = tpu.memref_slice %arg11[%dma_start3A_323, %dma_start3A_324] : memref<512x32xf32, #tpu.memory_space<vmem>> -> memref<128x32xf32, #tpu.memory_space<vmem>>
      %dma_start3A_326 = arith.constant 0 : i32
      %dma_start3A_327 = tpu.memref_slice %arg8[%add3A_322, %dma_start3A_326] : memref<96x128xi32, #tpu.memory_space<vmem>> -> memref<1x128xi32, #tpu.memory_space<vmem>>
      %dma_start3A_328 = tpu.memref_squeeze %dma_start3A_327 : memref<1x128xi32, #tpu.memory_space<vmem>> -> memref<128xi32, #tpu.memory_space<vmem>>
      %dma_start3A_329 = arith.constant 0 : i32
      %dma_start3A_330 = arith.constant 0 : i32
      %dma_start3A_331 = tpu.memref_slice %arg13[%dma_start3A_329, %dma_start3A_330] : memref<10112x32xf32, #tpu.memory_space<vmem_shared>> -> memref<10112x32xf32, #tpu.memory_space<vmem_shared>>
      tpu.enqueue_indirect_dma source(%dma_start3A_325 : memref<128x32xf32, #tpu.memory_space<vmem>>) target(%dma_start3A_331 : memref<10112x32xf32, #tpu.memory_space<vmem_shared>>) offsets(%dma_start3A_328 : memref<128xi32, #tpu.memory_space<vmem>>) semaphore(%arg21 : memref<!tpu.dma_semaphore, #tpu.memory_space<semaphore_mem>>) {add = true}
      %mul3A_332 = arith.constant 4 : i32
      %mul3A_333 = arith.muli %add3A_303, %mul3A_332 : i32
      %add3A_334 = arith.constant 1 : i32
      %add3A_335 = arith.addi %mul3A_333, %add3A_334 : i32
      %dma_start3A_336 = arith.constant 128 : i32
      %dma_start3A_337 = arith.constant 0 : i32
      %dma_start3A_338 = tpu.memref_slice %arg11[%dma_start3A_336, %dma_start3A_337] : memref<512x32xf32, #tpu.memory_space<vmem>> -> memref<128x32xf32, #tpu.memory_space<vmem>>
      %dma_start3A_339 = arith.constant 0 : i32
      %dma_start3A_340 = tpu.memref_slice %arg8[%add3A_335, %dma_start3A_339] : memref<96x128xi32, #tpu.memory_space<vmem>> -> memref<1x128xi32, #tpu.memory_space<vmem>>
      %dma_start3A_341 = tpu.memref_squeeze %dma_start3A_340 : memref<1x128xi32, #tpu.memory_space<vmem>> -> memref<128xi32, #tpu.memory_space<vmem>>
      %dma_start3A_342 = arith.constant 0 : i32
      %dma_start3A_343 = arith.constant 0 : i32
      %dma_start3A_344 = tpu.memref_slice %arg13[%dma_start3A_342, %dma_start3A_343] : memref<10112x32xf32, #tpu.memory_space<vmem_shared>> -> memref<10112x32xf32, #tpu.memory_space<vmem_shared>>
      tpu.enqueue_indirect_dma source(%dma_start3A_338 : memref<128x32xf32, #tpu.memory_space<vmem>>) target(%dma_start3A_344 : memref<10112x32xf32, #tpu.memory_space<vmem_shared>>) offsets(%dma_start3A_341 : memref<128xi32, #tpu.memory_space<vmem>>) semaphore(%arg21 : memref<!tpu.dma_semaphore, #tpu.memory_space<semaphore_mem>>) {add = true}
      %mul3A_345 = arith.constant 4 : i32
      %mul3A_346 = arith.muli %add3A_303, %mul3A_345 : i32
      %add3A_347 = arith.constant 2 : i32
      %add3A_348 = arith.addi %mul3A_346, %add3A_347 : i32
      %dma_start3A_349 = arith.constant 256 : i32
      %dma_start3A_350 = arith.constant 0 : i32
      %dma_start3A_351 = tpu.memref_slice %arg11[%dma_start3A_349, %dma_start3A_350] : memref<512x32xf32, #tpu.memory_space<vmem>> -> memref<128x32xf32, #tpu.memory_space<vmem>>
      %dma_start3A_352 = arith.constant 0 : i32
      %dma_start3A_353 = tpu.memref_slice %arg8[%add3A_348, %dma_start3A_352] : memref<96x128xi32, #tpu.memory_space<vmem>> -> memref<1x128xi32, #tpu.memory_space<vmem>>
      %dma_start3A_354 = tpu.memref_squeeze %dma_start3A_353 : memref<1x128xi32, #tpu.memory_space<vmem>> -> memref<128xi32, #tpu.memory_space<vmem>>
      %dma_start3A_355 = arith.constant 0 : i32
      %dma_start3A_356 = arith.constant 0 : i32
      %dma_start3A_357 = tpu.memref_slice %arg13[%dma_start3A_355, %dma_start3A_356] : memref<10112x32xf32, #tpu.memory_space<vmem_shared>> -> memref<10112x32xf32, #tpu.memory_space<vmem_shared>>
      tpu.enqueue_indirect_dma source(%dma_start3A_351 : memref<128x32xf32, #tpu.memory_space<vmem>>) target(%dma_start3A_357 : memref<10112x32xf32, #tpu.memory_space<vmem_shared>>) offsets(%dma_start3A_354 : memref<128xi32, #tpu.memory_space<vmem>>) semaphore(%arg21 : memref<!tpu.dma_semaphore, #tpu.memory_space<semaphore_mem>>) {add = true}
      %mul3A_358 = arith.constant 4 : i32
      %mul3A_359 = arith.muli %add3A_303, %mul3A_358 : i32
      %add3A_360 = arith.constant 3 : i32
      %add3A_361 = arith.addi %mul3A_359, %add3A_360 : i32
      %dma_start3A_362 = arith.constant 384 : i32
      %dma_start3A_363 = arith.constant 0 : i32
      %dma_start3A_364 = tpu.memref_slice %arg11[%dma_start3A_362, %dma_start3A_363] : memref<512x32xf32, #tpu.memory_space<vmem>> -> memref<128x32xf32, #tpu.memory_space<vmem>>
      %dma_start3A_365 = arith.constant 0 : i32
      %dma_start3A_366 = tpu.memref_slice %arg8[%add3A_361, %dma_start3A_365] : memref<96x128xi32, #tpu.memory_space<vmem>> -> memref<1x128xi32, #tpu.memory_space<vmem>>
      %dma_start3A_367 = tpu.memref_squeeze %dma_start3A_366 : memref<1x128xi32, #tpu.memory_space<vmem>> -> memref<128xi32, #tpu.memory_space<vmem>>
      %dma_start3A_368 = arith.constant 0 : i32
      %dma_start3A_369 = arith.constant 0 : i32
      %dma_start3A_370 = tpu.memref_slice %arg13[%dma_start3A_368, %dma_start3A_369] : memref<10112x32xf32, #tpu.memory_space<vmem_shared>> -> memref<10112x32xf32, #tpu.memory_space<vmem_shared>>
      tpu.enqueue_indirect_dma source(%dma_start3A_364 : memref<128x32xf32, #tpu.memory_space<vmem>>) target(%dma_start3A_370 : memref<10112x32xf32, #tpu.memory_space<vmem_shared>>) offsets(%dma_start3A_367 : memref<128xi32, #tpu.memory_space<vmem>>) semaphore(%arg21 : memref<!tpu.dma_semaphore, #tpu.memory_space<semaphore_mem>>) {add = true}
      %mul3A_371 = arith.constant 4 : i32
      %mul3A_372 = arith.muli %mul3A_371, %scan3A_161 : i32
      %add3A_373 = arith.constant 3 : i32
      %add3A_374 = arith.addi %mul3A_372, %add3A_373 : i32
      %add3A_375 = arith.constant 4 : i32
      %add3A_376 = arith.addi %add3A_374, %add3A_375 : i32
      %sub3A_377 = arith.constant 1 : i32
      %sub3A_378 = arith.subi %add3A_376, %sub3A_377 : i32
      %lt3A_379 = arith.constant 24 : i32
      %lt3A_380 = arith.cmpi slt, %sub3A_378, %lt3A_379 : i32
      %convert_element_type3A_381 = arith.extui %lt3A_380 : i1 to i32
      %cond3A_382 = arith.constant 0 : i32
      %cond3A_383 = arith.cmpi ne, %convert_element_type3A_381, %cond3A_382 : i32
      scf.if %cond3A_383 {
        %dma_wait3A_442 = arith.constant 0 : i32
        %dma_wait3A_443 = arith.constant 0 : i32
        %dma_wait3A_444 = tpu.memref_slice %arg4[%dma_wait3A_442, %dma_wait3A_443] : memref<10112x32xf32, #tpu.memory_space<hbm>> -> memref<512x32xf32, #tpu.memory_space<hbm>>
        %dma_wait3A_445 = arith.constant 0 : i32
        %dma_wait3A_446 = arith.constant 0 : i32
        %dma_wait3A_447 = tpu.memref_slice %arg4[%dma_wait3A_445, %dma_wait3A_446] : memref<10112x32xf32, #tpu.memory_space<hbm>> -> memref<512x32xf32, #tpu.memory_space<hbm>>
        tpu.wait_dma2 semaphore(%arg21 : memref<!tpu.dma_semaphore, #tpu.memory_space<semaphore_mem>>) src(%dma_wait3A_447 : memref<512x32xf32, #tpu.memory_space<hbm>>) dst(%arg11 : memref<512x32xf32, #tpu.memory_space<vmem>>)
        %add3A_448 = arith.constant 4 : i32
        %add3A_449 = arith.addi %add3A_374, %add3A_448 : i32
        %sub3A_450 = arith.constant 1 : i32
        %sub3A_451 = arith.subi %add3A_449, %sub3A_450 : i32
        %mul3A_452 = arith.constant 4 : i32
        %mul3A_453 = arith.muli %sub3A_451, %mul3A_452 : i32
        %add3A_454 = arith.constant 0 : i32
        %add3A_455 = arith.addi %mul3A_453, %add3A_454 : i32
        %dma_start3A_456 = arith.constant 0 : i32
        %dma_start3A_457 = arith.constant 0 : i32
        %dma_start3A_458 = tpu.memref_slice %arg11[%dma_start3A_456, %dma_start3A_457] : memref<512x32xf32, #tpu.memory_space<vmem>> -> memref<128x32xf32, #tpu.memory_space<vmem>>
        %dma_start3A_459 = arith.constant 0 : i32
        %dma_start3A_460 = tpu.memref_slice %arg7[%add3A_455, %dma_start3A_459] : memref<96x128xi32, #tpu.memory_space<vmem>> -> memref<1x128xi32, #tpu.memory_space<vmem>>
        %dma_start3A_461 = tpu.memref_squeeze %dma_start3A_460 : memref<1x128xi32, #tpu.memory_space<vmem>> -> memref<128xi32, #tpu.memory_space<vmem>>
        %dma_start3A_462 = arith.constant 0 : i32
        %dma_start3A_463 = arith.constant 0 : i32
        %dma_start3A_464 = tpu.memref_slice %arg14[%dma_start3A_462, %dma_start3A_463] : memref<10112x32xf32, #tpu.memory_space<vmem_shared>> -> memref<10112x32xf32, #tpu.memory_space<vmem_shared>>
        tpu.enqueue_indirect_dma source(%dma_start3A_464 : memref<10112x32xf32, #tpu.memory_space<vmem_shared>>) target(%dma_start3A_458 : memref<128x32xf32, #tpu.memory_space<vmem>>) offsets(%dma_start3A_461 : memref<128xi32, #tpu.memory_space<vmem>>) semaphore(%arg17 : memref<!tpu.dma_semaphore, #tpu.memory_space<semaphore_mem>>)
        %mul3A_465 = arith.constant 4 : i32
        %mul3A_466 = arith.muli %sub3A_451, %mul3A_465 : i32
        %add3A_467 = arith.constant 1 : i32
        %add3A_468 = arith.addi %mul3A_466, %add3A_467 : i32
        %dma_start3A_469 = arith.constant 128 : i32
        %dma_start3A_470 = arith.constant 0 : i32
        %dma_start3A_471 = tpu.memref_slice %arg11[%dma_start3A_469, %dma_start3A_470] : memref<512x32xf32, #tpu.memory_space<vmem>> -> memref<128x32xf32, #tpu.memory_space<vmem>>
        %dma_start3A_472 = arith.constant 0 : i32
        %dma_start3A_473 = tpu.memref_slice %arg7[%add3A_468, %dma_start3A_472] : memref<96x128xi32, #tpu.memory_space<vmem>> -> memref<1x128xi32, #tpu.memory_space<vmem>>
        %dma_start3A_474 = tpu.memref_squeeze %dma_start3A_473 : memref<1x128xi32, #tpu.memory_space<vmem>> -> memref<128xi32, #tpu.memory_space<vmem>>
        %dma_start3A_475 = arith.constant 0 : i32
        %dma_start3A_476 = arith.constant 0 : i32
        %dma_start3A_477 = tpu.memref_slice %arg14[%dma_start3A_475, %dma_start3A_476] : memref<10112x32xf32, #tpu.memory_space<vmem_shared>> -> memref<10112x32xf32, #tpu.memory_space<vmem_shared>>
        tpu.enqueue_indirect_dma source(%dma_start3A_477 : memref<10112x32xf32, #tpu.memory_space<vmem_shared>>) target(%dma_start3A_471 : memref<128x32xf32, #tpu.memory_space<vmem>>) offsets(%dma_start3A_474 : memref<128xi32, #tpu.memory_space<vmem>>) semaphore(%arg17 : memref<!tpu.dma_semaphore, #tpu.memory_space<semaphore_mem>>)
        %mul3A_478 = arith.constant 4 : i32
        %mul3A_479 = arith.muli %sub3A_451, %mul3A_478 : i32
        %add3A_480 = arith.constant 2 : i32
        %add3A_481 = arith.addi %mul3A_479, %add3A_480 : i32
        %dma_start3A_482 = arith.constant 256 : i32
        %dma_start3A_483 = arith.constant 0 : i32
        %dma_start3A_484 = tpu.memref_slice %arg11[%dma_start3A_482, %dma_start3A_483] : memref<512x32xf32, #tpu.memory_space<vmem>> -> memref<128x32xf32, #tpu.memory_space<vmem>>
        %dma_start3A_485 = arith.constant 0 : i32
        %dma_start3A_486 = tpu.memref_slice %arg7[%add3A_481, %dma_start3A_485] : memref<96x128xi32, #tpu.memory_space<vmem>> -> memref<1x128xi32, #tpu.memory_space<vmem>>
        %dma_start3A_487 = tpu.memref_squeeze %dma_start3A_486 : memref<1x128xi32, #tpu.memory_space<vmem>> -> memref<128xi32, #tpu.memory_space<vmem>>
        %dma_start3A_488 = arith.constant 0 : i32
        %dma_start3A_489 = arith.constant 0 : i32
        %dma_start3A_490 = tpu.memref_slice %arg14[%dma_start3A_488, %dma_start3A_489] : memref<10112x32xf32, #tpu.memory_space<vmem_shared>> -> memref<10112x32xf32, #tpu.memory_space<vmem_shared>>
        tpu.enqueue_indirect_dma source(%dma_start3A_490 : memref<10112x32xf32, #tpu.memory_space<vmem_shared>>) target(%dma_start3A_484 : memref<128x32xf32, #tpu.memory_space<vmem>>) offsets(%dma_start3A_487 : memref<128xi32, #tpu.memory_space<vmem>>) semaphore(%arg17 : memref<!tpu.dma_semaphore, #tpu.memory_space<semaphore_mem>>)
        %mul3A_491 = arith.constant 4 : i32
        %mul3A_492 = arith.muli %sub3A_451, %mul3A_491 : i32
        %add3A_493 = arith.constant 3 : i32
        %add3A_494 = arith.addi %mul3A_492, %add3A_493 : i32
        %dma_start3A_495 = arith.constant 384 : i32
        %dma_start3A_496 = arith.constant 0 : i32
        %dma_start3A_497 = tpu.memref_slice %arg11[%dma_start3A_495, %dma_start3A_496] : memref<512x32xf32, #tpu.memory_space<vmem>> -> memref<128x32xf32, #tpu.memory_space<vmem>>
        %dma_start3A_498 = arith.constant 0 : i32
        %dma_start3A_499 = tpu.memref_slice %arg7[%add3A_494, %dma_start3A_498] : memref<96x128xi32, #tpu.memory_space<vmem>> -> memref<1x128xi32, #tpu.memory_space<vmem>>
        %dma_start3A_500 = tpu.memref_squeeze %dma_start3A_499 : memref<1x128xi32, #tpu.memory_space<vmem>> -> memref<128xi32, #tpu.memory_space<vmem>>
        %dma_start3A_501 = arith.constant 0 : i32
        %dma_start3A_502 = arith.constant 0 : i32
        %dma_start3A_503 = tpu.memref_slice %arg14[%dma_start3A_501, %dma_start3A_502] : memref<10112x32xf32, #tpu.memory_space<vmem_shared>> -> memref<10112x32xf32, #tpu.memory_space<vmem_shared>>
        tpu.enqueue_indirect_dma source(%dma_start3A_503 : memref<10112x32xf32, #tpu.memory_space<vmem_shared>>) target(%dma_start3A_497 : memref<128x32xf32, #tpu.memory_space<vmem>>) offsets(%dma_start3A_500 : memref<128xi32, #tpu.memory_space<vmem>>) semaphore(%arg17 : memref<!tpu.dma_semaphore, #tpu.memory_space<semaphore_mem>>)
      } else {
      }
      %dma_wait3A_384 = arith.constant 0 : i32
      %dma_wait3A_385 = arith.constant 0 : i32
      %dma_wait3A_386 = tpu.memref_slice %arg4[%dma_wait3A_384, %dma_wait3A_385] : memref<10112x32xf32, #tpu.memory_space<hbm>> -> memref<512x32xf32, #tpu.memory_space<hbm>>
      %dma_wait3A_387 = arith.constant 0 : i32
      %dma_wait3A_388 = arith.constant 0 : i32
      %dma_wait3A_389 = tpu.memref_slice %arg4[%dma_wait3A_387, %dma_wait3A_388] : memref<10112x32xf32, #tpu.memory_space<hbm>> -> memref<512x32xf32, #tpu.memory_space<hbm>>
      tpu.wait_dma2 semaphore(%arg18 : memref<!tpu.dma_semaphore, #tpu.memory_space<semaphore_mem>>) src(%dma_wait3A_389 : memref<512x32xf32, #tpu.memory_space<hbm>>) dst(%arg12 : memref<512x32xf32, #tpu.memory_space<vmem>>)
      %mul3A_390 = arith.constant 4 : i32
      %mul3A_391 = arith.muli %add3A_374, %mul3A_390 : i32
      %add3A_392 = arith.constant 0 : i32
      %add3A_393 = arith.addi %mul3A_391, %add3A_392 : i32
      %dma_start3A_394 = arith.constant 0 : i32
      %dma_start3A_395 = arith.constant 0 : i32
      %dma_start3A_396 = tpu.memref_slice %arg12[%dma_start3A_394, %dma_start3A_395] : memref<512x32xf32, #tpu.memory_space<vmem>> -> memref<128x32xf32, #tpu.memory_space<vmem>>
      %dma_start3A_397 = arith.constant 0 : i32
      %dma_start3A_398 = tpu.memref_slice %arg8[%add3A_393, %dma_start3A_397] : memref<96x128xi32, #tpu.memory_space<vmem>> -> memref<1x128xi32, #tpu.memory_space<vmem>>
      %dma_start3A_399 = tpu.memref_squeeze %dma_start3A_398 : memref<1x128xi32, #tpu.memory_space<vmem>> -> memref<128xi32, #tpu.memory_space<vmem>>
      %dma_start3A_400 = arith.constant 0 : i32
      %dma_start3A_401 = arith.constant 0 : i32
      %dma_start3A_402 = tpu.memref_slice %arg13[%dma_start3A_400, %dma_start3A_401] : memref<10112x32xf32, #tpu.memory_space<vmem_shared>> -> memref<10112x32xf32, #tpu.memory_space<vmem_shared>>
      tpu.enqueue_indirect_dma source(%dma_start3A_396 : memref<128x32xf32, #tpu.memory_space<vmem>>) target(%dma_start3A_402 : memref<10112x32xf32, #tpu.memory_space<vmem_shared>>) offsets(%dma_start3A_399 : memref<128xi32, #tpu.memory_space<vmem>>) semaphore(%arg22 : memref<!tpu.dma_semaphore, #tpu.memory_space<semaphore_mem>>) {add = true}
      %mul3A_403 = arith.constant 4 : i32
      %mul3A_404 = arith.muli %add3A_374, %mul3A_403 : i32
      %add3A_405 = arith.constant 1 : i32
      %add3A_406 = arith.addi %mul3A_404, %add3A_405 : i32
      %dma_start3A_407 = arith.constant 128 : i32
      %dma_start3A_408 = arith.constant 0 : i32
      %dma_start3A_409 = tpu.memref_slice %arg12[%dma_start3A_407, %dma_start3A_408] : memref<512x32xf32, #tpu.memory_space<vmem>> -> memref<128x32xf32, #tpu.memory_space<vmem>>
      %dma_start3A_410 = arith.constant 0 : i32
      %dma_start3A_411 = tpu.memref_slice %arg8[%add3A_406, %dma_start3A_410] : memref<96x128xi32, #tpu.memory_space<vmem>> -> memref<1x128xi32, #tpu.memory_space<vmem>>
      %dma_start3A_412 = tpu.memref_squeeze %dma_start3A_411 : memref<1x128xi32, #tpu.memory_space<vmem>> -> memref<128xi32, #tpu.memory_space<vmem>>
      %dma_start3A_413 = arith.constant 0 : i32
      %dma_start3A_414 = arith.constant 0 : i32
      %dma_start3A_415 = tpu.memref_slice %arg13[%dma_start3A_413, %dma_start3A_414] : memref<10112x32xf32, #tpu.memory_space<vmem_shared>> -> memref<10112x32xf32, #tpu.memory_space<vmem_shared>>
      tpu.enqueue_indirect_dma source(%dma_start3A_409 : memref<128x32xf32, #tpu.memory_space<vmem>>) target(%dma_start3A_415 : memref<10112x32xf32, #tpu.memory_space<vmem_shared>>) offsets(%dma_start3A_412 : memref<128xi32, #tpu.memory_space<vmem>>) semaphore(%arg22 : memref<!tpu.dma_semaphore, #tpu.memory_space<semaphore_mem>>) {add = true}
      %mul3A_416 = arith.constant 4 : i32
      %mul3A_417 = arith.muli %add3A_374, %mul3A_416 : i32
      %add3A_418 = arith.constant 2 : i32
      %add3A_419 = arith.addi %mul3A_417, %add3A_418 : i32
      %dma_start3A_420 = arith.constant 256 : i32
      %dma_start3A_421 = arith.constant 0 : i32
      %dma_start3A_422 = tpu.memref_slice %arg12[%dma_start3A_420, %dma_start3A_421] : memref<512x32xf32, #tpu.memory_space<vmem>> -> memref<128x32xf32, #tpu.memory_space<vmem>>
      %dma_start3A_423 = arith.constant 0 : i32
      %dma_start3A_424 = tpu.memref_slice %arg8[%add3A_419, %dma_start3A_423] : memref<96x128xi32, #tpu.memory_space<vmem>> -> memref<1x128xi32, #tpu.memory_space<vmem>>
      %dma_start3A_425 = tpu.memref_squeeze %dma_start3A_424 : memref<1x128xi32, #tpu.memory_space<vmem>> -> memref<128xi32, #tpu.memory_space<vmem>>
      %dma_start3A_426 = arith.constant 0 : i32
      %dma_start3A_427 = arith.constant 0 : i32
      %dma_start3A_428 = tpu.memref_slice %arg13[%dma_start3A_426, %dma_start3A_427] : memref<10112x32xf32, #tpu.memory_space<vmem_shared>> -> memref<10112x32xf32, #tpu.memory_space<vmem_shared>>
      tpu.enqueue_indirect_dma source(%dma_start3A_422 : memref<128x32xf32, #tpu.memory_space<vmem>>) target(%dma_start3A_428 : memref<10112x32xf32, #tpu.memory_space<vmem_shared>>) offsets(%dma_start3A_425 : memref<128xi32, #tpu.memory_space<vmem>>) semaphore(%arg22 : memref<!tpu.dma_semaphore, #tpu.memory_space<semaphore_mem>>) {add = true}
      %mul3A_429 = arith.constant 4 : i32
      %mul3A_430 = arith.muli %add3A_374, %mul3A_429 : i32
      %add3A_431 = arith.constant 3 : i32
      %add3A_432 = arith.addi %mul3A_430, %add3A_431 : i32
      %dma_start3A_433 = arith.constant 384 : i32
      %dma_start3A_434 = arith.constant 0 : i32
      %dma_start3A_435 = tpu.memref_slice %arg12[%dma_start3A_433, %dma_start3A_434] : memref<512x32xf32, #tpu.memory_space<vmem>> -> memref<128x32xf32, #tpu.memory_space<vmem>>
      %dma_start3A_436 = arith.constant 0 : i32
      %dma_start3A_437 = tpu.memref_slice %arg8[%add3A_432, %dma_start3A_436] : memref<96x128xi32, #tpu.memory_space<vmem>> -> memref<1x128xi32, #tpu.memory_space<vmem>>
      %dma_start3A_438 = tpu.memref_squeeze %dma_start3A_437 : memref<1x128xi32, #tpu.memory_space<vmem>> -> memref<128xi32, #tpu.memory_space<vmem>>
      %dma_start3A_439 = arith.constant 0 : i32
      %dma_start3A_440 = arith.constant 0 : i32
      %dma_start3A_441 = tpu.memref_slice %arg13[%dma_start3A_439, %dma_start3A_440] : memref<10112x32xf32, #tpu.memory_space<vmem_shared>> -> memref<10112x32xf32, #tpu.memory_space<vmem_shared>>
      tpu.enqueue_indirect_dma source(%dma_start3A_435 : memref<128x32xf32, #tpu.memory_space<vmem>>) target(%dma_start3A_441 : memref<10112x32xf32, #tpu.memory_space<vmem_shared>>) offsets(%dma_start3A_438 : memref<128xi32, #tpu.memory_space<vmem>>) semaphore(%arg22 : memref<!tpu.dma_semaphore, #tpu.memory_space<semaphore_mem>>) {add = true}
    }
    %scan3A_132 = arith.constant 6 : i32
    %dma_wait3A = arith.constant 0 : i32
    %dma_wait3A_133 = arith.constant 0 : i32
    %dma_wait3A_134 = tpu.memref_slice %arg4[%dma_wait3A, %dma_wait3A_133] : memref<10112x32xf32, #tpu.memory_space<hbm>> -> memref<512x32xf32, #tpu.memory_space<hbm>>
    %dma_wait3A_135 = arith.constant 0 : i32
    %dma_wait3A_136 = arith.constant 0 : i32
    %dma_wait3A_137 = tpu.memref_slice %arg4[%dma_wait3A_135, %dma_wait3A_136] : memref<10112x32xf32, #tpu.memory_space<hbm>> -> memref<512x32xf32, #tpu.memory_space<hbm>>
    tpu.wait_dma2 semaphore(%arg19 : memref<!tpu.dma_semaphore, #tpu.memory_space<semaphore_mem>>) src(%dma_wait3A_137 : memref<512x32xf32, #tpu.memory_space<hbm>>) dst(%arg9 : memref<512x32xf32, #tpu.memory_space<vmem>>)
    %dma_wait3A_138 = arith.constant 0 : i32
    %dma_wait3A_139 = arith.constant 0 : i32
    %dma_wait3A_140 = tpu.memref_slice %arg4[%dma_wait3A_138, %dma_wait3A_139] : memref<10112x32xf32, #tpu.memory_space<hbm>> -> memref<512x32xf32, #tpu.memory_space<hbm>>
    %dma_wait3A_141 = arith.constant 0 : i32
    %dma_wait3A_142 = arith.constant 0 : i32
    %dma_wait3A_143 = tpu.memref_slice %arg4[%dma_wait3A_141, %dma_wait3A_142] : memref<10112x32xf32, #tpu.memory_space<hbm>> -> memref<512x32xf32, #tpu.memory_space<hbm>>
    tpu.wait_dma2 semaphore(%arg20 : memref<!tpu.dma_semaphore, #tpu.memory_space<semaphore_mem>>) src(%dma_wait3A_143 : memref<512x32xf32, #tpu.memory_space<hbm>>) dst(%arg10 : memref<512x32xf32, #tpu.memory_space<vmem>>)
    %dma_wait3A_144 = arith.constant 0 : i32
    %dma_wait3A_145 = arith.constant 0 : i32
    %dma_wait3A_146 = tpu.memref_slice %arg4[%dma_wait3A_144, %dma_wait3A_145] : memref<10112x32xf32, #tpu.memory_space<hbm>> -> memref<512x32xf32, #tpu.memory_space<hbm>>
    %dma_wait3A_147 = arith.constant 0 : i32
    %dma_wait3A_148 = arith.constant 0 : i32
    %dma_wait3A_149 = tpu.memref_slice %arg4[%dma_wait3A_147, %dma_wait3A_148] : memref<10112x32xf32, #tpu.memory_space<hbm>> -> memref<512x32xf32, #tpu.memory_space<hbm>>
    tpu.wait_dma2 semaphore(%arg21 : memref<!tpu.dma_semaphore, #tpu.memory_space<semaphore_mem>>) src(%dma_wait3A_149 : memref<512x32xf32, #tpu.memory_space<hbm>>) dst(%arg11 : memref<512x32xf32, #tpu.memory_space<vmem>>)
    %dma_wait3A_150 = arith.constant 0 : i32
    %dma_wait3A_151 = arith.constant 0 : i32
    %dma_wait3A_152 = tpu.memref_slice %arg4[%dma_wait3A_150, %dma_wait3A_151] : memref<10112x32xf32, #tpu.memory_space<hbm>> -> memref<512x32xf32, #tpu.memory_space<hbm>>
    %dma_wait3A_153 = arith.constant 0 : i32
    %dma_wait3A_154 = arith.constant 0 : i32
    %dma_wait3A_155 = tpu.memref_slice %arg4[%dma_wait3A_153, %dma_wait3A_154] : memref<10112x32xf32, #tpu.memory_space<hbm>> -> memref<512x32xf32, #tpu.memory_space<hbm>>
    tpu.wait_dma2 semaphore(%arg22 : memref<!tpu.dma_semaphore, #tpu.memory_space<semaphore_mem>>) src(%dma_wait3A_155 : memref<512x32xf32, #tpu.memory_space<hbm>>) dst(%arg12 : memref<512x32xf32, #tpu.memory_space<vmem>>)
    %barrier3A_156 = arith.constant 0 : index
    tpu.barrier barrier_id(%barrier3A_156)
    %mul3A_157 = arith.constant 632 : i32
    %mul3A_158 = arith.muli %arg1, %mul3A_157 : i32
    %mul3A_159 = arith.constant 632 : i32
    %mul3A_160 = arith.muli %arg1, %mul3A_159 : i32
    "tpu.region"() ({
      %run_scoped3A = tpu.sem_alloc : memref<!tpu.dma_semaphore, #tpu.memory_space<semaphore_mem>>
      %dma_start3A_161 = arith.constant 0 : i32
      %dma_start3A_162 = tpu.memref_slice %arg6[%arg0, %mul3A_160, %dma_start3A_161] : memref<2x10112x32xf32, #tpu.memory_space<hbm>> -> memref<1x632x32xf32, #tpu.memory_space<hbm>>
      %dma_start3A_163 = tpu.memref_squeeze %dma_start3A_162 : memref<1x632x32xf32, #tpu.memory_space<hbm>> -> memref<632x32xf32, #tpu.memory_space<hbm>>
      %dma_start3A_164 = arith.constant 0 : i32
      %dma_start3A_165 = tpu.memref_slice %arg13[%mul3A_158, %dma_start3A_164] : memref<10112x32xf32, #tpu.memory_space<vmem_shared>> -> memref<632x32xf32, #tpu.memory_space<vmem_shared>>
      tpu.enqueue_dma source(%dma_start3A_165 : memref<632x32xf32, #tpu.memory_space<vmem_shared>>) target(%dma_start3A_163 : memref<632x32xf32, #tpu.memory_space<hbm>>) target_semaphore(%run_scoped3A : memref<!tpu.dma_semaphore, #tpu.memory_space<semaphore_mem>>)
      %dma_wait3A_166 = arith.constant 0 : i32
      %dma_wait3A_167 = tpu.memref_slice %arg6[%arg0, %mul3A_160, %dma_wait3A_166] : memref<2x10112x32xf32, #tpu.memory_space<hbm>> -> memref<1x632x32xf32, #tpu.memory_space<hbm>>
      %dma_wait3A_168 = tpu.memref_squeeze %dma_wait3A_167 : memref<1x632x32xf32, #tpu.memory_space<hbm>> -> memref<632x32xf32, #tpu.memory_space<hbm>>
      %dma_wait3A_169 = arith.constant 0 : i32
      %dma_wait3A_170 = tpu.memref_slice %arg13[%mul3A_158, %dma_wait3A_169] : memref<10112x32xf32, #tpu.memory_space<vmem_shared>> -> memref<632x32xf32, #tpu.memory_space<vmem_shared>>
      tpu.wait_dma2 semaphore(%run_scoped3A : memref<!tpu.dma_semaphore, #tpu.memory_space<semaphore_mem>>) src(%dma_wait3A_170 : memref<632x32xf32, #tpu.memory_space<vmem_shared>>) dst(%dma_wait3A_168 : memref<632x32xf32, #tpu.memory_space<hbm>>)
      tpu.yield
    }) : () -> ()
    return
  }
}

module attributes {stable_mosaic.version = 14 : i64} {
  func.func @body(%arg0: i32, %arg1: memref<2x2000x16xf32, #tpu.memory_space<vmem>>, %arg2: memref<2000x32xf32, #tpu.memory_space<vmem>>, %arg3: memref<2000x32xf32, #tpu.memory_space<vmem>>, %arg4: memref<2000x32xf32, #tpu.memory_space<vmem>>) attributes {dimension_semantics = [#tpu.dimension_semantics<arbitrary>], iteration_bounds = array<i64: 5>, scalar_prefetch = 0 : i64, scratch_operands = 0 : i64, tpu.core_type = #tpu.core_type<tc>, window_params = [{transform_indices = @transform_0, window_bounds = array<i64: 2, 2000, 16>}, {transform_indices = @transform_1, window_bounds = array<i64: 2000, 32>}, {transform_indices = @transform_2, window_bounds = array<i64: 2000, 32>}, {transform_indices = @transform_3, window_bounds = array<i64: 2000, 32>}]} {
    %get3A = arith.constant 0 : index
    %get3A_0 = arith.constant 0 : index
    %get3A_1 = arith.constant 0 : index
    %get3A_2 = vector.load %arg1[%get3A, %get3A_0, %get3A_1] : memref<2x2000x16xf32, #tpu.memory_space<vmem>>, vector<1x2000x1xf32>
    %get3A_3 = vector.shape_cast %get3A_2 : vector<1x2000x1xf32> to vector<2000x1xf32>
    %get3A_4 = arith.constant 1 : index
    %get3A_5 = arith.constant 0 : index
    %get3A_6 = arith.constant 0 : index
    %get3A_7 = vector.load %arg1[%get3A_4, %get3A_5, %get3A_6] : memref<2x2000x16xf32, #tpu.memory_space<vmem>>, vector<1x2000x1xf32>
    %get3A_8 = vector.shape_cast %get3A_7 : vector<1x2000x1xf32> to vector<2000x1xf32>
    %add3A = arith.addf %get3A_3, %get3A_8 : vector<2000x1xf32>
    %add3A_9 = arith.constant 1.000000e+00 : f32
    %add3A_10 = vector.broadcast %add3A_9 : f32 to vector<2000x1xf32>
    %add3A_11 = arith.addf %add3A, %add3A_10 : vector<2000x1xf32>
    %rsqrt3A = math.rsqrt %add3A_11 : vector<2000x1xf32>
    %broadcast_in_dim3A = vector.shape_cast %rsqrt3A : vector<2000x1xf32> to vector<2000x1xf32>
    %broadcast_in_dim3A_12 = vector.broadcast %broadcast_in_dim3A : vector<2000x1xf32> to vector<2000x32xf32>
    %swap3A = arith.constant 0 : index
    %swap3A_13 = arith.constant 0 : index
    %swap3A_14 = vector.load %arg3[%swap3A, %swap3A_13] : memref<2000x32xf32, #tpu.memory_space<vmem>>, vector<2000x32xf32>
    tpu.vector_store %arg3[%swap3A, %swap3A_13], %broadcast_in_dim3A_12 {strides = array<i32>} : memref<2000x32xf32, #tpu.memory_space<vmem>>, vector<2000x32xf32>,
    %get3A_15 = arith.constant 0 : index
    %get3A_16 = arith.constant 0 : index
    %get3A_17 = vector.load %arg2[%get3A_15, %get3A_16] : memref<2000x32xf32, #tpu.memory_space<vmem>>, vector<2000x32xf32>
    %mul3A = arith.mulf %broadcast_in_dim3A_12, %get3A_17 : vector<2000x32xf32>
    %swap3A_18 = arith.constant 0 : index
    %swap3A_19 = arith.constant 0 : index
    %swap3A_20 = vector.load %arg4[%swap3A_18, %swap3A_19] : memref<2000x32xf32, #tpu.memory_space<vmem>>, vector<2000x32xf32>
    tpu.vector_store %arg4[%swap3A_18, %swap3A_19], %mul3A {strides = array<i32>} : memref<2000x32xf32, #tpu.memory_space<vmem>>, vector<2000x32xf32>,
    return
  }
  func.func @transform_0(%arg0: i32) -> (i32, i32, i32) {
    %c0_i32 = arith.constant 0 : i32
    %c0_i32_0 = arith.constant 0 : i32
    %c0_i32_1 = arith.constant 0 : i32
    return %c0_i32, %arg0, %c0_i32_0 : i32, i32, i32
  }
  func.func @transform_1(%arg0: i32) -> (i32, i32) {
    %c0_i32 = arith.constant 0 : i32
    %c0_i32_0 = arith.constant 0 : i32
    return %arg0, %c0_i32 : i32, i32
  }
  func.func @transform_2(%arg0: i32) -> (i32, i32) {
    %c0_i32 = arith.constant 0 : i32
    %c0_i32_0 = arith.constant 0 : i32
    return %arg0, %c0_i32 : i32, i32
  }
  func.func @transform_3(%arg0: i32) -> (i32, i32) {
    %c0_i32 = arith.constant 0 : i32
    %c0_i32_0 = arith.constant 0 : i32
    return %arg0, %c0_i32 : i32, i32
  }
}

module attributes {stable_mosaic.version = 14 : i64} {
  func.func @body(%arg0: i32, %arg1: memref<1000x128xf32, #tpu.memory_space<vmem>>, %arg2: memref<128x32xf32, #tpu.memory_space<vmem>>, %arg3: memref<1000x32xf32, #tpu.memory_space<vmem>>) attributes {dimension_semantics = [#tpu.dimension_semantics<arbitrary>], iteration_bounds = array<i64: 10>, scalar_prefetch = 0 : i64, scratch_operands = 0 : i64, tpu.core_type = #tpu.core_type<tc>, window_params = [{transform_indices = @transform_0, window_bounds = array<i64: 1000, 128>}, {pipeline_mode = #tpu.pipeline_mode<synchronous>, transform_indices = @transform_1, window_bounds = array<i64: 128, 32>}, {transform_indices = @transform_2, window_bounds = array<i64: 1000, 32>}]} {
    %get3A = arith.constant 0 : index
    %get3A_0 = arith.constant 0 : index
    %get3A_1 = vector.load %arg1[%get3A, %get3A_0] : memref<1000x128xf32, #tpu.memory_space<vmem>>, vector<1000x128xf32>
    %get3A_2 = arith.constant 0 : index
    %get3A_3 = arith.constant 0 : index
    %get3A_4 = vector.load %arg2[%get3A_2, %get3A_3] : memref<128x32xf32, #tpu.memory_space<vmem>>, vector<128x32xf32>
    %dot_general3A = arith.constant dense<0.000000e+00> : vector<1000x32xf32>
    %dot_general3A_5 = tpu.matmul %get3A_1, %get3A_4, %dot_general3A {dimension_numbers = #tpu.dot_dimension_numbers<[1], [0], [0], [1], [0, 0, 1, 1], [], []>, transpose_lhs_hint = false} : vector<1000x128xf32>, vector<128x32xf32>, vector<1000x32xf32> -> vector<1000x32xf32>
    %swap3A = arith.constant 0 : index
    %swap3A_6 = arith.constant 0 : index
    %swap3A_7 = vector.load %arg3[%swap3A, %swap3A_6] : memref<1000x32xf32, #tpu.memory_space<vmem>>, vector<1000x32xf32>
    tpu.vector_store %arg3[%swap3A, %swap3A_6], %dot_general3A_5 {strides = array<i32>} : memref<1000x32xf32, #tpu.memory_space<vmem>>, vector<1000x32xf32>,
    return
  }
  func.func @transform_0(%arg0: i32) -> (i32, i32) {
    %c0_i32 = arith.constant 0 : i32
    %c0_i32_0 = arith.constant 0 : i32
    return %arg0, %c0_i32 : i32, i32
  }
  func.func @transform_1(%arg0: i32) -> (i32, i32) {
    %c0_i32 = arith.constant 0 : i32
    %c0_i32_0 = arith.constant 0 : i32
    %c0_i32_1 = arith.constant 0 : i32
    return %c0_i32, %c0_i32_0 : i32, i32
  }
  func.func @transform_2(%arg0: i32) -> (i32, i32) {
    %c0_i32 = arith.constant 0 : i32
    %c0_i32_0 = arith.constant 0 : i32
    return %arg0, %c0_i32 : i32, i32
  }
}

module attributes {stable_mosaic.version = 14 : i64} {
  func.func @body(%arg0: i32, %arg1: memref<2x2000x32xf32, #tpu.memory_space<vmem>>, %arg2: memref<2000x32xf32, #tpu.memory_space<vmem>>, %arg3: memref<2000x32xf32, #tpu.memory_space<vmem>>, %arg4: memref<32x16xf32, #tpu.memory_space<vmem>>, %arg5: memref<32x16xf32, #tpu.memory_space<vmem>>, %arg6: memref<2000x32xf32, #tpu.memory_space<vmem>>, %arg7: memref<2000x32xf32, #tpu.memory_space<vmem>>) attributes {dimension_semantics = [#tpu.dimension_semantics<arbitrary>], iteration_bounds = array<i64: 5>, scalar_prefetch = 0 : i64, scratch_operands = 0 : i64, tpu.core_type = #tpu.core_type<tc>, window_params = [{transform_indices = @transform_0, window_bounds = array<i64: 2, 2000, 32>}, {transform_indices = @transform_1, window_bounds = array<i64: 2000, 32>}, {transform_indices = @transform_2, window_bounds = array<i64: 2000, 32>}, {pipeline_mode = #tpu.pipeline_mode<synchronous>, transform_indices = @transform_3, window_bounds = array<i64: 32, 16>}, {pipeline_mode = #tpu.pipeline_mode<synchronous>, transform_indices = @transform_4, window_bounds = array<i64: 32, 16>}, {transform_indices = @transform_5, window_bounds = array<i64: 2000, 32>}, {transform_indices = @transform_6, window_bounds = array<i64: 2000, 32>}]} {
    %get3A = arith.constant 0 : index
    %get3A_0 = arith.constant 0 : index
    %get3A_1 = vector.load %arg3[%get3A, %get3A_0] : memref<2000x32xf32, #tpu.memory_space<vmem>>, vector<2000x32xf32>
    %get3A_2 = arith.constant 0 : index
    %get3A_3 = arith.constant 0 : index
    %get3A_4 = arith.constant 0 : index
    %get3A_5 = vector.load %arg1[%get3A_2, %get3A_3, %get3A_4] : memref<2x2000x32xf32, #tpu.memory_space<vmem>>, vector<1x2000x32xf32>
    %get3A_6 = vector.shape_cast %get3A_5 : vector<1x2000x32xf32> to vector<2000x32xf32>
    %get3A_7 = arith.constant 1 : index
    %get3A_8 = arith.constant 0 : index
    %get3A_9 = arith.constant 0 : index
    %get3A_10 = vector.load %arg1[%get3A_7, %get3A_8, %get3A_9] : memref<2x2000x32xf32, #tpu.memory_space<vmem>>, vector<1x2000x32xf32>
    %get3A_11 = vector.shape_cast %get3A_10 : vector<1x2000x32xf32> to vector<2000x32xf32>
    %add3A = arith.addf %get3A_6, %get3A_11 : vector<2000x32xf32>
    %mul3A = arith.mulf %get3A_1, %add3A : vector<2000x32xf32>
    %mul3A_12 = arith.mulf %get3A_1, %get3A_1 : vector<2000x32xf32>
    %get3A_13 = arith.constant 0 : index
    %get3A_14 = arith.constant 0 : index
    %get3A_15 = vector.load %arg2[%get3A_13, %get3A_14] : memref<2000x32xf32, #tpu.memory_space<vmem>>, vector<2000x32xf32>
    %mul3A_16 = arith.mulf %mul3A_12, %get3A_15 : vector<2000x32xf32>
    %add3A_17 = arith.addf %mul3A, %mul3A_16 : vector<2000x32xf32>
    %max3A = arith.constant 0.000000e+00 : f32
    %max3A_18 = vector.broadcast %max3A : f32 to vector<2000x32xf32>
    %max3A_19 = arith.maximumf %add3A_17, %max3A_18 : vector<2000x32xf32>
    %get3A_20 = arith.constant 0 : index
    %get3A_21 = arith.constant 0 : index
    %get3A_22 = vector.load %arg4[%get3A_20, %get3A_21] : memref<32x16xf32, #tpu.memory_space<vmem>>, vector<32x16xf32>
    %get3A_23 = arith.constant 0 : index
    %get3A_24 = arith.constant 0 : index
    %get3A_25 = vector.load %arg5[%get3A_23, %get3A_24] : memref<32x16xf32, #tpu.memory_space<vmem>>, vector<32x16xf32>
    %concatenate3A = tpu.concatenate %get3A_22, %get3A_25 in 1 : vector<32x16xf32>, vector<32x16xf32> -> vector<32x32xf32>
    %dot_general3A = arith.constant dense<0.000000e+00> : vector<2000x32xf32>
    %dot_general3A_26 = tpu.matmul %max3A_19, %concatenate3A, %dot_general3A {dimension_numbers = #tpu.dot_dimension_numbers<[1], [0], [0], [1], [0, 0, 1, 1], [], []>, transpose_lhs_hint = false} : vector<2000x32xf32>, vector<32x32xf32>, vector<2000x32xf32> -> vector<2000x32xf32>
    %swap3A = arith.constant 0 : index
    %swap3A_27 = arith.constant 0 : index
    %swap3A_28 = vector.load %arg6[%swap3A, %swap3A_27] : memref<2000x32xf32, #tpu.memory_space<vmem>>, vector<2000x32xf32>
    tpu.vector_store %arg6[%swap3A, %swap3A_27], %dot_general3A_26 {strides = array<i32>} : memref<2000x32xf32, #tpu.memory_space<vmem>>, vector<2000x32xf32>,
    %mul3A_29 = arith.mulf %get3A_1, %dot_general3A_26 : vector<2000x32xf32>
    %swap3A_30 = arith.constant 0 : index
    %swap3A_31 = arith.constant 0 : index
    %swap3A_32 = vector.load %arg7[%swap3A_30, %swap3A_31] : memref<2000x32xf32, #tpu.memory_space<vmem>>, vector<2000x32xf32>
    tpu.vector_store %arg7[%swap3A_30, %swap3A_31], %mul3A_29 {strides = array<i32>} : memref<2000x32xf32, #tpu.memory_space<vmem>>, vector<2000x32xf32>,
    return
  }
  func.func @transform_0(%arg0: i32) -> (i32, i32, i32) {
    %c0_i32 = arith.constant 0 : i32
    %c0_i32_0 = arith.constant 0 : i32
    %c0_i32_1 = arith.constant 0 : i32
    return %c0_i32, %arg0, %c0_i32_0 : i32, i32, i32
  }
  func.func @transform_1(%arg0: i32) -> (i32, i32) {
    %c0_i32 = arith.constant 0 : i32
    %c0_i32_0 = arith.constant 0 : i32
    return %arg0, %c0_i32 : i32, i32
  }
  func.func @transform_2(%arg0: i32) -> (i32, i32) {
    %c0_i32 = arith.constant 0 : i32
    %c0_i32_0 = arith.constant 0 : i32
    return %arg0, %c0_i32 : i32, i32
  }
  func.func @transform_3(%arg0: i32) -> (i32, i32) {
    %c0_i32 = arith.constant 0 : i32
    %c0_i32_0 = arith.constant 0 : i32
    %c0_i32_1 = arith.constant 0 : i32
    return %c0_i32, %c0_i32_0 : i32, i32
  }
  func.func @transform_4(%arg0: i32) -> (i32, i32) {
    %c0_i32 = arith.constant 0 : i32
    %c0_i32_0 = arith.constant 0 : i32
    %c0_i32_1 = arith.constant 0 : i32
    return %c0_i32, %c0_i32_0 : i32, i32
  }
  func.func @transform_5(%arg0: i32) -> (i32, i32) {
    %c0_i32 = arith.constant 0 : i32
    %c0_i32_0 = arith.constant 0 : i32
    return %arg0, %c0_i32 : i32, i32
  }
  func.func @transform_6(%arg0: i32) -> (i32, i32) {
    %c0_i32 = arith.constant 0 : i32
    %c0_i32_0 = arith.constant 0 : i32
    return %arg0, %c0_i32 : i32, i32
  }
}

module attributes {stable_mosaic.version = 14 : i64} {
  func.func @body(%arg0: i32, %arg1: memref<2x2000x32xf32, #tpu.memory_space<vmem>>, %arg2: memref<2000x32xf32, #tpu.memory_space<vmem>>, %arg3: memref<2000x32xf32, #tpu.memory_space<vmem>>, %arg4: memref<2000x16xf32, #tpu.memory_space<vmem>>, %arg5: memref<2000x16xf32, #tpu.memory_space<vmem>>) attributes {dimension_semantics = [#tpu.dimension_semantics<arbitrary>], iteration_bounds = array<i64: 5>, scalar_prefetch = 0 : i64, scratch_operands = 0 : i64, tpu.core_type = #tpu.core_type<tc>, window_params = [{transform_indices = @transform_0, window_bounds = array<i64: 2, 2000, 32>}, {transform_indices = @transform_1, window_bounds = array<i64: 2000, 32>}, {transform_indices = @transform_2, window_bounds = array<i64: 2000, 32>}, {transform_indices = @transform_3, window_bounds = array<i64: 2000, 16>}, {transform_indices = @transform_4, window_bounds = array<i64: 2000, 16>}]} {
    %get3A = arith.constant 0 : index
    %get3A_0 = arith.constant 0 : index
    %get3A_1 = vector.load %arg3[%get3A, %get3A_0] : memref<2000x32xf32, #tpu.memory_space<vmem>>, vector<2000x32xf32>
    %get3A_2 = arith.constant 0 : index
    %get3A_3 = arith.constant 0 : index
    %get3A_4 = arith.constant 0 : index
    %get3A_5 = vector.load %arg1[%get3A_2, %get3A_3, %get3A_4] : memref<2x2000x32xf32, #tpu.memory_space<vmem>>, vector<1x2000x32xf32>
    %get3A_6 = vector.shape_cast %get3A_5 : vector<1x2000x32xf32> to vector<2000x32xf32>
    %get3A_7 = arith.constant 1 : index
    %get3A_8 = arith.constant 0 : index
    %get3A_9 = arith.constant 0 : index
    %get3A_10 = vector.load %arg1[%get3A_7, %get3A_8, %get3A_9] : memref<2x2000x32xf32, #tpu.memory_space<vmem>>, vector<1x2000x32xf32>
    %get3A_11 = vector.shape_cast %get3A_10 : vector<1x2000x32xf32> to vector<2000x32xf32>
    %add3A = arith.addf %get3A_6, %get3A_11 : vector<2000x32xf32>
    %mul3A = arith.mulf %get3A_1, %add3A : vector<2000x32xf32>
    %mul3A_12 = arith.mulf %get3A_1, %get3A_1 : vector<2000x32xf32>
    %get3A_13 = arith.constant 0 : index
    %get3A_14 = arith.constant 0 : index
    %get3A_15 = vector.load %arg2[%get3A_13, %get3A_14] : memref<2000x32xf32, #tpu.memory_space<vmem>>, vector<2000x32xf32>
    %mul3A_16 = arith.mulf %mul3A_12, %get3A_15 : vector<2000x32xf32>
    %add3A_17 = arith.addf %mul3A, %mul3A_16 : vector<2000x32xf32>
    %slice3A = vector.extract_strided_slice %add3A_17 {offsets = [0, 0], sizes = [2000, 16], strides = [1, 1]} : vector<2000x32xf32> to vector<2000x16xf32>
    %slice3A_18 = vector.extract_strided_slice %add3A_17 {offsets = [0, 16], sizes = [2000, 16], strides = [1, 1]} : vector<2000x32xf32> to vector<2000x16xf32>
    %get3A_19 = arith.constant 0 : index
    %get3A_20 = arith.constant 0 : index
    %get3A_21 = vector.load %arg4[%get3A_19, %get3A_20] : memref<2000x16xf32, #tpu.memory_space<vmem>>, vector<2000x16xf32>
    %exp3A = math.exp %slice3A_18 : vector<2000x16xf32>
    %mul3A_22 = arith.mulf %get3A_21, %exp3A : vector<2000x16xf32>
    %add3A_23 = arith.addf %slice3A, %mul3A_22 : vector<2000x16xf32>
    %swap3A = arith.constant 0 : index
    %swap3A_24 = arith.constant 0 : index
    %swap3A_25 = vector.load %arg5[%swap3A, %swap3A_24] : memref<2000x16xf32, #tpu.memory_space<vmem>>, vector<2000x16xf32>
    tpu.vector_store %arg5[%swap3A, %swap3A_24], %add3A_23 {strides = array<i32>} : memref<2000x16xf32, #tpu.memory_space<vmem>>, vector<2000x16xf32>,
    return
  }
  func.func @transform_0(%arg0: i32) -> (i32, i32, i32) {
    %c0_i32 = arith.constant 0 : i32
    %c0_i32_0 = arith.constant 0 : i32
    %c0_i32_1 = arith.constant 0 : i32
    return %c0_i32, %arg0, %c0_i32_0 : i32, i32, i32
  }
  func.func @transform_1(%arg0: i32) -> (i32, i32) {
    %c0_i32 = arith.constant 0 : i32
    %c0_i32_0 = arith.constant 0 : i32
    return %arg0, %c0_i32 : i32, i32
  }
  func.func @transform_2(%arg0: i32) -> (i32, i32) {
    %c0_i32 = arith.constant 0 : i32
    %c0_i32_0 = arith.constant 0 : i32
    return %arg0, %c0_i32 : i32, i32
  }
  func.func @transform_3(%arg0: i32) -> (i32, i32) {
    %c0_i32 = arith.constant 0 : i32
    %c0_i32_0 = arith.constant 0 : i32
    return %arg0, %c0_i32 : i32, i32
  }
  func.func @transform_4(%arg0: i32) -> (i32, i32) {
    %c0_i32 = arith.constant 0 : i32
    %c0_i32_0 = arith.constant 0 : i32
    return %arg0, %c0_i32 : i32, i32
  }
}

module attributes {stable_mosaic.version = 14 : i64} {
  func.func @body(%arg0: i32, %arg1: memref<128x16xf32, #tpu.memory_space<vmem>>, %arg2: memref<16x10000xf32, #tpu.memory_space<vmem>>, %arg3: memref<1280000xf32, #tpu.memory_space<vmem>>) attributes {dimension_semantics = [#tpu.dimension_semantics<arbitrary>], iteration_bounds = array<i64: 79>, scalar_prefetch = 0 : i64, scratch_operands = 0 : i64, tpu.core_type = #tpu.core_type<tc>, window_params = [{transform_indices = @transform_0, window_bounds = array<i64: 128, 16>}, {pipeline_mode = #tpu.pipeline_mode<synchronous>, transform_indices = @transform_1, window_bounds = array<i64: 16, 10000>}, {transform_indices = @transform_2, window_bounds = array<i64: 1280000>}]} {
    %get3A = arith.constant 0 : index
    %get3A_0 = arith.constant 0 : index
    %get3A_1 = vector.load %arg1[%get3A, %get3A_0] : memref<128x16xf32, #tpu.memory_space<vmem>>, vector<128x16xf32>
    %get3A_2 = arith.constant 0 : index
    %get3A_3 = arith.constant 0 : index
    %get3A_4 = vector.load %arg2[%get3A_2, %get3A_3] : memref<16x10000xf32, #tpu.memory_space<vmem>>, vector<16x10000xf32>
    %dot_general3A = arith.constant dense<0.000000e+00> : vector<128x10000xf32>
    %dot_general3A_5 = tpu.matmul %get3A_1, %get3A_4, %dot_general3A {dimension_numbers = #tpu.dot_dimension_numbers<[1], [0], [0], [1], [0, 0, 1, 1], [], []>, transpose_lhs_hint = false} : vector<128x16xf32>, vector<16x10000xf32>, vector<128x10000xf32> -> vector<128x10000xf32>
    %slice3A = vector.extract_strided_slice %dot_general3A_5 {offsets = [0, 0], sizes = [1, 10000], strides = [1, 1]} : vector<128x10000xf32> to vector<1x10000xf32>
    %squeeze3A = vector.shape_cast %slice3A : vector<1x10000xf32> to vector<10000xf32>
    %swap3A = arith.constant 0 : index
    %swap3A_6 = vector.load %arg3[%swap3A] : memref<1280000xf32, #tpu.memory_space<vmem>>, vector<10000xf32>
    tpu.vector_store %arg3[%swap3A], %squeeze3A {strides = array<i32>} : memref<1280000xf32, #tpu.memory_space<vmem>>, vector<10000xf32>,
    %slice3A_7 = vector.extract_strided_slice %dot_general3A_5 {offsets = [1, 0], sizes = [1, 10000], strides = [1, 1]} : vector<128x10000xf32> to vector<1x10000xf32>
    %squeeze3A_8 = vector.shape_cast %slice3A_7 : vector<1x10000xf32> to vector<10000xf32>
    %swap3A_9 = arith.constant 10000 : index
    %swap3A_10 = vector.load %arg3[%swap3A_9] : memref<1280000xf32, #tpu.memory_space<vmem>>, vector<10000xf32>
    tpu.vector_store %arg3[%swap3A_9], %squeeze3A_8 {strides = array<i32>} : memref<1280000xf32, #tpu.memory_space<vmem>>, vector<10000xf32>,
    %slice3A_11 = vector.extract_strided_slice %dot_general3A_5 {offsets = [2, 0], sizes = [1, 10000], strides = [1, 1]} : vector<128x10000xf32> to vector<1x10000xf32>
    %squeeze3A_12 = vector.shape_cast %slice3A_11 : vector<1x10000xf32> to vector<10000xf32>
    %swap3A_13 = arith.constant 20000 : index
    %swap3A_14 = vector.load %arg3[%swap3A_13] : memref<1280000xf32, #tpu.memory_space<vmem>>, vector<10000xf32>
    tpu.vector_store %arg3[%swap3A_13], %squeeze3A_12 {strides = array<i32>} : memref<1280000xf32, #tpu.memory_space<vmem>>, vector<10000xf32>,
    %slice3A_15 = vector.extract_strided_slice %dot_general3A_5 {offsets = [3, 0], sizes = [1, 10000], strides = [1, 1]} : vector<128x10000xf32> to vector<1x10000xf32>
    %squeeze3A_16 = vector.shape_cast %slice3A_15 : vector<1x10000xf32> to vector<10000xf32>
    %swap3A_17 = arith.constant 30000 : index
    %swap3A_18 = vector.load %arg3[%swap3A_17] : memref<1280000xf32, #tpu.memory_space<vmem>>, vector<10000xf32>
    tpu.vector_store %arg3[%swap3A_17], %squeeze3A_16 {strides = array<i32>} : memref<1280000xf32, #tpu.memory_space<vmem>>, vector<10000xf32>,
    %slice3A_19 = vector.extract_strided_slice %dot_general3A_5 {offsets = [4, 0], sizes = [1, 10000], strides = [1, 1]} : vector<128x10000xf32> to vector<1x10000xf32>
    %squeeze3A_20 = vector.shape_cast %slice3A_19 : vector<1x10000xf32> to vector<10000xf32>
    %swap3A_21 = arith.constant 40000 : index
    %swap3A_22 = vector.load %arg3[%swap3A_21] : memref<1280000xf32, #tpu.memory_space<vmem>>, vector<10000xf32>
    tpu.vector_store %arg3[%swap3A_21], %squeeze3A_20 {strides = array<i32>} : memref<1280000xf32, #tpu.memory_space<vmem>>, vector<10000xf32>,
    %slice3A_23 = vector.extract_strided_slice %dot_general3A_5 {offsets = [5, 0], sizes = [1, 10000], strides = [1, 1]} : vector<128x10000xf32> to vector<1x10000xf32>
    %squeeze3A_24 = vector.shape_cast %slice3A_23 : vector<1x10000xf32> to vector<10000xf32>
    %swap3A_25 = arith.constant 50000 : index
    %swap3A_26 = vector.load %arg3[%swap3A_25] : memref<1280000xf32, #tpu.memory_space<vmem>>, vector<10000xf32>
    tpu.vector_store %arg3[%swap3A_25], %squeeze3A_24 {strides = array<i32>} : memref<1280000xf32, #tpu.memory_space<vmem>>, vector<10000xf32>,
    %slice3A_27 = vector.extract_strided_slice %dot_general3A_5 {offsets = [6, 0], sizes = [1, 10000], strides = [1, 1]} : vector<128x10000xf32> to vector<1x10000xf32>
    %squeeze3A_28 = vector.shape_cast %slice3A_27 : vector<1x10000xf32> to vector<10000xf32>
    %swap3A_29 = arith.constant 60000 : index
    %swap3A_30 = vector.load %arg3[%swap3A_29] : memref<1280000xf32, #tpu.memory_space<vmem>>, vector<10000xf32>
    tpu.vector_store %arg3[%swap3A_29], %squeeze3A_28 {strides = array<i32>} : memref<1280000xf32, #tpu.memory_space<vmem>>, vector<10000xf32>,
    %slice3A_31 = vector.extract_strided_slice %dot_general3A_5 {offsets = [7, 0], sizes = [1, 10000], strides = [1, 1]} : vector<128x10000xf32> to vector<1x10000xf32>
    %squeeze3A_32 = vector.shape_cast %slice3A_31 : vector<1x10000xf32> to vector<10000xf32>
    %swap3A_33 = arith.constant 70000 : index
    %swap3A_34 = vector.load %arg3[%swap3A_33] : memref<1280000xf32, #tpu.memory_space<vmem>>, vector<10000xf32>
    tpu.vector_store %arg3[%swap3A_33], %squeeze3A_32 {strides = array<i32>} : memref<1280000xf32, #tpu.memory_space<vmem>>, vector<10000xf32>,
    %slice3A_35 = vector.extract_strided_slice %dot_general3A_5 {offsets = [8, 0], sizes = [1, 10000], strides = [1, 1]} : vector<128x10000xf32> to vector<1x10000xf32>
    %squeeze3A_36 = vector.shape_cast %slice3A_35 : vector<1x10000xf32> to vector<10000xf32>
    %swap3A_37 = arith.constant 80000 : index
    %swap3A_38 = vector.load %arg3[%swap3A_37] : memref<1280000xf32, #tpu.memory_space<vmem>>, vector<10000xf32>
    tpu.vector_store %arg3[%swap3A_37], %squeeze3A_36 {strides = array<i32>} : memref<1280000xf32, #tpu.memory_space<vmem>>, vector<10000xf32>,
    %slice3A_39 = vector.extract_strided_slice %dot_general3A_5 {offsets = [9, 0], sizes = [1, 10000], strides = [1, 1]} : vector<128x10000xf32> to vector<1x10000xf32>
    %squeeze3A_40 = vector.shape_cast %slice3A_39 : vector<1x10000xf32> to vector<10000xf32>
    %swap3A_41 = arith.constant 90000 : index
    %swap3A_42 = vector.load %arg3[%swap3A_41] : memref<1280000xf32, #tpu.memory_space<vmem>>, vector<10000xf32>
    tpu.vector_store %arg3[%swap3A_41], %squeeze3A_40 {strides = array<i32>} : memref<1280000xf32, #tpu.memory_space<vmem>>, vector<10000xf32>,
    %slice3A_43 = vector.extract_strided_slice %dot_general3A_5 {offsets = [10, 0], sizes = [1, 10000], strides = [1, 1]} : vector<128x10000xf32> to vector<1x10000xf32>
    %squeeze3A_44 = vector.shape_cast %slice3A_43 : vector<1x10000xf32> to vector<10000xf32>
    %swap3A_45 = arith.constant 100000 : index
    %swap3A_46 = vector.load %arg3[%swap3A_45] : memref<1280000xf32, #tpu.memory_space<vmem>>, vector<10000xf32>
    tpu.vector_store %arg3[%swap3A_45], %squeeze3A_44 {strides = array<i32>} : memref<1280000xf32, #tpu.memory_space<vmem>>, vector<10000xf32>,
    %slice3A_47 = vector.extract_strided_slice %dot_general3A_5 {offsets = [11, 0], sizes = [1, 10000], strides = [1, 1]} : vector<128x10000xf32> to vector<1x10000xf32>
    %squeeze3A_48 = vector.shape_cast %slice3A_47 : vector<1x10000xf32> to vector<10000xf32>
    %swap3A_49 = arith.constant 110000 : index
    %swap3A_50 = vector.load %arg3[%swap3A_49] : memref<1280000xf32, #tpu.memory_space<vmem>>, vector<10000xf32>
    tpu.vector_store %arg3[%swap3A_49], %squeeze3A_48 {strides = array<i32>} : memref<1280000xf32, #tpu.memory_space<vmem>>, vector<10000xf32>,
    %slice3A_51 = vector.extract_strided_slice %dot_general3A_5 {offsets = [12, 0], sizes = [1, 10000], strides = [1, 1]} : vector<128x10000xf32> to vector<1x10000xf32>
    %squeeze3A_52 = vector.shape_cast %slice3A_51 : vector<1x10000xf32> to vector<10000xf32>
    %swap3A_53 = arith.constant 120000 : index
    %swap3A_54 = vector.load %arg3[%swap3A_53] : memref<1280000xf32, #tpu.memory_space<vmem>>, vector<10000xf32>
    tpu.vector_store %arg3[%swap3A_53], %squeeze3A_52 {strides = array<i32>} : memref<1280000xf32, #tpu.memory_space<vmem>>, vector<10000xf32>,
    %slice3A_55 = vector.extract_strided_slice %dot_general3A_5 {offsets = [13, 0], sizes = [1, 10000], strides = [1, 1]} : vector<128x10000xf32> to vector<1x10000xf32>
    %squeeze3A_56 = vector.shape_cast %slice3A_55 : vector<1x10000xf32> to vector<10000xf32>
    %swap3A_57 = arith.constant 130000 : index
    %swap3A_58 = vector.load %arg3[%swap3A_57] : memref<1280000xf32, #tpu.memory_space<vmem>>, vector<10000xf32>
    tpu.vector_store %arg3[%swap3A_57], %squeeze3A_56 {strides = array<i32>} : memref<1280000xf32, #tpu.memory_space<vmem>>, vector<10000xf32>,
    %slice3A_59 = vector.extract_strided_slice %dot_general3A_5 {offsets = [14, 0], sizes = [1, 10000], strides = [1, 1]} : vector<128x10000xf32> to vector<1x10000xf32>
    %squeeze3A_60 = vector.shape_cast %slice3A_59 : vector<1x10000xf32> to vector<10000xf32>
    %swap3A_61 = arith.constant 140000 : index
    %swap3A_62 = vector.load %arg3[%swap3A_61] : memref<1280000xf32, #tpu.memory_space<vmem>>, vector<10000xf32>
    tpu.vector_store %arg3[%swap3A_61], %squeeze3A_60 {strides = array<i32>} : memref<1280000xf32, #tpu.memory_space<vmem>>, vector<10000xf32>,
    %slice3A_63 = vector.extract_strided_slice %dot_general3A_5 {offsets = [15, 0], sizes = [1, 10000], strides = [1, 1]} : vector<128x10000xf32> to vector<1x10000xf32>
    %squeeze3A_64 = vector.shape_cast %slice3A_63 : vector<1x10000xf32> to vector<10000xf32>
    %swap3A_65 = arith.constant 150000 : index
    %swap3A_66 = vector.load %arg3[%swap3A_65] : memref<1280000xf32, #tpu.memory_space<vmem>>, vector<10000xf32>
    tpu.vector_store %arg3[%swap3A_65], %squeeze3A_64 {strides = array<i32>} : memref<1280000xf32, #tpu.memory_space<vmem>>, vector<10000xf32>,
    %slice3A_67 = vector.extract_strided_slice %dot_general3A_5 {offsets = [16, 0], sizes = [1, 10000], strides = [1, 1]} : vector<128x10000xf32> to vector<1x10000xf32>
    %squeeze3A_68 = vector.shape_cast %slice3A_67 : vector<1x10000xf32> to vector<10000xf32>
    %swap3A_69 = arith.constant 160000 : index
    %swap3A_70 = vector.load %arg3[%swap3A_69] : memref<1280000xf32, #tpu.memory_space<vmem>>, vector<10000xf32>
    tpu.vector_store %arg3[%swap3A_69], %squeeze3A_68 {strides = array<i32>} : memref<1280000xf32, #tpu.memory_space<vmem>>, vector<10000xf32>,
    %slice3A_71 = vector.extract_strided_slice %dot_general3A_5 {offsets = [17, 0], sizes = [1, 10000], strides = [1, 1]} : vector<128x10000xf32> to vector<1x10000xf32>
    %squeeze3A_72 = vector.shape_cast %slice3A_71 : vector<1x10000xf32> to vector<10000xf32>
    %swap3A_73 = arith.constant 170000 : index
    %swap3A_74 = vector.load %arg3[%swap3A_73] : memref<1280000xf32, #tpu.memory_space<vmem>>, vector<10000xf32>
    tpu.vector_store %arg3[%swap3A_73], %squeeze3A_72 {strides = array<i32>} : memref<1280000xf32, #tpu.memory_space<vmem>>, vector<10000xf32>,
    %slice3A_75 = vector.extract_strided_slice %dot_general3A_5 {offsets = [18, 0], sizes = [1, 10000], strides = [1, 1]} : vector<128x10000xf32> to vector<1x10000xf32>
    %squeeze3A_76 = vector.shape_cast %slice3A_75 : vector<1x10000xf32> to vector<10000xf32>
    %swap3A_77 = arith.constant 180000 : index
    %swap3A_78 = vector.load %arg3[%swap3A_77] : memref<1280000xf32, #tpu.memory_space<vmem>>, vector<10000xf32>
    tpu.vector_store %arg3[%swap3A_77], %squeeze3A_76 {strides = array<i32>} : memref<1280000xf32, #tpu.memory_space<vmem>>, vector<10000xf32>,
    %slice3A_79 = vector.extract_strided_slice %dot_general3A_5 {offsets = [19, 0], sizes = [1, 10000], strides = [1, 1]} : vector<128x10000xf32> to vector<1x10000xf32>
    %squeeze3A_80 = vector.shape_cast %slice3A_79 : vector<1x10000xf32> to vector<10000xf32>
    %swap3A_81 = arith.constant 190000 : index
    %swap3A_82 = vector.load %arg3[%swap3A_81] : memref<1280000xf32, #tpu.memory_space<vmem>>, vector<10000xf32>
    tpu.vector_store %arg3[%swap3A_81], %squeeze3A_80 {strides = array<i32>} : memref<1280000xf32, #tpu.memory_space<vmem>>, vector<10000xf32>,
    %slice3A_83 = vector.extract_strided_slice %dot_general3A_5 {offsets = [20, 0], sizes = [1, 10000], strides = [1, 1]} : vector<128x10000xf32> to vector<1x10000xf32>
    %squeeze3A_84 = vector.shape_cast %slice3A_83 : vector<1x10000xf32> to vector<10000xf32>
    %swap3A_85 = arith.constant 200000 : index
    %swap3A_86 = vector.load %arg3[%swap3A_85] : memref<1280000xf32, #tpu.memory_space<vmem>>, vector<10000xf32>
    tpu.vector_store %arg3[%swap3A_85], %squeeze3A_84 {strides = array<i32>} : memref<1280000xf32, #tpu.memory_space<vmem>>, vector<10000xf32>,
    %slice3A_87 = vector.extract_strided_slice %dot_general3A_5 {offsets = [21, 0], sizes = [1, 10000], strides = [1, 1]} : vector<128x10000xf32> to vector<1x10000xf32>
    %squeeze3A_88 = vector.shape_cast %slice3A_87 : vector<1x10000xf32> to vector<10000xf32>
    %swap3A_89 = arith.constant 210000 : index
    %swap3A_90 = vector.load %arg3[%swap3A_89] : memref<1280000xf32, #tpu.memory_space<vmem>>, vector<10000xf32>
    tpu.vector_store %arg3[%swap3A_89], %squeeze3A_88 {strides = array<i32>} : memref<1280000xf32, #tpu.memory_space<vmem>>, vector<10000xf32>,
    %slice3A_91 = vector.extract_strided_slice %dot_general3A_5 {offsets = [22, 0], sizes = [1, 10000], strides = [1, 1]} : vector<128x10000xf32> to vector<1x10000xf32>
    %squeeze3A_92 = vector.shape_cast %slice3A_91 : vector<1x10000xf32> to vector<10000xf32>
    %swap3A_93 = arith.constant 220000 : index
    %swap3A_94 = vector.load %arg3[%swap3A_93] : memref<1280000xf32, #tpu.memory_space<vmem>>, vector<10000xf32>
    tpu.vector_store %arg3[%swap3A_93], %squeeze3A_92 {strides = array<i32>} : memref<1280000xf32, #tpu.memory_space<vmem>>, vector<10000xf32>,
    %slice3A_95 = vector.extract_strided_slice %dot_general3A_5 {offsets = [23, 0], sizes = [1, 10000], strides = [1, 1]} : vector<128x10000xf32> to vector<1x10000xf32>
    %squeeze3A_96 = vector.shape_cast %slice3A_95 : vector<1x10000xf32> to vector<10000xf32>
    %swap3A_97 = arith.constant 230000 : index
    %swap3A_98 = vector.load %arg3[%swap3A_97] : memref<1280000xf32, #tpu.memory_space<vmem>>, vector<10000xf32>
    tpu.vector_store %arg3[%swap3A_97], %squeeze3A_96 {strides = array<i32>} : memref<1280000xf32, #tpu.memory_space<vmem>>, vector<10000xf32>,
    %slice3A_99 = vector.extract_strided_slice %dot_general3A_5 {offsets = [24, 0], sizes = [1, 10000], strides = [1, 1]} : vector<128x10000xf32> to vector<1x10000xf32>
    %squeeze3A_100 = vector.shape_cast %slice3A_99 : vector<1x10000xf32> to vector<10000xf32>
    %swap3A_101 = arith.constant 240000 : index
    %swap3A_102 = vector.load %arg3[%swap3A_101] : memref<1280000xf32, #tpu.memory_space<vmem>>, vector<10000xf32>
    tpu.vector_store %arg3[%swap3A_101], %squeeze3A_100 {strides = array<i32>} : memref<1280000xf32, #tpu.memory_space<vmem>>, vector<10000xf32>,
    %slice3A_103 = vector.extract_strided_slice %dot_general3A_5 {offsets = [25, 0], sizes = [1, 10000], strides = [1, 1]} : vector<128x10000xf32> to vector<1x10000xf32>
    %squeeze3A_104 = vector.shape_cast %slice3A_103 : vector<1x10000xf32> to vector<10000xf32>
    %swap3A_105 = arith.constant 250000 : index
    %swap3A_106 = vector.load %arg3[%swap3A_105] : memref<1280000xf32, #tpu.memory_space<vmem>>, vector<10000xf32>
    tpu.vector_store %arg3[%swap3A_105], %squeeze3A_104 {strides = array<i32>} : memref<1280000xf32, #tpu.memory_space<vmem>>, vector<10000xf32>,
    %slice3A_107 = vector.extract_strided_slice %dot_general3A_5 {offsets = [26, 0], sizes = [1, 10000], strides = [1, 1]} : vector<128x10000xf32> to vector<1x10000xf32>
    %squeeze3A_108 = vector.shape_cast %slice3A_107 : vector<1x10000xf32> to vector<10000xf32>
    %swap3A_109 = arith.constant 260000 : index
    %swap3A_110 = vector.load %arg3[%swap3A_109] : memref<1280000xf32, #tpu.memory_space<vmem>>, vector<10000xf32>
    tpu.vector_store %arg3[%swap3A_109], %squeeze3A_108 {strides = array<i32>} : memref<1280000xf32, #tpu.memory_space<vmem>>, vector<10000xf32>,
    %slice3A_111 = vector.extract_strided_slice %dot_general3A_5 {offsets = [27, 0], sizes = [1, 10000], strides = [1, 1]} : vector<128x10000xf32> to vector<1x10000xf32>
    %squeeze3A_112 = vector.shape_cast %slice3A_111 : vector<1x10000xf32> to vector<10000xf32>
    %swap3A_113 = arith.constant 270000 : index
    %swap3A_114 = vector.load %arg3[%swap3A_113] : memref<1280000xf32, #tpu.memory_space<vmem>>, vector<10000xf32>
    tpu.vector_store %arg3[%swap3A_113], %squeeze3A_112 {strides = array<i32>} : memref<1280000xf32, #tpu.memory_space<vmem>>, vector<10000xf32>,
    %slice3A_115 = vector.extract_strided_slice %dot_general3A_5 {offsets = [28, 0], sizes = [1, 10000], strides = [1, 1]} : vector<128x10000xf32> to vector<1x10000xf32>
    %squeeze3A_116 = vector.shape_cast %slice3A_115 : vector<1x10000xf32> to vector<10000xf32>
    %swap3A_117 = arith.constant 280000 : index
    %swap3A_118 = vector.load %arg3[%swap3A_117] : memref<1280000xf32, #tpu.memory_space<vmem>>, vector<10000xf32>
    tpu.vector_store %arg3[%swap3A_117], %squeeze3A_116 {strides = array<i32>} : memref<1280000xf32, #tpu.memory_space<vmem>>, vector<10000xf32>,
    %slice3A_119 = vector.extract_strided_slice %dot_general3A_5 {offsets = [29, 0], sizes = [1, 10000], strides = [1, 1]} : vector<128x10000xf32> to vector<1x10000xf32>
    %squeeze3A_120 = vector.shape_cast %slice3A_119 : vector<1x10000xf32> to vector<10000xf32>
    %swap3A_121 = arith.constant 290000 : index
    %swap3A_122 = vector.load %arg3[%swap3A_121] : memref<1280000xf32, #tpu.memory_space<vmem>>, vector<10000xf32>
    tpu.vector_store %arg3[%swap3A_121], %squeeze3A_120 {strides = array<i32>} : memref<1280000xf32, #tpu.memory_space<vmem>>, vector<10000xf32>,
    %slice3A_123 = vector.extract_strided_slice %dot_general3A_5 {offsets = [30, 0], sizes = [1, 10000], strides = [1, 1]} : vector<128x10000xf32> to vector<1x10000xf32>
    %squeeze3A_124 = vector.shape_cast %slice3A_123 : vector<1x10000xf32> to vector<10000xf32>
    %swap3A_125 = arith.constant 300000 : index
    %swap3A_126 = vector.load %arg3[%swap3A_125] : memref<1280000xf32, #tpu.memory_space<vmem>>, vector<10000xf32>
    tpu.vector_store %arg3[%swap3A_125], %squeeze3A_124 {strides = array<i32>} : memref<1280000xf32, #tpu.memory_space<vmem>>, vector<10000xf32>,
    %slice3A_127 = vector.extract_strided_slice %dot_general3A_5 {offsets = [31, 0], sizes = [1, 10000], strides = [1, 1]} : vector<128x10000xf32> to vector<1x10000xf32>
    %squeeze3A_128 = vector.shape_cast %slice3A_127 : vector<1x10000xf32> to vector<10000xf32>
    %swap3A_129 = arith.constant 310000 : index
    %swap3A_130 = vector.load %arg3[%swap3A_129] : memref<1280000xf32, #tpu.memory_space<vmem>>, vector<10000xf32>
    tpu.vector_store %arg3[%swap3A_129], %squeeze3A_128 {strides = array<i32>} : memref<1280000xf32, #tpu.memory_space<vmem>>, vector<10000xf32>,
    %slice3A_131 = vector.extract_strided_slice %dot_general3A_5 {offsets = [32, 0], sizes = [1, 10000], strides = [1, 1]} : vector<128x10000xf32> to vector<1x10000xf32>
    %squeeze3A_132 = vector.shape_cast %slice3A_131 : vector<1x10000xf32> to vector<10000xf32>
    %swap3A_133 = arith.constant 320000 : index
    %swap3A_134 = vector.load %arg3[%swap3A_133] : memref<1280000xf32, #tpu.memory_space<vmem>>, vector<10000xf32>
    tpu.vector_store %arg3[%swap3A_133], %squeeze3A_132 {strides = array<i32>} : memref<1280000xf32, #tpu.memory_space<vmem>>, vector<10000xf32>,
    %slice3A_135 = vector.extract_strided_slice %dot_general3A_5 {offsets = [33, 0], sizes = [1, 10000], strides = [1, 1]} : vector<128x10000xf32> to vector<1x10000xf32>
    %squeeze3A_136 = vector.shape_cast %slice3A_135 : vector<1x10000xf32> to vector<10000xf32>
    %swap3A_137 = arith.constant 330000 : index
    %swap3A_138 = vector.load %arg3[%swap3A_137] : memref<1280000xf32, #tpu.memory_space<vmem>>, vector<10000xf32>
    tpu.vector_store %arg3[%swap3A_137], %squeeze3A_136 {strides = array<i32>} : memref<1280000xf32, #tpu.memory_space<vmem>>, vector<10000xf32>,
    %slice3A_139 = vector.extract_strided_slice %dot_general3A_5 {offsets = [34, 0], sizes = [1, 10000], strides = [1, 1]} : vector<128x10000xf32> to vector<1x10000xf32>
    %squeeze3A_140 = vector.shape_cast %slice3A_139 : vector<1x10000xf32> to vector<10000xf32>
    %swap3A_141 = arith.constant 340000 : index
    %swap3A_142 = vector.load %arg3[%swap3A_141] : memref<1280000xf32, #tpu.memory_space<vmem>>, vector<10000xf32>
    tpu.vector_store %arg3[%swap3A_141], %squeeze3A_140 {strides = array<i32>} : memref<1280000xf32, #tpu.memory_space<vmem>>, vector<10000xf32>,
    %slice3A_143 = vector.extract_strided_slice %dot_general3A_5 {offsets = [35, 0], sizes = [1, 10000], strides = [1, 1]} : vector<128x10000xf32> to vector<1x10000xf32>
    %squeeze3A_144 = vector.shape_cast %slice3A_143 : vector<1x10000xf32> to vector<10000xf32>
    %swap3A_145 = arith.constant 350000 : index
    %swap3A_146 = vector.load %arg3[%swap3A_145] : memref<1280000xf32, #tpu.memory_space<vmem>>, vector<10000xf32>
    tpu.vector_store %arg3[%swap3A_145], %squeeze3A_144 {strides = array<i32>} : memref<1280000xf32, #tpu.memory_space<vmem>>, vector<10000xf32>,
    %slice3A_147 = vector.extract_strided_slice %dot_general3A_5 {offsets = [36, 0], sizes = [1, 10000], strides = [1, 1]} : vector<128x10000xf32> to vector<1x10000xf32>
    %squeeze3A_148 = vector.shape_cast %slice3A_147 : vector<1x10000xf32> to vector<10000xf32>
    %swap3A_149 = arith.constant 360000 : index
    %swap3A_150 = vector.load %arg3[%swap3A_149] : memref<1280000xf32, #tpu.memory_space<vmem>>, vector<10000xf32>
    tpu.vector_store %arg3[%swap3A_149], %squeeze3A_148 {strides = array<i32>} : memref<1280000xf32, #tpu.memory_space<vmem>>, vector<10000xf32>,
    %slice3A_151 = vector.extract_strided_slice %dot_general3A_5 {offsets = [37, 0], sizes = [1, 10000], strides = [1, 1]} : vector<128x10000xf32> to vector<1x10000xf32>
    %squeeze3A_152 = vector.shape_cast %slice3A_151 : vector<1x10000xf32> to vector<10000xf32>
    %swap3A_153 = arith.constant 370000 : index
    %swap3A_154 = vector.load %arg3[%swap3A_153] : memref<1280000xf32, #tpu.memory_space<vmem>>, vector<10000xf32>
    tpu.vector_store %arg3[%swap3A_153], %squeeze3A_152 {strides = array<i32>} : memref<1280000xf32, #tpu.memory_space<vmem>>, vector<10000xf32>,
    %slice3A_155 = vector.extract_strided_slice %dot_general3A_5 {offsets = [38, 0], sizes = [1, 10000], strides = [1, 1]} : vector<128x10000xf32> to vector<1x10000xf32>
    %squeeze3A_156 = vector.shape_cast %slice3A_155 : vector<1x10000xf32> to vector<10000xf32>
    %swap3A_157 = arith.constant 380000 : index
    %swap3A_158 = vector.load %arg3[%swap3A_157] : memref<1280000xf32, #tpu.memory_space<vmem>>, vector<10000xf32>
    tpu.vector_store %arg3[%swap3A_157], %squeeze3A_156 {strides = array<i32>} : memref<1280000xf32, #tpu.memory_space<vmem>>, vector<10000xf32>,
    %slice3A_159 = vector.extract_strided_slice %dot_general3A_5 {offsets = [39, 0], sizes = [1, 10000], strides = [1, 1]} : vector<128x10000xf32> to vector<1x10000xf32>
    %squeeze3A_160 = vector.shape_cast %slice3A_159 : vector<1x10000xf32> to vector<10000xf32>
    %swap3A_161 = arith.constant 390000 : index
    %swap3A_162 = vector.load %arg3[%swap3A_161] : memref<1280000xf32, #tpu.memory_space<vmem>>, vector<10000xf32>
    tpu.vector_store %arg3[%swap3A_161], %squeeze3A_160 {strides = array<i32>} : memref<1280000xf32, #tpu.memory_space<vmem>>, vector<10000xf32>,
    %slice3A_163 = vector.extract_strided_slice %dot_general3A_5 {offsets = [40, 0], sizes = [1, 10000], strides = [1, 1]} : vector<128x10000xf32> to vector<1x10000xf32>
    %squeeze3A_164 = vector.shape_cast %slice3A_163 : vector<1x10000xf32> to vector<10000xf32>
    %swap3A_165 = arith.constant 400000 : index
    %swap3A_166 = vector.load %arg3[%swap3A_165] : memref<1280000xf32, #tpu.memory_space<vmem>>, vector<10000xf32>
    tpu.vector_store %arg3[%swap3A_165], %squeeze3A_164 {strides = array<i32>} : memref<1280000xf32, #tpu.memory_space<vmem>>, vector<10000xf32>,
    %slice3A_167 = vector.extract_strided_slice %dot_general3A_5 {offsets = [41, 0], sizes = [1, 10000], strides = [1, 1]} : vector<128x10000xf32> to vector<1x10000xf32>
    %squeeze3A_168 = vector.shape_cast %slice3A_167 : vector<1x10000xf32> to vector<10000xf32>
    %swap3A_169 = arith.constant 410000 : index
    %swap3A_170 = vector.load %arg3[%swap3A_169] : memref<1280000xf32, #tpu.memory_space<vmem>>, vector<10000xf32>
    tpu.vector_store %arg3[%swap3A_169], %squeeze3A_168 {strides = array<i32>} : memref<1280000xf32, #tpu.memory_space<vmem>>, vector<10000xf32>,
    %slice3A_171 = vector.extract_strided_slice %dot_general3A_5 {offsets = [42, 0], sizes = [1, 10000], strides = [1, 1]} : vector<128x10000xf32> to vector<1x10000xf32>
    %squeeze3A_172 = vector.shape_cast %slice3A_171 : vector<1x10000xf32> to vector<10000xf32>
    %swap3A_173 = arith.constant 420000 : index
    %swap3A_174 = vector.load %arg3[%swap3A_173] : memref<1280000xf32, #tpu.memory_space<vmem>>, vector<10000xf32>
    tpu.vector_store %arg3[%swap3A_173], %squeeze3A_172 {strides = array<i32>} : memref<1280000xf32, #tpu.memory_space<vmem>>, vector<10000xf32>,
    %slice3A_175 = vector.extract_strided_slice %dot_general3A_5 {offsets = [43, 0], sizes = [1, 10000], strides = [1, 1]} : vector<128x10000xf32> to vector<1x10000xf32>
    %squeeze3A_176 = vector.shape_cast %slice3A_175 : vector<1x10000xf32> to vector<10000xf32>
    %swap3A_177 = arith.constant 430000 : index
    %swap3A_178 = vector.load %arg3[%swap3A_177] : memref<1280000xf32, #tpu.memory_space<vmem>>, vector<10000xf32>
    tpu.vector_store %arg3[%swap3A_177], %squeeze3A_176 {strides = array<i32>} : memref<1280000xf32, #tpu.memory_space<vmem>>, vector<10000xf32>,
    %slice3A_179 = vector.extract_strided_slice %dot_general3A_5 {offsets = [44, 0], sizes = [1, 10000], strides = [1, 1]} : vector<128x10000xf32> to vector<1x10000xf32>
    %squeeze3A_180 = vector.shape_cast %slice3A_179 : vector<1x10000xf32> to vector<10000xf32>
    %swap3A_181 = arith.constant 440000 : index
    %swap3A_182 = vector.load %arg3[%swap3A_181] : memref<1280000xf32, #tpu.memory_space<vmem>>, vector<10000xf32>
    tpu.vector_store %arg3[%swap3A_181], %squeeze3A_180 {strides = array<i32>} : memref<1280000xf32, #tpu.memory_space<vmem>>, vector<10000xf32>,
    %slice3A_183 = vector.extract_strided_slice %dot_general3A_5 {offsets = [45, 0], sizes = [1, 10000], strides = [1, 1]} : vector<128x10000xf32> to vector<1x10000xf32>
    %squeeze3A_184 = vector.shape_cast %slice3A_183 : vector<1x10000xf32> to vector<10000xf32>
    %swap3A_185 = arith.constant 450000 : index
    %swap3A_186 = vector.load %arg3[%swap3A_185] : memref<1280000xf32, #tpu.memory_space<vmem>>, vector<10000xf32>
    tpu.vector_store %arg3[%swap3A_185], %squeeze3A_184 {strides = array<i32>} : memref<1280000xf32, #tpu.memory_space<vmem>>, vector<10000xf32>,
    %slice3A_187 = vector.extract_strided_slice %dot_general3A_5 {offsets = [46, 0], sizes = [1, 10000], strides = [1, 1]} : vector<128x10000xf32> to vector<1x10000xf32>
    %squeeze3A_188 = vector.shape_cast %slice3A_187 : vector<1x10000xf32> to vector<10000xf32>
    %swap3A_189 = arith.constant 460000 : index
    %swap3A_190 = vector.load %arg3[%swap3A_189] : memref<1280000xf32, #tpu.memory_space<vmem>>, vector<10000xf32>
    tpu.vector_store %arg3[%swap3A_189], %squeeze3A_188 {strides = array<i32>} : memref<1280000xf32, #tpu.memory_space<vmem>>, vector<10000xf32>,
    %slice3A_191 = vector.extract_strided_slice %dot_general3A_5 {offsets = [47, 0], sizes = [1, 10000], strides = [1, 1]} : vector<128x10000xf32> to vector<1x10000xf32>
    %squeeze3A_192 = vector.shape_cast %slice3A_191 : vector<1x10000xf32> to vector<10000xf32>
    %swap3A_193 = arith.constant 470000 : index
    %swap3A_194 = vector.load %arg3[%swap3A_193] : memref<1280000xf32, #tpu.memory_space<vmem>>, vector<10000xf32>
    tpu.vector_store %arg3[%swap3A_193], %squeeze3A_192 {strides = array<i32>} : memref<1280000xf32, #tpu.memory_space<vmem>>, vector<10000xf32>,
    %slice3A_195 = vector.extract_strided_slice %dot_general3A_5 {offsets = [48, 0], sizes = [1, 10000], strides = [1, 1]} : vector<128x10000xf32> to vector<1x10000xf32>
    %squeeze3A_196 = vector.shape_cast %slice3A_195 : vector<1x10000xf32> to vector<10000xf32>
    %swap3A_197 = arith.constant 480000 : index
    %swap3A_198 = vector.load %arg3[%swap3A_197] : memref<1280000xf32, #tpu.memory_space<vmem>>, vector<10000xf32>
    tpu.vector_store %arg3[%swap3A_197], %squeeze3A_196 {strides = array<i32>} : memref<1280000xf32, #tpu.memory_space<vmem>>, vector<10000xf32>,
    %slice3A_199 = vector.extract_strided_slice %dot_general3A_5 {offsets = [49, 0], sizes = [1, 10000], strides = [1, 1]} : vector<128x10000xf32> to vector<1x10000xf32>
    %squeeze3A_200 = vector.shape_cast %slice3A_199 : vector<1x10000xf32> to vector<10000xf32>
    %swap3A_201 = arith.constant 490000 : index
    %swap3A_202 = vector.load %arg3[%swap3A_201] : memref<1280000xf32, #tpu.memory_space<vmem>>, vector<10000xf32>
    tpu.vector_store %arg3[%swap3A_201], %squeeze3A_200 {strides = array<i32>} : memref<1280000xf32, #tpu.memory_space<vmem>>, vector<10000xf32>,
    %slice3A_203 = vector.extract_strided_slice %dot_general3A_5 {offsets = [50, 0], sizes = [1, 10000], strides = [1, 1]} : vector<128x10000xf32> to vector<1x10000xf32>
    %squeeze3A_204 = vector.shape_cast %slice3A_203 : vector<1x10000xf32> to vector<10000xf32>
    %swap3A_205 = arith.constant 500000 : index
    %swap3A_206 = vector.load %arg3[%swap3A_205] : memref<1280000xf32, #tpu.memory_space<vmem>>, vector<10000xf32>
    tpu.vector_store %arg3[%swap3A_205], %squeeze3A_204 {strides = array<i32>} : memref<1280000xf32, #tpu.memory_space<vmem>>, vector<10000xf32>,
    %slice3A_207 = vector.extract_strided_slice %dot_general3A_5 {offsets = [51, 0], sizes = [1, 10000], strides = [1, 1]} : vector<128x10000xf32> to vector<1x10000xf32>
    %squeeze3A_208 = vector.shape_cast %slice3A_207 : vector<1x10000xf32> to vector<10000xf32>
    %swap3A_209 = arith.constant 510000 : index
    %swap3A_210 = vector.load %arg3[%swap3A_209] : memref<1280000xf32, #tpu.memory_space<vmem>>, vector<10000xf32>
    tpu.vector_store %arg3[%swap3A_209], %squeeze3A_208 {strides = array<i32>} : memref<1280000xf32, #tpu.memory_space<vmem>>, vector<10000xf32>,
    %slice3A_211 = vector.extract_strided_slice %dot_general3A_5 {offsets = [52, 0], sizes = [1, 10000], strides = [1, 1]} : vector<128x10000xf32> to vector<1x10000xf32>
    %squeeze3A_212 = vector.shape_cast %slice3A_211 : vector<1x10000xf32> to vector<10000xf32>
    %swap3A_213 = arith.constant 520000 : index
    %swap3A_214 = vector.load %arg3[%swap3A_213] : memref<1280000xf32, #tpu.memory_space<vmem>>, vector<10000xf32>
    tpu.vector_store %arg3[%swap3A_213], %squeeze3A_212 {strides = array<i32>} : memref<1280000xf32, #tpu.memory_space<vmem>>, vector<10000xf32>,
    %slice3A_215 = vector.extract_strided_slice %dot_general3A_5 {offsets = [53, 0], sizes = [1, 10000], strides = [1, 1]} : vector<128x10000xf32> to vector<1x10000xf32>
    %squeeze3A_216 = vector.shape_cast %slice3A_215 : vector<1x10000xf32> to vector<10000xf32>
    %swap3A_217 = arith.constant 530000 : index
    %swap3A_218 = vector.load %arg3[%swap3A_217] : memref<1280000xf32, #tpu.memory_space<vmem>>, vector<10000xf32>
    tpu.vector_store %arg3[%swap3A_217], %squeeze3A_216 {strides = array<i32>} : memref<1280000xf32, #tpu.memory_space<vmem>>, vector<10000xf32>,
    %slice3A_219 = vector.extract_strided_slice %dot_general3A_5 {offsets = [54, 0], sizes = [1, 10000], strides = [1, 1]} : vector<128x10000xf32> to vector<1x10000xf32>
    %squeeze3A_220 = vector.shape_cast %slice3A_219 : vector<1x10000xf32> to vector<10000xf32>
    %swap3A_221 = arith.constant 540000 : index
    %swap3A_222 = vector.load %arg3[%swap3A_221] : memref<1280000xf32, #tpu.memory_space<vmem>>, vector<10000xf32>
    tpu.vector_store %arg3[%swap3A_221], %squeeze3A_220 {strides = array<i32>} : memref<1280000xf32, #tpu.memory_space<vmem>>, vector<10000xf32>,
    %slice3A_223 = vector.extract_strided_slice %dot_general3A_5 {offsets = [55, 0], sizes = [1, 10000], strides = [1, 1]} : vector<128x10000xf32> to vector<1x10000xf32>
    %squeeze3A_224 = vector.shape_cast %slice3A_223 : vector<1x10000xf32> to vector<10000xf32>
    %swap3A_225 = arith.constant 550000 : index
    %swap3A_226 = vector.load %arg3[%swap3A_225] : memref<1280000xf32, #tpu.memory_space<vmem>>, vector<10000xf32>
    tpu.vector_store %arg3[%swap3A_225], %squeeze3A_224 {strides = array<i32>} : memref<1280000xf32, #tpu.memory_space<vmem>>, vector<10000xf32>,
    %slice3A_227 = vector.extract_strided_slice %dot_general3A_5 {offsets = [56, 0], sizes = [1, 10000], strides = [1, 1]} : vector<128x10000xf32> to vector<1x10000xf32>
    %squeeze3A_228 = vector.shape_cast %slice3A_227 : vector<1x10000xf32> to vector<10000xf32>
    %swap3A_229 = arith.constant 560000 : index
    %swap3A_230 = vector.load %arg3[%swap3A_229] : memref<1280000xf32, #tpu.memory_space<vmem>>, vector<10000xf32>
    tpu.vector_store %arg3[%swap3A_229], %squeeze3A_228 {strides = array<i32>} : memref<1280000xf32, #tpu.memory_space<vmem>>, vector<10000xf32>,
    %slice3A_231 = vector.extract_strided_slice %dot_general3A_5 {offsets = [57, 0], sizes = [1, 10000], strides = [1, 1]} : vector<128x10000xf32> to vector<1x10000xf32>
    %squeeze3A_232 = vector.shape_cast %slice3A_231 : vector<1x10000xf32> to vector<10000xf32>
    %swap3A_233 = arith.constant 570000 : index
    %swap3A_234 = vector.load %arg3[%swap3A_233] : memref<1280000xf32, #tpu.memory_space<vmem>>, vector<10000xf32>
    tpu.vector_store %arg3[%swap3A_233], %squeeze3A_232 {strides = array<i32>} : memref<1280000xf32, #tpu.memory_space<vmem>>, vector<10000xf32>,
    %slice3A_235 = vector.extract_strided_slice %dot_general3A_5 {offsets = [58, 0], sizes = [1, 10000], strides = [1, 1]} : vector<128x10000xf32> to vector<1x10000xf32>
    %squeeze3A_236 = vector.shape_cast %slice3A_235 : vector<1x10000xf32> to vector<10000xf32>
    %swap3A_237 = arith.constant 580000 : index
    %swap3A_238 = vector.load %arg3[%swap3A_237] : memref<1280000xf32, #tpu.memory_space<vmem>>, vector<10000xf32>
    tpu.vector_store %arg3[%swap3A_237], %squeeze3A_236 {strides = array<i32>} : memref<1280000xf32, #tpu.memory_space<vmem>>, vector<10000xf32>,
    %slice3A_239 = vector.extract_strided_slice %dot_general3A_5 {offsets = [59, 0], sizes = [1, 10000], strides = [1, 1]} : vector<128x10000xf32> to vector<1x10000xf32>
    %squeeze3A_240 = vector.shape_cast %slice3A_239 : vector<1x10000xf32> to vector<10000xf32>
    %swap3A_241 = arith.constant 590000 : index
    %swap3A_242 = vector.load %arg3[%swap3A_241] : memref<1280000xf32, #tpu.memory_space<vmem>>, vector<10000xf32>
    tpu.vector_store %arg3[%swap3A_241], %squeeze3A_240 {strides = array<i32>} : memref<1280000xf32, #tpu.memory_space<vmem>>, vector<10000xf32>,
    %slice3A_243 = vector.extract_strided_slice %dot_general3A_5 {offsets = [60, 0], sizes = [1, 10000], strides = [1, 1]} : vector<128x10000xf32> to vector<1x10000xf32>
    %squeeze3A_244 = vector.shape_cast %slice3A_243 : vector<1x10000xf32> to vector<10000xf32>
    %swap3A_245 = arith.constant 600000 : index
    %swap3A_246 = vector.load %arg3[%swap3A_245] : memref<1280000xf32, #tpu.memory_space<vmem>>, vector<10000xf32>
    tpu.vector_store %arg3[%swap3A_245], %squeeze3A_244 {strides = array<i32>} : memref<1280000xf32, #tpu.memory_space<vmem>>, vector<10000xf32>,
    %slice3A_247 = vector.extract_strided_slice %dot_general3A_5 {offsets = [61, 0], sizes = [1, 10000], strides = [1, 1]} : vector<128x10000xf32> to vector<1x10000xf32>
    %squeeze3A_248 = vector.shape_cast %slice3A_247 : vector<1x10000xf32> to vector<10000xf32>
    %swap3A_249 = arith.constant 610000 : index
    %swap3A_250 = vector.load %arg3[%swap3A_249] : memref<1280000xf32, #tpu.memory_space<vmem>>, vector<10000xf32>
    tpu.vector_store %arg3[%swap3A_249], %squeeze3A_248 {strides = array<i32>} : memref<1280000xf32, #tpu.memory_space<vmem>>, vector<10000xf32>,
    %slice3A_251 = vector.extract_strided_slice %dot_general3A_5 {offsets = [62, 0], sizes = [1, 10000], strides = [1, 1]} : vector<128x10000xf32> to vector<1x10000xf32>
    %squeeze3A_252 = vector.shape_cast %slice3A_251 : vector<1x10000xf32> to vector<10000xf32>
    %swap3A_253 = arith.constant 620000 : index
    %swap3A_254 = vector.load %arg3[%swap3A_253] : memref<1280000xf32, #tpu.memory_space<vmem>>, vector<10000xf32>
    tpu.vector_store %arg3[%swap3A_253], %squeeze3A_252 {strides = array<i32>} : memref<1280000xf32, #tpu.memory_space<vmem>>, vector<10000xf32>,
    %slice3A_255 = vector.extract_strided_slice %dot_general3A_5 {offsets = [63, 0], sizes = [1, 10000], strides = [1, 1]} : vector<128x10000xf32> to vector<1x10000xf32>
    %squeeze3A_256 = vector.shape_cast %slice3A_255 : vector<1x10000xf32> to vector<10000xf32>
    %swap3A_257 = arith.constant 630000 : index
    %swap3A_258 = vector.load %arg3[%swap3A_257] : memref<1280000xf32, #tpu.memory_space<vmem>>, vector<10000xf32>
    tpu.vector_store %arg3[%swap3A_257], %squeeze3A_256 {strides = array<i32>} : memref<1280000xf32, #tpu.memory_space<vmem>>, vector<10000xf32>,
    %slice3A_259 = vector.extract_strided_slice %dot_general3A_5 {offsets = [64, 0], sizes = [1, 10000], strides = [1, 1]} : vector<128x10000xf32> to vector<1x10000xf32>
    %squeeze3A_260 = vector.shape_cast %slice3A_259 : vector<1x10000xf32> to vector<10000xf32>
    %swap3A_261 = arith.constant 640000 : index
    %swap3A_262 = vector.load %arg3[%swap3A_261] : memref<1280000xf32, #tpu.memory_space<vmem>>, vector<10000xf32>
    tpu.vector_store %arg3[%swap3A_261], %squeeze3A_260 {strides = array<i32>} : memref<1280000xf32, #tpu.memory_space<vmem>>, vector<10000xf32>,
    %slice3A_263 = vector.extract_strided_slice %dot_general3A_5 {offsets = [65, 0], sizes = [1, 10000], strides = [1, 1]} : vector<128x10000xf32> to vector<1x10000xf32>
    %squeeze3A_264 = vector.shape_cast %slice3A_263 : vector<1x10000xf32> to vector<10000xf32>
    %swap3A_265 = arith.constant 650000 : index
    %swap3A_266 = vector.load %arg3[%swap3A_265] : memref<1280000xf32, #tpu.memory_space<vmem>>, vector<10000xf32>
    tpu.vector_store %arg3[%swap3A_265], %squeeze3A_264 {strides = array<i32>} : memref<1280000xf32, #tpu.memory_space<vmem>>, vector<10000xf32>,
    %slice3A_267 = vector.extract_strided_slice %dot_general3A_5 {offsets = [66, 0], sizes = [1, 10000], strides = [1, 1]} : vector<128x10000xf32> to vector<1x10000xf32>
    %squeeze3A_268 = vector.shape_cast %slice3A_267 : vector<1x10000xf32> to vector<10000xf32>
    %swap3A_269 = arith.constant 660000 : index
    %swap3A_270 = vector.load %arg3[%swap3A_269] : memref<1280000xf32, #tpu.memory_space<vmem>>, vector<10000xf32>
    tpu.vector_store %arg3[%swap3A_269], %squeeze3A_268 {strides = array<i32>} : memref<1280000xf32, #tpu.memory_space<vmem>>, vector<10000xf32>,
    %slice3A_271 = vector.extract_strided_slice %dot_general3A_5 {offsets = [67, 0], sizes = [1, 10000], strides = [1, 1]} : vector<128x10000xf32> to vector<1x10000xf32>
    %squeeze3A_272 = vector.shape_cast %slice3A_271 : vector<1x10000xf32> to vector<10000xf32>
    %swap3A_273 = arith.constant 670000 : index
    %swap3A_274 = vector.load %arg3[%swap3A_273] : memref<1280000xf32, #tpu.memory_space<vmem>>, vector<10000xf32>
    tpu.vector_store %arg3[%swap3A_273], %squeeze3A_272 {strides = array<i32>} : memref<1280000xf32, #tpu.memory_space<vmem>>, vector<10000xf32>,
    %slice3A_275 = vector.extract_strided_slice %dot_general3A_5 {offsets = [68, 0], sizes = [1, 10000], strides = [1, 1]} : vector<128x10000xf32> to vector<1x10000xf32>
    %squeeze3A_276 = vector.shape_cast %slice3A_275 : vector<1x10000xf32> to vector<10000xf32>
    %swap3A_277 = arith.constant 680000 : index
    %swap3A_278 = vector.load %arg3[%swap3A_277] : memref<1280000xf32, #tpu.memory_space<vmem>>, vector<10000xf32>
    tpu.vector_store %arg3[%swap3A_277], %squeeze3A_276 {strides = array<i32>} : memref<1280000xf32, #tpu.memory_space<vmem>>, vector<10000xf32>,
    %slice3A_279 = vector.extract_strided_slice %dot_general3A_5 {offsets = [69, 0], sizes = [1, 10000], strides = [1, 1]} : vector<128x10000xf32> to vector<1x10000xf32>
    %squeeze3A_280 = vector.shape_cast %slice3A_279 : vector<1x10000xf32> to vector<10000xf32>
    %swap3A_281 = arith.constant 690000 : index
    %swap3A_282 = vector.load %arg3[%swap3A_281] : memref<1280000xf32, #tpu.memory_space<vmem>>, vector<10000xf32>
    tpu.vector_store %arg3[%swap3A_281], %squeeze3A_280 {strides = array<i32>} : memref<1280000xf32, #tpu.memory_space<vmem>>, vector<10000xf32>,
    %slice3A_283 = vector.extract_strided_slice %dot_general3A_5 {offsets = [70, 0], sizes = [1, 10000], strides = [1, 1]} : vector<128x10000xf32> to vector<1x10000xf32>
    %squeeze3A_284 = vector.shape_cast %slice3A_283 : vector<1x10000xf32> to vector<10000xf32>
    %swap3A_285 = arith.constant 700000 : index
    %swap3A_286 = vector.load %arg3[%swap3A_285] : memref<1280000xf32, #tpu.memory_space<vmem>>, vector<10000xf32>
    tpu.vector_store %arg3[%swap3A_285], %squeeze3A_284 {strides = array<i32>} : memref<1280000xf32, #tpu.memory_space<vmem>>, vector<10000xf32>,
    %slice3A_287 = vector.extract_strided_slice %dot_general3A_5 {offsets = [71, 0], sizes = [1, 10000], strides = [1, 1]} : vector<128x10000xf32> to vector<1x10000xf32>
    %squeeze3A_288 = vector.shape_cast %slice3A_287 : vector<1x10000xf32> to vector<10000xf32>
    %swap3A_289 = arith.constant 710000 : index
    %swap3A_290 = vector.load %arg3[%swap3A_289] : memref<1280000xf32, #tpu.memory_space<vmem>>, vector<10000xf32>
    tpu.vector_store %arg3[%swap3A_289], %squeeze3A_288 {strides = array<i32>} : memref<1280000xf32, #tpu.memory_space<vmem>>, vector<10000xf32>,
    %slice3A_291 = vector.extract_strided_slice %dot_general3A_5 {offsets = [72, 0], sizes = [1, 10000], strides = [1, 1]} : vector<128x10000xf32> to vector<1x10000xf32>
    %squeeze3A_292 = vector.shape_cast %slice3A_291 : vector<1x10000xf32> to vector<10000xf32>
    %swap3A_293 = arith.constant 720000 : index
    %swap3A_294 = vector.load %arg3[%swap3A_293] : memref<1280000xf32, #tpu.memory_space<vmem>>, vector<10000xf32>
    tpu.vector_store %arg3[%swap3A_293], %squeeze3A_292 {strides = array<i32>} : memref<1280000xf32, #tpu.memory_space<vmem>>, vector<10000xf32>,
    %slice3A_295 = vector.extract_strided_slice %dot_general3A_5 {offsets = [73, 0], sizes = [1, 10000], strides = [1, 1]} : vector<128x10000xf32> to vector<1x10000xf32>
    %squeeze3A_296 = vector.shape_cast %slice3A_295 : vector<1x10000xf32> to vector<10000xf32>
    %swap3A_297 = arith.constant 730000 : index
    %swap3A_298 = vector.load %arg3[%swap3A_297] : memref<1280000xf32, #tpu.memory_space<vmem>>, vector<10000xf32>
    tpu.vector_store %arg3[%swap3A_297], %squeeze3A_296 {strides = array<i32>} : memref<1280000xf32, #tpu.memory_space<vmem>>, vector<10000xf32>,
    %slice3A_299 = vector.extract_strided_slice %dot_general3A_5 {offsets = [74, 0], sizes = [1, 10000], strides = [1, 1]} : vector<128x10000xf32> to vector<1x10000xf32>
    %squeeze3A_300 = vector.shape_cast %slice3A_299 : vector<1x10000xf32> to vector<10000xf32>
    %swap3A_301 = arith.constant 740000 : index
    %swap3A_302 = vector.load %arg3[%swap3A_301] : memref<1280000xf32, #tpu.memory_space<vmem>>, vector<10000xf32>
    tpu.vector_store %arg3[%swap3A_301], %squeeze3A_300 {strides = array<i32>} : memref<1280000xf32, #tpu.memory_space<vmem>>, vector<10000xf32>,
    %slice3A_303 = vector.extract_strided_slice %dot_general3A_5 {offsets = [75, 0], sizes = [1, 10000], strides = [1, 1]} : vector<128x10000xf32> to vector<1x10000xf32>
    %squeeze3A_304 = vector.shape_cast %slice3A_303 : vector<1x10000xf32> to vector<10000xf32>
    %swap3A_305 = arith.constant 750000 : index
    %swap3A_306 = vector.load %arg3[%swap3A_305] : memref<1280000xf32, #tpu.memory_space<vmem>>, vector<10000xf32>
    tpu.vector_store %arg3[%swap3A_305], %squeeze3A_304 {strides = array<i32>} : memref<1280000xf32, #tpu.memory_space<vmem>>, vector<10000xf32>,
    %slice3A_307 = vector.extract_strided_slice %dot_general3A_5 {offsets = [76, 0], sizes = [1, 10000], strides = [1, 1]} : vector<128x10000xf32> to vector<1x10000xf32>
    %squeeze3A_308 = vector.shape_cast %slice3A_307 : vector<1x10000xf32> to vector<10000xf32>
    %swap3A_309 = arith.constant 760000 : index
    %swap3A_310 = vector.load %arg3[%swap3A_309] : memref<1280000xf32, #tpu.memory_space<vmem>>, vector<10000xf32>
    tpu.vector_store %arg3[%swap3A_309], %squeeze3A_308 {strides = array<i32>} : memref<1280000xf32, #tpu.memory_space<vmem>>, vector<10000xf32>,
    %slice3A_311 = vector.extract_strided_slice %dot_general3A_5 {offsets = [77, 0], sizes = [1, 10000], strides = [1, 1]} : vector<128x10000xf32> to vector<1x10000xf32>
    %squeeze3A_312 = vector.shape_cast %slice3A_311 : vector<1x10000xf32> to vector<10000xf32>
    %swap3A_313 = arith.constant 770000 : index
    %swap3A_314 = vector.load %arg3[%swap3A_313] : memref<1280000xf32, #tpu.memory_space<vmem>>, vector<10000xf32>
    tpu.vector_store %arg3[%swap3A_313], %squeeze3A_312 {strides = array<i32>} : memref<1280000xf32, #tpu.memory_space<vmem>>, vector<10000xf32>,
    %slice3A_315 = vector.extract_strided_slice %dot_general3A_5 {offsets = [78, 0], sizes = [1, 10000], strides = [1, 1]} : vector<128x10000xf32> to vector<1x10000xf32>
    %squeeze3A_316 = vector.shape_cast %slice3A_315 : vector<1x10000xf32> to vector<10000xf32>
    %swap3A_317 = arith.constant 780000 : index
    %swap3A_318 = vector.load %arg3[%swap3A_317] : memref<1280000xf32, #tpu.memory_space<vmem>>, vector<10000xf32>
    tpu.vector_store %arg3[%swap3A_317], %squeeze3A_316 {strides = array<i32>} : memref<1280000xf32, #tpu.memory_space<vmem>>, vector<10000xf32>,
    %slice3A_319 = vector.extract_strided_slice %dot_general3A_5 {offsets = [79, 0], sizes = [1, 10000], strides = [1, 1]} : vector<128x10000xf32> to vector<1x10000xf32>
    %squeeze3A_320 = vector.shape_cast %slice3A_319 : vector<1x10000xf32> to vector<10000xf32>
    %swap3A_321 = arith.constant 790000 : index
    %swap3A_322 = vector.load %arg3[%swap3A_321] : memref<1280000xf32, #tpu.memory_space<vmem>>, vector<10000xf32>
    tpu.vector_store %arg3[%swap3A_321], %squeeze3A_320 {strides = array<i32>} : memref<1280000xf32, #tpu.memory_space<vmem>>, vector<10000xf32>,
    %slice3A_323 = vector.extract_strided_slice %dot_general3A_5 {offsets = [80, 0], sizes = [1, 10000], strides = [1, 1]} : vector<128x10000xf32> to vector<1x10000xf32>
    %squeeze3A_324 = vector.shape_cast %slice3A_323 : vector<1x10000xf32> to vector<10000xf32>
    %swap3A_325 = arith.constant 800000 : index
    %swap3A_326 = vector.load %arg3[%swap3A_325] : memref<1280000xf32, #tpu.memory_space<vmem>>, vector<10000xf32>
    tpu.vector_store %arg3[%swap3A_325], %squeeze3A_324 {strides = array<i32>} : memref<1280000xf32, #tpu.memory_space<vmem>>, vector<10000xf32>,
    %slice3A_327 = vector.extract_strided_slice %dot_general3A_5 {offsets = [81, 0], sizes = [1, 10000], strides = [1, 1]} : vector<128x10000xf32> to vector<1x10000xf32>
    %squeeze3A_328 = vector.shape_cast %slice3A_327 : vector<1x10000xf32> to vector<10000xf32>
    %swap3A_329 = arith.constant 810000 : index
    %swap3A_330 = vector.load %arg3[%swap3A_329] : memref<1280000xf32, #tpu.memory_space<vmem>>, vector<10000xf32>
    tpu.vector_store %arg3[%swap3A_329], %squeeze3A_328 {strides = array<i32>} : memref<1280000xf32, #tpu.memory_space<vmem>>, vector<10000xf32>,
    %slice3A_331 = vector.extract_strided_slice %dot_general3A_5 {offsets = [82, 0], sizes = [1, 10000], strides = [1, 1]} : vector<128x10000xf32> to vector<1x10000xf32>
    %squeeze3A_332 = vector.shape_cast %slice3A_331 : vector<1x10000xf32> to vector<10000xf32>
    %swap3A_333 = arith.constant 820000 : index
    %swap3A_334 = vector.load %arg3[%swap3A_333] : memref<1280000xf32, #tpu.memory_space<vmem>>, vector<10000xf32>
    tpu.vector_store %arg3[%swap3A_333], %squeeze3A_332 {strides = array<i32>} : memref<1280000xf32, #tpu.memory_space<vmem>>, vector<10000xf32>,
    %slice3A_335 = vector.extract_strided_slice %dot_general3A_5 {offsets = [83, 0], sizes = [1, 10000], strides = [1, 1]} : vector<128x10000xf32> to vector<1x10000xf32>
    %squeeze3A_336 = vector.shape_cast %slice3A_335 : vector<1x10000xf32> to vector<10000xf32>
    %swap3A_337 = arith.constant 830000 : index
    %swap3A_338 = vector.load %arg3[%swap3A_337] : memref<1280000xf32, #tpu.memory_space<vmem>>, vector<10000xf32>
    tpu.vector_store %arg3[%swap3A_337], %squeeze3A_336 {strides = array<i32>} : memref<1280000xf32, #tpu.memory_space<vmem>>, vector<10000xf32>,
    %slice3A_339 = vector.extract_strided_slice %dot_general3A_5 {offsets = [84, 0], sizes = [1, 10000], strides = [1, 1]} : vector<128x10000xf32> to vector<1x10000xf32>
    %squeeze3A_340 = vector.shape_cast %slice3A_339 : vector<1x10000xf32> to vector<10000xf32>
    %swap3A_341 = arith.constant 840000 : index
    %swap3A_342 = vector.load %arg3[%swap3A_341] : memref<1280000xf32, #tpu.memory_space<vmem>>, vector<10000xf32>
    tpu.vector_store %arg3[%swap3A_341], %squeeze3A_340 {strides = array<i32>} : memref<1280000xf32, #tpu.memory_space<vmem>>, vector<10000xf32>,
    %slice3A_343 = vector.extract_strided_slice %dot_general3A_5 {offsets = [85, 0], sizes = [1, 10000], strides = [1, 1]} : vector<128x10000xf32> to vector<1x10000xf32>
    %squeeze3A_344 = vector.shape_cast %slice3A_343 : vector<1x10000xf32> to vector<10000xf32>
    %swap3A_345 = arith.constant 850000 : index
    %swap3A_346 = vector.load %arg3[%swap3A_345] : memref<1280000xf32, #tpu.memory_space<vmem>>, vector<10000xf32>
    tpu.vector_store %arg3[%swap3A_345], %squeeze3A_344 {strides = array<i32>} : memref<1280000xf32, #tpu.memory_space<vmem>>, vector<10000xf32>,
    %slice3A_347 = vector.extract_strided_slice %dot_general3A_5 {offsets = [86, 0], sizes = [1, 10000], strides = [1, 1]} : vector<128x10000xf32> to vector<1x10000xf32>
    %squeeze3A_348 = vector.shape_cast %slice3A_347 : vector<1x10000xf32> to vector<10000xf32>
    %swap3A_349 = arith.constant 860000 : index
    %swap3A_350 = vector.load %arg3[%swap3A_349] : memref<1280000xf32, #tpu.memory_space<vmem>>, vector<10000xf32>
    tpu.vector_store %arg3[%swap3A_349], %squeeze3A_348 {strides = array<i32>} : memref<1280000xf32, #tpu.memory_space<vmem>>, vector<10000xf32>,
    %slice3A_351 = vector.extract_strided_slice %dot_general3A_5 {offsets = [87, 0], sizes = [1, 10000], strides = [1, 1]} : vector<128x10000xf32> to vector<1x10000xf32>
    %squeeze3A_352 = vector.shape_cast %slice3A_351 : vector<1x10000xf32> to vector<10000xf32>
    %swap3A_353 = arith.constant 870000 : index
    %swap3A_354 = vector.load %arg3[%swap3A_353] : memref<1280000xf32, #tpu.memory_space<vmem>>, vector<10000xf32>
    tpu.vector_store %arg3[%swap3A_353], %squeeze3A_352 {strides = array<i32>} : memref<1280000xf32, #tpu.memory_space<vmem>>, vector<10000xf32>,
    %slice3A_355 = vector.extract_strided_slice %dot_general3A_5 {offsets = [88, 0], sizes = [1, 10000], strides = [1, 1]} : vector<128x10000xf32> to vector<1x10000xf32>
    %squeeze3A_356 = vector.shape_cast %slice3A_355 : vector<1x10000xf32> to vector<10000xf32>
    %swap3A_357 = arith.constant 880000 : index
    %swap3A_358 = vector.load %arg3[%swap3A_357] : memref<1280000xf32, #tpu.memory_space<vmem>>, vector<10000xf32>
    tpu.vector_store %arg3[%swap3A_357], %squeeze3A_356 {strides = array<i32>} : memref<1280000xf32, #tpu.memory_space<vmem>>, vector<10000xf32>,
    %slice3A_359 = vector.extract_strided_slice %dot_general3A_5 {offsets = [89, 0], sizes = [1, 10000], strides = [1, 1]} : vector<128x10000xf32> to vector<1x10000xf32>
    %squeeze3A_360 = vector.shape_cast %slice3A_359 : vector<1x10000xf32> to vector<10000xf32>
    %swap3A_361 = arith.constant 890000 : index
    %swap3A_362 = vector.load %arg3[%swap3A_361] : memref<1280000xf32, #tpu.memory_space<vmem>>, vector<10000xf32>
    tpu.vector_store %arg3[%swap3A_361], %squeeze3A_360 {strides = array<i32>} : memref<1280000xf32, #tpu.memory_space<vmem>>, vector<10000xf32>,
    %slice3A_363 = vector.extract_strided_slice %dot_general3A_5 {offsets = [90, 0], sizes = [1, 10000], strides = [1, 1]} : vector<128x10000xf32> to vector<1x10000xf32>
    %squeeze3A_364 = vector.shape_cast %slice3A_363 : vector<1x10000xf32> to vector<10000xf32>
    %swap3A_365 = arith.constant 900000 : index
    %swap3A_366 = vector.load %arg3[%swap3A_365] : memref<1280000xf32, #tpu.memory_space<vmem>>, vector<10000xf32>
    tpu.vector_store %arg3[%swap3A_365], %squeeze3A_364 {strides = array<i32>} : memref<1280000xf32, #tpu.memory_space<vmem>>, vector<10000xf32>,
    %slice3A_367 = vector.extract_strided_slice %dot_general3A_5 {offsets = [91, 0], sizes = [1, 10000], strides = [1, 1]} : vector<128x10000xf32> to vector<1x10000xf32>
    %squeeze3A_368 = vector.shape_cast %slice3A_367 : vector<1x10000xf32> to vector<10000xf32>
    %swap3A_369 = arith.constant 910000 : index
    %swap3A_370 = vector.load %arg3[%swap3A_369] : memref<1280000xf32, #tpu.memory_space<vmem>>, vector<10000xf32>
    tpu.vector_store %arg3[%swap3A_369], %squeeze3A_368 {strides = array<i32>} : memref<1280000xf32, #tpu.memory_space<vmem>>, vector<10000xf32>,
    %slice3A_371 = vector.extract_strided_slice %dot_general3A_5 {offsets = [92, 0], sizes = [1, 10000], strides = [1, 1]} : vector<128x10000xf32> to vector<1x10000xf32>
    %squeeze3A_372 = vector.shape_cast %slice3A_371 : vector<1x10000xf32> to vector<10000xf32>
    %swap3A_373 = arith.constant 920000 : index
    %swap3A_374 = vector.load %arg3[%swap3A_373] : memref<1280000xf32, #tpu.memory_space<vmem>>, vector<10000xf32>
    tpu.vector_store %arg3[%swap3A_373], %squeeze3A_372 {strides = array<i32>} : memref<1280000xf32, #tpu.memory_space<vmem>>, vector<10000xf32>,
    %slice3A_375 = vector.extract_strided_slice %dot_general3A_5 {offsets = [93, 0], sizes = [1, 10000], strides = [1, 1]} : vector<128x10000xf32> to vector<1x10000xf32>
    %squeeze3A_376 = vector.shape_cast %slice3A_375 : vector<1x10000xf32> to vector<10000xf32>
    %swap3A_377 = arith.constant 930000 : index
    %swap3A_378 = vector.load %arg3[%swap3A_377] : memref<1280000xf32, #tpu.memory_space<vmem>>, vector<10000xf32>
    tpu.vector_store %arg3[%swap3A_377], %squeeze3A_376 {strides = array<i32>} : memref<1280000xf32, #tpu.memory_space<vmem>>, vector<10000xf32>,
    %slice3A_379 = vector.extract_strided_slice %dot_general3A_5 {offsets = [94, 0], sizes = [1, 10000], strides = [1, 1]} : vector<128x10000xf32> to vector<1x10000xf32>
    %squeeze3A_380 = vector.shape_cast %slice3A_379 : vector<1x10000xf32> to vector<10000xf32>
    %swap3A_381 = arith.constant 940000 : index
    %swap3A_382 = vector.load %arg3[%swap3A_381] : memref<1280000xf32, #tpu.memory_space<vmem>>, vector<10000xf32>
    tpu.vector_store %arg3[%swap3A_381], %squeeze3A_380 {strides = array<i32>} : memref<1280000xf32, #tpu.memory_space<vmem>>, vector<10000xf32>,
    %slice3A_383 = vector.extract_strided_slice %dot_general3A_5 {offsets = [95, 0], sizes = [1, 10000], strides = [1, 1]} : vector<128x10000xf32> to vector<1x10000xf32>
    %squeeze3A_384 = vector.shape_cast %slice3A_383 : vector<1x10000xf32> to vector<10000xf32>
    %swap3A_385 = arith.constant 950000 : index
    %swap3A_386 = vector.load %arg3[%swap3A_385] : memref<1280000xf32, #tpu.memory_space<vmem>>, vector<10000xf32>
    tpu.vector_store %arg3[%swap3A_385], %squeeze3A_384 {strides = array<i32>} : memref<1280000xf32, #tpu.memory_space<vmem>>, vector<10000xf32>,
    %slice3A_387 = vector.extract_strided_slice %dot_general3A_5 {offsets = [96, 0], sizes = [1, 10000], strides = [1, 1]} : vector<128x10000xf32> to vector<1x10000xf32>
    %squeeze3A_388 = vector.shape_cast %slice3A_387 : vector<1x10000xf32> to vector<10000xf32>
    %swap3A_389 = arith.constant 960000 : index
    %swap3A_390 = vector.load %arg3[%swap3A_389] : memref<1280000xf32, #tpu.memory_space<vmem>>, vector<10000xf32>
    tpu.vector_store %arg3[%swap3A_389], %squeeze3A_388 {strides = array<i32>} : memref<1280000xf32, #tpu.memory_space<vmem>>, vector<10000xf32>,
    %slice3A_391 = vector.extract_strided_slice %dot_general3A_5 {offsets = [97, 0], sizes = [1, 10000], strides = [1, 1]} : vector<128x10000xf32> to vector<1x10000xf32>
    %squeeze3A_392 = vector.shape_cast %slice3A_391 : vector<1x10000xf32> to vector<10000xf32>
    %swap3A_393 = arith.constant 970000 : index
    %swap3A_394 = vector.load %arg3[%swap3A_393] : memref<1280000xf32, #tpu.memory_space<vmem>>, vector<10000xf32>
    tpu.vector_store %arg3[%swap3A_393], %squeeze3A_392 {strides = array<i32>} : memref<1280000xf32, #tpu.memory_space<vmem>>, vector<10000xf32>,
    %slice3A_395 = vector.extract_strided_slice %dot_general3A_5 {offsets = [98, 0], sizes = [1, 10000], strides = [1, 1]} : vector<128x10000xf32> to vector<1x10000xf32>
    %squeeze3A_396 = vector.shape_cast %slice3A_395 : vector<1x10000xf32> to vector<10000xf32>
    %swap3A_397 = arith.constant 980000 : index
    %swap3A_398 = vector.load %arg3[%swap3A_397] : memref<1280000xf32, #tpu.memory_space<vmem>>, vector<10000xf32>
    tpu.vector_store %arg3[%swap3A_397], %squeeze3A_396 {strides = array<i32>} : memref<1280000xf32, #tpu.memory_space<vmem>>, vector<10000xf32>,
    %slice3A_399 = vector.extract_strided_slice %dot_general3A_5 {offsets = [99, 0], sizes = [1, 10000], strides = [1, 1]} : vector<128x10000xf32> to vector<1x10000xf32>
    %squeeze3A_400 = vector.shape_cast %slice3A_399 : vector<1x10000xf32> to vector<10000xf32>
    %swap3A_401 = arith.constant 990000 : index
    %swap3A_402 = vector.load %arg3[%swap3A_401] : memref<1280000xf32, #tpu.memory_space<vmem>>, vector<10000xf32>
    tpu.vector_store %arg3[%swap3A_401], %squeeze3A_400 {strides = array<i32>} : memref<1280000xf32, #tpu.memory_space<vmem>>, vector<10000xf32>,
    %slice3A_403 = vector.extract_strided_slice %dot_general3A_5 {offsets = [100, 0], sizes = [1, 10000], strides = [1, 1]} : vector<128x10000xf32> to vector<1x10000xf32>
    %squeeze3A_404 = vector.shape_cast %slice3A_403 : vector<1x10000xf32> to vector<10000xf32>
    %swap3A_405 = arith.constant 1000000 : index
    %swap3A_406 = vector.load %arg3[%swap3A_405] : memref<1280000xf32, #tpu.memory_space<vmem>>, vector<10000xf32>
    tpu.vector_store %arg3[%swap3A_405], %squeeze3A_404 {strides = array<i32>} : memref<1280000xf32, #tpu.memory_space<vmem>>, vector<10000xf32>,
    %slice3A_407 = vector.extract_strided_slice %dot_general3A_5 {offsets = [101, 0], sizes = [1, 10000], strides = [1, 1]} : vector<128x10000xf32> to vector<1x10000xf32>
    %squeeze3A_408 = vector.shape_cast %slice3A_407 : vector<1x10000xf32> to vector<10000xf32>
    %swap3A_409 = arith.constant 1010000 : index
    %swap3A_410 = vector.load %arg3[%swap3A_409] : memref<1280000xf32, #tpu.memory_space<vmem>>, vector<10000xf32>
    tpu.vector_store %arg3[%swap3A_409], %squeeze3A_408 {strides = array<i32>} : memref<1280000xf32, #tpu.memory_space<vmem>>, vector<10000xf32>,
    %slice3A_411 = vector.extract_strided_slice %dot_general3A_5 {offsets = [102, 0], sizes = [1, 10000], strides = [1, 1]} : vector<128x10000xf32> to vector<1x10000xf32>
    %squeeze3A_412 = vector.shape_cast %slice3A_411 : vector<1x10000xf32> to vector<10000xf32>
    %swap3A_413 = arith.constant 1020000 : index
    %swap3A_414 = vector.load %arg3[%swap3A_413] : memref<1280000xf32, #tpu.memory_space<vmem>>, vector<10000xf32>
    tpu.vector_store %arg3[%swap3A_413], %squeeze3A_412 {strides = array<i32>} : memref<1280000xf32, #tpu.memory_space<vmem>>, vector<10000xf32>,
    %slice3A_415 = vector.extract_strided_slice %dot_general3A_5 {offsets = [103, 0], sizes = [1, 10000], strides = [1, 1]} : vector<128x10000xf32> to vector<1x10000xf32>
    %squeeze3A_416 = vector.shape_cast %slice3A_415 : vector<1x10000xf32> to vector<10000xf32>
    %swap3A_417 = arith.constant 1030000 : index
    %swap3A_418 = vector.load %arg3[%swap3A_417] : memref<1280000xf32, #tpu.memory_space<vmem>>, vector<10000xf32>
    tpu.vector_store %arg3[%swap3A_417], %squeeze3A_416 {strides = array<i32>} : memref<1280000xf32, #tpu.memory_space<vmem>>, vector<10000xf32>,
    %slice3A_419 = vector.extract_strided_slice %dot_general3A_5 {offsets = [104, 0], sizes = [1, 10000], strides = [1, 1]} : vector<128x10000xf32> to vector<1x10000xf32>
    %squeeze3A_420 = vector.shape_cast %slice3A_419 : vector<1x10000xf32> to vector<10000xf32>
    %swap3A_421 = arith.constant 1040000 : index
    %swap3A_422 = vector.load %arg3[%swap3A_421] : memref<1280000xf32, #tpu.memory_space<vmem>>, vector<10000xf32>
    tpu.vector_store %arg3[%swap3A_421], %squeeze3A_420 {strides = array<i32>} : memref<1280000xf32, #tpu.memory_space<vmem>>, vector<10000xf32>,
    %slice3A_423 = vector.extract_strided_slice %dot_general3A_5 {offsets = [105, 0], sizes = [1, 10000], strides = [1, 1]} : vector<128x10000xf32> to vector<1x10000xf32>
    %squeeze3A_424 = vector.shape_cast %slice3A_423 : vector<1x10000xf32> to vector<10000xf32>
    %swap3A_425 = arith.constant 1050000 : index
    %swap3A_426 = vector.load %arg3[%swap3A_425] : memref<1280000xf32, #tpu.memory_space<vmem>>, vector<10000xf32>
    tpu.vector_store %arg3[%swap3A_425], %squeeze3A_424 {strides = array<i32>} : memref<1280000xf32, #tpu.memory_space<vmem>>, vector<10000xf32>,
    %slice3A_427 = vector.extract_strided_slice %dot_general3A_5 {offsets = [106, 0], sizes = [1, 10000], strides = [1, 1]} : vector<128x10000xf32> to vector<1x10000xf32>
    %squeeze3A_428 = vector.shape_cast %slice3A_427 : vector<1x10000xf32> to vector<10000xf32>
    %swap3A_429 = arith.constant 1060000 : index
    %swap3A_430 = vector.load %arg3[%swap3A_429] : memref<1280000xf32, #tpu.memory_space<vmem>>, vector<10000xf32>
    tpu.vector_store %arg3[%swap3A_429], %squeeze3A_428 {strides = array<i32>} : memref<1280000xf32, #tpu.memory_space<vmem>>, vector<10000xf32>,
    %slice3A_431 = vector.extract_strided_slice %dot_general3A_5 {offsets = [107, 0], sizes = [1, 10000], strides = [1, 1]} : vector<128x10000xf32> to vector<1x10000xf32>
    %squeeze3A_432 = vector.shape_cast %slice3A_431 : vector<1x10000xf32> to vector<10000xf32>
    %swap3A_433 = arith.constant 1070000 : index
    %swap3A_434 = vector.load %arg3[%swap3A_433] : memref<1280000xf32, #tpu.memory_space<vmem>>, vector<10000xf32>
    tpu.vector_store %arg3[%swap3A_433], %squeeze3A_432 {strides = array<i32>} : memref<1280000xf32, #tpu.memory_space<vmem>>, vector<10000xf32>,
    %slice3A_435 = vector.extract_strided_slice %dot_general3A_5 {offsets = [108, 0], sizes = [1, 10000], strides = [1, 1]} : vector<128x10000xf32> to vector<1x10000xf32>
    %squeeze3A_436 = vector.shape_cast %slice3A_435 : vector<1x10000xf32> to vector<10000xf32>
    %swap3A_437 = arith.constant 1080000 : index
    %swap3A_438 = vector.load %arg3[%swap3A_437] : memref<1280000xf32, #tpu.memory_space<vmem>>, vector<10000xf32>
    tpu.vector_store %arg3[%swap3A_437], %squeeze3A_436 {strides = array<i32>} : memref<1280000xf32, #tpu.memory_space<vmem>>, vector<10000xf32>,
    %slice3A_439 = vector.extract_strided_slice %dot_general3A_5 {offsets = [109, 0], sizes = [1, 10000], strides = [1, 1]} : vector<128x10000xf32> to vector<1x10000xf32>
    %squeeze3A_440 = vector.shape_cast %slice3A_439 : vector<1x10000xf32> to vector<10000xf32>
    %swap3A_441 = arith.constant 1090000 : index
    %swap3A_442 = vector.load %arg3[%swap3A_441] : memref<1280000xf32, #tpu.memory_space<vmem>>, vector<10000xf32>
    tpu.vector_store %arg3[%swap3A_441], %squeeze3A_440 {strides = array<i32>} : memref<1280000xf32, #tpu.memory_space<vmem>>, vector<10000xf32>,
    %slice3A_443 = vector.extract_strided_slice %dot_general3A_5 {offsets = [110, 0], sizes = [1, 10000], strides = [1, 1]} : vector<128x10000xf32> to vector<1x10000xf32>
    %squeeze3A_444 = vector.shape_cast %slice3A_443 : vector<1x10000xf32> to vector<10000xf32>
    %swap3A_445 = arith.constant 1100000 : index
    %swap3A_446 = vector.load %arg3[%swap3A_445] : memref<1280000xf32, #tpu.memory_space<vmem>>, vector<10000xf32>
    tpu.vector_store %arg3[%swap3A_445], %squeeze3A_444 {strides = array<i32>} : memref<1280000xf32, #tpu.memory_space<vmem>>, vector<10000xf32>,
    %slice3A_447 = vector.extract_strided_slice %dot_general3A_5 {offsets = [111, 0], sizes = [1, 10000], strides = [1, 1]} : vector<128x10000xf32> to vector<1x10000xf32>
    %squeeze3A_448 = vector.shape_cast %slice3A_447 : vector<1x10000xf32> to vector<10000xf32>
    %swap3A_449 = arith.constant 1110000 : index
    %swap3A_450 = vector.load %arg3[%swap3A_449] : memref<1280000xf32, #tpu.memory_space<vmem>>, vector<10000xf32>
    tpu.vector_store %arg3[%swap3A_449], %squeeze3A_448 {strides = array<i32>} : memref<1280000xf32, #tpu.memory_space<vmem>>, vector<10000xf32>,
    %slice3A_451 = vector.extract_strided_slice %dot_general3A_5 {offsets = [112, 0], sizes = [1, 10000], strides = [1, 1]} : vector<128x10000xf32> to vector<1x10000xf32>
    %squeeze3A_452 = vector.shape_cast %slice3A_451 : vector<1x10000xf32> to vector<10000xf32>
    %swap3A_453 = arith.constant 1120000 : index
    %swap3A_454 = vector.load %arg3[%swap3A_453] : memref<1280000xf32, #tpu.memory_space<vmem>>, vector<10000xf32>
    tpu.vector_store %arg3[%swap3A_453], %squeeze3A_452 {strides = array<i32>} : memref<1280000xf32, #tpu.memory_space<vmem>>, vector<10000xf32>,
    %slice3A_455 = vector.extract_strided_slice %dot_general3A_5 {offsets = [113, 0], sizes = [1, 10000], strides = [1, 1]} : vector<128x10000xf32> to vector<1x10000xf32>
    %squeeze3A_456 = vector.shape_cast %slice3A_455 : vector<1x10000xf32> to vector<10000xf32>
    %swap3A_457 = arith.constant 1130000 : index
    %swap3A_458 = vector.load %arg3[%swap3A_457] : memref<1280000xf32, #tpu.memory_space<vmem>>, vector<10000xf32>
    tpu.vector_store %arg3[%swap3A_457], %squeeze3A_456 {strides = array<i32>} : memref<1280000xf32, #tpu.memory_space<vmem>>, vector<10000xf32>,
    %slice3A_459 = vector.extract_strided_slice %dot_general3A_5 {offsets = [114, 0], sizes = [1, 10000], strides = [1, 1]} : vector<128x10000xf32> to vector<1x10000xf32>
    %squeeze3A_460 = vector.shape_cast %slice3A_459 : vector<1x10000xf32> to vector<10000xf32>
    %swap3A_461 = arith.constant 1140000 : index
    %swap3A_462 = vector.load %arg3[%swap3A_461] : memref<1280000xf32, #tpu.memory_space<vmem>>, vector<10000xf32>
    tpu.vector_store %arg3[%swap3A_461], %squeeze3A_460 {strides = array<i32>} : memref<1280000xf32, #tpu.memory_space<vmem>>, vector<10000xf32>,
    %slice3A_463 = vector.extract_strided_slice %dot_general3A_5 {offsets = [115, 0], sizes = [1, 10000], strides = [1, 1]} : vector<128x10000xf32> to vector<1x10000xf32>
    %squeeze3A_464 = vector.shape_cast %slice3A_463 : vector<1x10000xf32> to vector<10000xf32>
    %swap3A_465 = arith.constant 1150000 : index
    %swap3A_466 = vector.load %arg3[%swap3A_465] : memref<1280000xf32, #tpu.memory_space<vmem>>, vector<10000xf32>
    tpu.vector_store %arg3[%swap3A_465], %squeeze3A_464 {strides = array<i32>} : memref<1280000xf32, #tpu.memory_space<vmem>>, vector<10000xf32>,
    %slice3A_467 = vector.extract_strided_slice %dot_general3A_5 {offsets = [116, 0], sizes = [1, 10000], strides = [1, 1]} : vector<128x10000xf32> to vector<1x10000xf32>
    %squeeze3A_468 = vector.shape_cast %slice3A_467 : vector<1x10000xf32> to vector<10000xf32>
    %swap3A_469 = arith.constant 1160000 : index
    %swap3A_470 = vector.load %arg3[%swap3A_469] : memref<1280000xf32, #tpu.memory_space<vmem>>, vector<10000xf32>
    tpu.vector_store %arg3[%swap3A_469], %squeeze3A_468 {strides = array<i32>} : memref<1280000xf32, #tpu.memory_space<vmem>>, vector<10000xf32>,
    %slice3A_471 = vector.extract_strided_slice %dot_general3A_5 {offsets = [117, 0], sizes = [1, 10000], strides = [1, 1]} : vector<128x10000xf32> to vector<1x10000xf32>
    %squeeze3A_472 = vector.shape_cast %slice3A_471 : vector<1x10000xf32> to vector<10000xf32>
    %swap3A_473 = arith.constant 1170000 : index
    %swap3A_474 = vector.load %arg3[%swap3A_473] : memref<1280000xf32, #tpu.memory_space<vmem>>, vector<10000xf32>
    tpu.vector_store %arg3[%swap3A_473], %squeeze3A_472 {strides = array<i32>} : memref<1280000xf32, #tpu.memory_space<vmem>>, vector<10000xf32>,
    %slice3A_475 = vector.extract_strided_slice %dot_general3A_5 {offsets = [118, 0], sizes = [1, 10000], strides = [1, 1]} : vector<128x10000xf32> to vector<1x10000xf32>
    %squeeze3A_476 = vector.shape_cast %slice3A_475 : vector<1x10000xf32> to vector<10000xf32>
    %swap3A_477 = arith.constant 1180000 : index
    %swap3A_478 = vector.load %arg3[%swap3A_477] : memref<1280000xf32, #tpu.memory_space<vmem>>, vector<10000xf32>
    tpu.vector_store %arg3[%swap3A_477], %squeeze3A_476 {strides = array<i32>} : memref<1280000xf32, #tpu.memory_space<vmem>>, vector<10000xf32>,
    %slice3A_479 = vector.extract_strided_slice %dot_general3A_5 {offsets = [119, 0], sizes = [1, 10000], strides = [1, 1]} : vector<128x10000xf32> to vector<1x10000xf32>
    %squeeze3A_480 = vector.shape_cast %slice3A_479 : vector<1x10000xf32> to vector<10000xf32>
    %swap3A_481 = arith.constant 1190000 : index
    %swap3A_482 = vector.load %arg3[%swap3A_481] : memref<1280000xf32, #tpu.memory_space<vmem>>, vector<10000xf32>
    tpu.vector_store %arg3[%swap3A_481], %squeeze3A_480 {strides = array<i32>} : memref<1280000xf32, #tpu.memory_space<vmem>>, vector<10000xf32>,
    %slice3A_483 = vector.extract_strided_slice %dot_general3A_5 {offsets = [120, 0], sizes = [1, 10000], strides = [1, 1]} : vector<128x10000xf32> to vector<1x10000xf32>
    %squeeze3A_484 = vector.shape_cast %slice3A_483 : vector<1x10000xf32> to vector<10000xf32>
    %swap3A_485 = arith.constant 1200000 : index
    %swap3A_486 = vector.load %arg3[%swap3A_485] : memref<1280000xf32, #tpu.memory_space<vmem>>, vector<10000xf32>
    tpu.vector_store %arg3[%swap3A_485], %squeeze3A_484 {strides = array<i32>} : memref<1280000xf32, #tpu.memory_space<vmem>>, vector<10000xf32>,
    %slice3A_487 = vector.extract_strided_slice %dot_general3A_5 {offsets = [121, 0], sizes = [1, 10000], strides = [1, 1]} : vector<128x10000xf32> to vector<1x10000xf32>
    %squeeze3A_488 = vector.shape_cast %slice3A_487 : vector<1x10000xf32> to vector<10000xf32>
    %swap3A_489 = arith.constant 1210000 : index
    %swap3A_490 = vector.load %arg3[%swap3A_489] : memref<1280000xf32, #tpu.memory_space<vmem>>, vector<10000xf32>
    tpu.vector_store %arg3[%swap3A_489], %squeeze3A_488 {strides = array<i32>} : memref<1280000xf32, #tpu.memory_space<vmem>>, vector<10000xf32>,
    %slice3A_491 = vector.extract_strided_slice %dot_general3A_5 {offsets = [122, 0], sizes = [1, 10000], strides = [1, 1]} : vector<128x10000xf32> to vector<1x10000xf32>
    %squeeze3A_492 = vector.shape_cast %slice3A_491 : vector<1x10000xf32> to vector<10000xf32>
    %swap3A_493 = arith.constant 1220000 : index
    %swap3A_494 = vector.load %arg3[%swap3A_493] : memref<1280000xf32, #tpu.memory_space<vmem>>, vector<10000xf32>
    tpu.vector_store %arg3[%swap3A_493], %squeeze3A_492 {strides = array<i32>} : memref<1280000xf32, #tpu.memory_space<vmem>>, vector<10000xf32>,
    %slice3A_495 = vector.extract_strided_slice %dot_general3A_5 {offsets = [123, 0], sizes = [1, 10000], strides = [1, 1]} : vector<128x10000xf32> to vector<1x10000xf32>
    %squeeze3A_496 = vector.shape_cast %slice3A_495 : vector<1x10000xf32> to vector<10000xf32>
    %swap3A_497 = arith.constant 1230000 : index
    %swap3A_498 = vector.load %arg3[%swap3A_497] : memref<1280000xf32, #tpu.memory_space<vmem>>, vector<10000xf32>
    tpu.vector_store %arg3[%swap3A_497], %squeeze3A_496 {strides = array<i32>} : memref<1280000xf32, #tpu.memory_space<vmem>>, vector<10000xf32>,
    %slice3A_499 = vector.extract_strided_slice %dot_general3A_5 {offsets = [124, 0], sizes = [1, 10000], strides = [1, 1]} : vector<128x10000xf32> to vector<1x10000xf32>
    %squeeze3A_500 = vector.shape_cast %slice3A_499 : vector<1x10000xf32> to vector<10000xf32>
    %swap3A_501 = arith.constant 1240000 : index
    %swap3A_502 = vector.load %arg3[%swap3A_501] : memref<1280000xf32, #tpu.memory_space<vmem>>, vector<10000xf32>
    tpu.vector_store %arg3[%swap3A_501], %squeeze3A_500 {strides = array<i32>} : memref<1280000xf32, #tpu.memory_space<vmem>>, vector<10000xf32>,
    %slice3A_503 = vector.extract_strided_slice %dot_general3A_5 {offsets = [125, 0], sizes = [1, 10000], strides = [1, 1]} : vector<128x10000xf32> to vector<1x10000xf32>
    %squeeze3A_504 = vector.shape_cast %slice3A_503 : vector<1x10000xf32> to vector<10000xf32>
    %swap3A_505 = arith.constant 1250000 : index
    %swap3A_506 = vector.load %arg3[%swap3A_505] : memref<1280000xf32, #tpu.memory_space<vmem>>, vector<10000xf32>
    tpu.vector_store %arg3[%swap3A_505], %squeeze3A_504 {strides = array<i32>} : memref<1280000xf32, #tpu.memory_space<vmem>>, vector<10000xf32>,
    %slice3A_507 = vector.extract_strided_slice %dot_general3A_5 {offsets = [126, 0], sizes = [1, 10000], strides = [1, 1]} : vector<128x10000xf32> to vector<1x10000xf32>
    %squeeze3A_508 = vector.shape_cast %slice3A_507 : vector<1x10000xf32> to vector<10000xf32>
    %swap3A_509 = arith.constant 1260000 : index
    %swap3A_510 = vector.load %arg3[%swap3A_509] : memref<1280000xf32, #tpu.memory_space<vmem>>, vector<10000xf32>
    tpu.vector_store %arg3[%swap3A_509], %squeeze3A_508 {strides = array<i32>} : memref<1280000xf32, #tpu.memory_space<vmem>>, vector<10000xf32>,
    %slice3A_511 = vector.extract_strided_slice %dot_general3A_5 {offsets = [127, 0], sizes = [1, 10000], strides = [1, 1]} : vector<128x10000xf32> to vector<1x10000xf32>
    %squeeze3A_512 = vector.shape_cast %slice3A_511 : vector<1x10000xf32> to vector<10000xf32>
    %swap3A_513 = arith.constant 1270000 : index
    %swap3A_514 = vector.load %arg3[%swap3A_513] : memref<1280000xf32, #tpu.memory_space<vmem>>, vector<10000xf32>
    tpu.vector_store %arg3[%swap3A_513], %squeeze3A_512 {strides = array<i32>} : memref<1280000xf32, #tpu.memory_space<vmem>>, vector<10000xf32>,
    return
  }
  func.func @transform_0(%arg0: i32) -> (i32, i32) {
    %c0_i32 = arith.constant 0 : i32
    %c0_i32_0 = arith.constant 0 : i32
    return %arg0, %c0_i32 : i32, i32
  }
  func.func @transform_1(%arg0: i32) -> (i32, i32) {
    %c0_i32 = arith.constant 0 : i32
    %c0_i32_0 = arith.constant 0 : i32
    %c0_i32_1 = arith.constant 0 : i32
    return %c0_i32, %c0_i32_0 : i32, i32
  }
  func.func @transform_2(%arg0: i32) -> i32 {
    %c0_i32 = arith.constant 0 : i32
    return %arg0 : i32
  }
}

</mosaic_0001>

<sc_bundles>
// kernel: kernel.10.cloned.1.call-start
scs
__scs_entry_jumppad:
0x0: {  	(pc) =	sbr.rel $0x88, $3  }
0x1: {  	(tag) =	ssettag $0x0;
	lr =	simm.s32 $0x1  }
0x2: {  	[smem:$0x3F9B] =	sst lr;
	_ =	strace $0xD0000000  }
0x3: {  	_ = 	snop  }
0x4: {  	_ = 	snop  }
0x5: {  	_ = 	snop  }
0x6: {  	_ = 	snop  }
0x7: {  	_ = 	snop  }
__scs_overlays_trampoline_lowered:
0x8: {  	[smem:$0x3FAA] =	sst s0  }
0x9: {  	[smem:$0x3FAB] =	sst s1  }
0xa: {  	[smem:$0x3FAC] =	sst s2  }
0xb: {  	[smem:$0x3FAD] =	sst s3  }
0xc: {  	[smem:$0x3FAE] =	sst s4  }
0xd: {  	[smem:$0x3FAF] =	sst s5  }
0xe: {  	[smem:$0x3FB0] =	sst s6  }
0xf: {  	[smem:$0x3FB1] =	sst s7  }
0x10: {  	[smem:$0x3FB2] =	sst s8  }
0x11: {  	[smem:$0x3FB3] =	sst s9;
	s0 =	simm.s32 @!p0 $0x0  }
0x12: {  	s1 =	sld [smem:$0x3F99];
	s0 =	simm.s32 @p0 $0x1  }
0x13: {  	[smem:$0x3FB4] =	sst s0;
	s0 =	simm.s32 @!p1 $0x0  }
0x14: {  	s2 =	sld [smem:$0x3F98];
	s0 =	simm.s32 @p1 $0x1  }
0x15: {  	[smem:$0x3FB5] =	sst s0;
	s0 =	simm.s32 @!p2 $0x0  }
0x16: {  	s3 =	sld [smem:$0x3FDB];
	s0 =	simm.s32 @p2 $0x1  }
0x17: {  	s4 =	simm.s32 $0x1BF5;
	[smem:$0x3FB7] =	sst s0  }
0x18: {  	s0 =	sld [smem:$0x3F9A];
	_ =	swait.ge [sflag:s4], $0x0  }
0x19: {  	s7 =	sld [smem:$0x3F9B]  }
0x1a: {  	s8 =	sadd.s32 $0xFFFFE003, lr  }
0x1b: {  	s9 =	sadd.s32 $0xFFFFFEF7, lr;
	s5 =	simm.s32 $0xFFFFFFFF;
	p2 =	slt.u32 s8, $0xFFFFF086  }
0x1c: {  	p1 =	slt.u32 s9, $0xF7A;
	s5 =	simm.s32 @!p2 $0x0  }
0x1d: {  	s5 =	simm.s32 @p1 $0x1;
	p0 =	seq.s32 s7, s2  }
0x1e: {  	s7 =	smul.u32 @!p0 $0xF7A, s2;
	p2 =	seq.s32 @!p0 s5, $0x0  }
0x1f: {  	s9 =	smul.u32 $0xF7A, s1;
	s8 =	simm.s32 @!p0 $0x1BF5;
	p2 =	por !p2, p0  }
0x20: {  	[sflag:s8] =	ssyncset.s32 @!p0 $0xFFFFF086;
	s6 =	sadd.s32 @!p0 s3, s7;
	s7 =	simm.s32 @!p0 $0x108  }
0x21: {  	s3 =	sadd.s32 s3, s9;
	s6 =	sadd.s32 @!p0 $0x88, s6;
	s7 =	simm.s32 @p2 $0x1082  }
0x22: {  	[simem:s7], [sflag:s8] =	dma.local @!p0 [hbm:s6], $0xF7A  }
0x23: {  	s9 =	sor.u32 $0xD0000000, s2;
	s6 =	simm.s32 $0x108;
	_ =	swait.ge @!p0 [sflag:s8], $0x0  }
0x24: {  	s3 =	sadd.s32 $0x88, s3;
	s6 =	simm.s32 @!p1 $0x1082;
	[sflag:s4] =	ssyncset.s32 $0xFFFFF086  }
0x25: {  	[simem:s6], [sflag:s4] =	dma.local [hbm:s3], $0xF7A  }
0x26: {  	[smem:$0x3F9B] =	sst s1;
	(tag) =	ssettag s2;
	_ =	strace s9  }
0x27: {  	s1 =	sld [smem:$0x3FAB]  }
0x28: {  	s2 =	sld [smem:$0x3FAC]  }
0x29: {  	s4 =	sld [smem:$0x3FAE]  }
0x2a: {  	p0 =	seq.s32 s5, $0x0;
	s5 =	sld [smem:$0x3FAF]  }
0x2b: {  	s6 =	sld [smem:$0x3FB0]  }
0x2c: {  	s7 =	sld [smem:$0x3FB1]  }
0x2d: {  	s3 =	simm.s32 $0x108;
	s8 =	sld [smem:$0x3FB2]  }
0x2e: {  	s3 =	simm.s32 @!p0 $0x1082;
	s9 =	sld [smem:$0x3FB3]  }
0x2f: {  	lr =	sadd.s32 s0, s3;
	s0 =	sld [smem:$0x3FAA]  }
0x30: {  	s3 =	sld [smem:$0x3FAD]  }
0x31: {  	[smem:$0x3FB6] =	sst s10  }
0x32: {  	s10 =	sld [smem:$0x3FB4];
	_ =	sdelay $0x3  }
0x33: {  	p0 =	seq.s32 s10, $0x1;
	s10 =	sld [smem:$0x3FB6];
	_ =	sdelay $0x3  }
0x34: {  	[smem:$0x3FB6] =	sst s10  }
0x35: {  	s10 =	sld [smem:$0x3FB5];
	_ =	sdelay $0x3  }
0x36: {  	p1 =	seq.s32 s10, $0x1;
	s10 =	sld [smem:$0x3FB6];
	_ =	sdelay $0x3  }
0x37: {  	[smem:$0x3FB6] =	sst s10  }
0x38: {  	s10 =	sld [smem:$0x3FB7]  }
0x39: {  	_ = 	snop;
	(pc) =	sbr.ind lr, $3  }
0x3a: {  	_ = 	snop  }
0x3b: {  	_ = 	snop  }
0x3c: {  	p2 =	seq.s32 s10, $0x1;
	s10 =	sld [smem:$0x3FB6]  }
0x3d: {  	_ =	shalt  }
0x3e: {  	_ =	shalt  }
0x3f: {  	_ =	shalt  }
0x40: {  	_ =	shalt  }
0x41: {  	_ =	shalt  }
0x42: {  	_ =	shalt  }
0x43: {  	_ =	shalt  }
0x44: {  	_ =	shalt  }
0x45: {  	_ =	shalt  }
0x46: {  	_ =	shalt  }
0x47: {  	_ =	shalt  }
0x48: {  	_ =	shalt  }
0x49: {  	_ =	shalt  }
0x4a: {  	_ =	shalt  }
0x4b: {  	_ =	shalt  }
0x4c: {  	_ =	shalt  }
0x4d: {  	_ =	shalt  }
0x4e: {  	_ =	shalt  }
0x4f: {  	_ =	shalt  }
0x50: {  	_ =	shalt  }
0x51: {  	_ =	shalt  }
0x52: {  	_ =	shalt  }
0x53: {  	_ =	shalt  }
0x54: {  	_ =	shalt  }
0x55: {  	_ =	shalt  }
0x56: {  	_ =	shalt  }
0x57: {  	_ =	shalt  }
0x58: {  	_ =	shalt  }
0x59: {  	_ =	shalt  }
0x5a: {  	_ =	shalt  }
0x5b: {  	_ =	shalt  }
0x5c: {  	_ =	shalt  }
0x5d: {  	_ =	shalt  }
0x5e: {  	_ =	shalt  }
0x5f: {  	_ =	shalt  }
0x60: {  	_ =	shalt  }
0x61: {  	_ =	shalt  }
0x62: {  	_ =	shalt  }
0x63: {  	_ =	shalt  }
0x64: {  	_ =	shalt  }
0x65: {  	_ =	shalt  }
0x66: {  	_ =	shalt  }
0x67: {  	_ =	shalt  }
0x68: {  	_ =	shalt  }
0x69: {  	_ =	shalt  }
0x6a: {  	_ =	shalt  }
0x6b: {  	_ =	shalt  }
0x6c: {  	_ =	shalt  }
0x6d: {  	_ =	shalt  }
0x6e: {  	_ =	shalt  }
0x6f: {  	_ =	shalt  }
0x70: {  	_ =	shalt  }
0x71: {  	_ =	shalt  }
0x72: {  	_ =	shalt  }
0x73: {  	_ =	shalt  }
0x74: {  	_ =	shalt  }
0x75: {  	_ =	shalt  }
0x76: {  	_ =	shalt  }
0x77: {  	_ =	shalt  }
0x78: {  	_ =	shalt  }
0x79: {  	_ =	shalt  }
0x7a: {  	_ =	shalt  }
0x7b: {  	_ =	shalt  }
0x7c: {  	_ =	shalt  }
0x7d: {  	_ =	shalt  }
0x7e: {  	_ =	shalt  }
0x7f: {  	_ =	shalt  }
0x80: {  	_ =	shalt  }
0x81: {  	_ =	shalt  }
0x82: {  	_ =	shalt  }
0x83: {  	_ =	shalt  }
0x84: {  	_ =	shalt  }
0x85: {  	_ =	shalt  }
0x86: {  	_ =	shalt  }
0x87: {  	_ =	shalt  }
.Lfunc_end0:
.L_simem_size_0:
called_computation_lowered:
.L_overlay_start_0:
0x88: {  	s2 =	sld [smem:$0x3FD9]  }
0x89: {  	s3 =	sld [smem:$0x3FFE];
	_ =	sdelay $0x1  }
0x8a: {  	s1 =	srdreg.scid  }
0x8b: {  	s0 =	sand.u32 $0x1, s1  }
0x8c: {  	s17 =	sshll.u32 s0, $0xA;
	s2 =	sadd.s32 s3, s2  }
0x8d: {  	s2 =	sadd.s32 s2, s17  }
0x8e: {  	[smem:$0x3FC2] =	sst s2  }
0x8f: {  	_ = 	snop  }
0x90: {  	s2 =	sld [smem:$0x3FD0];
	(tm) =	ssettm $0x1  }
0x91: {  	s18 =	sld [smem:$0x3FFB];
	_ =	sdelay $0x3  }
0x92: {  	_ =	strace s18  }
0x93: {  	s3 =	sld [smem:$0x3FFC];
	_ =	sdelay $0x3  }
0x94: {  	_ =	strace s3  }
0x95: {  	s3 =	sld [smem:$0x3FFD];
	_ =	sdelay $0x3  }
0x96: {  	_ =	strace s3  }
0x97: {  	_ =	strace $0x8FFFFFFF  }
0x98: {  	s19 =	sld [smem:$0x3FDB];
	_ =	sdelay $0x1  }
0x99: {  	s4 =	simm.s32 $_scs_section_size  }
0x9a: {  	s5 =	simm.s32 $_size__tile_overlayer_lowered;
	s6 =	simm.s32 $_tile_overlayer_lowered  }
0x9b: {  	s22 =	simm.s32 $0x1BFF;
	s21 =	sshll.u32 s6, $0x1;
	s3 =	sadd.s32 s4, s19  }
0x9c: {  	s7 =	simm.s32 $0x0;
	s20 =	sshll.u32 s5, $0x1;
	s5 =	sadd.s32 s21, s3  }
0x9d: {  	[timem:s7], [sflag:s22] =	dma.local [hbm:s5], s20  }
0x9e: {  	_ =	swait.ge [sflag:s22], s20  }
0x9f: {  	s4 =	ssub.s32 $0x0, s20;
	[sflag:s22] =	ssyncset.done $0x0  }
0xa0: {  	[sflag:s22] =	ssyncadd.s32 s4;
	_ =	sdelay $0x1  }
0xa1: {  	s23 =	simm.s32 $0x1B8B  }
0xa2: {  	_ =	swait.ge [sflag:s23], $0x1  }
0xa3: {  	[sflag:s23] =	ssyncset.done $0x0  }
0xa4: {  	s25 =	simm.s32 $0x1B8E;
	s24 =	sld [smem:$0x3FFE];
	[sflag:s23] =	ssyncadd.s32 $0xFFFFFFFF  }
0xa5: {  	s26 =	simm.s32 $execute0_lowered;
	[smem:$0x3FD2] =	sst s25  }
0xa6: {  	s5 =	sshll.u32 s26, $0x1;
	_ =	strace $0x80000046;
	[dreg:$0x1] =	wrdreg $0xFFFFFFFF  }
0xa7: {  	s28 =	simm.s32 $_size_execute0_lowered;
	s3 =	sadd.s32 s3, s5;
	[dreg:$0x0] =	wrdreg $0x0  }
0xa8: {  	s5 =	sshll.u32 s28, $0x1;
	[dreg:$0x2] =	wrdreg s3  }
0xa9: {  	[dreg:$0x3] =	wrdreg s5  }
0xaa: {  	[dreg:$0x4] =	wrdreg $0xC0  }
0xab: {  	_ =	task [dreg:s7], $0x5FFFF  }
0xac: {  	[dreg:$0x1] =	wrdreg $0xFFFFFFFF  }
0xad: {  	[dreg:$0x0] =	wrdreg $0x60  }
0xae: {  	[dreg:$0x2] =	wrdreg s24  }
0xaf: {  	[dreg:$0x3] =	wrdreg s2  }
0xb0: {  	[dreg:$0x4] =	wrdreg $0x38000  }
0xb1: {  	[dreg:$0x5] =	wrdreg $0x9  }
0xb2: {  	_ =	task.clear_ibuf [dreg:s7], $0x6FFFF;
	_ =	strace $0x90000046  }
0xb3: {  	s29 =	simm.s32 $0x9;
	_ =	strace $0x80000048  }
0xb4: {  	_ =	swait.ge [sflag:s29], $0x1  }
0xb5: {  	[sflag:s29] =	ssyncadd.s32 $0xFFFFFFFF  }
0xb6: {  	_ =	strace $0x90000048  }
0xb7: {  	_ =	sfence  }
0xb8: {  	s30 =	sld [smem:$0x0];
	_ =	sdelay $0x2  }
0xb9: {  	s31 =	sshll.u32 s1, $0xD;
	s1 =	sshrl.u32 s1, $0x2  }
0xba: {  	s3 =	sand.u32 $0x4000, s31;
	s1 =	sadd.s32 s1, s30  }
0xbb: {  	s0 =	sor.u32 s3, s0;
	s1 =	sshll.u32 s1, $0x11  }
0xbc: {  	s0 =	sor.u32 s1, s0  }
0xbd: {  	s0 =	sadd.s32 $0x8F2B, s0  }
0xbe: {  	[sflag:s0] =	ssyncadd.remote.s32 $0x1  }
0xbf: {  	_ =	sfence.sel $0xFFFF  }
0xc0: {  	[dreg:$0x0] =	wrdreg $0xFFFFFFFF;
	(pc) =	sbr.abs _section_cstart, $3  }
0xc1: {  	[dreg:$0x1] =	wrdreg $0xFFFFFFFF  }
0xc2: {  	_ =	task.clear_ibuf [dreg:s7], $0x2FFFF;
	_ =	strace $0x9FFFFFFF  }
0xc3: {  	(tm) =	ssettm $0x7FFFFFFF  }
tec
execute0_lowered:
.L_overlay_start_1:
0x0: {  	(tag) =	ssettag $0x1  }
0x1: {  	s6 =	rddreg [dreg:$0x0]  }
0x2: {  	s2 =	rddreg [dreg:$0x1]  }
0x3: {  	s3 =	rddreg [dreg:$0x2]  }
0x4: {  	s0 =	rddreg [dreg:$0x3];
	s4 =	srdreg.scid  }
0x5: {  	s1 =	stileid.u32;
	s12 =	simm.s32 $0x3000;
	s13 =	simm.s32 $0x80  }
0x6: {  	s14 =	simm.s32 $0x1;
	s15 =	simm.s32 $0x0;
	s5 =	sand.u32 $0x1, s4  }
0x7: {  	s7 =	sshll.u32 s1, $0x1;
	s8 =	smul.u32 $0x2780, s1;
	s4 =	simm.s32 $0x0  }
0x8: {  	s31 =	sshll.u32 s1, $0x6;
	s7 =	sor.u32 s5, s7;
	s9 =	smul.u32 $0x27800, s5  }
0x9: {  	[smem:$0x7FF] =	sst s4;
	s10 =	ssub.s32 $0x2, s5;
	s5 =	sadd.s32 $0xD800, s6  }
0xa: {  	s7 =	smul.u32 $0x600, s7;
	_ =	strace $0x80000047;
	s11 =	sshrl.u32 s10, $0x1  }
0xb: {  	s30 =	sadd.s32 s8, s3;
	s9 =	sadd.s32 s8, s9;
	s10 =	ssub.s32 s10, s11  }
0xc: {  	s11 =	sshrl.u32 s30, $0x3;
	s7 =	sadd.s32 s7, s6;
	s9 =	sshrl.u32 s9, $0x3  }
0xd: {  	s8 =	smax.u32 s10, $0x1;
	s10 =	sor.u32 $0x1C02, s31;
	s9 =	sadd.s32 s9, s6  }
0xe: {  	s6 =	sadd.s32 $0x1800, s7;
	s7 =	sadd.s32 $0xDA00, s9;
	s9 =	simm.s32 $0x2  }
.LBB2_1:
0xf: {  	[tilespmem:s4], [sflag:$0x2] =	stream.linear.gather [hbm4b:s6+s4], $0x3000, $0x38;
	[tilespmem:$0x5F80] =	vst v63  }
0x10: {  	_ =	swait.ge [sflag:s9], $0x3000  }
0x11: {  	[sflag:s9] =	ssyncset.done $0x0  }
0x12: {  	[sflag:s9] =	ssyncadd.s32 $0xFFFFD000  }
0x13: {  	[spmem:s11], [sflag:s10] =	dma.local [hbm:s2], $0x4F0  }
0x14: {  	_ =	swait.ge [sflag:s9], $0x4F0  }
0x15: {  	[sflag:s9] =	ssyncset.done $0x0  }
0x16: {  	[sflag:s9] =	ssyncadd.s32 $0xFFFFFB10  }
0x17: {  	[tilespmem:s12], [sflag:$0x2] =	stream.linear.gather [hbm4b:s5+s4], $0x800, $0x38;
	[tilespmem:$0x5F80] =	vst v63  }
0x18: {  	_ =	swait.ge [sflag:s9], $0x800  }
0x19: {  	[sflag:s9] =	ssyncset.done $0x0  }
0x1a: {  	p0 =	por $0x1, $0x1;
	[sflag:s9] =	ssyncadd.s32 $0xFFFFF800  }
0x1b: {  	s18 =	simm.s32 @!p0 $0x1;
	[bflag:$0x0] =	sbarrier.arrive $0xFFFF  }
0x1c: {  	[spmem:s3] =	stream.indirect.scatter.add.f32 [tilespmem:s12], [sflag:$0x1], $0x10, s4, s13, $0xb8;
	[tilespmem:$0x5F80] =	vst v63  }
0x1d: {  	_ =	swait.ge @!p0 [sflag:s18], $0x800  }
0x1e: {  	s16 =	simm.s32 $0x1;
	s17 =	simm.s32 $0x0;
	[sflag:s18] =	ssyncset.done @!p0 $0x0  }
.LBB2_2:
0x1f: {  	[sflag:s18] =	ssyncadd.s32 @!p0 $0xFFFFF800  }
0x20: {  	s17 =	sadd.s32 $0x80, s17;
	s18 =	smov.u32 s16;
	s16 =	sadd.s32 $0x1, s16  }
0x21: {  	p1 =	sne.s32 s16, $0x60  }
0x22: {  	[spmem:s3] =	stream.indirect.scatter.add.f32 [tilespmem:s12], [sflag:$0x1], $0x10, s17, s13, $0xb8;
	[tilespmem:$0x5F80] =	vst v63  }
.Ltmp0:
0x23: {  	_ = 	snop;
	(pc) =	sbr.rel @p1 .LBB2_2-.Ltmp0, $4  }
0x24: {  	p0 =	slt.u32 s18, $0x8  }
0x25: {  	s18 =	simm.s32 @!p0 $0x1  }
0x26: {  	_ =	swait.ge @!p0 [sflag:s18], $0x800  }
0x27: {  	[sflag:s18] =	ssyncset.done @!p0 $0x0  }
0x28: {  	[sflag:s18] =	ssyncadd.s32 @!p0 $0xFFFFF800  }
0x29: {  	_ =	swait.ge [sflag:s14], $0x800  }
0x2a: {  	[sflag:s14] =	ssyncset.done $0x0  }
0x2b: {  	[sflag:s14] =	ssyncadd.s32 $0xFFFFF800  }
0x2c: {  	_ =	swait.ge [sflag:s14], $0x800  }
0x2d: {  	[sflag:s14] =	ssyncset.done $0x0  }
0x2e: {  	[sflag:s14] =	ssyncadd.s32 $0xFFFFF800  }
0x2f: {  	_ =	swait.ge [sflag:s14], $0x800  }
0x30: {  	[sflag:s14] =	ssyncset.done $0x0  }
0x31: {  	[sflag:s14] =	ssyncadd.s32 $0xFFFFF800  }
0x32: {  	_ =	swait.ge [sflag:s14], $0x800  }
0x33: {  	[sflag:s14] =	ssyncset.done $0x0  }
0x34: {  	[sflag:s14] =	ssyncadd.s32 $0xFFFFF800  }
0x35: {  	_ =	swait.ge [sflag:s14], $0x800  }
0x36: {  	[sflag:s14] =	ssyncset.done $0x0  }
0x37: {  	[sflag:s14] =	ssyncadd.s32 $0xFFFFF800  }
0x38: {  	_ =	swait.ge [sflag:s14], $0x800  }
0x39: {  	[sflag:s14] =	ssyncset.done $0x0  }
0x3a: {  	[sflag:s14] =	ssyncadd.s32 $0xFFFFF800  }
0x3b: {  	_ =	swait.ge [sflag:s14], $0x800  }
0x3c: {  	[sflag:s14] =	ssyncset.done $0x0  }
0x3d: {  	[sflag:s14] =	ssyncadd.s32 $0xFFFFF800  }
0x3e: {  	_ =	swait.ge [sflag:s14], $0x800  }
0x3f: {  	s15 =	sadd.s32 $0x1, s15;
	[sflag:s14] =	ssyncset.done $0x0  }
0x40: {  	p0 =	sne.s32 s15, s8;
	[sflag:s14] =	ssyncadd.s32 $0xFFFFF800  }
.Ltmp1:
0x41: {  	[bflag:$0x0] =	sbarrier.arrive $0xFFFF;
	(pc) =	sbr.rel @p0 .LBB2_1-.Ltmp1, $4  }
0x42: {  	[hbm:s7], [sflag:s10] =	dma.local [spmem:s11], $0x4F0  }
0x43: {  	_ =	swait.ge [sflag:s9], $0x4F0  }
0x44: {  	[sflag:s9] =	ssyncset.done $0x0  }
0x45: {  	[sflag:s9] =	ssyncadd.s32 $0xFFFFFB10  }
0x46: {  	_ =	sfence.sel $0x180000  }
0x47: {  	[bflag:$0x0] =	sbarrier.arrive $0xFFFF  }
0x48: {  	p0 =	sne.s32 s1, $0x0;
	_ =	strace $0x90000047  }
0x49: {  	s0 =	sadd.s32 @!p0 $0x100000, s0;
	[bflag:$0x2] =	sbarrier.arrive $0xFFFF  }
0x4a: {  	[sflag:s0] =	ssyncadd.tile.s32 @!p0 $0x1;
	_ =	shalt  }
.Lfunc_end2:
_tile_overlayer_lowered:
.L_overlay_start_2:
0x4b: {  	(tag) =	ssettag $0x2  }
0x4c: {  	s0 =	rddreg [dreg:$0x0];
	s2 =	stileid.u32  }
0x4d: {  	s1 =	rddreg [dreg:$0x1];
	p0 =	sne.s32 s2, $0x0  }
0x4e: {  	s3 =	rddreg [dreg:$0x2];
	[bflag:$0x3] =	sbarrier.arrive $0xFFFF;
	s2 =	simm.s32 @!p0 $0x1C02  }
0x4f: {  	[timem:s3], [sflag:s2] =	dma.local @!p0 [hbm:s0], s1  }
0x50: {  	s0 =	simm.s32 @!p0 $0x2  }
0x51: {  	_ =	swait.ge @!p0 [sflag:s0], s1  }
0x52: {  	s1 =	ssub.s32 @!p0 $0x0, s1;
	[sflag:s0] =	ssyncset.done @!p0 $0x0  }
0x53: {  	[sflag:s0] =	ssyncadd.s32 @!p0 s1  }
0x54: {  	[bflag:$0x3] =	sbarrier.arrive $0xFFFF  }
0x55: {  	_ =	shalt  }

// kernel: kernel.13.cloned.1.call-start
scs
__scs_entry_jumppad:
0x0: {  	(pc) =	sbr.rel $0x88, $3  }
0x1: {  	(tag) =	ssettag $0x0;
	lr =	simm.s32 $0x1  }
0x2: {  	[smem:$0x3F9B] =	sst lr;
	_ =	strace $0xD0000000  }
0x3: {  	_ = 	snop  }
0x4: {  	_ = 	snop  }
0x5: {  	_ = 	snop  }
0x6: {  	_ = 	snop  }
0x7: {  	_ = 	snop  }
__scs_overlays_trampoline_lowered:
0x8: {  	[smem:$0x3FAA] =	sst s0  }
0x9: {  	[smem:$0x3FAB] =	sst s1  }
0xa: {  	[smem:$0x3FAC] =	sst s2  }
0xb: {  	[smem:$0x3FAD] =	sst s3  }
0xc: {  	[smem:$0x3FAE] =	sst s4  }
0xd: {  	[smem:$0x3FAF] =	sst s5  }
0xe: {  	[smem:$0x3FB0] =	sst s6  }
0xf: {  	[smem:$0x3FB1] =	sst s7  }
0x10: {  	[smem:$0x3FB2] =	sst s8  }
0x11: {  	[smem:$0x3FB3] =	sst s9;
	s0 =	simm.s32 @!p0 $0x0  }
0x12: {  	s1 =	sld [smem:$0x3F99];
	s0 =	simm.s32 @p0 $0x1  }
0x13: {  	[smem:$0x3FB4] =	sst s0;
	s0 =	simm.s32 @!p1 $0x0  }
0x14: {  	s2 =	sld [smem:$0x3F98];
	s0 =	simm.s32 @p1 $0x1  }
0x15: {  	[smem:$0x3FB5] =	sst s0;
	s0 =	simm.s32 @!p2 $0x0  }
0x16: {  	s3 =	sld [smem:$0x3FDB];
	s0 =	simm.s32 @p2 $0x1  }
0x17: {  	s4 =	simm.s32 $0x1BF5;
	[smem:$0x3FB7] =	sst s0  }
0x18: {  	s0 =	sld [smem:$0x3F9A];
	_ =	swait.ge [sflag:s4], $0x0  }
0x19: {  	s7 =	sld [smem:$0x3F9B]  }
0x1a: {  	s8 =	sadd.s32 $0xFFFFE003, lr  }
0x1b: {  	s9 =	sadd.s32 $0xFFFFFEF7, lr;
	s5 =	simm.s32 $0xFFFFFFFF;
	p2 =	slt.u32 s8, $0xFFFFF086  }
0x1c: {  	p1 =	slt.u32 s9, $0xF7A;
	s5 =	simm.s32 @!p2 $0x0  }
0x1d: {  	s5 =	simm.s32 @p1 $0x1;
	p0 =	seq.s32 s7, s2  }
0x1e: {  	s7 =	smul.u32 @!p0 $0xF7A, s2;
	p2 =	seq.s32 @!p0 s5, $0x0  }
0x1f: {  	s9 =	smul.u32 $0xF7A, s1;
	s8 =	simm.s32 @!p0 $0x1BF5;
	p2 =	por !p2, p0  }
0x20: {  	[sflag:s8] =	ssyncset.s32 @!p0 $0xFFFFF086;
	s6 =	sadd.s32 @!p0 s3, s7;
	s7 =	simm.s32 @!p0 $0x108  }
0x21: {  	s3 =	sadd.s32 s3, s9;
	s6 =	sadd.s32 @!p0 $0x88, s6;
	s7 =	simm.s32 @p2 $0x1082  }
0x22: {  	[simem:s7], [sflag:s8] =	dma.local @!p0 [hbm:s6], $0xF7A  }
0x23: {  	s9 =	sor.u32 $0xD0000000, s2;
	s6 =	simm.s32 $0x108;
	_ =	swait.ge @!p0 [sflag:s8], $0x0  }
0x24: {  	s3 =	sadd.s32 $0x88, s3;
	s6 =	simm.s32 @!p1 $0x1082;
	[sflag:s4] =	ssyncset.s32 $0xFFFFF086  }
0x25: {  	[simem:s6], [sflag:s4] =	dma.local [hbm:s3], $0xF7A  }
0x26: {  	[smem:$0x3F9B] =	sst s1;
	(tag) =	ssettag s2;
	_ =	strace s9  }
0x27: {  	s1 =	sld [smem:$0x3FAB]  }
0x28: {  	s2 =	sld [smem:$0x3FAC]  }
0x29: {  	s4 =	sld [smem:$0x3FAE]  }
0x2a: {  	p0 =	seq.s32 s5, $0x0;
	s5 =	sld [smem:$0x3FAF]  }
0x2b: {  	s6 =	sld [smem:$0x3FB0]  }
0x2c: {  	s7 =	sld [smem:$0x3FB1]  }
0x2d: {  	s3 =	simm.s32 $0x108;
	s8 =	sld [smem:$0x3FB2]  }
0x2e: {  	s3 =	simm.s32 @!p0 $0x1082;
	s9 =	sld [smem:$0x3FB3]  }
0x2f: {  	lr =	sadd.s32 s0, s3;
	s0 =	sld [smem:$0x3FAA]  }
0x30: {  	s3 =	sld [smem:$0x3FAD]  }
0x31: {  	[smem:$0x3FB6] =	sst s10  }
0x32: {  	s10 =	sld [smem:$0x3FB4];
	_ =	sdelay $0x3  }
0x33: {  	p0 =	seq.s32 s10, $0x1;
	s10 =	sld [smem:$0x3FB6];
	_ =	sdelay $0x3  }
0x34: {  	[smem:$0x3FB6] =	sst s10  }
0x35: {  	s10 =	sld [smem:$0x3FB5];
	_ =	sdelay $0x3  }
0x36: {  	p1 =	seq.s32 s10, $0x1;
	s10 =	sld [smem:$0x3FB6];
	_ =	sdelay $0x3  }
0x37: {  	[smem:$0x3FB6] =	sst s10  }
0x38: {  	s10 =	sld [smem:$0x3FB7]  }
0x39: {  	_ = 	snop;
	(pc) =	sbr.ind lr, $3  }
0x3a: {  	_ = 	snop  }
0x3b: {  	_ = 	snop  }
0x3c: {  	p2 =	seq.s32 s10, $0x1;
	s10 =	sld [smem:$0x3FB6]  }
0x3d: {  	_ =	shalt  }
0x3e: {  	_ =	shalt  }
0x3f: {  	_ =	shalt  }
0x40: {  	_ =	shalt  }
0x41: {  	_ =	shalt  }
0x42: {  	_ =	shalt  }
0x43: {  	_ =	shalt  }
0x44: {  	_ =	shalt  }
0x45: {  	_ =	shalt  }
0x46: {  	_ =	shalt  }
0x47: {  	_ =	shalt  }
0x48: {  	_ =	shalt  }
0x49: {  	_ =	shalt  }
0x4a: {  	_ =	shalt  }
0x4b: {  	_ =	shalt  }
0x4c: {  	_ =	shalt  }
0x4d: {  	_ =	shalt  }
0x4e: {  	_ =	shalt  }
0x4f: {  	_ =	shalt  }
0x50: {  	_ =	shalt  }
0x51: {  	_ =	shalt  }
0x52: {  	_ =	shalt  }
0x53: {  	_ =	shalt  }
0x54: {  	_ =	shalt  }
0x55: {  	_ =	shalt  }
0x56: {  	_ =	shalt  }
0x57: {  	_ =	shalt  }
0x58: {  	_ =	shalt  }
0x59: {  	_ =	shalt  }
0x5a: {  	_ =	shalt  }
0x5b: {  	_ =	shalt  }
0x5c: {  	_ =	shalt  }
0x5d: {  	_ =	shalt  }
0x5e: {  	_ =	shalt  }
0x5f: {  	_ =	shalt  }
0x60: {  	_ =	shalt  }
0x61: {  	_ =	shalt  }
0x62: {  	_ =	shalt  }
0x63: {  	_ =	shalt  }
0x64: {  	_ =	shalt  }
0x65: {  	_ =	shalt  }
0x66: {  	_ =	shalt  }
0x67: {  	_ =	shalt  }
0x68: {  	_ =	shalt  }
0x69: {  	_ =	shalt  }
0x6a: {  	_ =	shalt  }
0x6b: {  	_ =	shalt  }
0x6c: {  	_ =	shalt  }
0x6d: {  	_ =	shalt  }
0x6e: {  	_ =	shalt  }
0x6f: {  	_ =	shalt  }
0x70: {  	_ =	shalt  }
0x71: {  	_ =	shalt  }
0x72: {  	_ =	shalt  }
0x73: {  	_ =	shalt  }
0x74: {  	_ =	shalt  }
0x75: {  	_ =	shalt  }
0x76: {  	_ =	shalt  }
0x77: {  	_ =	shalt  }
0x78: {  	_ =	shalt  }
0x79: {  	_ =	shalt  }
0x7a: {  	_ =	shalt  }
0x7b: {  	_ =	shalt  }
0x7c: {  	_ =	shalt  }
0x7d: {  	_ =	shalt  }
0x7e: {  	_ =	shalt  }
0x7f: {  	_ =	shalt  }
0x80: {  	_ =	shalt  }
0x81: {  	_ =	shalt  }
0x82: {  	_ =	shalt  }
0x83: {  	_ =	shalt  }
0x84: {  	_ =	shalt  }
0x85: {  	_ =	shalt  }
0x86: {  	_ =	shalt  }
0x87: {  	_ =	shalt  }
.Lfunc_end0:
.L_simem_size_0:
called_computation.1_lowered:
.L_overlay_start_0:
0x88: {  	s2 =	sld [smem:$0x3FD9]  }
0x89: {  	s3 =	sld [smem:$0x3FFE];
	_ =	sdelay $0x1  }
0x8a: {  	s1 =	srdreg.scid  }
0x8b: {  	s0 =	sand.u32 $0x1, s1  }
0x8c: {  	s17 =	sshll.u32 s0, $0xA;
	s2 =	sadd.s32 s3, s2  }
0x8d: {  	s2 =	sadd.s32 s2, s17  }
0x8e: {  	[smem:$0x3FC2] =	sst s2  }
0x8f: {  	_ = 	snop  }
0x90: {  	s2 =	sld [smem:$0x3FD0];
	(tm) =	ssettm $0x1  }
0x91: {  	s18 =	sld [smem:$0x3FFB];
	_ =	sdelay $0x3  }
0x92: {  	_ =	strace s18  }
0x93: {  	s3 =	sld [smem:$0x3FFC];
	_ =	sdelay $0x3  }
0x94: {  	_ =	strace s3  }
0x95: {  	s3 =	sld [smem:$0x3FFD];
	_ =	sdelay $0x3  }
0x96: {  	_ =	strace s3  }
0x97: {  	_ =	strace $0x8FFFFFFF  }
0x98: {  	s19 =	sld [smem:$0x3FDB];
	_ =	sdelay $0x1  }
0x99: {  	s4 =	simm.s32 $_scs_section_size  }
0x9a: {  	s5 =	simm.s32 $_size__tile_overlayer_lowered;
	s6 =	simm.s32 $_tile_overlayer_lowered  }
0x9b: {  	s22 =	simm.s32 $0x1BFF;
	s21 =	sshll.u32 s6, $0x1;
	s3 =	sadd.s32 s4, s19  }
0x9c: {  	s7 =	simm.s32 $0x0;
	s20 =	sshll.u32 s5, $0x1;
	s5 =	sadd.s32 s21, s3  }
0x9d: {  	[timem:s7], [sflag:s22] =	dma.local [hbm:s5], s20  }
0x9e: {  	_ =	swait.ge [sflag:s22], s20  }
0x9f: {  	s4 =	ssub.s32 $0x0, s20;
	[sflag:s22] =	ssyncset.done $0x0  }
0xa0: {  	[sflag:s22] =	ssyncadd.s32 s4;
	_ =	sdelay $0x1  }
0xa1: {  	s23 =	simm.s32 $0x1B8B  }
0xa2: {  	_ =	swait.ge [sflag:s23], $0x1  }
0xa3: {  	[sflag:s23] =	ssyncset.done $0x0  }
0xa4: {  	s25 =	simm.s32 $0x1B8E;
	s24 =	sld [smem:$0x3FFE];
	[sflag:s23] =	ssyncadd.s32 $0xFFFFFFFF  }
0xa5: {  	s26 =	simm.s32 $execute0_lowered;
	[smem:$0x3FD2] =	sst s25  }
0xa6: {  	s5 =	sshll.u32 s26, $0x1;
	_ =	strace $0x80000049;
	[dreg:$0x1] =	wrdreg $0xFFFFFFFF  }
0xa7: {  	s28 =	simm.s32 $_size_execute0_lowered;
	s3 =	sadd.s32 s3, s5;
	[dreg:$0x0] =	wrdreg $0x0  }
0xa8: {  	s5 =	sshll.u32 s28, $0x1;
	[dreg:$0x2] =	wrdreg s3  }
0xa9: {  	[dreg:$0x3] =	wrdreg s5  }
0xaa: {  	[dreg:$0x4] =	wrdreg $0xC0  }
0xab: {  	_ =	task [dreg:s7], $0x5FFFF  }
0xac: {  	[dreg:$0x1] =	wrdreg $0xFFFFFFFF  }
0xad: {  	[dreg:$0x0] =	wrdreg $0x60  }
0xae: {  	[dreg:$0x2] =	wrdreg s24  }
0xaf: {  	[dreg:$0x3] =	wrdreg s2  }
0xb0: {  	[dreg:$0x4] =	wrdreg $0x160000  }
0xb1: {  	[dreg:$0x5] =	wrdreg $0x1AF000  }
0xb2: {  	[dreg:$0x6] =	wrdreg $0x9  }
0xb3: {  	_ =	task.clear_ibuf [dreg:s7], $0x7FFFF;
	_ =	strace $0x90000049  }
0xb4: {  	s29 =	simm.s32 $0x9;
	_ =	strace $0x8000004B  }
0xb5: {  	_ =	swait.ge [sflag:s29], $0x1  }
0xb6: {  	[sflag:s29] =	ssyncadd.s32 $0xFFFFFFFF  }
0xb7: {  	_ =	strace $0x9000004B  }
0xb8: {  	_ =	sfence  }
0xb9: {  	s30 =	sld [smem:$0x0];
	_ =	sdelay $0x2  }
0xba: {  	s31 =	sshll.u32 s1, $0xD;
	s1 =	sshrl.u32 s1, $0x2  }
0xbb: {  	s3 =	sand.u32 $0x4000, s31;
	s1 =	sadd.s32 s1, s30  }
0xbc: {  	s0 =	sor.u32 s3, s0;
	s1 =	sshll.u32 s1, $0x11  }
0xbd: {  	s0 =	sor.u32 s1, s0  }
0xbe: {  	s0 =	sadd.s32 $0x8F2B, s0  }
0xbf: {  	[sflag:s0] =	ssyncadd.remote.s32 $0x1  }
0xc0: {  	_ =	sfence.sel $0xFFFF  }
0xc1: {  	[dreg:$0x0] =	wrdreg $0xFFFFFFFF;
	(pc) =	sbr.abs _section_cstart, $3  }
0xc2: {  	[dreg:$0x1] =	wrdreg $0xFFFFFFFF  }
0xc3: {  	_ =	task.clear_ibuf [dreg:s7], $0x2FFFF;
	_ =	strace $0x9FFFFFFF  }
0xc4: {  	(tm) =	ssettm $0x7FFFFFFF  }
0xc5: {  	_ =	shalt  }
tec
execute0_lowered:
.L_overlay_start_1:
0x0: {  	(tag) =	ssettag $0x1  }
0x1: {  	s0 =	rddreg [dreg:$0x0]  }
0x2: {  	s1 =	rddreg [dreg:$0x1]  }
0x3: {  	s2 =	rddreg [dreg:$0x2]  }
0x4: {  	s3 =	rddreg [dreg:$0x3]  }
0x5: {  	s4 =	srdreg.scid;
	s8 =	stileid.u32  }
0x6: {  	s9 =	simm.s32 $0x0;
	s14 =	simm.s32 $0x9;
	s16 =	simm.s32 $0x80  }
0x7: {  	s17 =	simm.s32 $0x6000;
	s18 =	simm.s32 $0x7000;
	s29 =	simm.s32 $0xC000  }
0x8: {  	s31 =	simm.s32 $0xD000;
	s30 =	simm.s32 $0x11000;
	s28 =	simm.s32 $0x13000  }
0x9: {  	s12 =	simm.s32 $0x2;
	s10 =	simm.s32 $0x4;
	s15 =	simm.s32 $0x8  }
0xa: {  	s11 =	simm.s32 $0x0;
	s4 =	sand.u32 $0x1, s4;
	s5 =	sshll.u32 s8, $0x1  }
0xb: {  	s6 =	smul.u32 $0x4F00, s8;
	[smem:$0x7FF] =	sst s9;
	s19 =	sadd.s32 $0xD800, s0  }
0xc: {  	s25 =	sshll.u32 s8, $0x6;
	s8 =	simm.s32 $0x3;
	s9 =	simm.s32 $0x7  }
0xd: {  	s5 =	sor.u32 s4, s5;
	s7 =	smul.u32 $0x4F000, s4;
	_ =	strace $0x8000004A  }
0xe: {  	s4 =	ssub.s32 $0x2, s4;
	[dreg:$0x5] =	wrdreg s19;
	s19 =	simm.s32 $0x12000  }
0xf: {  	[dreg:$0xe] =	wrdreg s11;
	s5 =	smul.u32 $0x600, s5;
	s20 =	sshrl.u32 s4, $0x1  }
0x10: {  	s22 =	sadd.s32 s6, s2;
	s23 =	sadd.s32 s6, s3;
	s7 =	sadd.s32 s6, s7  }
0x11: {  	s4 =	ssub.s32 s4, s20;
	s6 =	sshrl.u32 s6, $0x3;
	s13 =	sshrl.u32 s22, $0x3  }
0x12: {  	s26 =	sshrl.u32 s23, $0x3;
	s20 =	simm.s32 $0x8000;
	s22 =	simm.s32 $0x9000  }
0x13: {  	s23 =	simm.s32 $0x14000;
	s5 =	sadd.s32 s5, s0;
	s7 =	sshrl.u32 s7, $0x3  }
0x14: {  	s1 =	sadd.s32 s1, s6;
	s24 =	smax.u32 s4, $0x1;
	[dreg:$0xd] =	wrdreg s26  }
0x15: {  	s4 =	sor.u32 $0x1C09, s25;
	s26 =	simm.s32 $0xB000;
	[dreg:$0xc] =	wrdreg s13  }
0x16: {  	s25 =	simm.s32 $0x10000;
	s6 =	simm.s32 $0x5;
	[dreg:$0x8] =	wrdreg s1  }
0x17: {  	s0 =	sadd.s32 s7, s0;
	s21 =	sadd.s32 $0x17800, s5;
	[dreg:$0xa] =	wrdreg s24  }
0x18: {  	s5 =	sadd.s32 $0x1800, s5;
	s24 =	simm.s32 $0xA000;
	[dreg:$0xb] =	wrdreg s4  }
0x19: {  	s1 =	simm.s32 $0xE000;
	s7 =	simm.s32 $0x6;
	[dreg:$0x6] =	wrdreg s21  }
0x1a: {  	[dreg:$0x7] =	wrdreg s5;
	s0 =	sadd.s32 $0x23800, s0;
	s21 =	simm.s32 $0xF000  }
0x1b: {  	s5 =	simm.s32 $0x1;
	[dreg:$0x9] =	wrdreg s0;
	s0 =	simm.s32 $0x15000  }
.LBB2_1:
0x1c: {  	s11 =	simm.s32 $0x0;
	s13 =	rddreg [dreg:$0x6]  }
0x1d: {  	[tilespmem:s11], [sflag:$0x9] =	stream.linear.gather [hbm4b:s13+s11], $0x3000, $0x38;
	[tilespmem:$0x1FE00] =	vst v63  }
0x1e: {  	_ =	swait.ge [sflag:s14], $0x3000  }
0x1f: {  	s4 =	simm.s32 $0x0;
	[sflag:s14] =	ssyncset.done $0x0  }
0x20: {  	s11 =	simm.s32 $0x3000;
	s13 =	rddreg [dreg:$0x7];
	[sflag:s14] =	ssyncadd.s32 $0xFFFFD000  }
0x21: {  	[tilespmem:s11], [sflag:$0x9] =	stream.linear.gather [hbm4b:s13+s4], $0x3000, $0x38;
	[tilespmem:$0x1FE00] =	vst v63  }
0x22: {  	_ =	swait.ge [sflag:s14], $0x3000  }
0x23: {  	s13 =	rddreg [dreg:$0x5]  }
0x24: {  	[sflag:s14] =	ssyncset.done $0x0;
	s11 =	rddreg [dreg:$0xc]  }
0x25: {  	s4 =	rddreg [dreg:$0xb];
	[sflag:s14] =	ssyncadd.s32 $0xFFFFD000  }
0x26: {  	[spmem:s11], [sflag:s4] =	dma.local [hbm:s13], $0x9E0  }
0x27: {  	_ =	swait.ge [sflag:s14], $0x9E0  }
0x28: {  	[sflag:s14] =	ssyncset.done $0x0;
	s13 =	rddreg [dreg:$0x8]  }
0x29: {  	s11 =	rddreg [dreg:$0xd];
	[sflag:s14] =	ssyncadd.s32 $0xFFFFF620  }
0x2a: {  	[spmem:s11], [sflag:s4] =	dma.local [hbm:s13], $0x9E0  }
0x2b: {  	_ =	swait.ge [sflag:s14], $0x9E0  }
0x2c: {  	[sflag:s14] =	ssyncset.done $0x0  }
0x2d: {  	[sflag:s14] =	ssyncadd.s32 $0xFFFFF620  }
0x2e: {  	s13 =	simm.s32 $0x0;
	[bflag:$0x0] =	sbarrier.arrive $0xFFFF  }
0x2f: {  	[tilespmem:s17], [sflag:$0x1] =	stream.indirect.gather [spmem:s3], $0x20, s13, s16, $0xb8;
	[tilespmem:$0x1FE00] =	vst v63  }
0x30: {  	_ = 	snop  }
0x31: {  	[tilespmem:s18], [sflag:$0x1] =	stream.indirect.gather [spmem:s3], $0x20, s16, s16, $0xb8;
	[tilespmem:$0x1FE00] =	vst v63  }
0x32: {  	s14 =	simm.s32 $0x100  }
0x33: {  	[tilespmem:s20], [sflag:$0x1] =	stream.indirect.gather [spmem:s3], $0x20, s14, s16, $0xb8;
	[tilespmem:$0x1FE00] =	vst v63  }
0x34: {  	s11 =	simm.s32 $0x180  }
0x35: {  	[tilespmem:s22], [sflag:$0x1] =	stream.indirect.gather [spmem:s3], $0x20, s11, s16, $0xb8;
	[tilespmem:$0x1FE00] =	vst v63  }
0x36: {  	s13 =	simm.s32 $0x200  }
0x37: {  	[tilespmem:s24], [sflag:$0x2] =	stream.indirect.gather [spmem:s3], $0x20, s13, s16, $0xb8;
	[tilespmem:$0x1FE00] =	vst v63  }
0x38: {  	s14 =	simm.s32 $0x280  }
0x39: {  	[tilespmem:s26], [sflag:$0x2] =	stream.indirect.gather [spmem:s3], $0x20, s14, s16, $0xb8;
	[tilespmem:$0x1FE00] =	vst v63  }
0x3a: {  	s11 =	simm.s32 $0x300  }
0x3b: {  	[tilespmem:s29], [sflag:$0x2] =	stream.indirect.gather [spmem:s3], $0x20, s11, s16, $0xb8;
	[tilespmem:$0x1FE00] =	vst v63  }
0x3c: {  	s13 =	simm.s32 $0x380  }
0x3d: {  	[tilespmem:s31], [sflag:$0x2] =	stream.indirect.gather [spmem:s3], $0x20, s13, s16, $0xb8;
	[tilespmem:$0x1FE00] =	vst v63  }
0x3e: {  	s14 =	simm.s32 $0x400  }
0x3f: {  	[tilespmem:s1], [sflag:$0x3] =	stream.indirect.gather [spmem:s3], $0x20, s14, s16, $0xb8;
	[tilespmem:$0x1FE00] =	vst v63  }
0x40: {  	s11 =	simm.s32 $0x480  }
0x41: {  	[tilespmem:s21], [sflag:$0x3] =	stream.indirect.gather [spmem:s3], $0x20, s11, s16, $0xb8;
	[tilespmem:$0x1FE00] =	vst v63  }
0x42: {  	s13 =	simm.s32 $0x500  }
0x43: {  	[tilespmem:s25], [sflag:$0x3] =	stream.indirect.gather [spmem:s3], $0x20, s13, s16, $0xb8;
	[tilespmem:$0x1FE00] =	vst v63  }
0x44: {  	s14 =	simm.s32 $0x580  }
0x45: {  	[tilespmem:s30], [sflag:$0x3] =	stream.indirect.gather [spmem:s3], $0x20, s14, s16, $0xb8;
	[tilespmem:$0x1FE00] =	vst v63  }
0x46: {  	s11 =	simm.s32 $0x600  }
0x47: {  	[tilespmem:s19], [sflag:$0x4] =	stream.indirect.gather [spmem:s3], $0x20, s11, s16, $0xb8;
	[tilespmem:$0x1FE00] =	vst v63  }
0x48: {  	s13 =	simm.s32 $0x680  }
0x49: {  	[tilespmem:s28], [sflag:$0x4] =	stream.indirect.gather [spmem:s3], $0x20, s13, s16, $0xb8;
	[tilespmem:$0x1FE00] =	vst v63  }
0x4a: {  	s14 =	simm.s32 $0x700  }
0x4b: {  	[tilespmem:s23], [sflag:$0x4] =	stream.indirect.gather [spmem:s3], $0x20, s14, s16, $0xb8;
	[tilespmem:$0x1FE00] =	vst v63  }
0x4c: {  	s11 =	simm.s32 $0x780  }
0x4d: {  	[tilespmem:s0], [sflag:$0x4] =	stream.indirect.gather [spmem:s3], $0x20, s11, s16, $0xb8;
	[tilespmem:$0x1FE00] =	vst v63  }
0x4e: {  	_ =	swait.ge [sflag:s5], $0x4000  }
0x4f: {  	[sflag:s5] =	ssyncset.done $0x0  }
0x50: {  	s13 =	simm.s32 $0x3000;
	[sflag:s5] =	ssyncadd.s32 $0xFFFFC000  }
0x51: {  	[spmem:s2] =	stream.indirect.scatter.add.f32 [tilespmem:s17], [sflag:$0x5], $0x20, s13, s16, $0xb8;
	[tilespmem:$0x1FE00] =	vst v63  }
0x52: {  	s14 =	simm.s32 $0x3080  }
0x53: {  	[spmem:s2] =	stream.indirect.scatter.add.f32 [tilespmem:s18], [sflag:$0x5], $0x20, s14, s16, $0xb8;
	[tilespmem:$0x1FE00] =	vst v63  }
0x54: {  	s11 =	simm.s32 $0x3100  }
0x55: {  	[spmem:s2] =	stream.indirect.scatter.add.f32 [tilespmem:s20], [sflag:$0x5], $0x20, s11, s16, $0xb8;
	[tilespmem:$0x1FE00] =	vst v63  }
0x56: {  	s13 =	simm.s32 $0x3180  }
0x57: {  	[spmem:s2] =	stream.indirect.scatter.add.f32 [tilespmem:s22], [sflag:$0x5], $0x20, s13, s16, $0xb8;
	[tilespmem:$0x1FE00] =	vst v63  }
0x58: {  	_ =	swait.ge [sflag:s6], $0x4000  }
0x59: {  	[sflag:s6] =	ssyncset.done $0x0  }
0x5a: {  	s14 =	simm.s32 $0x800;
	[sflag:s6] =	ssyncadd.s32 $0xFFFFC000  }
0x5b: {  	[tilespmem:s17], [sflag:$0x1] =	stream.indirect.gather [spmem:s3], $0x20, s14, s16, $0xb8;
	[tilespmem:$0x1FE00] =	vst v63  }
0x5c: {  	s11 =	simm.s32 $0x880  }
0x5d: {  	[tilespmem:s18], [sflag:$0x1] =	stream.indirect.gather [spmem:s3], $0x20, s11, s16, $0xb8;
	[tilespmem:$0x1FE00] =	vst v63  }
0x5e: {  	s13 =	simm.s32 $0x900  }
0x5f: {  	[tilespmem:s20], [sflag:$0x1] =	stream.indirect.gather [spmem:s3], $0x20, s13, s16, $0xb8;
	[tilespmem:$0x1FE00] =	vst v63  }
0x60: {  	s14 =	simm.s32 $0x980  }
0x61: {  	[tilespmem:s22], [sflag:$0x1] =	stream.indirect.gather [spmem:s3], $0x20, s14, s16, $0xb8;
	[tilespmem:$0x1FE00] =	vst v63  }
0x62: {  	_ =	swait.ge [sflag:s12], $0x4000  }
0x63: {  	[sflag:s12] =	ssyncset.done $0x0  }
0x64: {  	s11 =	simm.s32 $0x3200;
	[sflag:s12] =	ssyncadd.s32 $0xFFFFC000  }
0x65: {  	[spmem:s2] =	stream.indirect.scatter.add.f32 [tilespmem:s24], [sflag:$0x6], $0x20, s11, s16, $0xb8;
	[tilespmem:$0x1FE00] =	vst v63  }
0x66: {  	s13 =	simm.s32 $0x3280  }
0x67: {  	[spmem:s2] =	stream.indirect.scatter.add.f32 [tilespmem:s26], [sflag:$0x6], $0x20, s13, s16, $0xb8;
	[tilespmem:$0x1FE00] =	vst v63  }
0x68: {  	s14 =	simm.s32 $0x3300  }
0x69: {  	[spmem:s2] =	stream.indirect.scatter.add.f32 [tilespmem:s29], [sflag:$0x6], $0x20, s14, s16, $0xb8;
	[tilespmem:$0x1FE00] =	vst v63  }
0x6a: {  	s11 =	simm.s32 $0x3380  }
0x6b: {  	[spmem:s2] =	stream.indirect.scatter.add.f32 [tilespmem:s31], [sflag:$0x6], $0x20, s11, s16, $0xb8;
	[tilespmem:$0x1FE00] =	vst v63  }
0x6c: {  	_ =	swait.ge [sflag:s7], $0x4000  }
0x6d: {  	[sflag:s7] =	ssyncset.done $0x0  }
0x6e: {  	s13 =	simm.s32 $0xA00;
	[sflag:s7] =	ssyncadd.s32 $0xFFFFC000  }
0x6f: {  	[tilespmem:s24], [sflag:$0x2] =	stream.indirect.gather [spmem:s3], $0x20, s13, s16, $0xb8;
	[tilespmem:$0x1FE00] =	vst v63  }
0x70: {  	s14 =	simm.s32 $0xA80  }
0x71: {  	[tilespmem:s26], [sflag:$0x2] =	stream.indirect.gather [spmem:s3], $0x20, s14, s16, $0xb8;
	[tilespmem:$0x1FE00] =	vst v63  }
0x72: {  	s11 =	simm.s32 $0xB00  }
0x73: {  	[tilespmem:s29], [sflag:$0x2] =	stream.indirect.gather [spmem:s3], $0x20, s11, s16, $0xb8;
	[tilespmem:$0x1FE00] =	vst v63  }
0x74: {  	s13 =	simm.s32 $0xB80  }
0x75: {  	[tilespmem:s31], [sflag:$0x2] =	stream.indirect.gather [spmem:s3], $0x20, s13, s16, $0xb8;
	[tilespmem:$0x1FE00] =	vst v63  }
0x76: {  	_ =	swait.ge [sflag:s8], $0x4000  }
0x77: {  	[sflag:s8] =	ssyncset.done $0x0  }
0x78: {  	s14 =	simm.s32 $0x3400;
	[sflag:s8] =	ssyncadd.s32 $0xFFFFC000  }
0x79: {  	[spmem:s2] =	stream.indirect.scatter.add.f32 [tilespmem:s1], [sflag:$0x7], $0x20, s14, s16, $0xb8;
	[tilespmem:$0x1FE00] =	vst v63  }
0x7a: {  	s11 =	simm.s32 $0x3480  }
0x7b: {  	[spmem:s2] =	stream.indirect.scatter.add.f32 [tilespmem:s21], [sflag:$0x7], $0x20, s11, s16, $0xb8;
	[tilespmem:$0x1FE00] =	vst v63  }
0x7c: {  	s13 =	simm.s32 $0x3500  }
0x7d: {  	[spmem:s2] =	stream.indirect.scatter.add.f32 [tilespmem:s25], [sflag:$0x7], $0x20, s13, s16, $0xb8;
	[tilespmem:$0x1FE00] =	vst v63  }
0x7e: {  	s14 =	simm.s32 $0x3580  }
0x7f: {  	[spmem:s2] =	stream.indirect.scatter.add.f32 [tilespmem:s30], [sflag:$0x7], $0x20, s14, s16, $0xb8;
	[tilespmem:$0x1FE00] =	vst v63  }
0x80: {  	_ =	swait.ge [sflag:s9], $0x4000  }
0x81: {  	[sflag:s9] =	ssyncset.done $0x0  }
0x82: {  	s11 =	simm.s32 $0xC00;
	[sflag:s9] =	ssyncadd.s32 $0xFFFFC000  }
0x83: {  	[tilespmem:s1], [sflag:$0x3] =	stream.indirect.gather [spmem:s3], $0x20, s11, s16, $0xb8;
	[tilespmem:$0x1FE00] =	vst v63  }
0x84: {  	s13 =	simm.s32 $0xC80  }
0x85: {  	[tilespmem:s21], [sflag:$0x3] =	stream.indirect.gather [spmem:s3], $0x20, s13, s16, $0xb8;
	[tilespmem:$0x1FE00] =	vst v63  }
0x86: {  	s14 =	simm.s32 $0xD00  }
0x87: {  	[tilespmem:s25], [sflag:$0x3] =	stream.indirect.gather [spmem:s3], $0x20, s14, s16, $0xb8;
	[tilespmem:$0x1FE00] =	vst v63  }
0x88: {  	s11 =	simm.s32 $0xD80  }
0x89: {  	[tilespmem:s30], [sflag:$0x3] =	stream.indirect.gather [spmem:s3], $0x20, s11, s16, $0xb8;
	[tilespmem:$0x1FE00] =	vst v63  }
0x8a: {  	_ =	swait.ge [sflag:s10], $0x4000  }
0x8b: {  	[sflag:s10] =	ssyncset.done $0x0  }
0x8c: {  	s13 =	simm.s32 $0x3600;
	[sflag:s10] =	ssyncadd.s32 $0xFFFFC000  }
0x8d: {  	[spmem:s2] =	stream.indirect.scatter.add.f32 [tilespmem:s19], [sflag:$0x8], $0x20, s13, s16, $0xb8;
	[tilespmem:$0x1FE00] =	vst v63  }
0x8e: {  	s14 =	simm.s32 $0x3680  }
0x8f: {  	[spmem:s2] =	stream.indirect.scatter.add.f32 [tilespmem:s28], [sflag:$0x8], $0x20, s14, s16, $0xb8;
	[tilespmem:$0x1FE00] =	vst v63  }
0x90: {  	s11 =	simm.s32 $0x3700  }
0x91: {  	[spmem:s2] =	stream.indirect.scatter.add.f32 [tilespmem:s23], [sflag:$0x8], $0x20, s11, s16, $0xb8;
	[tilespmem:$0x1FE00] =	vst v63  }
0x92: {  	s13 =	simm.s32 $0x3780  }
0x93: {  	[spmem:s2] =	stream.indirect.scatter.add.f32 [tilespmem:s0], [sflag:$0x8], $0x20, s13, s16, $0xb8;
	[tilespmem:$0x1FE00] =	vst v63  }
0x94: {  	_ =	swait.ge [sflag:s15], $0x4000  }
0x95: {  	[sflag:s15] =	ssyncset.done $0x0  }
0x96: {  	s14 =	simm.s32 $0xE00;
	[sflag:s15] =	ssyncadd.s32 $0xFFFFC000  }
0x97: {  	[tilespmem:s19], [sflag:$0x4] =	stream.indirect.gather [spmem:s3], $0x20, s14, s16, $0xb8;
	[tilespmem:$0x1FE00] =	vst v63  }
0x98: {  	s4 =	simm.s32 $0xE80  }
0x99: {  	[tilespmem:s28], [sflag:$0x4] =	stream.indirect.gather [spmem:s3], $0x20, s4, s16, $0xb8;
	[tilespmem:$0x1FE00] =	vst v63  }
0x9a: {  	s11 =	simm.s32 $0xF00  }
0x9b: {  	[tilespmem:s23], [sflag:$0x4] =	stream.indirect.gather [spmem:s3], $0x20, s11, s16, $0xb8;
	[tilespmem:$0x1FE00] =	vst v63  }
0x9c: {  	s14 =	simm.s32 $0xF80  }
0x9d: {  	[tilespmem:s0], [sflag:$0x4] =	stream.indirect.gather [spmem:s3], $0x20, s14, s16, $0xb8;
	[tilespmem:$0x1FE00] =	vst v63  }
0x9e: {  	_ =	swait.ge [sflag:s5], $0x4000  }
0x9f: {  	[sflag:s5] =	ssyncset.done $0x0  }
0xa0: {  	s4 =	simm.s32 $0x3800;
	[sflag:s5] =	ssyncadd.s32 $0xFFFFC000  }
0xa1: {  	[spmem:s2] =	stream.indirect.scatter.add.f32 [tilespmem:s17], [sflag:$0x5], $0x20, s4, s16, $0xb8;
	[tilespmem:$0x1FE00] =	vst v63  }
0xa2: {  	s11 =	simm.s32 $0x3880  }
0xa3: {  	[spmem:s2] =	stream.indirect.scatter.add.f32 [tilespmem:s18], [sflag:$0x5], $0x20, s11, s16, $0xb8;
	[tilespmem:$0x1FE00] =	vst v63  }
0xa4: {  	s14 =	simm.s32 $0x3900  }
0xa5: {  	[spmem:s2] =	stream.indirect.scatter.add.f32 [tilespmem:s20], [sflag:$0x5], $0x20, s14, s16, $0xb8;
	[tilespmem:$0x1FE00] =	vst v63  }
0xa6: {  	s4 =	simm.s32 $0x3980  }
0xa7: {  	[spmem:s2] =	stream.indirect.scatter.add.f32 [tilespmem:s22], [sflag:$0x5], $0x20, s4, s16, $0xb8;
	[tilespmem:$0x1FE00] =	vst v63  }
0xa8: {  	_ =	swait.ge [sflag:s6], $0x4000  }
0xa9: {  	[sflag:s6] =	ssyncset.done $0x0  }
0xaa: {  	s11 =	simm.s32 $0x1000;
	[sflag:s6] =	ssyncadd.s32 $0xFFFFC000  }
0xab: {  	[tilespmem:s17], [sflag:$0x1] =	stream.indirect.gather [spmem:s3], $0x20, s11, s16, $0xb8;
	[tilespmem:$0x1FE00] =	vst v63  }
0xac: {  	s14 =	simm.s32 $0x1080  }
0xad: {  	[tilespmem:s18], [sflag:$0x1] =	stream.indirect.gather [spmem:s3], $0x20, s14, s16, $0xb8;
	[tilespmem:$0x1FE00] =	vst v63  }
0xae: {  	s4 =	simm.s32 $0x1100  }
0xaf: {  	[tilespmem:s20], [sflag:$0x1] =	stream.indirect.gather [spmem:s3], $0x20, s4, s16, $0xb8;
	[tilespmem:$0x1FE00] =	vst v63  }
0xb0: {  	s11 =	simm.s32 $0x1180  }
0xb1: {  	[tilespmem:s22], [sflag:$0x1] =	stream.indirect.gather [spmem:s3], $0x20, s11, s16, $0xb8;
	[tilespmem:$0x1FE00] =	vst v63  }
0xb2: {  	_ =	swait.ge [sflag:s12], $0x4000  }
0xb3: {  	[sflag:s12] =	ssyncset.done $0x0  }
0xb4: {  	s14 =	simm.s32 $0x3A00;
	[sflag:s12] =	ssyncadd.s32 $0xFFFFC000  }
0xb5: {  	[spmem:s2] =	stream.indirect.scatter.add.f32 [tilespmem:s24], [sflag:$0x6], $0x20, s14, s16, $0xb8;
	[tilespmem:$0x1FE00] =	vst v63  }
0xb6: {  	s4 =	simm.s32 $0x3A80  }
0xb7: {  	[spmem:s2] =	stream.indirect.scatter.add.f32 [tilespmem:s26], [sflag:$0x6], $0x20, s4, s16, $0xb8;
	[tilespmem:$0x1FE00] =	vst v63  }
0xb8: {  	s11 =	simm.s32 $0x3B00  }
0xb9: {  	[spmem:s2] =	stream.indirect.scatter.add.f32 [tilespmem:s29], [sflag:$0x6], $0x20, s11, s16, $0xb8;
	[tilespmem:$0x1FE00] =	vst v63  }
0xba: {  	s14 =	simm.s32 $0x3B80  }
0xbb: {  	[spmem:s2] =	stream.indirect.scatter.add.f32 [tilespmem:s31], [sflag:$0x6], $0x20, s14, s16, $0xb8;
	[tilespmem:$0x1FE00] =	vst v63  }
0xbc: {  	_ =	swait.ge [sflag:s7], $0x4000  }
0xbd: {  	[sflag:s7] =	ssyncset.done $0x0  }
0xbe: {  	s4 =	simm.s32 $0x1200;
	[sflag:s7] =	ssyncadd.s32 $0xFFFFC000  }
0xbf: {  	[tilespmem:s24], [sflag:$0x2] =	stream.indirect.gather [spmem:s3], $0x20, s4, s16, $0xb8;
	[tilespmem:$0x1FE00] =	vst v63  }
0xc0: {  	s11 =	simm.s32 $0x1280  }
0xc1: {  	[tilespmem:s26], [sflag:$0x2] =	stream.indirect.gather [spmem:s3], $0x20, s11, s16, $0xb8;
	[tilespmem:$0x1FE00] =	vst v63  }
0xc2: {  	s14 =	simm.s32 $0x1300  }
0xc3: {  	[tilespmem:s29], [sflag:$0x2] =	stream.indirect.gather [spmem:s3], $0x20, s14, s16, $0xb8;
	[tilespmem:$0x1FE00] =	vst v63  }
0xc4: {  	s4 =	simm.s32 $0x1380  }
0xc5: {  	[tilespmem:s31], [sflag:$0x2] =	stream.indirect.gather [spmem:s3], $0x20, s4, s16, $0xb8;
	[tilespmem:$0x1FE00] =	vst v63  }
0xc6: {  	_ =	swait.ge [sflag:s8], $0x4000  }
0xc7: {  	[sflag:s8] =	ssyncset.done $0x0  }
0xc8: {  	s11 =	simm.s32 $0x3C00;
	[sflag:s8] =	ssyncadd.s32 $0xFFFFC000  }
0xc9: {  	[spmem:s2] =	stream.indirect.scatter.add.f32 [tilespmem:s1], [sflag:$0x7], $0x20, s11, s16, $0xb8;
	[tilespmem:$0x1FE00] =	vst v63  }
0xca: {  	s14 =	simm.s32 $0x3C80  }
0xcb: {  	[spmem:s2] =	stream.indirect.scatter.add.f32 [tilespmem:s21], [sflag:$0x7], $0x20, s14, s16, $0xb8;
	[tilespmem:$0x1FE00] =	vst v63  }
0xcc: {  	s4 =	simm.s32 $0x3D00  }
0xcd: {  	[spmem:s2] =	stream.indirect.scatter.add.f32 [tilespmem:s25], [sflag:$0x7], $0x20, s4, s16, $0xb8;
	[tilespmem:$0x1FE00] =	vst v63  }
0xce: {  	s11 =	simm.s32 $0x3D80  }
0xcf: {  	[spmem:s2] =	stream.indirect.scatter.add.f32 [tilespmem:s30], [sflag:$0x7], $0x20, s11, s16, $0xb8;
	[tilespmem:$0x1FE00] =	vst v63  }
0xd0: {  	_ =	swait.ge [sflag:s9], $0x4000  }
0xd1: {  	[sflag:s9] =	ssyncset.done $0x0  }
0xd2: {  	s14 =	simm.s32 $0x1400;
	[sflag:s9] =	ssyncadd.s32 $0xFFFFC000  }
0xd3: {  	[tilespmem:s1], [sflag:$0x3] =	stream.indirect.gather [spmem:s3], $0x20, s14, s16, $0xb8;
	[tilespmem:$0x1FE00] =	vst v63  }
0xd4: {  	s4 =	simm.s32 $0x1480  }
0xd5: {  	[tilespmem:s21], [sflag:$0x3] =	stream.indirect.gather [spmem:s3], $0x20, s4, s16, $0xb8;
	[tilespmem:$0x1FE00] =	vst v63  }
0xd6: {  	s11 =	simm.s32 $0x1500  }
0xd7: {  	[tilespmem:s25], [sflag:$0x3] =	stream.indirect.gather [spmem:s3], $0x20, s11, s16, $0xb8;
	[tilespmem:$0x1FE00] =	vst v63  }
0xd8: {  	s14 =	simm.s32 $0x1580  }
0xd9: {  	[tilespmem:s30], [sflag:$0x3] =	stream.indirect.gather [spmem:s3], $0x20, s14, s16, $0xb8;
	[tilespmem:$0x1FE00] =	vst v63  }
0xda: {  	_ =	swait.ge [sflag:s10], $0x4000  }
0xdb: {  	[sflag:s10] =	ssyncset.done $0x0  }
0xdc: {  	s4 =	simm.s32 $0x3E00;
	[sflag:s10] =	ssyncadd.s32 $0xFFFFC000  }
0xdd: {  	[spmem:s2] =	stream.indirect.scatter.add.f32 [tilespmem:s19], [sflag:$0x8], $0x20, s4, s16, $0xb8;
	[tilespmem:$0x1FE00] =	vst v63  }
0xde: {  	s11 =	simm.s32 $0x3E80  }
0xdf: {  	[spmem:s2] =	stream.indirect.scatter.add.f32 [tilespmem:s28], [sflag:$0x8], $0x20, s11, s16, $0xb8;
	[tilespmem:$0x1FE00] =	vst v63  }
0xe0: {  	s14 =	simm.s32 $0x3F00  }
0xe1: {  	[spmem:s2] =	stream.indirect.scatter.add.f32 [tilespmem:s23], [sflag:$0x8], $0x20, s14, s16, $0xb8;
	[tilespmem:$0x1FE00] =	vst v63  }
0xe2: {  	s13 =	simm.s32 $0x3F80;
	s14 =	simm.s32 $0x2000  }
.LBB2_2:
0xe3: {  	[spmem:s2] =	stream.indirect.scatter.add.f32 [tilespmem:s0], [sflag:$0x8], $0x20, s13, s16, $0xb8;
	[tilespmem:$0x1FE00] =	vst v63  }
0xe4: {  	s13 =	smov.u32 s14  }
0xe5: {  	p0 =	sne.s32 s14, $0x6000;
	s14 =	sadd.s32 $0x2000, s14;
	_ =	swait.ge [sflag:s15], $0x4000  }
0xe6: {  	s13 =	sshra.s32 s13, $0x2;
	[sflag:s15] =	ssyncset.done $0x0  }
0xe7: {  	s11 =	sadd.s32 $0xE00, s13;
	[sflag:s15] =	ssyncadd.s32 $0xFFFFC000  }
0xe8: {  	[tilespmem:s19], [sflag:$0x4] =	stream.indirect.gather [spmem:s3], $0x20, s11, s16, $0xb8;
	[tilespmem:$0x1FE00] =	vst v63  }
0xe9: {  	s11 =	sadd.s32 $0xE80, s13  }
0xea: {  	[tilespmem:s28], [sflag:$0x4] =	stream.indirect.gather [spmem:s3], $0x20, s11, s16, $0xb8;
	[tilespmem:$0x1FE00] =	vst v63  }
0xeb: {  	s11 =	sadd.s32 $0xF00, s13  }
0xec: {  	[tilespmem:s23], [sflag:$0x4] =	stream.indirect.gather [spmem:s3], $0x20, s11, s16, $0xb8;
	[tilespmem:$0x1FE00] =	vst v63  }
0xed: {  	s11 =	sadd.s32 $0xF80, s13  }
0xee: {  	[tilespmem:s0], [sflag:$0x4] =	stream.indirect.gather [spmem:s3], $0x20, s11, s16, $0xb8;
	[tilespmem:$0x1FE00] =	vst v63  }
0xef: {  	_ =	swait.ge [sflag:s5], $0x4000  }
0xf0: {  	[sflag:s5] =	ssyncset.done $0x0  }
0xf1: {  	s11 =	sadd.s32 $0x3800, s13;
	[sflag:s5] =	ssyncadd.s32 $0xFFFFC000  }
0xf2: {  	[spmem:s2] =	stream.indirect.scatter.add.f32 [tilespmem:s17], [sflag:$0x5], $0x20, s11, s16, $0xb8;
	[tilespmem:$0x1FE00] =	vst v63  }
0xf3: {  	s11 =	sadd.s32 $0x3880, s13  }
0xf4: {  	[spmem:s2] =	stream.indirect.scatter.add.f32 [tilespmem:s18], [sflag:$0x5], $0x20, s11, s16, $0xb8;
	[tilespmem:$0x1FE00] =	vst v63  }
0xf5: {  	s11 =	sadd.s32 $0x3900, s13  }
0xf6: {  	[spmem:s2] =	stream.indirect.scatter.add.f32 [tilespmem:s20], [sflag:$0x5], $0x20, s11, s16, $0xb8;
	[tilespmem:$0x1FE00] =	vst v63  }
0xf7: {  	s11 =	sadd.s32 $0x3980, s13  }
0xf8: {  	[spmem:s2] =	stream.indirect.scatter.add.f32 [tilespmem:s22], [sflag:$0x5], $0x20, s11, s16, $0xb8;
	[tilespmem:$0x1FE00] =	vst v63  }
0xf9: {  	_ =	swait.ge [sflag:s6], $0x4000  }
0xfa: {  	[sflag:s6] =	ssyncset.done $0x0  }
0xfb: {  	s11 =	sadd.s32 $0x1000, s13;
	[sflag:s6] =	ssyncadd.s32 $0xFFFFC000  }
0xfc: {  	[tilespmem:s17], [sflag:$0x1] =	stream.indirect.gather [spmem:s3], $0x20, s11, s16, $0xb8;
	[tilespmem:$0x1FE00] =	vst v63  }
0xfd: {  	s11 =	sadd.s32 $0x1080, s13  }
0xfe: {  	[tilespmem:s18], [sflag:$0x1] =	stream.indirect.gather [spmem:s3], $0x20, s11, s16, $0xb8;
	[tilespmem:$0x1FE00] =	vst v63  }
0xff: {  	s11 =	sadd.s32 $0x1100, s13  }
0x100: {  	[tilespmem:s20], [sflag:$0x1] =	stream.indirect.gather [spmem:s3], $0x20, s11, s16, $0xb8;
	[tilespmem:$0x1FE00] =	vst v63  }
0x101: {  	s11 =	sadd.s32 $0x1180, s13  }
0x102: {  	[tilespmem:s22], [sflag:$0x1] =	stream.indirect.gather [spmem:s3], $0x20, s11, s16, $0xb8;
	[tilespmem:$0x1FE00] =	vst v63  }
0x103: {  	_ =	swait.ge [sflag:s12], $0x4000  }
0x104: {  	[sflag:s12] =	ssyncset.done $0x0  }
0x105: {  	s11 =	sadd.s32 $0x3A00, s13;
	[sflag:s12] =	ssyncadd.s32 $0xFFFFC000  }
0x106: {  	[spmem:s2] =	stream.indirect.scatter.add.f32 [tilespmem:s24], [sflag:$0x6], $0x20, s11, s16, $0xb8;
	[tilespmem:$0x1FE00] =	vst v63  }
0x107: {  	s11 =	sadd.s32 $0x3A80, s13  }
0x108: {  	[spmem:s2] =	stream.indirect.scatter.add.f32 [tilespmem:s26], [sflag:$0x6], $0x20, s11, s16, $0xb8;
	[tilespmem:$0x1FE00] =	vst v63  }
0x109: {  	s11 =	sadd.s32 $0x3B00, s13  }
0x10a: {  	[spmem:s2] =	stream.indirect.scatter.add.f32 [tilespmem:s29], [sflag:$0x6], $0x20, s11, s16, $0xb8;
	[tilespmem:$0x1FE00] =	vst v63  }
0x10b: {  	s11 =	sadd.s32 $0x3B80, s13  }
0x10c: {  	[spmem:s2] =	stream.indirect.scatter.add.f32 [tilespmem:s31], [sflag:$0x6], $0x20, s11, s16, $0xb8;
	[tilespmem:$0x1FE00] =	vst v63  }
0x10d: {  	_ =	swait.ge [sflag:s7], $0x4000  }
0x10e: {  	[sflag:s7] =	ssyncset.done $0x0  }
0x10f: {  	s11 =	sadd.s32 $0x1200, s13;
	[sflag:s7] =	ssyncadd.s32 $0xFFFFC000  }
0x110: {  	[tilespmem:s24], [sflag:$0x2] =	stream.indirect.gather [spmem:s3], $0x20, s11, s16, $0xb8;
	[tilespmem:$0x1FE00] =	vst v63  }
0x111: {  	s11 =	sadd.s32 $0x1280, s13  }
0x112: {  	[tilespmem:s26], [sflag:$0x2] =	stream.indirect.gather [spmem:s3], $0x20, s11, s16, $0xb8;
	[tilespmem:$0x1FE00] =	vst v63  }
0x113: {  	s11 =	sadd.s32 $0x1300, s13  }
0x114: {  	[tilespmem:s29], [sflag:$0x2] =	stream.indirect.gather [spmem:s3], $0x20, s11, s16, $0xb8;
	[tilespmem:$0x1FE00] =	vst v63  }
0x115: {  	s11 =	sadd.s32 $0x1380, s13  }
0x116: {  	[tilespmem:s31], [sflag:$0x2] =	stream.indirect.gather [spmem:s3], $0x20, s11, s16, $0xb8;
	[tilespmem:$0x1FE00] =	vst v63  }
0x117: {  	_ =	swait.ge [sflag:s8], $0x4000  }
0x118: {  	[sflag:s8] =	ssyncset.done $0x0  }
0x119: {  	s11 =	sadd.s32 $0x3C00, s13;
	[sflag:s8] =	ssyncadd.s32 $0xFFFFC000  }
0x11a: {  	[spmem:s2] =	stream.indirect.scatter.add.f32 [tilespmem:s1], [sflag:$0x7], $0x20, s11, s16, $0xb8;
	[tilespmem:$0x1FE00] =	vst v63  }
0x11b: {  	s11 =	sadd.s32 $0x3C80, s13  }
0x11c: {  	[spmem:s2] =	stream.indirect.scatter.add.f32 [tilespmem:s21], [sflag:$0x7], $0x20, s11, s16, $0xb8;
	[tilespmem:$0x1FE00] =	vst v63  }
0x11d: {  	s11 =	sadd.s32 $0x3D00, s13  }
0x11e: {  	[spmem:s2] =	stream.indirect.scatter.add.f32 [tilespmem:s25], [sflag:$0x7], $0x20, s11, s16, $0xb8;
	[tilespmem:$0x1FE00] =	vst v63  }
0x11f: {  	s11 =	sadd.s32 $0x3D80, s13  }
0x120: {  	[spmem:s2] =	stream.indirect.scatter.add.f32 [tilespmem:s30], [sflag:$0x7], $0x20, s11, s16, $0xb8;
	[tilespmem:$0x1FE00] =	vst v63  }
0x121: {  	_ =	swait.ge [sflag:s9], $0x4000  }
0x122: {  	[sflag:s9] =	ssyncset.done $0x0  }
0x123: {  	s11 =	sadd.s32 $0x1400, s13;
	[sflag:s9] =	ssyncadd.s32 $0xFFFFC000  }
0x124: {  	[tilespmem:s1], [sflag:$0x3] =	stream.indirect.gather [spmem:s3], $0x20, s11, s16, $0xb8;
	[tilespmem:$0x1FE00] =	vst v63  }
0x125: {  	s11 =	sadd.s32 $0x1480, s13  }
0x126: {  	[tilespmem:s21], [sflag:$0x3] =	stream.indirect.gather [spmem:s3], $0x20, s11, s16, $0xb8;
	[tilespmem:$0x1FE00] =	vst v63  }
0x127: {  	s11 =	sadd.s32 $0x1500, s13  }
0x128: {  	[tilespmem:s25], [sflag:$0x3] =	stream.indirect.gather [spmem:s3], $0x20, s11, s16, $0xb8;
	[tilespmem:$0x1FE00] =	vst v63  }
0x129: {  	s11 =	sadd.s32 $0x1580, s13  }
0x12a: {  	[tilespmem:s30], [sflag:$0x3] =	stream.indirect.gather [spmem:s3], $0x20, s11, s16, $0xb8;
	[tilespmem:$0x1FE00] =	vst v63  }
0x12b: {  	_ =	swait.ge [sflag:s10], $0x4000  }
0x12c: {  	[sflag:s10] =	ssyncset.done $0x0  }
0x12d: {  	s11 =	sadd.s32 $0x3E00, s13;
	[sflag:s10] =	ssyncadd.s32 $0xFFFFC000  }
0x12e: {  	[spmem:s2] =	stream.indirect.scatter.add.f32 [tilespmem:s19], [sflag:$0x8], $0x20, s11, s16, $0xb8;
	[tilespmem:$0x1FE00] =	vst v63  }
.Ltmp0:
0x12f: {  	s11 =	sadd.s32 $0x3E80, s13;
	(pc) =	sbr.rel @p0 .LBB2_2-.Ltmp0, $4  }
0x130: {  	[spmem:s2] =	stream.indirect.scatter.add.f32 [tilespmem:s28], [sflag:$0x8], $0x20, s11, s16, $0xb8;
	[tilespmem:$0x1FE00] =	vst v63  }
0x131: {  	s11 =	sadd.s32 $0x3F00, s13  }
0x132: {  	[spmem:s2] =	stream.indirect.scatter.add.f32 [tilespmem:s23], [sflag:$0x8], $0x20, s11, s16, $0xb8;
	[tilespmem:$0x1FE00] =	vst v63  }
0x133: {  	s13 =	sadd.s32 $0x3F80, s13  }
0x134: {  	[spmem:s2] =	stream.indirect.scatter.add.f32 [tilespmem:s0], [sflag:$0x8], $0x20, s13, s16, $0xb8;
	[tilespmem:$0x1FE00] =	vst v63  }
0x135: {  	_ =	swait.ge [sflag:s15], $0x4000  }
0x136: {  	[sflag:s15] =	ssyncset.done $0x0  }
0x137: {  	s4 =	simm.s32 $0x2E00;
	[sflag:s15] =	ssyncadd.s32 $0xFFFFC000  }
0x138: {  	[tilespmem:s19], [sflag:$0x4] =	stream.indirect.gather [spmem:s3], $0x20, s4, s16, $0xb8;
	[tilespmem:$0x1FE00] =	vst v63  }
0x139: {  	s11 =	simm.s32 $0x2E80  }
0x13a: {  	[tilespmem:s28], [sflag:$0x4] =	stream.indirect.gather [spmem:s3], $0x20, s11, s16, $0xb8;
	[tilespmem:$0x1FE00] =	vst v63  }
0x13b: {  	s13 =	simm.s32 $0x2F00  }
0x13c: {  	[tilespmem:s23], [sflag:$0x4] =	stream.indirect.gather [spmem:s3], $0x20, s13, s16, $0xb8;
	[tilespmem:$0x1FE00] =	vst v63  }
0x13d: {  	s14 =	simm.s32 $0x2F80  }
0x13e: {  	[tilespmem:s0], [sflag:$0x4] =	stream.indirect.gather [spmem:s3], $0x20, s14, s16, $0xb8;
	[tilespmem:$0x1FE00] =	vst v63  }
0x13f: {  	_ =	swait.ge [sflag:s5], $0x4000  }
0x140: {  	[sflag:s5] =	ssyncset.done $0x0  }
0x141: {  	s11 =	simm.s32 $0x5800;
	[sflag:s5] =	ssyncadd.s32 $0xFFFFC000  }
0x142: {  	[spmem:s2] =	stream.indirect.scatter.add.f32 [tilespmem:s17], [sflag:$0x5], $0x20, s11, s16, $0xb8;
	[tilespmem:$0x1FE00] =	vst v63  }
0x143: {  	s13 =	simm.s32 $0x5880  }
0x144: {  	[spmem:s2] =	stream.indirect.scatter.add.f32 [tilespmem:s18], [sflag:$0x5], $0x20, s13, s16, $0xb8;
	[tilespmem:$0x1FE00] =	vst v63  }
0x145: {  	s14 =	simm.s32 $0x5900  }
0x146: {  	[spmem:s2] =	stream.indirect.scatter.add.f32 [tilespmem:s20], [sflag:$0x5], $0x20, s14, s16, $0xb8;
	[tilespmem:$0x1FE00] =	vst v63  }
0x147: {  	s11 =	simm.s32 $0x5980  }
0x148: {  	[spmem:s2] =	stream.indirect.scatter.add.f32 [tilespmem:s22], [sflag:$0x5], $0x20, s11, s16, $0xb8;
	[tilespmem:$0x1FE00] =	vst v63  }
0x149: {  	_ =	swait.ge [sflag:s12], $0x4000  }
0x14a: {  	[sflag:s12] =	ssyncset.done $0x0  }
0x14b: {  	s13 =	simm.s32 $0x5A00;
	[sflag:s12] =	ssyncadd.s32 $0xFFFFC000  }
0x14c: {  	[spmem:s2] =	stream.indirect.scatter.add.f32 [tilespmem:s24], [sflag:$0x6], $0x20, s13, s16, $0xb8;
	[tilespmem:$0x1FE00] =	vst v63  }
0x14d: {  	s14 =	simm.s32 $0x5A80  }
0x14e: {  	[spmem:s2] =	stream.indirect.scatter.add.f32 [tilespmem:s26], [sflag:$0x6], $0x20, s14, s16, $0xb8;
	[tilespmem:$0x1FE00] =	vst v63  }
0x14f: {  	s11 =	simm.s32 $0x5B00  }
0x150: {  	[spmem:s2] =	stream.indirect.scatter.add.f32 [tilespmem:s29], [sflag:$0x6], $0x20, s11, s16, $0xb8;
	[tilespmem:$0x1FE00] =	vst v63  }
0x151: {  	s13 =	simm.s32 $0x5B80  }
0x152: {  	[spmem:s2] =	stream.indirect.scatter.add.f32 [tilespmem:s31], [sflag:$0x6], $0x20, s13, s16, $0xb8;
	[tilespmem:$0x1FE00] =	vst v63  }
0x153: {  	_ =	swait.ge [sflag:s8], $0x4000  }
0x154: {  	[sflag:s8] =	ssyncset.done $0x0  }
0x155: {  	s14 =	simm.s32 $0x5C00;
	[sflag:s8] =	ssyncadd.s32 $0xFFFFC000  }
0x156: {  	[spmem:s2] =	stream.indirect.scatter.add.f32 [tilespmem:s1], [sflag:$0x7], $0x20, s14, s16, $0xb8;
	[tilespmem:$0x1FE00] =	vst v63  }
0x157: {  	s11 =	simm.s32 $0x5C80  }
0x158: {  	[spmem:s2] =	stream.indirect.scatter.add.f32 [tilespmem:s21], [sflag:$0x7], $0x20, s11, s16, $0xb8;
	[tilespmem:$0x1FE00] =	vst v63  }
0x159: {  	s13 =	simm.s32 $0x5D00  }
0x15a: {  	[spmem:s2] =	stream.indirect.scatter.add.f32 [tilespmem:s25], [sflag:$0x7], $0x20, s13, s16, $0xb8;
	[tilespmem:$0x1FE00] =	vst v63  }
0x15b: {  	s14 =	simm.s32 $0x5D80  }
0x15c: {  	[spmem:s2] =	stream.indirect.scatter.add.f32 [tilespmem:s30], [sflag:$0x7], $0x20, s14, s16, $0xb8;
	[tilespmem:$0x1FE00] =	vst v63  }
0x15d: {  	_ =	swait.ge [sflag:s10], $0x4000  }
0x15e: {  	[sflag:s10] =	ssyncset.done $0x0  }
0x15f: {  	s11 =	simm.s32 $0x5E00;
	[sflag:s10] =	ssyncadd.s32 $0xFFFFC000  }
0x160: {  	[spmem:s2] =	stream.indirect.scatter.add.f32 [tilespmem:s19], [sflag:$0x8], $0x20, s11, s16, $0xb8;
	[tilespmem:$0x1FE00] =	vst v63  }
0x161: {  	s13 =	simm.s32 $0x5E80  }
0x162: {  	[spmem:s2] =	stream.indirect.scatter.add.f32 [tilespmem:s28], [sflag:$0x8], $0x20, s13, s16, $0xb8;
	[tilespmem:$0x1FE00] =	vst v63  }
0x163: {  	s14 =	simm.s32 $0x5F00  }
0x164: {  	[spmem:s2] =	stream.indirect.scatter.add.f32 [tilespmem:s23], [sflag:$0x8], $0x20, s14, s16, $0xb8;
	[tilespmem:$0x1FE00] =	vst v63  }
0x165: {  	s11 =	simm.s32 $0x5F80  }
0x166: {  	[spmem:s2] =	stream.indirect.scatter.add.f32 [tilespmem:s0], [sflag:$0x8], $0x20, s11, s16, $0xb8;
	[tilespmem:$0x1FE00] =	vst v63  }
0x167: {  	_ =	swait.ge [sflag:s6], $0x4000  }
0x168: {  	[sflag:s6] =	ssyncset.done $0x0  }
0x169: {  	[sflag:s6] =	ssyncadd.s32 $0xFFFFC000  }
0x16a: {  	_ =	swait.ge [sflag:s7], $0x4000  }
0x16b: {  	[sflag:s7] =	ssyncset.done $0x0  }
0x16c: {  	[sflag:s7] =	ssyncadd.s32 $0xFFFFC000  }
0x16d: {  	_ =	swait.ge [sflag:s9], $0x4000  }
0x16e: {  	[sflag:s9] =	ssyncset.done $0x0  }
0x16f: {  	[sflag:s9] =	ssyncadd.s32 $0xFFFFC000  }
0x170: {  	_ =	swait.ge [sflag:s15], $0x4000  }
0x171: {  	[sflag:s15] =	ssyncset.done $0x0  }
0x172: {  	[sflag:s15] =	ssyncadd.s32 $0xFFFFC000  }
0x173: {  	[bflag:$0x0] =	sbarrier.arrive $0xFFFF  }
0x174: {  	s11 =	rddreg [dreg:$0x9]  }
0x175: {  	s13 =	rddreg [dreg:$0xb]  }
0x176: {  	s14 =	rddreg [dreg:$0xc]  }
0x177: {  	[hbm:s11], [sflag:s13] =	dma.local [spmem:s14], $0x9E0  }
0x178: {  	s14 =	simm.s32 $0x9  }
0x179: {  	_ =	swait.ge [sflag:s14], $0x9E0  }
0x17a: {  	s11 =	rddreg [dreg:$0xe]  }
0x17b: {  	s13 =	rddreg [dreg:$0xa];
	s4 =	sadd.s32 $0x1, s11  }
0x17c: {  	p0 =	sne.s32 s4, s13  }
.Ltmp1:
0x17d: {  	_ = 	snop;
	(pc) =	sbr.rel @p0 .LBB2_1-.Ltmp1, $3  }
0x17e: {  	_ =	sdelay $0x1  }
0x17f: {  	[sflag:s14] =	ssyncset.done $0x0  }
0x180: {  	[sflag:s14] =	ssyncadd.s32 $0xFFFFF620;
	[dreg:$0xe] =	wrdreg s4  }
0x181: {  	_ =	sfence.sel $0x180000  }
0x182: {  	[bflag:$0x0] =	sbarrier.arrive $0xFFFF  }
0x183: {  	_ =	strace $0x9000004A  }
0x184: {  	s0 =	stileid.u32;
	[bflag:$0x2] =	sbarrier.arrive $0xFFFF  }
0x185: {  	p0 =	sne.s32 s0, $0x0;
	s0 =	rddreg [dreg:$0x4]  }
0x186: {  	s0 =	sadd.s32 @!p0 $0x100000, s0  }
0x187: {  	[sflag:s0] =	ssyncadd.tile.s32 @!p0 $0x1;
	_ =	shalt  }
.Lfunc_end2:
_tile_overlayer_lowered:
.L_overlay_start_2:
0x188: {  	(tag) =	ssettag $0x2  }
0x189: {  	s0 =	rddreg [dreg:$0x0];
	s2 =	stileid.u32  }
0x18a: {  	s1 =	rddreg [dreg:$0x1];
	p0 =	sne.s32 s2, $0x0  }
0x18b: {  	s3 =	rddreg [dreg:$0x2];
	[bflag:$0x3] =	sbarrier.arrive $0xFFFF;
	s2 =	simm.s32 @!p0 $0x1C09  }
0x18c: {  	[timem:s3], [sflag:s2] =	dma.local @!p0 [hbm:s0], s1  }
0x18d: {  	s0 =	simm.s32 @!p0 $0x9  }
0x18e: {  	_ =	swait.ge @!p0 [sflag:s0], s1  }
0x18f: {  	s1 =	ssub.s32 @!p0 $0x0, s1;
	[sflag:s0] =	ssyncset.done @!p0 $0x0  }
0x190: {  	[sflag:s0] =	ssyncadd.s32 @!p0 s1  }
0x191: {  	[bflag:$0x3] =	sbarrier.arrive $0xFFFF  }
0x192: {  	_ =	shalt  }

// kernel: kernel.16.cloned.1.call-start
scs
__scs_entry_jumppad:
0x0: {  	(pc) =	sbr.rel $0x88, $3  }
0x1: {  	(tag) =	ssettag $0x0;
	lr =	simm.s32 $0x1  }
0x2: {  	[smem:$0x3F9B] =	sst lr;
	_ =	strace $0xD0000000  }
0x3: {  	_ = 	snop  }
0x4: {  	_ = 	snop  }
0x5: {  	_ = 	snop  }
0x6: {  	_ = 	snop  }
0x7: {  	_ = 	snop  }
__scs_overlays_trampoline_lowered:
0x8: {  	[smem:$0x3FAA] =	sst s0  }
0x9: {  	[smem:$0x3FAB] =	sst s1  }
0xa: {  	[smem:$0x3FAC] =	sst s2  }
0xb: {  	[smem:$0x3FAD] =	sst s3  }
0xc: {  	[smem:$0x3FAE] =	sst s4  }
0xd: {  	[smem:$0x3FAF] =	sst s5  }
0xe: {  	[smem:$0x3FB0] =	sst s6  }
0xf: {  	[smem:$0x3FB1] =	sst s7  }
0x10: {  	[smem:$0x3FB2] =	sst s8  }
0x11: {  	[smem:$0x3FB3] =	sst s9;
	s0 =	simm.s32 @!p0 $0x0  }
0x12: {  	s1 =	sld [smem:$0x3F99];
	s0 =	simm.s32 @p0 $0x1  }
0x13: {  	[smem:$0x3FB4] =	sst s0;
	s0 =	simm.s32 @!p1 $0x0  }
0x14: {  	s2 =	sld [smem:$0x3F98];
	s0 =	simm.s32 @p1 $0x1  }
0x15: {  	[smem:$0x3FB5] =	sst s0;
	s0 =	simm.s32 @!p2 $0x0  }
0x16: {  	s3 =	sld [smem:$0x3FDB];
	s0 =	simm.s32 @p2 $0x1  }
0x17: {  	s4 =	simm.s32 $0x1BF5;
	[smem:$0x3FB7] =	sst s0  }
0x18: {  	s0 =	sld [smem:$0x3F9A];
	_ =	swait.ge [sflag:s4], $0x0  }
0x19: {  	s7 =	sld [smem:$0x3F9B]  }
0x1a: {  	s8 =	sadd.s32 $0xFFFFE003, lr  }
0x1b: {  	s9 =	sadd.s32 $0xFFFFFEF7, lr;
	s5 =	simm.s32 $0xFFFFFFFF;
	p2 =	slt.u32 s8, $0xFFFFF086  }
0x1c: {  	p1 =	slt.u32 s9, $0xF7A;
	s5 =	simm.s32 @!p2 $0x0  }
0x1d: {  	s5 =	simm.s32 @p1 $0x1;
	p0 =	seq.s32 s7, s2  }
0x1e: {  	s7 =	smul.u32 @!p0 $0xF7A, s2;
	p2 =	seq.s32 @!p0 s5, $0x0  }
0x1f: {  	s9 =	smul.u32 $0xF7A, s1;
	s8 =	simm.s32 @!p0 $0x1BF5;
	p2 =	por !p2, p0  }
0x20: {  	[sflag:s8] =	ssyncset.s32 @!p0 $0xFFFFF086;
	s6 =	sadd.s32 @!p0 s3, s7;
	s7 =	simm.s32 @!p0 $0x108  }
0x21: {  	s3 =	sadd.s32 s3, s9;
	s6 =	sadd.s32 @!p0 $0x88, s6;
	s7 =	simm.s32 @p2 $0x1082  }
0x22: {  	[simem:s7], [sflag:s8] =	dma.local @!p0 [hbm:s6], $0xF7A  }
0x23: {  	s9 =	sor.u32 $0xD0000000, s2;
	s6 =	simm.s32 $0x108;
	_ =	swait.ge @!p0 [sflag:s8], $0x0  }
0x24: {  	s3 =	sadd.s32 $0x88, s3;
	s6 =	simm.s32 @!p1 $0x1082;
	[sflag:s4] =	ssyncset.s32 $0xFFFFF086  }
0x25: {  	[simem:s6], [sflag:s4] =	dma.local [hbm:s3], $0xF7A  }
0x26: {  	[smem:$0x3F9B] =	sst s1;
	(tag) =	ssettag s2;
	_ =	strace s9  }
0x27: {  	s1 =	sld [smem:$0x3FAB]  }
0x28: {  	s2 =	sld [smem:$0x3FAC]  }
0x29: {  	s4 =	sld [smem:$0x3FAE]  }
0x2a: {  	p0 =	seq.s32 s5, $0x0;
	s5 =	sld [smem:$0x3FAF]  }
0x2b: {  	s6 =	sld [smem:$0x3FB0]  }
0x2c: {  	s7 =	sld [smem:$0x3FB1]  }
0x2d: {  	s3 =	simm.s32 $0x108;
	s8 =	sld [smem:$0x3FB2]  }
0x2e: {  	s3 =	simm.s32 @!p0 $0x1082;
	s9 =	sld [smem:$0x3FB3]  }
0x2f: {  	lr =	sadd.s32 s0, s3;
	s0 =	sld [smem:$0x3FAA]  }
0x30: {  	s3 =	sld [smem:$0x3FAD]  }
0x31: {  	[smem:$0x3FB6] =	sst s10  }
0x32: {  	s10 =	sld [smem:$0x3FB4];
	_ =	sdelay $0x3  }
0x33: {  	p0 =	seq.s32 s10, $0x1;
	s10 =	sld [smem:$0x3FB6];
	_ =	sdelay $0x3  }
0x34: {  	[smem:$0x3FB6] =	sst s10  }
0x35: {  	s10 =	sld [smem:$0x3FB5];
	_ =	sdelay $0x3  }
0x36: {  	p1 =	seq.s32 s10, $0x1;
	s10 =	sld [smem:$0x3FB6];
	_ =	sdelay $0x3  }
0x37: {  	[smem:$0x3FB6] =	sst s10  }
0x38: {  	s10 =	sld [smem:$0x3FB7]  }
0x39: {  	_ = 	snop;
	(pc) =	sbr.ind lr, $3  }
0x3a: {  	_ = 	snop  }
0x3b: {  	_ = 	snop  }
0x3c: {  	p2 =	seq.s32 s10, $0x1;
	s10 =	sld [smem:$0x3FB6]  }
0x3d: {  	_ =	shalt  }
0x3e: {  	_ =	shalt  }
0x3f: {  	_ =	shalt  }
0x40: {  	_ =	shalt  }
0x41: {  	_ =	shalt  }
0x42: {  	_ =	shalt  }
0x43: {  	_ =	shalt  }
0x44: {  	_ =	shalt  }
0x45: {  	_ =	shalt  }
0x46: {  	_ =	shalt  }
0x47: {  	_ =	shalt  }
0x48: {  	_ =	shalt  }
0x49: {  	_ =	shalt  }
0x4a: {  	_ =	shalt  }
0x4b: {  	_ =	shalt  }
0x4c: {  	_ =	shalt  }
0x4d: {  	_ =	shalt  }
0x4e: {  	_ =	shalt  }
0x4f: {  	_ =	shalt  }
0x50: {  	_ =	shalt  }
0x51: {  	_ =	shalt  }
0x52: {  	_ =	shalt  }
0x53: {  	_ =	shalt  }
0x54: {  	_ =	shalt  }
0x55: {  	_ =	shalt  }
0x56: {  	_ =	shalt  }
0x57: {  	_ =	shalt  }
0x58: {  	_ =	shalt  }
0x59: {  	_ =	shalt  }
0x5a: {  	_ =	shalt  }
0x5b: {  	_ =	shalt  }
0x5c: {  	_ =	shalt  }
0x5d: {  	_ =	shalt  }
0x5e: {  	_ =	shalt  }
0x5f: {  	_ =	shalt  }
0x60: {  	_ =	shalt  }
0x61: {  	_ =	shalt  }
0x62: {  	_ =	shalt  }
0x63: {  	_ =	shalt  }
0x64: {  	_ =	shalt  }
0x65: {  	_ =	shalt  }
0x66: {  	_ =	shalt  }
0x67: {  	_ =	shalt  }
0x68: {  	_ =	shalt  }
0x69: {  	_ =	shalt  }
0x6a: {  	_ =	shalt  }
0x6b: {  	_ =	shalt  }
0x6c: {  	_ =	shalt  }
0x6d: {  	_ =	shalt  }
0x6e: {  	_ =	shalt  }
0x6f: {  	_ =	shalt  }
0x70: {  	_ =	shalt  }
0x71: {  	_ =	shalt  }
0x72: {  	_ =	shalt  }
0x73: {  	_ =	shalt  }
0x74: {  	_ =	shalt  }
0x75: {  	_ =	shalt  }
0x76: {  	_ =	shalt  }
0x77: {  	_ =	shalt  }
0x78: {  	_ =	shalt  }
0x79: {  	_ =	shalt  }
0x7a: {  	_ =	shalt  }
0x7b: {  	_ =	shalt  }
0x7c: {  	_ =	shalt  }
0x7d: {  	_ =	shalt  }
0x7e: {  	_ =	shalt  }
0x7f: {  	_ =	shalt  }
0x80: {  	_ =	shalt  }
0x81: {  	_ =	shalt  }
0x82: {  	_ =	shalt  }
0x83: {  	_ =	shalt  }
0x84: {  	_ =	shalt  }
0x85: {  	_ =	shalt  }
0x86: {  	_ =	shalt  }
0x87: {  	_ =	shalt  }
.Lfunc_end0:
.L_simem_size_0:
called_computation.2_lowered:
.L_overlay_start_0:
0x88: {  	s2 =	sld [smem:$0x3FD9]  }
0x89: {  	s3 =	sld [smem:$0x3FFE];
	_ =	sdelay $0x1  }
0x8a: {  	s1 =	srdreg.scid  }
0x8b: {  	s0 =	sand.u32 $0x1, s1  }
0x8c: {  	s17 =	sshll.u32 s0, $0xA;
	s2 =	sadd.s32 s3, s2  }
0x8d: {  	s2 =	sadd.s32 s2, s17  }
0x8e: {  	[smem:$0x3FC2] =	sst s2  }
0x8f: {  	_ = 	snop  }
0x90: {  	s2 =	sld [smem:$0x3FD0];
	(tm) =	ssettm $0x1  }
0x91: {  	s18 =	sld [smem:$0x3FFB];
	_ =	sdelay $0x3  }
0x92: {  	_ =	strace s18  }
0x93: {  	s3 =	sld [smem:$0x3FFC];
	_ =	sdelay $0x3  }
0x94: {  	_ =	strace s3  }
0x95: {  	s3 =	sld [smem:$0x3FFD];
	_ =	sdelay $0x3  }
0x96: {  	_ =	strace s3  }
0x97: {  	_ =	strace $0x8FFFFFFF  }
0x98: {  	s19 =	sld [smem:$0x3FDB];
	_ =	sdelay $0x1  }
0x99: {  	s4 =	simm.s32 $_scs_section_size  }
0x9a: {  	s5 =	simm.s32 $_size__tile_overlayer_lowered;
	s6 =	simm.s32 $_tile_overlayer_lowered  }
0x9b: {  	s22 =	simm.s32 $0x1BFF;
	s21 =	sshll.u32 s6, $0x1;
	s3 =	sadd.s32 s4, s19  }
0x9c: {  	s7 =	simm.s32 $0x0;
	s20 =	sshll.u32 s5, $0x1;
	s5 =	sadd.s32 s21, s3  }
0x9d: {  	[timem:s7], [sflag:s22] =	dma.local [hbm:s5], s20  }
0x9e: {  	_ =	swait.ge [sflag:s22], s20  }
0x9f: {  	s4 =	ssub.s32 $0x0, s20;
	[sflag:s22] =	ssyncset.done $0x0  }
0xa0: {  	[sflag:s22] =	ssyncadd.s32 s4;
	_ =	sdelay $0x1  }
0xa1: {  	s23 =	simm.s32 $0x1B8B  }
0xa2: {  	_ =	swait.ge [sflag:s23], $0x1  }
0xa3: {  	[sflag:s23] =	ssyncset.done $0x0  }
0xa4: {  	s25 =	simm.s32 $0x1B8E;
	s24 =	sld [smem:$0x3FFE];
	[sflag:s23] =	ssyncadd.s32 $0xFFFFFFFF  }
0xa5: {  	s26 =	simm.s32 $execute0_lowered;
	[smem:$0x3FD2] =	sst s25  }
0xa6: {  	s5 =	sshll.u32 s26, $0x1;
	_ =	strace $0x8000004C;
	[dreg:$0x1] =	wrdreg $0xFFFFFFFF  }
0xa7: {  	s28 =	simm.s32 $_size_execute0_lowered;
	s3 =	sadd.s32 s3, s5;
	[dreg:$0x0] =	wrdreg $0x0  }
0xa8: {  	s5 =	sshll.u32 s28, $0x1;
	[dreg:$0x2] =	wrdreg s3  }
0xa9: {  	[dreg:$0x3] =	wrdreg s5  }
0xaa: {  	[dreg:$0x4] =	wrdreg $0xC0  }
0xab: {  	_ =	task [dreg:s7], $0x5FFFF  }
0xac: {  	[dreg:$0x1] =	wrdreg $0xFFFFFFFF  }
0xad: {  	[dreg:$0x0] =	wrdreg $0x60  }
0xae: {  	[dreg:$0x2] =	wrdreg s24  }
0xaf: {  	[dreg:$0x3] =	wrdreg s2  }
0xb0: {  	[dreg:$0x4] =	wrdreg $0x160000  }
0xb1: {  	[dreg:$0x5] =	wrdreg $0x1AF000  }
0xb2: {  	[dreg:$0x6] =	wrdreg $0x9  }
0xb3: {  	_ =	task.clear_ibuf [dreg:s7], $0x7FFFF;
	_ =	strace $0x9000004C  }
0xb4: {  	s29 =	simm.s32 $0x9;
	_ =	strace $0x8000004E  }
0xb5: {  	_ =	swait.ge [sflag:s29], $0x1  }
0xb6: {  	[sflag:s29] =	ssyncadd.s32 $0xFFFFFFFF  }
0xb7: {  	_ =	strace $0x9000004E  }
0xb8: {  	_ =	sfence  }
0xb9: {  	s30 =	sld [smem:$0x0];
	_ =	sdelay $0x2  }
0xba: {  	s31 =	sshll.u32 s1, $0xD;
	s1 =	sshrl.u32 s1, $0x2  }
0xbb: {  	s3 =	sand.u32 $0x4000, s31;
	s1 =	sadd.s32 s1, s30  }
0xbc: {  	s0 =	sor.u32 s3, s0;
	s1 =	sshll.u32 s1, $0x11  }
0xbd: {  	s0 =	sor.u32 s1, s0  }
0xbe: {  	s0 =	sadd.s32 $0x8F2B, s0  }
0xbf: {  	[sflag:s0] =	ssyncadd.remote.s32 $0x1  }
0xc0: {  	_ =	sfence.sel $0xFFFF  }
0xc1: {  	[dreg:$0x0] =	wrdreg $0xFFFFFFFF;
	(pc) =	sbr.abs _section_cstart, $3  }
0xc2: {  	[dreg:$0x1] =	wrdreg $0xFFFFFFFF  }
0xc3: {  	_ =	task.clear_ibuf [dreg:s7], $0x2FFFF;
	_ =	strace $0x9FFFFFFF  }
0xc4: {  	(tm) =	ssettm $0x7FFFFFFF  }
0xc5: {  	_ =	shalt  }
tec
execute0_lowered:
.L_overlay_start_1:
0x0: {  	(tag) =	ssettag $0x1  }
0x1: {  	s0 =	rddreg [dreg:$0x0]  }
0x2: {  	s1 =	rddreg [dreg:$0x1]  }
0x3: {  	s2 =	rddreg [dreg:$0x2]  }
0x4: {  	s3 =	rddreg [dreg:$0x3]  }
0x5: {  	s4 =	srdreg.scid;
	s8 =	stileid.u32  }
0x6: {  	s9 =	simm.s32 $0x0;
	s14 =	simm.s32 $0x9;
	s16 =	simm.s32 $0x80  }
0x7: {  	s17 =	simm.s32 $0x6000;
	s18 =	simm.s32 $0x7000;
	s29 =	simm.s32 $0xC000  }
0x8: {  	s31 =	simm.s32 $0xD000;
	s30 =	simm.s32 $0x11000;
	s28 =	simm.s32 $0x13000  }
0x9: {  	s12 =	simm.s32 $0x2;
	s10 =	simm.s32 $0x4;
	s15 =	simm.s32 $0x8  }
0xa: {  	s11 =	simm.s32 $0x0;
	s4 =	sand.u32 $0x1, s4;
	s5 =	sshll.u32 s8, $0x1  }
0xb: {  	s6 =	smul.u32 $0x4F00, s8;
	[smem:$0x7FF] =	sst s9;
	s19 =	sadd.s32 $0xD800, s0  }
0xc: {  	s25 =	sshll.u32 s8, $0x6;
	s8 =	simm.s32 $0x3;
	s9 =	simm.s32 $0x7  }
0xd: {  	s5 =	sor.u32 s4, s5;
	s7 =	smul.u32 $0x4F000, s4;
	_ =	strace $0x8000004D  }
0xe: {  	s4 =	ssub.s32 $0x2, s4;
	[dreg:$0x5] =	wrdreg s19;
	s19 =	simm.s32 $0x12000  }
0xf: {  	[dreg:$0xe] =	wrdreg s11;
	s5 =	smul.u32 $0x600, s5;
	s20 =	sshrl.u32 s4, $0x1  }
0x10: {  	s22 =	sadd.s32 s6, s2;
	s23 =	sadd.s32 s6, s3;
	s7 =	sadd.s32 s6, s7  }
0x11: {  	s4 =	ssub.s32 s4, s20;
	s6 =	sshrl.u32 s6, $0x3;
	s13 =	sshrl.u32 s22, $0x3  }
0x12: {  	s26 =	sshrl.u32 s23, $0x3;
	s20 =	simm.s32 $0x8000;
	s22 =	simm.s32 $0x9000  }
0x13: {  	s23 =	simm.s32 $0x14000;
	s5 =	sadd.s32 s5, s0;
	s7 =	sshrl.u32 s7, $0x3  }
0x14: {  	s1 =	sadd.s32 s1, s6;
	s24 =	smax.u32 s4, $0x1;
	[dreg:$0xd] =	wrdreg s26  }
0x15: {  	s4 =	sor.u32 $0x1C09, s25;
	s26 =	simm.s32 $0xB000;
	[dreg:$0xc] =	wrdreg s13  }
0x16: {  	s25 =	simm.s32 $0x10000;
	s6 =	simm.s32 $0x5;
	[dreg:$0x8] =	wrdreg s1  }
0x17: {  	s0 =	sadd.s32 s7, s0;
	s21 =	sadd.s32 $0x17800, s5;
	[dreg:$0xa] =	wrdreg s24  }
0x18: {  	s5 =	sadd.s32 $0x1800, s5;
	s24 =	simm.s32 $0xA000;
	[dreg:$0xb] =	wrdreg s4  }
0x19: {  	s1 =	simm.s32 $0xE000;
	s7 =	simm.s32 $0x6;
	[dreg:$0x6] =	wrdreg s21  }
0x1a: {  	[dreg:$0x7] =	wrdreg s5;
	s0 =	sadd.s32 $0x23800, s0;
	s21 =	simm.s32 $0xF000  }
0x1b: {  	s5 =	simm.s32 $0x1;
	[dreg:$0x9] =	wrdreg s0;
	s0 =	simm.s32 $0x15000  }
.LBB2_1:
0x1c: {  	s11 =	simm.s32 $0x0;
	s13 =	rddreg [dreg:$0x6]  }
0x1d: {  	[tilespmem:s11], [sflag:$0x9] =	stream.linear.gather [hbm4b:s13+s11], $0x3000, $0x38;
	[tilespmem:$0x1FE00] =	vst v63  }
0x1e: {  	_ =	swait.ge [sflag:s14], $0x3000  }
0x1f: {  	s4 =	simm.s32 $0x0;
	[sflag:s14] =	ssyncset.done $0x0  }
0x20: {  	s11 =	simm.s32 $0x3000;
	s13 =	rddreg [dreg:$0x7];
	[sflag:s14] =	ssyncadd.s32 $0xFFFFD000  }
0x21: {  	[tilespmem:s11], [sflag:$0x9] =	stream.linear.gather [hbm4b:s13+s4], $0x3000, $0x38;
	[tilespmem:$0x1FE00] =	vst v63  }
0x22: {  	_ =	swait.ge [sflag:s14], $0x3000  }
0x23: {  	s13 =	rddreg [dreg:$0x5]  }
0x24: {  	[sflag:s14] =	ssyncset.done $0x0;
	s11 =	rddreg [dreg:$0xc]  }
0x25: {  	s4 =	rddreg [dreg:$0xb];
	[sflag:s14] =	ssyncadd.s32 $0xFFFFD000  }
0x26: {  	[spmem:s11], [sflag:s4] =	dma.local [hbm:s13], $0x9E0  }
0x27: {  	_ =	swait.ge [sflag:s14], $0x9E0  }
0x28: {  	[sflag:s14] =	ssyncset.done $0x0;
	s13 =	rddreg [dreg:$0x8]  }
0x29: {  	s11 =	rddreg [dreg:$0xd];
	[sflag:s14] =	ssyncadd.s32 $0xFFFFF620  }
0x2a: {  	[spmem:s11], [sflag:s4] =	dma.local [hbm:s13], $0x9E0  }
0x2b: {  	_ =	swait.ge [sflag:s14], $0x9E0  }
0x2c: {  	[sflag:s14] =	ssyncset.done $0x0  }
0x2d: {  	[sflag:s14] =	ssyncadd.s32 $0xFFFFF620  }
0x2e: {  	s13 =	simm.s32 $0x0;
	[bflag:$0x0] =	sbarrier.arrive $0xFFFF  }
0x2f: {  	[tilespmem:s17], [sflag:$0x1] =	stream.indirect.gather [spmem:s3], $0x20, s13, s16, $0xb8;
	[tilespmem:$0x1FE00] =	vst v63  }
0x30: {  	_ = 	snop  }
0x31: {  	[tilespmem:s18], [sflag:$0x1] =	stream.indirect.gather [spmem:s3], $0x20, s16, s16, $0xb8;
	[tilespmem:$0x1FE00] =	vst v63  }
0x32: {  	s14 =	simm.s32 $0x100  }
0x33: {  	[tilespmem:s20], [sflag:$0x1] =	stream.indirect.gather [spmem:s3], $0x20, s14, s16, $0xb8;
	[tilespmem:$0x1FE00] =	vst v63  }
0x34: {  	s11 =	simm.s32 $0x180  }
0x35: {  	[tilespmem:s22], [sflag:$0x1] =	stream.indirect.gather [spmem:s3], $0x20, s11, s16, $0xb8;
	[tilespmem:$0x1FE00] =	vst v63  }
0x36: {  	s13 =	simm.s32 $0x200  }
0x37: {  	[tilespmem:s24], [sflag:$0x2] =	stream.indirect.gather [spmem:s3], $0x20, s13, s16, $0xb8;
	[tilespmem:$0x1FE00] =	vst v63  }
0x38: {  	s14 =	simm.s32 $0x280  }
0x39: {  	[tilespmem:s26], [sflag:$0x2] =	stream.indirect.gather [spmem:s3], $0x20, s14, s16, $0xb8;
	[tilespmem:$0x1FE00] =	vst v63  }
0x3a: {  	s11 =	simm.s32 $0x300  }
0x3b: {  	[tilespmem:s29], [sflag:$0x2] =	stream.indirect.gather [spmem:s3], $0x20, s11, s16, $0xb8;
	[tilespmem:$0x1FE00] =	vst v63  }
0x3c: {  	s13 =	simm.s32 $0x380  }
0x3d: {  	[tilespmem:s31], [sflag:$0x2] =	stream.indirect.gather [spmem:s3], $0x20, s13, s16, $0xb8;
	[tilespmem:$0x1FE00] =	vst v63  }
0x3e: {  	s14 =	simm.s32 $0x400  }
0x3f: {  	[tilespmem:s1], [sflag:$0x3] =	stream.indirect.gather [spmem:s3], $0x20, s14, s16, $0xb8;
	[tilespmem:$0x1FE00] =	vst v63  }
0x40: {  	s11 =	simm.s32 $0x480  }
0x41: {  	[tilespmem:s21], [sflag:$0x3] =	stream.indirect.gather [spmem:s3], $0x20, s11, s16, $0xb8;
	[tilespmem:$0x1FE00] =	vst v63  }
0x42: {  	s13 =	simm.s32 $0x500  }
0x43: {  	[tilespmem:s25], [sflag:$0x3] =	stream.indirect.gather [spmem:s3], $0x20, s13, s16, $0xb8;
	[tilespmem:$0x1FE00] =	vst v63  }
0x44: {  	s14 =	simm.s32 $0x580  }
0x45: {  	[tilespmem:s30], [sflag:$0x3] =	stream.indirect.gather [spmem:s3], $0x20, s14, s16, $0xb8;
	[tilespmem:$0x1FE00] =	vst v63  }
0x46: {  	s11 =	simm.s32 $0x600  }
0x47: {  	[tilespmem:s19], [sflag:$0x4] =	stream.indirect.gather [spmem:s3], $0x20, s11, s16, $0xb8;
	[tilespmem:$0x1FE00] =	vst v63  }
0x48: {  	s13 =	simm.s32 $0x680  }
0x49: {  	[tilespmem:s28], [sflag:$0x4] =	stream.indirect.gather [spmem:s3], $0x20, s13, s16, $0xb8;
	[tilespmem:$0x1FE00] =	vst v63  }
0x4a: {  	s14 =	simm.s32 $0x700  }
0x4b: {  	[tilespmem:s23], [sflag:$0x4] =	stream.indirect.gather [spmem:s3], $0x20, s14, s16, $0xb8;
	[tilespmem:$0x1FE00] =	vst v63  }
0x4c: {  	s11 =	simm.s32 $0x780  }
0x4d: {  	[tilespmem:s0], [sflag:$0x4] =	stream.indirect.gather [spmem:s3], $0x20, s11, s16, $0xb8;
	[tilespmem:$0x1FE00] =	vst v63  }
0x4e: {  	_ =	swait.ge [sflag:s5], $0x4000  }
0x4f: {  	[sflag:s5] =	ssyncset.done $0x0  }
0x50: {  	s13 =	simm.s32 $0x3000;
	[sflag:s5] =	ssyncadd.s32 $0xFFFFC000  }
0x51: {  	[spmem:s2] =	stream.indirect.scatter.add.f32 [tilespmem:s17], [sflag:$0x5], $0x20, s13, s16, $0xb8;
	[tilespmem:$0x1FE00] =	vst v63  }
0x52: {  	s14 =	simm.s32 $0x3080  }
0x53: {  	[spmem:s2] =	stream.indirect.scatter.add.f32 [tilespmem:s18], [sflag:$0x5], $0x20, s14, s16, $0xb8;
	[tilespmem:$0x1FE00] =	vst v63  }
0x54: {  	s11 =	simm.s32 $0x3100  }
0x55: {  	[spmem:s2] =	stream.indirect.scatter.add.f32 [tilespmem:s20], [sflag:$0x5], $0x20, s11, s16, $0xb8;
	[tilespmem:$0x1FE00] =	vst v63  }
0x56: {  	s13 =	simm.s32 $0x3180  }
0x57: {  	[spmem:s2] =	stream.indirect.scatter.add.f32 [tilespmem:s22], [sflag:$0x5], $0x20, s13, s16, $0xb8;
	[tilespmem:$0x1FE00] =	vst v63  }
0x58: {  	_ =	swait.ge [sflag:s6], $0x4000  }
0x59: {  	[sflag:s6] =	ssyncset.done $0x0  }
0x5a: {  	s14 =	simm.s32 $0x800;
	[sflag:s6] =	ssyncadd.s32 $0xFFFFC000  }
0x5b: {  	[tilespmem:s17], [sflag:$0x1] =	stream.indirect.gather [spmem:s3], $0x20, s14, s16, $0xb8;
	[tilespmem:$0x1FE00] =	vst v63  }
0x5c: {  	s11 =	simm.s32 $0x880  }
0x5d: {  	[tilespmem:s18], [sflag:$0x1] =	stream.indirect.gather [spmem:s3], $0x20, s11, s16, $0xb8;
	[tilespmem:$0x1FE00] =	vst v63  }
0x5e: {  	s13 =	simm.s32 $0x900  }
0x5f: {  	[tilespmem:s20], [sflag:$0x1] =	stream.indirect.gather [spmem:s3], $0x20, s13, s16, $0xb8;
	[tilespmem:$0x1FE00] =	vst v63  }
0x60: {  	s14 =	simm.s32 $0x980  }
0x61: {  	[tilespmem:s22], [sflag:$0x1] =	stream.indirect.gather [spmem:s3], $0x20, s14, s16, $0xb8;
	[tilespmem:$0x1FE00] =	vst v63  }
0x62: {  	_ =	swait.ge [sflag:s12], $0x4000  }
0x63: {  	[sflag:s12] =	ssyncset.done $0x0  }
0x64: {  	s11 =	simm.s32 $0x3200;
	[sflag:s12] =	ssyncadd.s32 $0xFFFFC000  }
0x65: {  	[spmem:s2] =	stream.indirect.scatter.add.f32 [tilespmem:s24], [sflag:$0x6], $0x20, s11, s16, $0xb8;
	[tilespmem:$0x1FE00] =	vst v63  }
0x66: {  	s13 =	simm.s32 $0x3280  }
0x67: {  	[spmem:s2] =	stream.indirect.scatter.add.f32 [tilespmem:s26], [sflag:$0x6], $0x20, s13, s16, $0xb8;
	[tilespmem:$0x1FE00] =	vst v63  }
0x68: {  	s14 =	simm.s32 $0x3300  }
0x69: {  	[spmem:s2] =	stream.indirect.scatter.add.f32 [tilespmem:s29], [sflag:$0x6], $0x20, s14, s16, $0xb8;
	[tilespmem:$0x1FE00] =	vst v63  }
0x6a: {  	s11 =	simm.s32 $0x3380  }
0x6b: {  	[spmem:s2] =	stream.indirect.scatter.add.f32 [tilespmem:s31], [sflag:$0x6], $0x20, s11, s16, $0xb8;
	[tilespmem:$0x1FE00] =	vst v63  }
0x6c: {  	_ =	swait.ge [sflag:s7], $0x4000  }
0x6d: {  	[sflag:s7] =	ssyncset.done $0x0  }
0x6e: {  	s13 =	simm.s32 $0xA00;
	[sflag:s7] =	ssyncadd.s32 $0xFFFFC000  }
0x6f: {  	[tilespmem:s24], [sflag:$0x2] =	stream.indirect.gather [spmem:s3], $0x20, s13, s16, $0xb8;
	[tilespmem:$0x1FE00] =	vst v63  }
0x70: {  	s14 =	simm.s32 $0xA80  }
0x71: {  	[tilespmem:s26], [sflag:$0x2] =	stream.indirect.gather [spmem:s3], $0x20, s14, s16, $0xb8;
	[tilespmem:$0x1FE00] =	vst v63  }
0x72: {  	s11 =	simm.s32 $0xB00  }
0x73: {  	[tilespmem:s29], [sflag:$0x2] =	stream.indirect.gather [spmem:s3], $0x20, s11, s16, $0xb8;
	[tilespmem:$0x1FE00] =	vst v63  }
0x74: {  	s13 =	simm.s32 $0xB80  }
0x75: {  	[tilespmem:s31], [sflag:$0x2] =	stream.indirect.gather [spmem:s3], $0x20, s13, s16, $0xb8;
	[tilespmem:$0x1FE00] =	vst v63  }
0x76: {  	_ =	swait.ge [sflag:s8], $0x4000  }
0x77: {  	[sflag:s8] =	ssyncset.done $0x0  }
0x78: {  	s14 =	simm.s32 $0x3400;
	[sflag:s8] =	ssyncadd.s32 $0xFFFFC000  }
0x79: {  	[spmem:s2] =	stream.indirect.scatter.add.f32 [tilespmem:s1], [sflag:$0x7], $0x20, s14, s16, $0xb8;
	[tilespmem:$0x1FE00] =	vst v63  }
0x7a: {  	s11 =	simm.s32 $0x3480  }
0x7b: {  	[spmem:s2] =	stream.indirect.scatter.add.f32 [tilespmem:s21], [sflag:$0x7], $0x20, s11, s16, $0xb8;
	[tilespmem:$0x1FE00] =	vst v63  }
0x7c: {  	s13 =	simm.s32 $0x3500  }
0x7d: {  	[spmem:s2] =	stream.indirect.scatter.add.f32 [tilespmem:s25], [sflag:$0x7], $0x20, s13, s16, $0xb8;
	[tilespmem:$0x1FE00] =	vst v63  }
0x7e: {  	s14 =	simm.s32 $0x3580  }
0x7f: {  	[spmem:s2] =	stream.indirect.scatter.add.f32 [tilespmem:s30], [sflag:$0x7], $0x20, s14, s16, $0xb8;
	[tilespmem:$0x1FE00] =	vst v63  }
0x80: {  	_ =	swait.ge [sflag:s9], $0x4000  }
0x81: {  	[sflag:s9] =	ssyncset.done $0x0  }
0x82: {  	s11 =	simm.s32 $0xC00;
	[sflag:s9] =	ssyncadd.s32 $0xFFFFC000  }
0x83: {  	[tilespmem:s1], [sflag:$0x3] =	stream.indirect.gather [spmem:s3], $0x20, s11, s16, $0xb8;
	[tilespmem:$0x1FE00] =	vst v63  }
0x84: {  	s13 =	simm.s32 $0xC80  }
0x85: {  	[tilespmem:s21], [sflag:$0x3] =	stream.indirect.gather [spmem:s3], $0x20, s13, s16, $0xb8;
	[tilespmem:$0x1FE00] =	vst v63  }
0x86: {  	s14 =	simm.s32 $0xD00  }
0x87: {  	[tilespmem:s25], [sflag:$0x3] =	stream.indirect.gather [spmem:s3], $0x20, s14, s16, $0xb8;
	[tilespmem:$0x1FE00] =	vst v63  }
0x88: {  	s11 =	simm.s32 $0xD80  }
0x89: {  	[tilespmem:s30], [sflag:$0x3] =	stream.indirect.gather [spmem:s3], $0x20, s11, s16, $0xb8;
	[tilespmem:$0x1FE00] =	vst v63  }
0x8a: {  	_ =	swait.ge [sflag:s10], $0x4000  }
0x8b: {  	[sflag:s10] =	ssyncset.done $0x0  }
0x8c: {  	s13 =	simm.s32 $0x3600;
	[sflag:s10] =	ssyncadd.s32 $0xFFFFC000  }
0x8d: {  	[spmem:s2] =	stream.indirect.scatter.add.f32 [tilespmem:s19], [sflag:$0x8], $0x20, s13, s16, $0xb8;
	[tilespmem:$0x1FE00] =	vst v63  }
0x8e: {  	s14 =	simm.s32 $0x3680  }
0x8f: {  	[spmem:s2] =	stream.indirect.scatter.add.f32 [tilespmem:s28], [sflag:$0x8], $0x20, s14, s16, $0xb8;
	[tilespmem:$0x1FE00] =	vst v63  }
0x90: {  	s11 =	simm.s32 $0x3700  }
0x91: {  	[spmem:s2] =	stream.indirect.scatter.add.f32 [tilespmem:s23], [sflag:$0x8], $0x20, s11, s16, $0xb8;
	[tilespmem:$0x1FE00] =	vst v63  }
0x92: {  	s13 =	simm.s32 $0x3780  }
0x93: {  	[spmem:s2] =	stream.indirect.scatter.add.f32 [tilespmem:s0], [sflag:$0x8], $0x20, s13, s16, $0xb8;
	[tilespmem:$0x1FE00] =	vst v63  }
0x94: {  	_ =	swait.ge [sflag:s15], $0x4000  }
0x95: {  	[sflag:s15] =	ssyncset.done $0x0  }
0x96: {  	s14 =	simm.s32 $0xE00;
	[sflag:s15] =	ssyncadd.s32 $0xFFFFC000  }
0x97: {  	[tilespmem:s19], [sflag:$0x4] =	stream.indirect.gather [spmem:s3], $0x20, s14, s16, $0xb8;
	[tilespmem:$0x1FE00] =	vst v63  }
0x98: {  	s4 =	simm.s32 $0xE80  }
0x99: {  	[tilespmem:s28], [sflag:$0x4] =	stream.indirect.gather [spmem:s3], $0x20, s4, s16, $0xb8;
	[tilespmem:$0x1FE00] =	vst v63  }
0x9a: {  	s11 =	simm.s32 $0xF00  }
0x9b: {  	[tilespmem:s23], [sflag:$0x4] =	stream.indirect.gather [spmem:s3], $0x20, s11, s16, $0xb8;
	[tilespmem:$0x1FE00] =	vst v63  }
0x9c: {  	s14 =	simm.s32 $0xF80  }
0x9d: {  	[tilespmem:s0], [sflag:$0x4] =	stream.indirect.gather [spmem:s3], $0x20, s14, s16, $0xb8;
	[tilespmem:$0x1FE00] =	vst v63  }
0x9e: {  	_ =	swait.ge [sflag:s5], $0x4000  }
0x9f: {  	[sflag:s5] =	ssyncset.done $0x0  }
0xa0: {  	s4 =	simm.s32 $0x3800;
	[sflag:s5] =	ssyncadd.s32 $0xFFFFC000  }
0xa1: {  	[spmem:s2] =	stream.indirect.scatter.add.f32 [tilespmem:s17], [sflag:$0x5], $0x20, s4, s16, $0xb8;
	[tilespmem:$0x1FE00] =	vst v63  }
0xa2: {  	s11 =	simm.s32 $0x3880  }
0xa3: {  	[spmem:s2] =	stream.indirect.scatter.add.f32 [tilespmem:s18], [sflag:$0x5], $0x20, s11, s16, $0xb8;
	[tilespmem:$0x1FE00] =	vst v63  }
0xa4: {  	s14 =	simm.s32 $0x3900  }
0xa5: {  	[spmem:s2] =	stream.indirect.scatter.add.f32 [tilespmem:s20], [sflag:$0x5], $0x20, s14, s16, $0xb8;
	[tilespmem:$0x1FE00] =	vst v63  }
0xa6: {  	s4 =	simm.s32 $0x3980  }
0xa7: {  	[spmem:s2] =	stream.indirect.scatter.add.f32 [tilespmem:s22], [sflag:$0x5], $0x20, s4, s16, $0xb8;
	[tilespmem:$0x1FE00] =	vst v63  }
0xa8: {  	_ =	swait.ge [sflag:s6], $0x4000  }
0xa9: {  	[sflag:s6] =	ssyncset.done $0x0  }
0xaa: {  	s11 =	simm.s32 $0x1000;
	[sflag:s6] =	ssyncadd.s32 $0xFFFFC000  }
0xab: {  	[tilespmem:s17], [sflag:$0x1] =	stream.indirect.gather [spmem:s3], $0x20, s11, s16, $0xb8;
	[tilespmem:$0x1FE00] =	vst v63  }
0xac: {  	s14 =	simm.s32 $0x1080  }
0xad: {  	[tilespmem:s18], [sflag:$0x1] =	stream.indirect.gather [spmem:s3], $0x20, s14, s16, $0xb8;
	[tilespmem:$0x1FE00] =	vst v63  }
0xae: {  	s4 =	simm.s32 $0x1100  }
0xaf: {  	[tilespmem:s20], [sflag:$0x1] =	stream.indirect.gather [spmem:s3], $0x20, s4, s16, $0xb8;
	[tilespmem:$0x1FE00] =	vst v63  }
0xb0: {  	s11 =	simm.s32 $0x1180  }
0xb1: {  	[tilespmem:s22], [sflag:$0x1] =	stream.indirect.gather [spmem:s3], $0x20, s11, s16, $0xb8;
	[tilespmem:$0x1FE00] =	vst v63  }
0xb2: {  	_ =	swait.ge [sflag:s12], $0x4000  }
0xb3: {  	[sflag:s12] =	ssyncset.done $0x0  }
0xb4: {  	s14 =	simm.s32 $0x3A00;
	[sflag:s12] =	ssyncadd.s32 $0xFFFFC000  }
0xb5: {  	[spmem:s2] =	stream.indirect.scatter.add.f32 [tilespmem:s24], [sflag:$0x6], $0x20, s14, s16, $0xb8;
	[tilespmem:$0x1FE00] =	vst v63  }
0xb6: {  	s4 =	simm.s32 $0x3A80  }
0xb7: {  	[spmem:s2] =	stream.indirect.scatter.add.f32 [tilespmem:s26], [sflag:$0x6], $0x20, s4, s16, $0xb8;
	[tilespmem:$0x1FE00] =	vst v63  }
0xb8: {  	s11 =	simm.s32 $0x3B00  }
0xb9: {  	[spmem:s2] =	stream.indirect.scatter.add.f32 [tilespmem:s29], [sflag:$0x6], $0x20, s11, s16, $0xb8;
	[tilespmem:$0x1FE00] =	vst v63  }
0xba: {  	s14 =	simm.s32 $0x3B80  }
0xbb: {  	[spmem:s2] =	stream.indirect.scatter.add.f32 [tilespmem:s31], [sflag:$0x6], $0x20, s14, s16, $0xb8;
	[tilespmem:$0x1FE00] =	vst v63  }
0xbc: {  	_ =	swait.ge [sflag:s7], $0x4000  }
0xbd: {  	[sflag:s7] =	ssyncset.done $0x0  }
0xbe: {  	s4 =	simm.s32 $0x1200;
	[sflag:s7] =	ssyncadd.s32 $0xFFFFC000  }
0xbf: {  	[tilespmem:s24], [sflag:$0x2] =	stream.indirect.gather [spmem:s3], $0x20, s4, s16, $0xb8;
	[tilespmem:$0x1FE00] =	vst v63  }
0xc0: {  	s11 =	simm.s32 $0x1280  }
0xc1: {  	[tilespmem:s26], [sflag:$0x2] =	stream.indirect.gather [spmem:s3], $0x20, s11, s16, $0xb8;
	[tilespmem:$0x1FE00] =	vst v63  }
0xc2: {  	s14 =	simm.s32 $0x1300  }
0xc3: {  	[tilespmem:s29], [sflag:$0x2] =	stream.indirect.gather [spmem:s3], $0x20, s14, s16, $0xb8;
	[tilespmem:$0x1FE00] =	vst v63  }
0xc4: {  	s4 =	simm.s32 $0x1380  }
0xc5: {  	[tilespmem:s31], [sflag:$0x2] =	stream.indirect.gather [spmem:s3], $0x20, s4, s16, $0xb8;
	[tilespmem:$0x1FE00] =	vst v63  }
0xc6: {  	_ =	swait.ge [sflag:s8], $0x4000  }
0xc7: {  	[sflag:s8] =	ssyncset.done $0x0  }
0xc8: {  	s11 =	simm.s32 $0x3C00;
	[sflag:s8] =	ssyncadd.s32 $0xFFFFC000  }
0xc9: {  	[spmem:s2] =	stream.indirect.scatter.add.f32 [tilespmem:s1], [sflag:$0x7], $0x20, s11, s16, $0xb8;
	[tilespmem:$0x1FE00] =	vst v63  }
0xca: {  	s14 =	simm.s32 $0x3C80  }
0xcb: {  	[spmem:s2] =	stream.indirect.scatter.add.f32 [tilespmem:s21], [sflag:$0x7], $0x20, s14, s16, $0xb8;
	[tilespmem:$0x1FE00] =	vst v63  }
0xcc: {  	s4 =	simm.s32 $0x3D00  }
0xcd: {  	[spmem:s2] =	stream.indirect.scatter.add.f32 [tilespmem:s25], [sflag:$0x7], $0x20, s4, s16, $0xb8;
	[tilespmem:$0x1FE00] =	vst v63  }
0xce: {  	s11 =	simm.s32 $0x3D80  }
0xcf: {  	[spmem:s2] =	stream.indirect.scatter.add.f32 [tilespmem:s30], [sflag:$0x7], $0x20, s11, s16, $0xb8;
	[tilespmem:$0x1FE00] =	vst v63  }
0xd0: {  	_ =	swait.ge [sflag:s9], $0x4000  }
0xd1: {  	[sflag:s9] =	ssyncset.done $0x0  }
0xd2: {  	s14 =	simm.s32 $0x1400;
	[sflag:s9] =	ssyncadd.s32 $0xFFFFC000  }
0xd3: {  	[tilespmem:s1], [sflag:$0x3] =	stream.indirect.gather [spmem:s3], $0x20, s14, s16, $0xb8;
	[tilespmem:$0x1FE00] =	vst v63  }
0xd4: {  	s4 =	simm.s32 $0x1480  }
0xd5: {  	[tilespmem:s21], [sflag:$0x3] =	stream.indirect.gather [spmem:s3], $0x20, s4, s16, $0xb8;
	[tilespmem:$0x1FE00] =	vst v63  }
0xd6: {  	s11 =	simm.s32 $0x1500  }
0xd7: {  	[tilespmem:s25], [sflag:$0x3] =	stream.indirect.gather [spmem:s3], $0x20, s11, s16, $0xb8;
	[tilespmem:$0x1FE00] =	vst v63  }
0xd8: {  	s14 =	simm.s32 $0x1580  }
0xd9: {  	[tilespmem:s30], [sflag:$0x3] =	stream.indirect.gather [spmem:s3], $0x20, s14, s16, $0xb8;
	[tilespmem:$0x1FE00] =	vst v63  }
0xda: {  	_ =	swait.ge [sflag:s10], $0x4000  }
0xdb: {  	[sflag:s10] =	ssyncset.done $0x0  }
0xdc: {  	s4 =	simm.s32 $0x3E00;
	[sflag:s10] =	ssyncadd.s32 $0xFFFFC000  }
0xdd: {  	[spmem:s2] =	stream.indirect.scatter.add.f32 [tilespmem:s19], [sflag:$0x8], $0x20, s4, s16, $0xb8;
	[tilespmem:$0x1FE00] =	vst v63  }
0xde: {  	s11 =	simm.s32 $0x3E80  }
0xdf: {  	[spmem:s2] =	stream.indirect.scatter.add.f32 [tilespmem:s28], [sflag:$0x8], $0x20, s11, s16, $0xb8;
	[tilespmem:$0x1FE00] =	vst v63  }
0xe0: {  	s14 =	simm.s32 $0x3F00  }
0xe1: {  	[spmem:s2] =	stream.indirect.scatter.add.f32 [tilespmem:s23], [sflag:$0x8], $0x20, s14, s16, $0xb8;
	[tilespmem:$0x1FE00] =	vst v63  }
0xe2: {  	s13 =	simm.s32 $0x3F80;
	s14 =	simm.s32 $0x2000  }
.LBB2_2:
0xe3: {  	[spmem:s2] =	stream.indirect.scatter.add.f32 [tilespmem:s0], [sflag:$0x8], $0x20, s13, s16, $0xb8;
	[tilespmem:$0x1FE00] =	vst v63  }
0xe4: {  	s13 =	smov.u32 s14  }
0xe5: {  	p0 =	sne.s32 s14, $0x6000;
	s14 =	sadd.s32 $0x2000, s14;
	_ =	swait.ge [sflag:s15], $0x4000  }
0xe6: {  	s13 =	sshra.s32 s13, $0x2;
	[sflag:s15] =	ssyncset.done $0x0  }
0xe7: {  	s11 =	sadd.s32 $0xE00, s13;
	[sflag:s15] =	ssyncadd.s32 $0xFFFFC000  }
0xe8: {  	[tilespmem:s19], [sflag:$0x4] =	stream.indirect.gather [spmem:s3], $0x20, s11, s16, $0xb8;
	[tilespmem:$0x1FE00] =	vst v63  }
0xe9: {  	s11 =	sadd.s32 $0xE80, s13  }
0xea: {  	[tilespmem:s28], [sflag:$0x4] =	stream.indirect.gather [spmem:s3], $0x20, s11, s16, $0xb8;
	[tilespmem:$0x1FE00] =	vst v63  }
0xeb: {  	s11 =	sadd.s32 $0xF00, s13  }
0xec: {  	[tilespmem:s23], [sflag:$0x4] =	stream.indirect.gather [spmem:s3], $0x20, s11, s16, $0xb8;
	[tilespmem:$0x1FE00] =	vst v63  }
0xed: {  	s11 =	sadd.s32 $0xF80, s13  }
0xee: {  	[tilespmem:s0], [sflag:$0x4] =	stream.indirect.gather [spmem:s3], $0x20, s11, s16, $0xb8;
	[tilespmem:$0x1FE00] =	vst v63  }
0xef: {  	_ =	swait.ge [sflag:s5], $0x4000  }
0xf0: {  	[sflag:s5] =	ssyncset.done $0x0  }
0xf1: {  	s11 =	sadd.s32 $0x3800, s13;
	[sflag:s5] =	ssyncadd.s32 $0xFFFFC000  }
0xf2: {  	[spmem:s2] =	stream.indirect.scatter.add.f32 [tilespmem:s17], [sflag:$0x5], $0x20, s11, s16, $0xb8;
	[tilespmem:$0x1FE00] =	vst v63  }
0xf3: {  	s11 =	sadd.s32 $0x3880, s13  }
0xf4: {  	[spmem:s2] =	stream.indirect.scatter.add.f32 [tilespmem:s18], [sflag:$0x5], $0x20, s11, s16, $0xb8;
	[tilespmem:$0x1FE00] =	vst v63  }
0xf5: {  	s11 =	sadd.s32 $0x3900, s13  }
0xf6: {  	[spmem:s2] =	stream.indirect.scatter.add.f32 [tilespmem:s20], [sflag:$0x5], $0x20, s11, s16, $0xb8;
	[tilespmem:$0x1FE00] =	vst v63  }
0xf7: {  	s11 =	sadd.s32 $0x3980, s13  }
0xf8: {  	[spmem:s2] =	stream.indirect.scatter.add.f32 [tilespmem:s22], [sflag:$0x5], $0x20, s11, s16, $0xb8;
	[tilespmem:$0x1FE00] =	vst v63  }
0xf9: {  	_ =	swait.ge [sflag:s6], $0x4000  }
0xfa: {  	[sflag:s6] =	ssyncset.done $0x0  }
0xfb: {  	s11 =	sadd.s32 $0x1000, s13;
	[sflag:s6] =	ssyncadd.s32 $0xFFFFC000  }
0xfc: {  	[tilespmem:s17], [sflag:$0x1] =	stream.indirect.gather [spmem:s3], $0x20, s11, s16, $0xb8;
	[tilespmem:$0x1FE00] =	vst v63  }
0xfd: {  	s11 =	sadd.s32 $0x1080, s13  }
0xfe: {  	[tilespmem:s18], [sflag:$0x1] =	stream.indirect.gather [spmem:s3], $0x20, s11, s16, $0xb8;
	[tilespmem:$0x1FE00] =	vst v63  }
0xff: {  	s11 =	sadd.s32 $0x1100, s13  }
0x100: {  	[tilespmem:s20], [sflag:$0x1] =	stream.indirect.gather [spmem:s3], $0x20, s11, s16, $0xb8;
	[tilespmem:$0x1FE00] =	vst v63  }
0x101: {  	s11 =	sadd.s32 $0x1180, s13  }
0x102: {  	[tilespmem:s22], [sflag:$0x1] =	stream.indirect.gather [spmem:s3], $0x20, s11, s16, $0xb8;
	[tilespmem:$0x1FE00] =	vst v63  }
0x103: {  	_ =	swait.ge [sflag:s12], $0x4000  }
0x104: {  	[sflag:s12] =	ssyncset.done $0x0  }
0x105: {  	s11 =	sadd.s32 $0x3A00, s13;
	[sflag:s12] =	ssyncadd.s32 $0xFFFFC000  }
0x106: {  	[spmem:s2] =	stream.indirect.scatter.add.f32 [tilespmem:s24], [sflag:$0x6], $0x20, s11, s16, $0xb8;
	[tilespmem:$0x1FE00] =	vst v63  }
0x107: {  	s11 =	sadd.s32 $0x3A80, s13  }
0x108: {  	[spmem:s2] =	stream.indirect.scatter.add.f32 [tilespmem:s26], [sflag:$0x6], $0x20, s11, s16, $0xb8;
	[tilespmem:$0x1FE00] =	vst v63  }
0x109: {  	s11 =	sadd.s32 $0x3B00, s13  }
0x10a: {  	[spmem:s2] =	stream.indirect.scatter.add.f32 [tilespmem:s29], [sflag:$0x6], $0x20, s11, s16, $0xb8;
	[tilespmem:$0x1FE00] =	vst v63  }
0x10b: {  	s11 =	sadd.s32 $0x3B80, s13  }
0x10c: {  	[spmem:s2] =	stream.indirect.scatter.add.f32 [tilespmem:s31], [sflag:$0x6], $0x20, s11, s16, $0xb8;
	[tilespmem:$0x1FE00] =	vst v63  }
0x10d: {  	_ =	swait.ge [sflag:s7], $0x4000  }
0x10e: {  	[sflag:s7] =	ssyncset.done $0x0  }
0x10f: {  	s11 =	sadd.s32 $0x1200, s13;
	[sflag:s7] =	ssyncadd.s32 $0xFFFFC000  }
0x110: {  	[tilespmem:s24], [sflag:$0x2] =	stream.indirect.gather [spmem:s3], $0x20, s11, s16, $0xb8;
	[tilespmem:$0x1FE00] =	vst v63  }
0x111: {  	s11 =	sadd.s32 $0x1280, s13  }
0x112: {  	[tilespmem:s26], [sflag:$0x2] =	stream.indirect.gather [spmem:s3], $0x20, s11, s16, $0xb8;
	[tilespmem:$0x1FE00] =	vst v63  }
0x113: {  	s11 =	sadd.s32 $0x1300, s13  }
0x114: {  	[tilespmem:s29], [sflag:$0x2] =	stream.indirect.gather [spmem:s3], $0x20, s11, s16, $0xb8;
	[tilespmem:$0x1FE00] =	vst v63  }
0x115: {  	s11 =	sadd.s32 $0x1380, s13  }
0x116: {  	[tilespmem:s31], [sflag:$0x2] =	stream.indirect.gather [spmem:s3], $0x20, s11, s16, $0xb8;
	[tilespmem:$0x1FE00] =	vst v63  }
0x117: {  	_ =	swait.ge [sflag:s8], $0x4000  }
0x118: {  	[sflag:s8] =	ssyncset.done $0x0  }
0x119: {  	s11 =	sadd.s32 $0x3C00, s13;
	[sflag:s8] =	ssyncadd.s32 $0xFFFFC000  }
0x11a: {  	[spmem:s2] =	stream.indirect.scatter.add.f32 [tilespmem:s1], [sflag:$0x7], $0x20, s11, s16, $0xb8;
	[tilespmem:$0x1FE00] =	vst v63  }
0x11b: {  	s11 =	sadd.s32 $0x3C80, s13  }
0x11c: {  	[spmem:s2] =	stream.indirect.scatter.add.f32 [tilespmem:s21], [sflag:$0x7], $0x20, s11, s16, $0xb8;
	[tilespmem:$0x1FE00] =	vst v63  }
0x11d: {  	s11 =	sadd.s32 $0x3D00, s13  }
0x11e: {  	[spmem:s2] =	stream.indirect.scatter.add.f32 [tilespmem:s25], [sflag:$0x7], $0x20, s11, s16, $0xb8;
	[tilespmem:$0x1FE00] =	vst v63  }
0x11f: {  	s11 =	sadd.s32 $0x3D80, s13  }
0x120: {  	[spmem:s2] =	stream.indirect.scatter.add.f32 [tilespmem:s30], [sflag:$0x7], $0x20, s11, s16, $0xb8;
	[tilespmem:$0x1FE00] =	vst v63  }
0x121: {  	_ =	swait.ge [sflag:s9], $0x4000  }
0x122: {  	[sflag:s9] =	ssyncset.done $0x0  }
0x123: {  	s11 =	sadd.s32 $0x1400, s13;
	[sflag:s9] =	ssyncadd.s32 $0xFFFFC000  }
0x124: {  	[tilespmem:s1], [sflag:$0x3] =	stream.indirect.gather [spmem:s3], $0x20, s11, s16, $0xb8;
	[tilespmem:$0x1FE00] =	vst v63  }
0x125: {  	s11 =	sadd.s32 $0x1480, s13  }
0x126: {  	[tilespmem:s21], [sflag:$0x3] =	stream.indirect.gather [spmem:s3], $0x20, s11, s16, $0xb8;
	[tilespmem:$0x1FE00] =	vst v63  }
0x127: {  	s11 =	sadd.s32 $0x1500, s13  }
0x128: {  	[tilespmem:s25], [sflag:$0x3] =	stream.indirect.gather [spmem:s3], $0x20, s11, s16, $0xb8;
	[tilespmem:$0x1FE00] =	vst v63  }
0x129: {  	s11 =	sadd.s32 $0x1580, s13  }
0x12a: {  	[tilespmem:s30], [sflag:$0x3] =	stream.indirect.gather [spmem:s3], $0x20, s11, s16, $0xb8;
	[tilespmem:$0x1FE00] =	vst v63  }
0x12b: {  	_ =	swait.ge [sflag:s10], $0x4000  }
0x12c: {  	[sflag:s10] =	ssyncset.done $0x0  }
0x12d: {  	s11 =	sadd.s32 $0x3E00, s13;
	[sflag:s10] =	ssyncadd.s32 $0xFFFFC000  }
0x12e: {  	[spmem:s2] =	stream.indirect.scatter.add.f32 [tilespmem:s19], [sflag:$0x8], $0x20, s11, s16, $0xb8;
	[tilespmem:$0x1FE00] =	vst v63  }
.Ltmp0:
0x12f: {  	s11 =	sadd.s32 $0x3E80, s13;
	(pc) =	sbr.rel @p0 .LBB2_2-.Ltmp0, $4  }
0x130: {  	[spmem:s2] =	stream.indirect.scatter.add.f32 [tilespmem:s28], [sflag:$0x8], $0x20, s11, s16, $0xb8;
	[tilespmem:$0x1FE00] =	vst v63  }
0x131: {  	s11 =	sadd.s32 $0x3F00, s13  }
0x132: {  	[spmem:s2] =	stream.indirect.scatter.add.f32 [tilespmem:s23], [sflag:$0x8], $0x20, s11, s16, $0xb8;
	[tilespmem:$0x1FE00] =	vst v63  }
0x133: {  	s13 =	sadd.s32 $0x3F80, s13  }
0x134: {  	[spmem:s2] =	stream.indirect.scatter.add.f32 [tilespmem:s0], [sflag:$0x8], $0x20, s13, s16, $0xb8;
	[tilespmem:$0x1FE00] =	vst v63  }
0x135: {  	_ =	swait.ge [sflag:s15], $0x4000  }
0x136: {  	[sflag:s15] =	ssyncset.done $0x0  }
0x137: {  	s4 =	simm.s32 $0x2E00;
	[sflag:s15] =	ssyncadd.s32 $0xFFFFC000  }
0x138: {  	[tilespmem:s19], [sflag:$0x4] =	stream.indirect.gather [spmem:s3], $0x20, s4, s16, $0xb8;
	[tilespmem:$0x1FE00] =	vst v63  }
0x139: {  	s11 =	simm.s32 $0x2E80  }
0x13a: {  	[tilespmem:s28], [sflag:$0x4] =	stream.indirect.gather [spmem:s3], $0x20, s11, s16, $0xb8;
	[tilespmem:$0x1FE00] =	vst v63  }
0x13b: {  	s13 =	simm.s32 $0x2F00  }
0x13c: {  	[tilespmem:s23], [sflag:$0x4] =	stream.indirect.gather [spmem:s3], $0x20, s13, s16, $0xb8;
	[tilespmem:$0x1FE00] =	vst v63  }
0x13d: {  	s14 =	simm.s32 $0x2F80  }
0x13e: {  	[tilespmem:s0], [sflag:$0x4] =	stream.indirect.gather [spmem:s3], $0x20, s14, s16, $0xb8;
	[tilespmem:$0x1FE00] =	vst v63  }
0x13f: {  	_ =	swait.ge [sflag:s5], $0x4000  }
0x140: {  	[sflag:s5] =	ssyncset.done $0x0  }
0x141: {  	s11 =	simm.s32 $0x5800;
	[sflag:s5] =	ssyncadd.s32 $0xFFFFC000  }
0x142: {  	[spmem:s2] =	stream.indirect.scatter.add.f32 [tilespmem:s17], [sflag:$0x5], $0x20, s11, s16, $0xb8;
	[tilespmem:$0x1FE00] =	vst v63  }
0x143: {  	s13 =	simm.s32 $0x5880  }
0x144: {  	[spmem:s2] =	stream.indirect.scatter.add.f32 [tilespmem:s18], [sflag:$0x5], $0x20, s13, s16, $0xb8;
	[tilespmem:$0x1FE00] =	vst v63  }
0x145: {  	s14 =	simm.s32 $0x5900  }
0x146: {  	[spmem:s2] =	stream.indirect.scatter.add.f32 [tilespmem:s20], [sflag:$0x5], $0x20, s14, s16, $0xb8;
	[tilespmem:$0x1FE00] =	vst v63  }
0x147: {  	s11 =	simm.s32 $0x5980  }
0x148: {  	[spmem:s2] =	stream.indirect.scatter.add.f32 [tilespmem:s22], [sflag:$0x5], $0x20, s11, s16, $0xb8;
	[tilespmem:$0x1FE00] =	vst v63  }
0x149: {  	_ =	swait.ge [sflag:s12], $0x4000  }
0x14a: {  	[sflag:s12] =	ssyncset.done $0x0  }
0x14b: {  	s13 =	simm.s32 $0x5A00;
	[sflag:s12] =	ssyncadd.s32 $0xFFFFC000  }
0x14c: {  	[spmem:s2] =	stream.indirect.scatter.add.f32 [tilespmem:s24], [sflag:$0x6], $0x20, s13, s16, $0xb8;
	[tilespmem:$0x1FE00] =	vst v63  }
0x14d: {  	s14 =	simm.s32 $0x5A80  }
0x14e: {  	[spmem:s2] =	stream.indirect.scatter.add.f32 [tilespmem:s26], [sflag:$0x6], $0x20, s14, s16, $0xb8;
	[tilespmem:$0x1FE00] =	vst v63  }
0x14f: {  	s11 =	simm.s32 $0x5B00  }
0x150: {  	[spmem:s2] =	stream.indirect.scatter.add.f32 [tilespmem:s29], [sflag:$0x6], $0x20, s11, s16, $0xb8;
	[tilespmem:$0x1FE00] =	vst v63  }
0x151: {  	s13 =	simm.s32 $0x5B80  }
0x152: {  	[spmem:s2] =	stream.indirect.scatter.add.f32 [tilespmem:s31], [sflag:$0x6], $0x20, s13, s16, $0xb8;
	[tilespmem:$0x1FE00] =	vst v63  }
0x153: {  	_ =	swait.ge [sflag:s8], $0x4000  }
0x154: {  	[sflag:s8] =	ssyncset.done $0x0  }
0x155: {  	s14 =	simm.s32 $0x5C00;
	[sflag:s8] =	ssyncadd.s32 $0xFFFFC000  }
0x156: {  	[spmem:s2] =	stream.indirect.scatter.add.f32 [tilespmem:s1], [sflag:$0x7], $0x20, s14, s16, $0xb8;
	[tilespmem:$0x1FE00] =	vst v63  }
0x157: {  	s11 =	simm.s32 $0x5C80  }
0x158: {  	[spmem:s2] =	stream.indirect.scatter.add.f32 [tilespmem:s21], [sflag:$0x7], $0x20, s11, s16, $0xb8;
	[tilespmem:$0x1FE00] =	vst v63  }
0x159: {  	s13 =	simm.s32 $0x5D00  }
0x15a: {  	[spmem:s2] =	stream.indirect.scatter.add.f32 [tilespmem:s25], [sflag:$0x7], $0x20, s13, s16, $0xb8;
	[tilespmem:$0x1FE00] =	vst v63  }
0x15b: {  	s14 =	simm.s32 $0x5D80  }
0x15c: {  	[spmem:s2] =	stream.indirect.scatter.add.f32 [tilespmem:s30], [sflag:$0x7], $0x20, s14, s16, $0xb8;
	[tilespmem:$0x1FE00] =	vst v63  }
0x15d: {  	_ =	swait.ge [sflag:s10], $0x4000  }
0x15e: {  	[sflag:s10] =	ssyncset.done $0x0  }
0x15f: {  	s11 =	simm.s32 $0x5E00;
	[sflag:s10] =	ssyncadd.s32 $0xFFFFC000  }
0x160: {  	[spmem:s2] =	stream.indirect.scatter.add.f32 [tilespmem:s19], [sflag:$0x8], $0x20, s11, s16, $0xb8;
	[tilespmem:$0x1FE00] =	vst v63  }
0x161: {  	s13 =	simm.s32 $0x5E80  }
0x162: {  	[spmem:s2] =	stream.indirect.scatter.add.f32 [tilespmem:s28], [sflag:$0x8], $0x20, s13, s16, $0xb8;
	[tilespmem:$0x1FE00] =	vst v63  }
0x163: {  	s14 =	simm.s32 $0x5F00  }
0x164: {  	[spmem:s2] =	stream.indirect.scatter.add.f32 [tilespmem:s23], [sflag:$0x8], $0x20, s14, s16, $0xb8;
	[tilespmem:$0x1FE00] =	vst v63  }
0x165: {  	s11 =	simm.s32 $0x5F80  }
0x166: {  	[spmem:s2] =	stream.indirect.scatter.add.f32 [tilespmem:s0], [sflag:$0x8], $0x20, s11, s16, $0xb8;
	[tilespmem:$0x1FE00] =	vst v63  }
0x167: {  	_ =	swait.ge [sflag:s6], $0x4000  }
0x168: {  	[sflag:s6] =	ssyncset.done $0x0  }
0x169: {  	[sflag:s6] =	ssyncadd.s32 $0xFFFFC000  }
0x16a: {  	_ =	swait.ge [sflag:s7], $0x4000  }
0x16b: {  	[sflag:s7] =	ssyncset.done $0x0  }
0x16c: {  	[sflag:s7] =	ssyncadd.s32 $0xFFFFC000  }
0x16d: {  	_ =	swait.ge [sflag:s9], $0x4000  }
0x16e: {  	[sflag:s9] =	ssyncset.done $0x0  }
0x16f: {  	[sflag:s9] =	ssyncadd.s32 $0xFFFFC000  }
0x170: {  	_ =	swait.ge [sflag:s15], $0x4000  }
0x171: {  	[sflag:s15] =	ssyncset.done $0x0  }
0x172: {  	[sflag:s15] =	ssyncadd.s32 $0xFFFFC000  }
0x173: {  	[bflag:$0x0] =	sbarrier.arrive $0xFFFF  }
0x174: {  	s11 =	rddreg [dreg:$0x9]  }
0x175: {  	s13 =	rddreg [dreg:$0xb]  }
0x176: {  	s14 =	rddreg [dreg:$0xc]  }
0x177: {  	[hbm:s11], [sflag:s13] =	dma.local [spmem:s14], $0x9E0  }
0x178: {  	s14 =	simm.s32 $0x9  }
0x179: {  	_ =	swait.ge [sflag:s14], $0x9E0  }
0x17a: {  	s11 =	rddreg [dreg:$0xe]  }
0x17b: {  	s13 =	rddreg [dreg:$0xa];
	s4 =	sadd.s32 $0x1, s11  }
0x17c: {  	p0 =	sne.s32 s4, s13  }
.Ltmp1:
0x17d: {  	_ = 	snop;
	(pc) =	sbr.rel @p0 .LBB2_1-.Ltmp1, $3  }
0x17e: {  	_ =	sdelay $0x1  }
0x17f: {  	[sflag:s14] =	ssyncset.done $0x0  }
0x180: {  	[sflag:s14] =	ssyncadd.s32 $0xFFFFF620;
	[dreg:$0xe] =	wrdreg s4  }
0x181: {  	_ =	sfence.sel $0x180000  }
0x182: {  	[bflag:$0x0] =	sbarrier.arrive $0xFFFF  }
0x183: {  	_ =	strace $0x9000004D  }
0x184: {  	s0 =	stileid.u32;
	[bflag:$0x2] =	sbarrier.arrive $0xFFFF  }
0x185: {  	p0 =	sne.s32 s0, $0x0;
	s0 =	rddreg [dreg:$0x4]  }
0x186: {  	s0 =	sadd.s32 @!p0 $0x100000, s0  }
0x187: {  	[sflag:s0] =	ssyncadd.tile.s32 @!p0 $0x1;
	_ =	shalt  }
.Lfunc_end2:
_tile_overlayer_lowered:
.L_overlay_start_2:
0x188: {  	(tag) =	ssettag $0x2  }
0x189: {  	s0 =	rddreg [dreg:$0x0];
	s2 =	stileid.u32  }
0x18a: {  	s1 =	rddreg [dreg:$0x1];
	p0 =	sne.s32 s2, $0x0  }
0x18b: {  	s3 =	rddreg [dreg:$0x2];
	[bflag:$0x3] =	sbarrier.arrive $0xFFFF;
	s2 =	simm.s32 @!p0 $0x1C09  }
0x18c: {  	[timem:s3], [sflag:s2] =	dma.local @!p0 [hbm:s0], s1  }
0x18d: {  	s0 =	simm.s32 @!p0 $0x9  }
0x18e: {  	_ =	swait.ge @!p0 [sflag:s0], s1  }
0x18f: {  	s1 =	ssub.s32 @!p0 $0x0, s1;
	[sflag:s0] =	ssyncset.done @!p0 $0x0  }
0x190: {  	[sflag:s0] =	ssyncadd.s32 @!p0 s1  }
0x191: {  	[bflag:$0x3] =	sbarrier.arrive $0xFFFF  }
0x192: {  	_ =	shalt  }

</sc_bundles>
